<compile_context>
chip_gen: v7x
topology: tpu7x:2x2x1
jax: 0.10.2.dev20260603
libtpu: 0.0.44.dev20260713+nightly
codegen_flags: <defaults>
</compile_context>

<pallas_src>
import functools

import jax
import jax.numpy as jnp
from jax import lax
from jax.experimental import pallas as pl
from jax.experimental.pallas import tpu as pltpu
from jax.experimental.pallas import tpu_sc as plsc

NXc, NYc, Cc, Bc, Pc = 512, 512, 64, 4, 40000
CPT = 32768
LOG2_CPT = 15
NREG = 128
RCELLS = NXc // 2
CHUNK = 2048
PPAD = 40960
NCHUNK = PPAD // CHUNK
DUMP = CPT
GROWS = 32
LOG2_RC = 8


def _iota16():
    return lax.iota(jnp.int32, 16)


def _popcount(mask):
    return plsc.all_reduce_population_count(mask)[0]


def _sload(ref, i):
    return ref[pl.ds(i, 16)][0]


def _sstore(ref, i, v):
    plsc.store_scatter(ref, [jnp.full((16,), i, jnp.int32)],
                       jnp.full((16,), v, jnp.int32), mask=_iota16() == 0)


def _body(f128_hbm, c3_hbm, out_hbm,
          cbufa, cbufb, rawl, wmap, stg0, stg1, gbuf0, gbuf1, idxb0, idxb1,
          semca, semcb, semg0, semg1, semo0, semo1, boff, pos):
    wid = lax.axis_index("s") * 2 + lax.axis_index("c")

    neg1 = jnp.full((16,), -1, jnp.int32)

    @pl.loop(0, CPT, step=16)
    def _(i):
        wmap[pl.ds(i, 16)] = neg1

    def fire_chunk(ci, cb, sem):
        @pl.when(ci < NCHUNK)
        def _():
            pltpu.async_copy(
                c3_hbm.at[pl.ds(0, 3), pl.ds(ci * CHUNK, CHUNK)], cb, sem)

    def a1_chunk(ci, cbuf, sem, count):
        base = ci * CHUNK
        pltpu.make_async_copy(
            c3_hbm.at[pl.ds(0, 3), pl.ds(base, CHUNK)], cbuf, sem).wait()

        def vloop(vi, cnt):
            off = vi * 16
            bv = cbuf[0, pl.ds(off, 16)]
            yv = cbuf[1, pl.ds(off, 16)]
            xv = cbuf[2, pl.ds(off, 16)]
            cell = bv * (NYc * NXc) + yv * NXc + xv
            valid = lax.shift_right_logical(cell, LOG2_CPT) == wid
            local = lax.bitwise_and(cell, CPT - 1)
            p = base + off + _iota16()

            wv = plsc.load_gather(wmap, [local])
            m0 = valid & (p > wv)

            def wcond(m):
                return plsc.all_reduce_population_count(m)[0] > 0

            def wbody(m):
                plsc.store_scatter(wmap, [local], p, mask=m)
                w2 = plsc.load_gather(wmap, [local])
                return valid & (p > w2)

            lax.while_loop(wcond, wbody, m0)

            packed = lax.bitwise_or(local, lax.shift_left(p, LOG2_CPT))
            plsc.store_compressed(rawl.at[pl.ds(cnt, 16)], packed, mask=valid)
            return cnt + _popcount(valid)

        cnt2 = lax.fori_loop(0, CHUNK // 16, vloop, count)
        return cnt2

    with jax.named_scope("phaseA1"):
        fire_chunk(jnp.int32(0), cbufa, semca)
        fire_chunk(jnp.int32(1), cbufb, semcb)

        def a1_pair(pp, count):
            ci = pp * 2
            count = a1_chunk(ci, cbufa, semca, count)
            fire_chunk(ci + 2, cbufa, semca)
            count = a1_chunk(ci + 1, cbufb, semcb, count)
            fire_chunk(ci + 3, cbufb, semcb)
            return count

        na = lax.fori_loop(0, NCHUNK // 2, a1_pair, jnp.int32(0))

    @pl.loop(0, NREG)
    def _(r):
        pos[r] = 0

    def count_body(e, _):
        pk = _sload(rawl, e)
        local = lax.bitwise_and(pk, CPT - 1)
        p = lax.shift_right_logical(pk, LOG2_CPT)
        live_i = (_sload(wmap, local) == p).astype(jnp.int32)
        rg = lax.shift_right_logical(local, LOG2_RC)
        pos[rg] += live_i
        _sstore(rawl, e, lax.bitwise_or(pk, lax.shift_left(live_i, 31)))
        return 0

    with jax.named_scope("phaseA2count"):
        lax.fori_loop(0, na, count_body, 0)

    def prefix_body(r, acc):
        c = pos[r]
        boff[r] = acc
        pos[r] = acc
        return acc + c

    nb = lax.fori_loop(0, NREG, prefix_body, jnp.int32(0))
    boff[NREG] = nb

    def place_body(e, _):
        pk = _sload(rawl, e)
        live = pk < 0
        pkc = lax.bitwise_and(pk, 0x7FFFFFFF)
        rg = lax.shift_right_logical(lax.bitwise_and(pkc, CPT - 1), LOG2_RC)
        o = pos[rg]
        dest = jnp.where(live, o, DUMP)
        _sstore(wmap, dest, pkc)
        pos[rg] = o + live.astype(jnp.int32)
        return 0

    with jax.named_scope("phaseA2place"):
        lax.fori_loop(0, na, place_body, 0)

    zero16 = jnp.zeros((16,), jnp.float32)
    chanbase = (wid >> 3) * Cc
    yrowbase = lax.bitwise_and(wid, 7) * (NREG // 2)

    for stg in (stg0, stg1):
        @pl.loop(0, Cc)
        def _(c):
            @pl.loop(0, RCELLS, step=16)
            def _(j):
                stg[c, pl.ds(j, 16)] = zero16

    def out_dst(r):
        return out_hbm.at[pl.ds(chanbase, Cc),
                          yrowbase + lax.shift_right_logical(r, 1),
                          pl.ds(lax.bitwise_and(r, 1) * RCELLS, RCELLS)]

    def fire_gather(r, idx_s, gbuf_s, sem_g):
        @pl.when(r < NREG)
        def _():
            start = boff[r]
            end = boff[r + 1]
            for v in range(GROWS // 16):
                pk = wmap[pl.ds(start + v * 16, 16)]
                okm = (start + v * 16 + _iota16()) < end
                alt = lax.rem(start + v * 16 + _iota16(), Pc // 2)
                rid = jnp.where(okm,
                                lax.shift_right_logical(pk, LOG2_CPT + 1), alt)
                idx_s[pl.ds(v * 16, 16)] = rid
            pltpu.async_copy(f128_hbm.at[idx_s], gbuf_s, sem_g)

    def place_range(gbuf_s, stg, lstart, n):
        def place(j, _):
            pkj = _sload(wmap, lstart + j)
            lr = lax.bitwise_and(pkj, RCELLS - 1)
            pj = lax.shift_right_logical(pkj, LOG2_CPT)
            half = lax.bitwise_and(pj, 1) * Cc
            lr_s = jnp.full((16,), lr, jnp.int32)
            for q in range(4):
                vals = gbuf_s[j, pl.ds(half + q * 16, 16)]
                plsc.store_scatter(stg, [q * 16 + _iota16(), lr_s], vals)
            return 0

        lax.fori_loop(0, n, place, 0)

    def clean_range(r, stg):
        def clean(e, _):
            pkj = _sload(wmap, e)
            lr = lax.bitwise_and(pkj, RCELLS - 1)
            lr_s = jnp.full((16,), lr, jnp.int32)
            for q in range(4):
                plsc.store_scatter(stg, [q * 16 + _iota16(), lr_s], zero16)
            return 0

        lax.fori_loop(boff[r], boff[r + 1], clean, 0)

    def step(r, idx_s, gbuf_s, sem_g, stg, sem_o):
        @pl.when(r >= 2)
        def _():
            pltpu.make_async_copy(stg, out_dst(r), sem_o).wait()
            clean_range(r - 2, stg)

        start = boff[r]
        end = boff[r + 1]
        n = end - start
        pltpu.make_async_copy(f128_hbm.at[idx_s], gbuf_s, sem_g).wait()
        place_range(gbuf_s.at[pl.ds(0, GROWS)], stg, start,
                    jnp.minimum(n, GROWS))

        @pl.when(n > GROWS)
        def _():
            def chunk_body(ch, _):
                cstart = start + GROWS + ch * 16
                pk = wmap[pl.ds(cstart, 16)]
                okm = (cstart + _iota16()) < end
                alt = lax.rem(cstart + _iota16(), Pc // 2)
                rid = jnp.where(okm,
                                lax.shift_right_logical(pk, LOG2_CPT + 1), alt)
                idx_s[pl.ds(0, 16)] = rid
                pltpu.sync_copy(f128_hbm.at[idx_s.at[pl.ds(0, 16)]],
                                gbuf_s.at[pl.ds(0, 16)])
                k = jnp.minimum(jnp.int32(16), end - cstart)
                place_range(gbuf_s.at[pl.ds(0, 16)], stg, cstart, k)
                return 0

            lax.fori_loop(0, (n - GROWS + 15) >> 4, chunk_body, 0)

        pltpu.async_copy(stg, out_dst(r), sem_o)
        fire_gather(r + 2, idx_s, gbuf_s, sem_g)

    with jax.named_scope("phaseB"):
        fire_gather(jnp.int32(0), idxb0, gbuf0, semg0)
        fire_gather(jnp.int32(1), idxb1, gbuf1, semg1)

        def pair_body(rr, _):
            r0 = rr * 2
            step(r0, idxb0, gbuf0, semg0, stg0, semo0)
            step(r0 + 1, idxb1, gbuf1, semg1, stg1, semo1)
            return 0

        lax.fori_loop(0, NREG // 2, pair_body, 0)
        pltpu.make_async_copy(stg0, out_dst(jnp.int32(NREG - 2)), semo0).wait()
        pltpu.make_async_copy(stg1, out_dst(jnp.int32(NREG - 1)), semo1).wait()


@jax.jit
def kernel(pillar_features, voxel_coords):
    f128 = pillar_features.reshape(Pc // 2, 2 * Cc)
    cols = voxel_coords.T
    c3 = jnp.stack((cols[0], cols[2], cols[3]))
    c3 = jnp.concatenate(
        [c3, jnp.full((3, PPAD - Pc), Bc, jnp.int32)], axis=1)

    mesh = plsc.VectorSubcoreMesh(core_axis_name="c", subcore_axis_name="s")
    run = pl.kernel(
        _body,
        out_type=jax.ShapeDtypeStruct((Bc * Cc, NYc, NXc), jnp.float32),
        mesh=mesh,
        scratch_types=[
            pltpu.VMEM((3, CHUNK), jnp.int32),
            pltpu.VMEM((3, CHUNK), jnp.int32),
            pltpu.VMEM((Pc,), jnp.int32),
            pltpu.VMEM((CPT + 32,), jnp.int32),
            pltpu.VMEM((Cc, RCELLS), jnp.float32),
            pltpu.VMEM((Cc, RCELLS), jnp.float32),
            pltpu.VMEM((GROWS, 2 * Cc), jnp.float32),
            pltpu.VMEM((GROWS, 2 * Cc), jnp.float32),
            pltpu.VMEM((GROWS,), jnp.int32),
            pltpu.VMEM((GROWS,), jnp.int32),
            pltpu.SemaphoreType.DMA,
            pltpu.SemaphoreType.DMA,
            pltpu.SemaphoreType.DMA,
            pltpu.SemaphoreType.DMA,
            pltpu.SemaphoreType.DMA,
            pltpu.SemaphoreType.DMA,
            pltpu.SMEM((NREG + 1,), jnp.int32),
            pltpu.SMEM((NREG,), jnp.int32),
        ],
        compiler_params=pltpu.CompilerParams(needs_layout_passes=False),
    )
    out_flat = run(f128, c3)
    return out_flat.reshape(Bc, Cc, NYc, NXc)

# --- scband reference (transcript-rebuilt; emitter-appended) ---
"""Pipeline reference for scband-point-pillar-scatter-seg-42107859370503 (READ-ONLY COPY).

The authoritative reference and input builder live on the scoring server;
editing this copy changes nothing except your own understanding.
"""

import jax, jax.numpy as jnp
import numpy as np

NX, NY, C, B, P = 512, 512, 64, 4, 40000


def setup_inputs(seed: int = 0) -> dict:
    key = jax.random.key(seed)
    k1, k2, k3, k4 = jax.random.split(key, 4)
    pillar_features = jax.random.normal(k1, (P, C), dtype=jnp.float32)
    b = jax.random.randint(k2, (P,), 0, B)
    y = jax.random.randint(k3, (P,), 0, NY)
    x = jax.random.randint(k4, (P,), 0, NX)
    z = jnp.zeros((P,), dtype=jnp.int32)
    voxel_coords = jnp.stack([b.astype(jnp.int32), z, y.astype(jnp.int32), x.astype(jnp.int32)], axis=1)
    return {"pillar_features": pillar_features, "voxel_coords": voxel_coords}


def reference(pillar_features, voxel_coords):
    # PointPillarScatter: per-batch scatter-overwrite of pillar features
    # onto a dense BEV canvas [C, ny*nx] at index y*nx + x.
    sentinel = NX * NY  # extra column absorbs pillars of other batch items
    canvases = []
    for bi in range(B):
        mask = voxel_coords[:, 0] == bi
        idx = jnp.where(mask, voxel_coords[:, 2] * NX + voxel_coords[:, 3], sentinel)
        canvas = jnp.zeros((C, NX * NY + 1), dtype=pillar_features.dtype)
        canvas = canvas.at[:, idx].set(pillar_features.T)  # scatter-overwrite
        canvases.append(canvas[:, : NX * NY])
    out = jnp.stack(canvases, axis=0).reshape(B, C, NY, NX)
    return out

if __name__ == "__main__":
    import jax
    _d = setup_inputs()
    print(jax.jit(kernel)(*tuple(_d.values())))

</pallas_src>

<mosaic_0001>
#map = affine_map<(d0, d1) -> (0, 0)>
#map1 = affine_map<(d0, d1) -> (0, 0, 0)>
module attributes {stable_mosaic.version = 14 : i64} {
  func.func @_body(%arg0: i32, %arg1: i32, %arg2: memref<20000x128xf32, #tpu.memory_space<hbm>>, %arg3: memref<3x40960xi32, #tpu.memory_space<hbm>>, %arg4: memref<256x512x512xf32, #tpu.memory_space<hbm>>, %arg5: memref<3x2048xi32, #tpu.memory_space<vmem>>, %arg6: memref<3x2048xi32, #tpu.memory_space<vmem>>, %arg7: memref<40000xi32, #tpu.memory_space<vmem>>, %arg8: memref<32800xi32, #tpu.memory_space<vmem>>, %arg9: memref<64x256xf32, #tpu.memory_space<vmem>>, %arg10: memref<64x256xf32, #tpu.memory_space<vmem>>, %arg11: memref<32x128xf32, #tpu.memory_space<vmem>>, %arg12: memref<32x128xf32, #tpu.memory_space<vmem>>, %arg13: memref<32xi32, #tpu.memory_space<vmem>>, %arg14: memref<32xi32, #tpu.memory_space<vmem>>, %arg15: memref<!tpu.dma_semaphore, #tpu.memory_space<semaphore_mem>>, %arg16: memref<!tpu.dma_semaphore, #tpu.memory_space<semaphore_mem>>, %arg17: memref<!tpu.dma_semaphore, #tpu.memory_space<semaphore_mem>>, %arg18: memref<!tpu.dma_semaphore, #tpu.memory_space<semaphore_mem>>, %arg19: memref<!tpu.dma_semaphore, #tpu.memory_space<semaphore_mem>>, %arg20: memref<!tpu.dma_semaphore, #tpu.memory_space<semaphore_mem>>, %arg21: memref<129xi32, #tpu.memory_space<smem>>, %arg22: memref<128xi32, #tpu.memory_space<smem>>) attributes {dimension_semantics = [#tpu.dimension_semantics<core_parallel>, #tpu.dimension_semantics<subcore_parallel>], iteration_bounds = array<i64: 2, 16>, scalar_prefetch = 0 : i64, scratch_operands = 18 : i64, tpu.core_type = #tpu.core_type<sc_vector_subcore>, window_params = [{transform_indices = #map}, {transform_indices = #map}, {transform_indices = #map1}]} {
    %mul3A = arith.constant 2 : i32
    %mul3A_0 = arith.muli %arg1, %mul3A : i32
    %add3A = arith.addi %mul3A_0, %arg0 : i32
    %broadcast_in_dim3A = arith.constant -1 : i32
    %broadcast_in_dim3A_1 = vector.broadcast %broadcast_in_dim3A : i32 to vector<16xi32>
    %scan3A = arith.constant 0 : i32
    %scan3A_2 = arith.constant 2048 : i32
    %scan3A_3 = arith.addi %scan3A, %scan3A_2 : i32
    %scan3A_4 = arith.constant 1 : i32
    scf.for %scan3A_124 = %scan3A to %scan3A_3 step %scan3A_4  : i32 {
      %mul3A_125 = arith.constant 16 : i32
      %mul3A_126 = arith.muli %scan3A_124, %mul3A_125 : i32
      %add3A_127 = arith.constant 0 : i32
      %add3A_128 = arith.addi %add3A_127, %mul3A_126 : i32
      %swap3A_129 = arith.index_cast %add3A_128 : i32 to index
      %swap3A_130 = tpu.vector_load %arg8[%swap3A_129] {strides = array<i32>} : memref<32800xi32, #tpu.memory_space<vmem>>, vector<16xi32>,
      tpu.vector_store %arg8[%swap3A_129], %broadcast_in_dim3A_1 {strides = array<i32>} : memref<32800xi32, #tpu.memory_space<vmem>>, vector<16xi32>,
    }
    %scan3A_5 = arith.constant 2048 : i32
    %lt3A = arith.constant 0 : i32
    %lt3A_6 = arith.constant 20 : i32
    "tpu.trace_start"() <{level = 10 : i32, message = "phaseA1"}> : () -> ()
    %lt3A_7 = arith.cmpi slt, %lt3A, %lt3A_6 : i32
    %convert_element_type3A = arith.extui %lt3A_7 : i1 to i32
    %cond3A = arith.constant 0 : i32
    %cond3A_8 = arith.constant 0 : i32
    %cond3A_9 = arith.cmpi ne, %convert_element_type3A, %cond3A_8 : i32
    scf.if %cond3A_9 {
      %mul3A_124 = arith.constant 2048 : i32
      %mul3A_125 = arith.muli %cond3A, %mul3A_124 : i32
      %dma_start3A = arith.constant 0 : i32
      %dma_start3A_126 = tpu.memref_slice %arg3[%dma_start3A, %mul3A_125] : memref<3x40960xi32, #tpu.memory_space<hbm>> -> memref<3x2048xi32, #tpu.memory_space<hbm>>
      %dma_start3A_127 = arith.constant 0 : i32
      %dma_start3A_128 = tpu.memref_slice %arg3[%dma_start3A_127, %mul3A_125] : memref<3x40960xi32, #tpu.memory_space<hbm>> -> memref<3x2048xi32, #tpu.memory_space<hbm>>
      tpu.enqueue_dma source(%dma_start3A_128 : memref<3x2048xi32, #tpu.memory_space<hbm>>) target(%arg5 : memref<3x2048xi32, #tpu.memory_space<vmem>>) target_semaphore(%arg15 : memref<!tpu.dma_semaphore, #tpu.memory_space<semaphore_mem>>)
    } else {
    }
    %lt3A_10 = arith.constant 1 : i32
    %lt3A_11 = arith.constant 20 : i32
    %lt3A_12 = arith.cmpi slt, %lt3A_10, %lt3A_11 : i32
    %convert_element_type3A_13 = arith.extui %lt3A_12 : i1 to i32
    %cond3A_14 = arith.constant 1 : i32
    %cond3A_15 = arith.constant 0 : i32
    %cond3A_16 = arith.cmpi ne, %convert_element_type3A_13, %cond3A_15 : i32
    scf.if %cond3A_16 {
      %mul3A_124 = arith.constant 2048 : i32
      %mul3A_125 = arith.muli %cond3A_14, %mul3A_124 : i32
      %dma_start3A = arith.constant 0 : i32
      %dma_start3A_126 = tpu.memref_slice %arg3[%dma_start3A, %mul3A_125] : memref<3x40960xi32, #tpu.memory_space<hbm>> -> memref<3x2048xi32, #tpu.memory_space<hbm>>
      %dma_start3A_127 = arith.constant 0 : i32
      %dma_start3A_128 = tpu.memref_slice %arg3[%dma_start3A_127, %mul3A_125] : memref<3x40960xi32, #tpu.memory_space<hbm>> -> memref<3x2048xi32, #tpu.memory_space<hbm>>
      tpu.enqueue_dma source(%dma_start3A_128 : memref<3x2048xi32, #tpu.memory_space<hbm>>) target(%arg6 : memref<3x2048xi32, #tpu.memory_space<vmem>>) target_semaphore(%arg16 : memref<!tpu.dma_semaphore, #tpu.memory_space<semaphore_mem>>)
    } else {
    }
    %scan3A_17 = arith.constant 0 : i32
    %scan3A_18 = arith.constant 0 : i32
    %scan3A_19 = arith.constant 10 : i32
    %scan3A_20 = arith.addi %scan3A_18, %scan3A_19 : i32
    %scan3A_21 = arith.constant 1 : i32
    %scan3A_22 = scf.for %scan3A_124 = %scan3A_18 to %scan3A_20 step %scan3A_21 iter_args(%scan3A_125 = %scan3A_17) -> (i32)  : i32 {
      %mul3A_126 = arith.constant 2 : i32
      %mul3A_127 = arith.muli %scan3A_124, %mul3A_126 : i32
      %mul3A_128 = arith.constant 2048 : i32
      %mul3A_129 = arith.muli %mul3A_127, %mul3A_128 : i32
      %dma_wait3A_130 = arith.constant 0 : i32
      %dma_wait3A_131 = tpu.memref_slice %arg3[%dma_wait3A_130, %mul3A_129] : memref<3x40960xi32, #tpu.memory_space<hbm>> -> memref<3x2048xi32, #tpu.memory_space<hbm>>
      %dma_wait3A_132 = arith.constant 0 : i32
      %dma_wait3A_133 = tpu.memref_slice %arg3[%dma_wait3A_132, %mul3A_129] : memref<3x40960xi32, #tpu.memory_space<hbm>> -> memref<3x2048xi32, #tpu.memory_space<hbm>>
      tpu.wait_dma2 semaphore(%arg15 : memref<!tpu.dma_semaphore, #tpu.memory_space<semaphore_mem>>) src(%dma_wait3A_133 : memref<3x2048xi32, #tpu.memory_space<hbm>>) dst(%arg5 : memref<3x2048xi32, #tpu.memory_space<vmem>>)
      %scan3A_134 = arith.constant 0 : i32
      %scan3A_135 = arith.constant 128 : i32
      %scan3A_136 = arith.addi %scan3A_134, %scan3A_135 : i32
      %scan3A_137 = arith.constant 1 : i32
      %scan3A_138 = scf.for %scan3A_168 = %scan3A_134 to %scan3A_136 step %scan3A_137 iter_args(%scan3A_169 = %scan3A_125) -> (i32)  : i32 {
        %mul3A_170 = arith.constant 16 : i32
        %mul3A_171 = arith.muli %scan3A_168, %mul3A_170 : i32
        %get3A = arith.constant 0 : i32
        %get3A_172 = arith.index_cast %get3A : i32 to index
        %get3A_173 = arith.index_cast %mul3A_171 : i32 to index
        %get3A_174 = tpu.vector_load %arg5[%get3A_172, %get3A_173] {strides = array<i32>} : memref<3x2048xi32, #tpu.memory_space<vmem>>, vector<16xi32>,
        %get3A_175 = arith.constant 1 : i32
        %get3A_176 = arith.index_cast %get3A_175 : i32 to index
        %get3A_177 = arith.index_cast %mul3A_171 : i32 to index
        %get3A_178 = tpu.vector_load %arg5[%get3A_176, %get3A_177] {strides = array<i32>} : memref<3x2048xi32, #tpu.memory_space<vmem>>, vector<16xi32>,
        %get3A_179 = arith.constant 2 : i32
        %get3A_180 = arith.index_cast %get3A_179 : i32 to index
        %get3A_181 = arith.index_cast %mul3A_171 : i32 to index
        %get3A_182 = tpu.vector_load %arg5[%get3A_180, %get3A_181] {strides = array<i32>} : memref<3x2048xi32, #tpu.memory_space<vmem>>, vector<16xi32>,
        %mul3A_183 = arith.constant 262144 : i32
        %mul3A_184 = vector.broadcast %mul3A_183 : i32 to vector<16xi32>
        %mul3A_185 = arith.muli %get3A_174, %mul3A_184 : vector<16xi32>
        %mul3A_186 = arith.constant 512 : i32
        %mul3A_187 = vector.broadcast %mul3A_186 : i32 to vector<16xi32>
        %mul3A_188 = arith.muli %get3A_178, %mul3A_187 : vector<16xi32>
        %add3A_189 = arith.addi %mul3A_185, %mul3A_188 : vector<16xi32>
        %add3A_190 = arith.addi %add3A_189, %get3A_182 : vector<16xi32>
        %shift_right_logical3A_191 = arith.constant 15 : i32
        %shift_right_logical3A_192 = vector.broadcast %shift_right_logical3A_191 : i32 to vector<16xi32>
        %shift_right_logical3A_193 = arith.shrui %add3A_190, %shift_right_logical3A_192 : vector<16xi32>
        %eq3A = vector.broadcast %add3A : i32 to vector<16xi32>
        %eq3A_194 = arith.cmpi eq, %shift_right_logical3A_193, %eq3A : vector<16xi32>
        %and3A_195 = arith.constant 32767 : i32
        %and3A_196 = vector.broadcast %and3A_195 : i32 to vector<16xi32>
        %and3A_197 = arith.andi %add3A_190, %and3A_196 : vector<16xi32>
        %add3A_198 = arith.addi %mul3A_129, %mul3A_171 : i32
        %iota3A = tpu.iota {dimensions = array<i32: 0>} : vector<16xi32>
        %add3A_199 = vector.broadcast %add3A_198 : i32 to vector<16xi32>
        %add3A_200 = arith.addi %add3A_199, %iota3A : vector<16xi32>
        %gather3A = tpu.vector_load_idx %arg8[%and3A_197] : memref<32800xi32, #tpu.memory_space<vmem>>[vector<16xi32>], vector<16xi32>,
        %gt3A = arith.cmpi sgt, %add3A_200, %gather3A : vector<16xi32>
        %and3A_201 = arith.andi %eq3A_194, %gt3A : vector<16xi1>
        %while3A_202 = scf.while (%while3A_208 = %and3A_201) : (vector<16xi1>) -> vector<16xi1> {
          %all_reduce_population_count3A_209 = tpu.all_reduce %while3A_208 {dim = 0 : i64, kind = #tpu.reduction_kind<sum>} : vector<16xi1> -> vector<16xi32>
          %slice3A_210 = vector.extract_strided_slice %all_reduce_population_count3A_209 {offsets = [0], sizes = [1], strides = [1]} : vector<16xi32> to vector<1xi32>
          %squeeze3A_211 = vector.extract %slice3A_210[0] : i32 from vector<1xi32>
          %gt3A_212 = arith.constant 0 : i32
          %gt3A_213 = arith.cmpi sgt, %squeeze3A_211, %gt3A_212 : i32
          scf.condition(%gt3A_213) %while3A_208 : vector<16xi1>
        } do {
        ^bb0(%while3A_208: vector<16xi1>):
          tpu.vector_store_idx %arg8[%and3A_197], %add3A_200 masked %while3A_208 : memref<32800xi32, #tpu.memory_space<vmem>>[vector<16xi32>], vector<16xi32>, vector<16xi1>
          %gather3A_209 = tpu.vector_load_idx %arg8[%and3A_197] : memref<32800xi32, #tpu.memory_space<vmem>>[vector<16xi32>], vector<16xi32>,
          %gt3A_210 = arith.cmpi sgt, %add3A_200, %gather3A_209 : vector<16xi32>
          %and3A_211 = arith.andi %eq3A_194, %gt3A_210 : vector<16xi1>
          scf.yield %and3A_211 : vector<16xi1>
        }
        %shift_left3A = arith.constant 15 : i32
        %shift_left3A_203 = vector.broadcast %shift_left3A : i32 to vector<16xi32>
        %shift_left3A_204 = arith.shli %add3A_200, %shift_left3A_203 : vector<16xi32>
        %or3A = arith.ori %and3A_197, %shift_left3A_204 : vector<16xi32>
        %swap3A_205 = arith.index_cast %scan3A_169 : i32 to index
        %swap3A_206 = tpu.vector_load %arg7[%swap3A_205] masked %eq3A_194 {strides = array<i32>} : memref<40000xi32, #tpu.memory_space<vmem>>, vector<16xi32>, vector<16xi1>
        tpu.vector_store %arg7[%swap3A_205], %or3A masked %eq3A_194 {strides = array<i32>} : memref<40000xi32, #tpu.memory_space<vmem>>, vector<16xi32>, vector<16xi1>
        %all_reduce_population_count3A = tpu.all_reduce %eq3A_194 {dim = 0 : i64, kind = #tpu.reduction_kind<sum>} : vector<16xi1> -> vector<16xi32>
        %slice3A = vector.extract_strided_slice %all_reduce_population_count3A {offsets = [0], sizes = [1], strides = [1]} : vector<16xi32> to vector<1xi32>
        %squeeze3A = vector.extract %slice3A[0] : i32 from vector<1xi32>
        %add3A_207 = arith.addi %scan3A_169, %squeeze3A : i32
        scf.yield %add3A_207 : i32
      }
      %scan3A_139 = arith.constant 128 : i32
      %add3A_140 = arith.constant 2 : i32
      %add3A_141 = arith.addi %mul3A_127, %add3A_140 : i32
      %lt3A_142 = arith.constant 20 : i32
      %lt3A_143 = arith.cmpi slt, %add3A_141, %lt3A_142 : i32
      %convert_element_type3A_144 = arith.extui %lt3A_143 : i1 to i32
      %cond3A_145 = arith.constant 0 : i32
      %cond3A_146 = arith.cmpi ne, %convert_element_type3A_144, %cond3A_145 : i32
      scf.if %cond3A_146 {
        %mul3A_168 = arith.constant 2048 : i32
        %mul3A_169 = arith.muli %add3A_141, %mul3A_168 : i32
        %dma_start3A = arith.constant 0 : i32
        %dma_start3A_170 = tpu.memref_slice %arg3[%dma_start3A, %mul3A_169] : memref<3x40960xi32, #tpu.memory_space<hbm>> -> memref<3x2048xi32, #tpu.memory_space<hbm>>
        %dma_start3A_171 = arith.constant 0 : i32
        %dma_start3A_172 = tpu.memref_slice %arg3[%dma_start3A_171, %mul3A_169] : memref<3x40960xi32, #tpu.memory_space<hbm>> -> memref<3x2048xi32, #tpu.memory_space<hbm>>
        tpu.enqueue_dma source(%dma_start3A_172 : memref<3x2048xi32, #tpu.memory_space<hbm>>) target(%arg5 : memref<3x2048xi32, #tpu.memory_space<vmem>>) target_semaphore(%arg15 : memref<!tpu.dma_semaphore, #tpu.memory_space<semaphore_mem>>)
      } else {
      }
      %add3A_147 = arith.constant 1 : i32
      %add3A_148 = arith.addi %mul3A_127, %add3A_147 : i32
      %mul3A_149 = arith.constant 2048 : i32
      %mul3A_150 = arith.muli %add3A_148, %mul3A_149 : i32
      %dma_wait3A_151 = arith.constant 0 : i32
      %dma_wait3A_152 = tpu.memref_slice %arg3[%dma_wait3A_151, %mul3A_150] : memref<3x40960xi32, #tpu.memory_space<hbm>> -> memref<3x2048xi32, #tpu.memory_space<hbm>>
      %dma_wait3A_153 = arith.constant 0 : i32
      %dma_wait3A_154 = tpu.memref_slice %arg3[%dma_wait3A_153, %mul3A_150] : memref<3x40960xi32, #tpu.memory_space<hbm>> -> memref<3x2048xi32, #tpu.memory_space<hbm>>
      tpu.wait_dma2 semaphore(%arg16 : memref<!tpu.dma_semaphore, #tpu.memory_space<semaphore_mem>>) src(%dma_wait3A_154 : memref<3x2048xi32, #tpu.memory_space<hbm>>) dst(%arg6 : memref<3x2048xi32, #tpu.memory_space<vmem>>)
      %scan3A_155 = arith.constant 0 : i32
      %scan3A_156 = arith.constant 128 : i32
      %scan3A_157 = arith.addi %scan3A_155, %scan3A_156 : i32
      %scan3A_158 = arith.constant 1 : i32
      %scan3A_159 = scf.for %scan3A_168 = %scan3A_155 to %scan3A_157 step %scan3A_158 iter_args(%scan3A_169 = %scan3A_138) -> (i32)  : i32 {
        %mul3A_170 = arith.constant 16 : i32
        %mul3A_171 = arith.muli %scan3A_168, %mul3A_170 : i32
        %get3A = arith.constant 0 : i32
        %get3A_172 = arith.index_cast %get3A : i32 to index
        %get3A_173 = arith.index_cast %mul3A_171 : i32 to index
        %get3A_174 = tpu.vector_load %arg6[%get3A_172, %get3A_173] {strides = array<i32>} : memref<3x2048xi32, #tpu.memory_space<vmem>>, vector<16xi32>,
        %get3A_175 = arith.constant 1 : i32
        %get3A_176 = arith.index_cast %get3A_175 : i32 to index
        %get3A_177 = arith.index_cast %mul3A_171 : i32 to index
        %get3A_178 = tpu.vector_load %arg6[%get3A_176, %get3A_177] {strides = array<i32>} : memref<3x2048xi32, #tpu.memory_space<vmem>>, vector<16xi32>,
        %get3A_179 = arith.constant 2 : i32
        %get3A_180 = arith.index_cast %get3A_179 : i32 to index
        %get3A_181 = arith.index_cast %mul3A_171 : i32 to index
        %get3A_182 = tpu.vector_load %arg6[%get3A_180, %get3A_181] {strides = array<i32>} : memref<3x2048xi32, #tpu.memory_space<vmem>>, vector<16xi32>,
        %mul3A_183 = arith.constant 262144 : i32
        %mul3A_184 = vector.broadcast %mul3A_183 : i32 to vector<16xi32>
        %mul3A_185 = arith.muli %get3A_174, %mul3A_184 : vector<16xi32>
        %mul3A_186 = arith.constant 512 : i32
        %mul3A_187 = vector.broadcast %mul3A_186 : i32 to vector<16xi32>
        %mul3A_188 = arith.muli %get3A_178, %mul3A_187 : vector<16xi32>
        %add3A_189 = arith.addi %mul3A_185, %mul3A_188 : vector<16xi32>
        %add3A_190 = arith.addi %add3A_189, %get3A_182 : vector<16xi32>
        %shift_right_logical3A_191 = arith.constant 15 : i32
        %shift_right_logical3A_192 = vector.broadcast %shift_right_logical3A_191 : i32 to vector<16xi32>
        %shift_right_logical3A_193 = arith.shrui %add3A_190, %shift_right_logical3A_192 : vector<16xi32>
        %eq3A = vector.broadcast %add3A : i32 to vector<16xi32>
        %eq3A_194 = arith.cmpi eq, %shift_right_logical3A_193, %eq3A : vector<16xi32>
        %and3A_195 = arith.constant 32767 : i32
        %and3A_196 = vector.broadcast %and3A_195 : i32 to vector<16xi32>
        %and3A_197 = arith.andi %add3A_190, %and3A_196 : vector<16xi32>
        %add3A_198 = arith.addi %mul3A_150, %mul3A_171 : i32
        %iota3A = tpu.iota {dimensions = array<i32: 0>} : vector<16xi32>
        %add3A_199 = vector.broadcast %add3A_198 : i32 to vector<16xi32>
        %add3A_200 = arith.addi %add3A_199, %iota3A : vector<16xi32>
        %gather3A = tpu.vector_load_idx %arg8[%and3A_197] : memref<32800xi32, #tpu.memory_space<vmem>>[vector<16xi32>], vector<16xi32>,
        %gt3A = arith.cmpi sgt, %add3A_200, %gather3A : vector<16xi32>
        %and3A_201 = arith.andi %eq3A_194, %gt3A : vector<16xi1>
        %while3A_202 = scf.while (%while3A_208 = %and3A_201) : (vector<16xi1>) -> vector<16xi1> {
          %all_reduce_population_count3A_209 = tpu.all_reduce %while3A_208 {dim = 0 : i64, kind = #tpu.reduction_kind<sum>} : vector<16xi1> -> vector<16xi32>
          %slice3A_210 = vector.extract_strided_slice %all_reduce_population_count3A_209 {offsets = [0], sizes = [1], strides = [1]} : vector<16xi32> to vector<1xi32>
          %squeeze3A_211 = vector.extract %slice3A_210[0] : i32 from vector<1xi32>
          %gt3A_212 = arith.constant 0 : i32
          %gt3A_213 = arith.cmpi sgt, %squeeze3A_211, %gt3A_212 : i32
          scf.condition(%gt3A_213) %while3A_208 : vector<16xi1>
        } do {
        ^bb0(%while3A_208: vector<16xi1>):
          tpu.vector_store_idx %arg8[%and3A_197], %add3A_200 masked %while3A_208 : memref<32800xi32, #tpu.memory_space<vmem>>[vector<16xi32>], vector<16xi32>, vector<16xi1>
          %gather3A_209 = tpu.vector_load_idx %arg8[%and3A_197] : memref<32800xi32, #tpu.memory_space<vmem>>[vector<16xi32>], vector<16xi32>,
          %gt3A_210 = arith.cmpi sgt, %add3A_200, %gather3A_209 : vector<16xi32>
          %and3A_211 = arith.andi %eq3A_194, %gt3A_210 : vector<16xi1>
          scf.yield %and3A_211 : vector<16xi1>
        }
        %shift_left3A = arith.constant 15 : i32
        %shift_left3A_203 = vector.broadcast %shift_left3A : i32 to vector<16xi32>
        %shift_left3A_204 = arith.shli %add3A_200, %shift_left3A_203 : vector<16xi32>
        %or3A = arith.ori %and3A_197, %shift_left3A_204 : vector<16xi32>
        %swap3A_205 = arith.index_cast %scan3A_169 : i32 to index
        %swap3A_206 = tpu.vector_load %arg7[%swap3A_205] masked %eq3A_194 {strides = array<i32>} : memref<40000xi32, #tpu.memory_space<vmem>>, vector<16xi32>, vector<16xi1>
        tpu.vector_store %arg7[%swap3A_205], %or3A masked %eq3A_194 {strides = array<i32>} : memref<40000xi32, #tpu.memory_space<vmem>>, vector<16xi32>, vector<16xi1>
        %all_reduce_population_count3A = tpu.all_reduce %eq3A_194 {dim = 0 : i64, kind = #tpu.reduction_kind<sum>} : vector<16xi1> -> vector<16xi32>
        %slice3A = vector.extract_strided_slice %all_reduce_population_count3A {offsets = [0], sizes = [1], strides = [1]} : vector<16xi32> to vector<1xi32>
        %squeeze3A = vector.extract %slice3A[0] : i32 from vector<1xi32>
        %add3A_207 = arith.addi %scan3A_169, %squeeze3A : i32
        scf.yield %add3A_207 : i32
      }
      %scan3A_160 = arith.constant 128 : i32
      %add3A_161 = arith.constant 3 : i32
      %add3A_162 = arith.addi %mul3A_127, %add3A_161 : i32
      %lt3A_163 = arith.constant 20 : i32
      %lt3A_164 = arith.cmpi slt, %add3A_162, %lt3A_163 : i32
      %convert_element_type3A_165 = arith.extui %lt3A_164 : i1 to i32
      %cond3A_166 = arith.constant 0 : i32
      %cond3A_167 = arith.cmpi ne, %convert_element_type3A_165, %cond3A_166 : i32
      scf.if %cond3A_167 {
        %mul3A_168 = arith.constant 2048 : i32
        %mul3A_169 = arith.muli %add3A_162, %mul3A_168 : i32
        %dma_start3A = arith.constant 0 : i32
        %dma_start3A_170 = tpu.memref_slice %arg3[%dma_start3A, %mul3A_169] : memref<3x40960xi32, #tpu.memory_space<hbm>> -> memref<3x2048xi32, #tpu.memory_space<hbm>>
        %dma_start3A_171 = arith.constant 0 : i32
        %dma_start3A_172 = tpu.memref_slice %arg3[%dma_start3A_171, %mul3A_169] : memref<3x40960xi32, #tpu.memory_space<hbm>> -> memref<3x2048xi32, #tpu.memory_space<hbm>>
        tpu.enqueue_dma source(%dma_start3A_172 : memref<3x2048xi32, #tpu.memory_space<hbm>>) target(%arg6 : memref<3x2048xi32, #tpu.memory_space<vmem>>) target_semaphore(%arg16 : memref<!tpu.dma_semaphore, #tpu.memory_space<semaphore_mem>>)
      } else {
      }
      scf.yield %scan3A_159 : i32
    }
    %scan3A_23 = arith.constant 10 : i32
    "tpu.trace_stop"() : () -> ()
    %scan3A_24 = arith.constant 0 : i32
    %scan3A_25 = arith.constant 128 : i32
    %scan3A_26 = arith.addi %scan3A_24, %scan3A_25 : i32
    %scan3A_27 = arith.constant 1 : i32
    scf.for %scan3A_124 = %scan3A_24 to %scan3A_26 step %scan3A_27  : i32 {
      %mul3A_125 = arith.constant 1 : i32
      %mul3A_126 = arith.muli %scan3A_124, %mul3A_125 : i32
      %add3A_127 = arith.constant 0 : i32
      %add3A_128 = arith.addi %add3A_127, %mul3A_126 : i32
      %swap3A_129 = arith.constant 0 : i32
      %swap3A_130 = arith.index_cast %add3A_128 : i32 to index
      %swap3A_131 = memref.load %arg22[%swap3A_130] : memref<128xi32, #tpu.memory_space<smem>>
      memref.store %swap3A_129, %arg22[%swap3A_130] : memref<128xi32, #tpu.memory_space<smem>>
    }
    %scan3A_28 = arith.constant 128 : i32
    %while3A = arith.constant 0 : i32
    %while3A_29 = arith.constant 0 : i32
    "tpu.trace_start"() <{level = 10 : i32, message = "phaseA2count"}> : () -> ()
    %while3A_30 = arith.subi %scan3A_22, %while3A : i32
    %while3A_31 = arith.addi %while3A, %while3A_30 : i32
    %while3A_32 = arith.constant 1 : i32
    %while3A_33 = arith.divsi %while3A_30, %while3A_32 : i32
    %while3A_34 = arith.muli %while3A_33, %while3A_32 : i32
    %while3A_35 = arith.addi %while3A, %while3A_34 : i32
    %while3A_36 = arith.constant 1 : i32
    %while3A_37 = scf.for %while3A_124 = %while3A to %while3A_35 step %while3A_36 iter_args(%while3A_125 = %while3A_29) -> (i32)  : i32 {
      %get3A = arith.index_cast %while3A_124 : i32 to index
      %get3A_126 = tpu.vector_load %arg7[%get3A] {strides = array<i32>} : memref<40000xi32, #tpu.memory_space<vmem>>, vector<16xi32>,
      %slice3A = vector.extract_strided_slice %get3A_126 {offsets = [0], sizes = [1], strides = [1]} : vector<16xi32> to vector<1xi32>
      %squeeze3A = vector.extract %slice3A[0] : i32 from vector<1xi32>
      %and3A_127 = arith.constant 32767 : i32
      %and3A_128 = arith.andi %squeeze3A, %and3A_127 : i32
      %shift_right_logical3A_129 = arith.constant 15 : i32
      %shift_right_logical3A_130 = arith.shrui %squeeze3A, %shift_right_logical3A_129 : i32
      %get3A_131 = arith.index_cast %and3A_128 : i32 to index
      %get3A_132 = tpu.vector_load %arg8[%get3A_131] {strides = array<i32>} : memref<32800xi32, #tpu.memory_space<vmem>>, vector<16xi32>,
      %slice3A_133 = vector.extract_strided_slice %get3A_132 {offsets = [0], sizes = [1], strides = [1]} : vector<16xi32> to vector<1xi32>
      %squeeze3A_134 = vector.extract %slice3A_133[0] : i32 from vector<1xi32>
      %eq3A = arith.cmpi eq, %squeeze3A_134, %shift_right_logical3A_130 : i32
      %convert_element_type3A_135 = arith.extui %eq3A : i1 to i32
      %shift_right_logical3A_136 = arith.constant 8 : i32
      %shift_right_logical3A_137 = arith.shrui %and3A_128, %shift_right_logical3A_136 : i32
      %get3A_138 = arith.index_cast %shift_right_logical3A_137 : i32 to index
      %get3A_139 = memref.load %arg22[%get3A_138] : memref<128xi32, #tpu.memory_space<smem>>
      %add3A_140 = arith.addi %get3A_139, %convert_element_type3A_135 : i32
      %swap3A_141 = arith.index_cast %shift_right_logical3A_137 : i32 to index
      %swap3A_142 = memref.load %arg22[%swap3A_141] : memref<128xi32, #tpu.memory_space<smem>>
      memref.store %add3A_140, %arg22[%swap3A_141] : memref<128xi32, #tpu.memory_space<smem>>
      %shift_left3A = arith.constant 31 : i32
      %shift_left3A_143 = arith.shli %convert_element_type3A_135, %shift_left3A : i32
      %or3A = arith.ori %squeeze3A, %shift_left3A_143 : i32
      %broadcast_in_dim3A_144 = vector.broadcast %while3A_124 : i32 to vector<16xi32>
      %broadcast_in_dim3A_145 = vector.broadcast %or3A : i32 to vector<16xi32>
      %iota3A = tpu.iota {dimensions = array<i32: 0>} : vector<16xi32>
      %eq3A_146 = arith.constant 0 : i32
      %eq3A_147 = vector.broadcast %eq3A_146 : i32 to vector<16xi32>
      %eq3A_148 = arith.cmpi eq, %iota3A, %eq3A_147 : vector<16xi32>
      tpu.vector_store_idx %arg7[%broadcast_in_dim3A_144], %broadcast_in_dim3A_145 masked %eq3A_148 : memref<40000xi32, #tpu.memory_space<vmem>>[vector<16xi32>], vector<16xi32>, vector<16xi1>
      %while3A_149 = arith.constant 0 : i32
      scf.yield %while3A_149 : i32
    }
    %while3A_38 = arith.constant 1 : i32
    %while3A_39 = scf.for %while3A_124 = %while3A_35 to %while3A_31 step %while3A_38 iter_args(%while3A_125 = %while3A_37) -> (i32)  : i32 {
      %get3A = arith.index_cast %while3A_124 : i32 to index
      %get3A_126 = tpu.vector_load %arg7[%get3A] {strides = array<i32>} : memref<40000xi32, #tpu.memory_space<vmem>>, vector<16xi32>,
      %slice3A = vector.extract_strided_slice %get3A_126 {offsets = [0], sizes = [1], strides = [1]} : vector<16xi32> to vector<1xi32>
      %squeeze3A = vector.extract %slice3A[0] : i32 from vector<1xi32>
      %and3A_127 = arith.constant 32767 : i32
      %and3A_128 = arith.andi %squeeze3A, %and3A_127 : i32
      %shift_right_logical3A_129 = arith.constant 15 : i32
      %shift_right_logical3A_130 = arith.shrui %squeeze3A, %shift_right_logical3A_129 : i32
      %get3A_131 = arith.index_cast %and3A_128 : i32 to index
      %get3A_132 = tpu.vector_load %arg8[%get3A_131] {strides = array<i32>} : memref<32800xi32, #tpu.memory_space<vmem>>, vector<16xi32>,
      %slice3A_133 = vector.extract_strided_slice %get3A_132 {offsets = [0], sizes = [1], strides = [1]} : vector<16xi32> to vector<1xi32>
      %squeeze3A_134 = vector.extract %slice3A_133[0] : i32 from vector<1xi32>
      %eq3A = arith.cmpi eq, %squeeze3A_134, %shift_right_logical3A_130 : i32
      %convert_element_type3A_135 = arith.extui %eq3A : i1 to i32
      %shift_right_logical3A_136 = arith.constant 8 : i32
      %shift_right_logical3A_137 = arith.shrui %and3A_128, %shift_right_logical3A_136 : i32
      %get3A_138 = arith.index_cast %shift_right_logical3A_137 : i32 to index
      %get3A_139 = memref.load %arg22[%get3A_138] : memref<128xi32, #tpu.memory_space<smem>>
      %add3A_140 = arith.addi %get3A_139, %convert_element_type3A_135 : i32
      %swap3A_141 = arith.index_cast %shift_right_logical3A_137 : i32 to index
      %swap3A_142 = memref.load %arg22[%swap3A_141] : memref<128xi32, #tpu.memory_space<smem>>
      memref.store %add3A_140, %arg22[%swap3A_141] : memref<128xi32, #tpu.memory_space<smem>>
      %shift_left3A = arith.constant 31 : i32
      %shift_left3A_143 = arith.shli %convert_element_type3A_135, %shift_left3A : i32
      %or3A = arith.ori %squeeze3A, %shift_left3A_143 : i32
      %broadcast_in_dim3A_144 = vector.broadcast %while3A_124 : i32 to vector<16xi32>
      %broadcast_in_dim3A_145 = vector.broadcast %or3A : i32 to vector<16xi32>
      %iota3A = tpu.iota {dimensions = array<i32: 0>} : vector<16xi32>
      %eq3A_146 = arith.constant 0 : i32
      %eq3A_147 = vector.broadcast %eq3A_146 : i32 to vector<16xi32>
      %eq3A_148 = arith.cmpi eq, %iota3A, %eq3A_147 : vector<16xi32>
      tpu.vector_store_idx %arg7[%broadcast_in_dim3A_144], %broadcast_in_dim3A_145 masked %eq3A_148 : memref<40000xi32, #tpu.memory_space<vmem>>[vector<16xi32>], vector<16xi32>, vector<16xi1>
      %while3A_149 = arith.constant 0 : i32
      scf.yield %while3A_149 : i32
    }
    "tpu.trace_stop"() : () -> ()
    %scan3A_40 = arith.constant 0 : i32
    %scan3A_41 = arith.constant 0 : i32
    %scan3A_42 = arith.constant 128 : i32
    %scan3A_43 = arith.addi %scan3A_41, %scan3A_42 : i32
    %scan3A_44 = arith.constant 1 : i32
    %scan3A_45 = scf.for %scan3A_124 = %scan3A_41 to %scan3A_43 step %scan3A_44 iter_args(%scan3A_125 = %scan3A_40) -> (i32)  : i32 {
      %get3A = arith.index_cast %scan3A_124 : i32 to index
      %get3A_126 = memref.load %arg22[%get3A] : memref<128xi32, #tpu.memory_space<smem>>
      %swap3A_127 = arith.index_cast %scan3A_124 : i32 to index
      %swap3A_128 = memref.load %arg21[%swap3A_127] : memref<129xi32, #tpu.memory_space<smem>>
      memref.store %scan3A_125, %arg21[%swap3A_127] : memref<129xi32, #tpu.memory_space<smem>>
      %swap3A_129 = arith.index_cast %scan3A_124 : i32 to index
      %swap3A_130 = memref.load %arg22[%swap3A_129] : memref<128xi32, #tpu.memory_space<smem>>
      memref.store %scan3A_125, %arg22[%swap3A_129] : memref<128xi32, #tpu.memory_space<smem>>
      %add3A_131 = arith.addi %scan3A_125, %get3A_126 : i32
      scf.yield %add3A_131 : i32
    }
    %scan3A_46 = arith.constant 128 : i32
    %swap3A = arith.constant 128 : i32
    %swap3A_47 = arith.index_cast %swap3A : i32 to index
    %swap3A_48 = memref.load %arg21[%swap3A_47] : memref<129xi32, #tpu.memory_space<smem>>
    memref.store %scan3A_45, %arg21[%swap3A_47] : memref<129xi32, #tpu.memory_space<smem>>
    %while3A_49 = arith.constant 0 : i32
    %while3A_50 = arith.constant 0 : i32
    "tpu.trace_start"() <{level = 10 : i32, message = "phaseA2place"}> : () -> ()
    %while3A_51 = arith.subi %scan3A_22, %while3A_49 : i32
    %while3A_52 = arith.addi %while3A_49, %while3A_51 : i32
    %while3A_53 = arith.constant 1 : i32
    %while3A_54 = arith.divsi %while3A_51, %while3A_53 : i32
    %while3A_55 = arith.muli %while3A_54, %while3A_53 : i32
    %while3A_56 = arith.addi %while3A_49, %while3A_55 : i32
    %while3A_57 = arith.constant 1 : i32
    %while3A_58 = scf.for %while3A_124 = %while3A_49 to %while3A_56 step %while3A_57 iter_args(%while3A_125 = %while3A_50) -> (i32)  : i32 {
      %get3A = arith.index_cast %while3A_124 : i32 to index
      %get3A_126 = tpu.vector_load %arg7[%get3A] {strides = array<i32>} : memref<40000xi32, #tpu.memory_space<vmem>>, vector<16xi32>,
      %slice3A = vector.extract_strided_slice %get3A_126 {offsets = [0], sizes = [1], strides = [1]} : vector<16xi32> to vector<1xi32>
      %squeeze3A = vector.extract %slice3A[0] : i32 from vector<1xi32>
      %lt3A_127 = arith.constant 0 : i32
      %lt3A_128 = arith.cmpi slt, %squeeze3A, %lt3A_127 : i32
      %and3A_129 = arith.constant 2147483647 : i32
      %and3A_130 = arith.andi %squeeze3A, %and3A_129 : i32
      %and3A_131 = arith.constant 32767 : i32
      %and3A_132 = arith.andi %and3A_130, %and3A_131 : i32
      %shift_right_logical3A_133 = arith.constant 8 : i32
      %shift_right_logical3A_134 = arith.shrui %and3A_132, %shift_right_logical3A_133 : i32
      %get3A_135 = arith.index_cast %shift_right_logical3A_134 : i32 to index
      %get3A_136 = memref.load %arg22[%get3A_135] : memref<128xi32, #tpu.memory_space<smem>>
      %jit3A = arith.constant 32768 : i32
      %select_n3A = arith.select %lt3A_128, %get3A_136, %jit3A : i32
      %broadcast_in_dim3A_137 = vector.broadcast %select_n3A : i32 to vector<16xi32>
      %broadcast_in_dim3A_138 = vector.broadcast %and3A_130 : i32 to vector<16xi32>
      %iota3A = tpu.iota {dimensions = array<i32: 0>} : vector<16xi32>
      %eq3A = arith.constant 0 : i32
      %eq3A_139 = vector.broadcast %eq3A : i32 to vector<16xi32>
      %eq3A_140 = arith.cmpi eq, %iota3A, %eq3A_139 : vector<16xi32>
      tpu.vector_store_idx %arg8[%broadcast_in_dim3A_137], %broadcast_in_dim3A_138 masked %eq3A_140 : memref<32800xi32, #tpu.memory_space<vmem>>[vector<16xi32>], vector<16xi32>, vector<16xi1>
      %convert_element_type3A_141 = arith.extui %lt3A_128 : i1 to i32
      %add3A_142 = arith.addi %get3A_136, %convert_element_type3A_141 : i32
      %swap3A_143 = arith.index_cast %shift_right_logical3A_134 : i32 to index
      %swap3A_144 = memref.load %arg22[%swap3A_143] : memref<128xi32, #tpu.memory_space<smem>>
      memref.store %add3A_142, %arg22[%swap3A_143] : memref<128xi32, #tpu.memory_space<smem>>
      %while3A_145 = arith.constant 0 : i32
      scf.yield %while3A_145 : i32
    }
    %while3A_59 = arith.constant 1 : i32
    %while3A_60 = scf.for %while3A_124 = %while3A_56 to %while3A_52 step %while3A_59 iter_args(%while3A_125 = %while3A_58) -> (i32)  : i32 {
      %get3A = arith.index_cast %while3A_124 : i32 to index
      %get3A_126 = tpu.vector_load %arg7[%get3A] {strides = array<i32>} : memref<40000xi32, #tpu.memory_space<vmem>>, vector<16xi32>,
      %slice3A = vector.extract_strided_slice %get3A_126 {offsets = [0], sizes = [1], strides = [1]} : vector<16xi32> to vector<1xi32>
      %squeeze3A = vector.extract %slice3A[0] : i32 from vector<1xi32>
      %lt3A_127 = arith.constant 0 : i32
      %lt3A_128 = arith.cmpi slt, %squeeze3A, %lt3A_127 : i32
      %and3A_129 = arith.constant 2147483647 : i32
      %and3A_130 = arith.andi %squeeze3A, %and3A_129 : i32
      %and3A_131 = arith.constant 32767 : i32
      %and3A_132 = arith.andi %and3A_130, %and3A_131 : i32
      %shift_right_logical3A_133 = arith.constant 8 : i32
      %shift_right_logical3A_134 = arith.shrui %and3A_132, %shift_right_logical3A_133 : i32
      %get3A_135 = arith.index_cast %shift_right_logical3A_134 : i32 to index
      %get3A_136 = memref.load %arg22[%get3A_135] : memref<128xi32, #tpu.memory_space<smem>>
      %jit3A = arith.constant 32768 : i32
      %select_n3A = arith.select %lt3A_128, %get3A_136, %jit3A : i32
      %broadcast_in_dim3A_137 = vector.broadcast %select_n3A : i32 to vector<16xi32>
      %broadcast_in_dim3A_138 = vector.broadcast %and3A_130 : i32 to vector<16xi32>
      %iota3A = tpu.iota {dimensions = array<i32: 0>} : vector<16xi32>
      %eq3A = arith.constant 0 : i32
      %eq3A_139 = vector.broadcast %eq3A : i32 to vector<16xi32>
      %eq3A_140 = arith.cmpi eq, %iota3A, %eq3A_139 : vector<16xi32>
      tpu.vector_store_idx %arg8[%broadcast_in_dim3A_137], %broadcast_in_dim3A_138 masked %eq3A_140 : memref<32800xi32, #tpu.memory_space<vmem>>[vector<16xi32>], vector<16xi32>, vector<16xi1>
      %convert_element_type3A_141 = arith.extui %lt3A_128 : i1 to i32
      %add3A_142 = arith.addi %get3A_136, %convert_element_type3A_141 : i32
      %swap3A_143 = arith.index_cast %shift_right_logical3A_134 : i32 to index
      %swap3A_144 = memref.load %arg22[%swap3A_143] : memref<128xi32, #tpu.memory_space<smem>>
      memref.store %add3A_142, %arg22[%swap3A_143] : memref<128xi32, #tpu.memory_space<smem>>
      %while3A_145 = arith.constant 0 : i32
      scf.yield %while3A_145 : i32
    }
    %broadcast_in_dim3A_61 = arith.constant 0.000000e+00 : f32
    "tpu.trace_stop"() : () -> ()
    %broadcast_in_dim3A_62 = vector.broadcast %broadcast_in_dim3A_61 : f32 to vector<16xf32>
    %shift_right_arithmetic3A = arith.constant 3 : i32
    %shift_right_arithmetic3A_63 = arith.shrsi %add3A, %shift_right_arithmetic3A : i32
    %mul3A_64 = arith.constant 64 : i32
    %mul3A_65 = arith.muli %shift_right_arithmetic3A_63, %mul3A_64 : i32
    %and3A = arith.constant 7 : i32
    %and3A_66 = arith.andi %add3A, %and3A : i32
    %mul3A_67 = arith.constant 64 : i32
    %mul3A_68 = arith.muli %and3A_66, %mul3A_67 : i32
    %scan3A_69 = arith.constant 0 : i32
    %scan3A_70 = arith.constant 64 : i32
    %scan3A_71 = arith.addi %scan3A_69, %scan3A_70 : i32
    %scan3A_72 = arith.constant 1 : i32
    scf.for %scan3A_124 = %scan3A_69 to %scan3A_71 step %scan3A_72  : i32 {
      %mul3A_125 = arith.constant 1 : i32
      %mul3A_126 = arith.muli %scan3A_124, %mul3A_125 : i32
      %add3A_127 = arith.constant 0 : i32
      %add3A_128 = arith.addi %add3A_127, %mul3A_126 : i32
      %scan3A_129 = arith.constant 0 : i32
      %scan3A_130 = arith.constant 16 : i32
      %scan3A_131 = arith.addi %scan3A_129, %scan3A_130 : i32
      %scan3A_132 = arith.constant 1 : i32
      scf.for %scan3A_134 = %scan3A_129 to %scan3A_131 step %scan3A_132  : i32 {
        %mul3A_135 = arith.constant 16 : i32
        %mul3A_136 = arith.muli %scan3A_134, %mul3A_135 : i32
        %add3A_137 = arith.constant 0 : i32
        %add3A_138 = arith.addi %add3A_137, %mul3A_136 : i32
        %swap3A_139 = arith.index_cast %add3A_128 : i32 to index
        %swap3A_140 = arith.index_cast %add3A_138 : i32 to index
        %swap3A_141 = tpu.vector_load %arg9[%swap3A_139, %swap3A_140] {strides = array<i32>} : memref<64x256xf32, #tpu.memory_space<vmem>>, vector<16xf32>,
        tpu.vector_store %arg9[%swap3A_139, %swap3A_140], %broadcast_in_dim3A_62 {strides = array<i32>} : memref<64x256xf32, #tpu.memory_space<vmem>>, vector<16xf32>,
      }
      %scan3A_133 = arith.constant 16 : i32
    }
    %scan3A_73 = arith.constant 64 : i32
    %scan3A_74 = arith.constant 0 : i32
    %scan3A_75 = arith.constant 64 : i32
    %scan3A_76 = arith.addi %scan3A_74, %scan3A_75 : i32
    %scan3A_77 = arith.constant 1 : i32
    scf.for %scan3A_124 = %scan3A_74 to %scan3A_76 step %scan3A_77  : i32 {
      %mul3A_125 = arith.constant 1 : i32
      %mul3A_126 = arith.muli %scan3A_124, %mul3A_125 : i32
      %add3A_127 = arith.constant 0 : i32
      %add3A_128 = arith.addi %add3A_127, %mul3A_126 : i32
      %scan3A_129 = arith.constant 0 : i32
      %scan3A_130 = arith.constant 16 : i32
      %scan3A_131 = arith.addi %scan3A_129, %scan3A_130 : i32
      %scan3A_132 = arith.constant 1 : i32
      scf.for %scan3A_134 = %scan3A_129 to %scan3A_131 step %scan3A_132  : i32 {
        %mul3A_135 = arith.constant 16 : i32
        %mul3A_136 = arith.muli %scan3A_134, %mul3A_135 : i32
        %add3A_137 = arith.constant 0 : i32
        %add3A_138 = arith.addi %add3A_137, %mul3A_136 : i32
        %swap3A_139 = arith.index_cast %add3A_128 : i32 to index
        %swap3A_140 = arith.index_cast %add3A_138 : i32 to index
        %swap3A_141 = tpu.vector_load %arg10[%swap3A_139, %swap3A_140] {strides = array<i32>} : memref<64x256xf32, #tpu.memory_space<vmem>>, vector<16xf32>,
        tpu.vector_store %arg10[%swap3A_139, %swap3A_140], %broadcast_in_dim3A_62 {strides = array<i32>} : memref<64x256xf32, #tpu.memory_space<vmem>>, vector<16xf32>,
      }
      %scan3A_133 = arith.constant 16 : i32
    }
    %scan3A_78 = arith.constant 64 : i32
    %lt3A_79 = arith.constant 0 : i32
    %lt3A_80 = arith.constant 128 : i32
    "tpu.trace_start"() <{level = 10 : i32, message = "phaseB"}> : () -> ()
    %lt3A_81 = arith.cmpi slt, %lt3A_79, %lt3A_80 : i32
    %convert_element_type3A_82 = arith.extui %lt3A_81 : i1 to i32
    %cond3A_83 = arith.constant 0 : i32
    %cond3A_84 = arith.constant 0 : i32
    %cond3A_85 = arith.cmpi ne, %convert_element_type3A_82, %cond3A_84 : i32
    scf.if %cond3A_85 {
      %get3A = arith.index_cast %cond3A_83 : i32 to index
      %get3A_124 = memref.load %arg21[%get3A] : memref<129xi32, #tpu.memory_space<smem>>
      %add3A_125 = arith.constant 1 : i32
      %add3A_126 = arith.addi %cond3A_83, %add3A_125 : i32
      %get3A_127 = arith.index_cast %add3A_126 : i32 to index
      %get3A_128 = memref.load %arg21[%get3A_127] : memref<129xi32, #tpu.memory_space<smem>>
      %add3A_129 = arith.constant 0 : i32
      %add3A_130 = arith.addi %get3A_124, %add3A_129 : i32
      %get3A_131 = arith.index_cast %add3A_130 : i32 to index
      %get3A_132 = tpu.vector_load %arg8[%get3A_131] {strides = array<i32>} : memref<32800xi32, #tpu.memory_space<vmem>>, vector<16xi32>,
      %add3A_133 = arith.constant 0 : i32
      %add3A_134 = arith.addi %get3A_124, %add3A_133 : i32
      %iota3A = tpu.iota {dimensions = array<i32: 0>} : vector<16xi32>
      %add3A_135 = vector.broadcast %add3A_134 : i32 to vector<16xi32>
      %add3A_136 = arith.addi %add3A_135, %iota3A : vector<16xi32>
      %lt3A_137 = vector.broadcast %get3A_128 : i32 to vector<16xi32>
      %lt3A_138 = arith.cmpi slt, %add3A_136, %lt3A_137 : vector<16xi32>
      %add3A_139 = arith.constant 0 : i32
      %add3A_140 = arith.addi %get3A_124, %add3A_139 : i32
      %iota3A_141 = tpu.iota {dimensions = array<i32: 0>} : vector<16xi32>
      %add3A_142 = vector.broadcast %add3A_140 : i32 to vector<16xi32>
      %add3A_143 = arith.addi %add3A_142, %iota3A_141 : vector<16xi32>
      %rem3A = arith.constant 20000 : i32
      %rem3A_144 = vector.broadcast %rem3A : i32 to vector<16xi32>
      %rem3A_145 = arith.remsi %add3A_143, %rem3A_144 : vector<16xi32>
      %shift_right_logical3A_146 = arith.constant 16 : i32
      %shift_right_logical3A_147 = vector.broadcast %shift_right_logical3A_146 : i32 to vector<16xi32>
      %shift_right_logical3A_148 = arith.shrui %get3A_132, %shift_right_logical3A_147 : vector<16xi32>
      %select_n3A = arith.select %lt3A_138, %shift_right_logical3A_148, %rem3A_145 : vector<16xi1>, vector<16xi32>
      %swap3A_149 = arith.constant 0 : index
      %swap3A_150 = tpu.vector_load %arg13[%swap3A_149] {strides = array<i32>} : memref<32xi32, #tpu.memory_space<vmem>>, vector<16xi32>,
      tpu.vector_store %arg13[%swap3A_149], %select_n3A {strides = array<i32>} : memref<32xi32, #tpu.memory_space<vmem>>, vector<16xi32>,
      %add3A_151 = arith.constant 16 : i32
      %add3A_152 = arith.addi %get3A_124, %add3A_151 : i32
      %get3A_153 = arith.index_cast %add3A_152 : i32 to index
      %get3A_154 = tpu.vector_load %arg8[%get3A_153] {strides = array<i32>} : memref<32800xi32, #tpu.memory_space<vmem>>, vector<16xi32>,
      %add3A_155 = arith.constant 16 : i32
      %add3A_156 = arith.addi %get3A_124, %add3A_155 : i32
      %iota3A_157 = tpu.iota {dimensions = array<i32: 0>} : vector<16xi32>
      %add3A_158 = vector.broadcast %add3A_156 : i32 to vector<16xi32>
      %add3A_159 = arith.addi %add3A_158, %iota3A_157 : vector<16xi32>
      %lt3A_160 = vector.broadcast %get3A_128 : i32 to vector<16xi32>
      %lt3A_161 = arith.cmpi slt, %add3A_159, %lt3A_160 : vector<16xi32>
      %add3A_162 = arith.constant 16 : i32
      %add3A_163 = arith.addi %get3A_124, %add3A_162 : i32
      %iota3A_164 = tpu.iota {dimensions = array<i32: 0>} : vector<16xi32>
      %add3A_165 = vector.broadcast %add3A_163 : i32 to vector<16xi32>
      %add3A_166 = arith.addi %add3A_165, %iota3A_164 : vector<16xi32>
      %rem3A_167 = arith.constant 20000 : i32
      %rem3A_168 = vector.broadcast %rem3A_167 : i32 to vector<16xi32>
      %rem3A_169 = arith.remsi %add3A_166, %rem3A_168 : vector<16xi32>
      %shift_right_logical3A_170 = arith.constant 16 : i32
      %shift_right_logical3A_171 = vector.broadcast %shift_right_logical3A_170 : i32 to vector<16xi32>
      %shift_right_logical3A_172 = arith.shrui %get3A_154, %shift_right_logical3A_171 : vector<16xi32>
      %select_n3A_173 = arith.select %lt3A_161, %shift_right_logical3A_172, %rem3A_169 : vector<16xi1>, vector<16xi32>
      %swap3A_174 = arith.constant 16 : index
      %swap3A_175 = tpu.vector_load %arg13[%swap3A_174] {strides = array<i32>} : memref<32xi32, #tpu.memory_space<vmem>>, vector<16xi32>,
      tpu.vector_store %arg13[%swap3A_174], %select_n3A_173 {strides = array<i32>} : memref<32xi32, #tpu.memory_space<vmem>>, vector<16xi32>,
      %dma_start3A = arith.constant 0 : i32
      %dma_start3A_176 = arith.constant 0 : i32
      %dma_start3A_177 = tpu.memref_slice %arg2[%dma_start3A, %dma_start3A_176] : memref<20000x128xf32, #tpu.memory_space<hbm>> -> memref<20000x128xf32, #tpu.memory_space<hbm>>
      tpu.enqueue_indirect_dma source(%dma_start3A_177 : memref<20000x128xf32, #tpu.memory_space<hbm>>) target(%arg11 : memref<32x128xf32, #tpu.memory_space<vmem>>) offsets(%arg13 : memref<32xi32, #tpu.memory_space<vmem>>) semaphore(%arg17 : memref<!tpu.dma_semaphore, #tpu.memory_space<semaphore_mem>>)
    } else {
    }
    %lt3A_86 = arith.constant 1 : i32
    %lt3A_87 = arith.constant 128 : i32
    %lt3A_88 = arith.cmpi slt, %lt3A_86, %lt3A_87 : i32
    %convert_element_type3A_89 = arith.extui %lt3A_88 : i1 to i32
    %cond3A_90 = arith.constant 1 : i32
    %cond3A_91 = arith.constant 0 : i32
    %cond3A_92 = arith.cmpi ne, %convert_element_type3A_89, %cond3A_91 : i32
    scf.if %cond3A_92 {
      %get3A = arith.index_cast %cond3A_90 : i32 to index
      %get3A_124 = memref.load %arg21[%get3A] : memref<129xi32, #tpu.memory_space<smem>>
      %add3A_125 = arith.constant 1 : i32
      %add3A_126 = arith.addi %cond3A_90, %add3A_125 : i32
      %get3A_127 = arith.index_cast %add3A_126 : i32 to index
      %get3A_128 = memref.load %arg21[%get3A_127] : memref<129xi32, #tpu.memory_space<smem>>
      %add3A_129 = arith.constant 0 : i32
      %add3A_130 = arith.addi %get3A_124, %add3A_129 : i32
      %get3A_131 = arith.index_cast %add3A_130 : i32 to index
      %get3A_132 = tpu.vector_load %arg8[%get3A_131] {strides = array<i32>} : memref<32800xi32, #tpu.memory_space<vmem>>, vector<16xi32>,
      %add3A_133 = arith.constant 0 : i32
      %add3A_134 = arith.addi %get3A_124, %add3A_133 : i32
      %iota3A = tpu.iota {dimensions = array<i32: 0>} : vector<16xi32>
      %add3A_135 = vector.broadcast %add3A_134 : i32 to vector<16xi32>
      %add3A_136 = arith.addi %add3A_135, %iota3A : vector<16xi32>
      %lt3A_137 = vector.broadcast %get3A_128 : i32 to vector<16xi32>
      %lt3A_138 = arith.cmpi slt, %add3A_136, %lt3A_137 : vector<16xi32>
      %add3A_139 = arith.constant 0 : i32
      %add3A_140 = arith.addi %get3A_124, %add3A_139 : i32
      %iota3A_141 = tpu.iota {dimensions = array<i32: 0>} : vector<16xi32>
      %add3A_142 = vector.broadcast %add3A_140 : i32 to vector<16xi32>
      %add3A_143 = arith.addi %add3A_142, %iota3A_141 : vector<16xi32>
      %rem3A = arith.constant 20000 : i32
      %rem3A_144 = vector.broadcast %rem3A : i32 to vector<16xi32>
      %rem3A_145 = arith.remsi %add3A_143, %rem3A_144 : vector<16xi32>
      %shift_right_logical3A_146 = arith.constant 16 : i32
      %shift_right_logical3A_147 = vector.broadcast %shift_right_logical3A_146 : i32 to vector<16xi32>
      %shift_right_logical3A_148 = arith.shrui %get3A_132, %shift_right_logical3A_147 : vector<16xi32>
      %select_n3A = arith.select %lt3A_138, %shift_right_logical3A_148, %rem3A_145 : vector<16xi1>, vector<16xi32>
      %swap3A_149 = arith.constant 0 : index
      %swap3A_150 = tpu.vector_load %arg14[%swap3A_149] {strides = array<i32>} : memref<32xi32, #tpu.memory_space<vmem>>, vector<16xi32>,
      tpu.vector_store %arg14[%swap3A_149], %select_n3A {strides = array<i32>} : memref<32xi32, #tpu.memory_space<vmem>>, vector<16xi32>,
      %add3A_151 = arith.constant 16 : i32
      %add3A_152 = arith.addi %get3A_124, %add3A_151 : i32
      %get3A_153 = arith.index_cast %add3A_152 : i32 to index
      %get3A_154 = tpu.vector_load %arg8[%get3A_153] {strides = array<i32>} : memref<32800xi32, #tpu.memory_space<vmem>>, vector<16xi32>,
      %add3A_155 = arith.constant 16 : i32
      %add3A_156 = arith.addi %get3A_124, %add3A_155 : i32
      %iota3A_157 = tpu.iota {dimensions = array<i32: 0>} : vector<16xi32>
      %add3A_158 = vector.broadcast %add3A_156 : i32 to vector<16xi32>
      %add3A_159 = arith.addi %add3A_158, %iota3A_157 : vector<16xi32>
      %lt3A_160 = vector.broadcast %get3A_128 : i32 to vector<16xi32>
      %lt3A_161 = arith.cmpi slt, %add3A_159, %lt3A_160 : vector<16xi32>
      %add3A_162 = arith.constant 16 : i32
      %add3A_163 = arith.addi %get3A_124, %add3A_162 : i32
      %iota3A_164 = tpu.iota {dimensions = array<i32: 0>} : vector<16xi32>
      %add3A_165 = vector.broadcast %add3A_163 : i32 to vector<16xi32>
      %add3A_166 = arith.addi %add3A_165, %iota3A_164 : vector<16xi32>
      %rem3A_167 = arith.constant 20000 : i32
      %rem3A_168 = vector.broadcast %rem3A_167 : i32 to vector<16xi32>
      %rem3A_169 = arith.remsi %add3A_166, %rem3A_168 : vector<16xi32>
      %shift_right_logical3A_170 = arith.constant 16 : i32
      %shift_right_logical3A_171 = vector.broadcast %shift_right_logical3A_170 : i32 to vector<16xi32>
      %shift_right_logical3A_172 = arith.shrui %get3A_154, %shift_right_logical3A_171 : vector<16xi32>
      %select_n3A_173 = arith.select %lt3A_161, %shift_right_logical3A_172, %rem3A_169 : vector<16xi1>, vector<16xi32>
      %swap3A_174 = arith.constant 16 : index
      %swap3A_175 = tpu.vector_load %arg14[%swap3A_174] {strides = array<i32>} : memref<32xi32, #tpu.memory_space<vmem>>, vector<16xi32>,
      tpu.vector_store %arg14[%swap3A_174], %select_n3A_173 {strides = array<i32>} : memref<32xi32, #tpu.memory_space<vmem>>, vector<16xi32>,
      %dma_start3A = arith.constant 0 : i32
      %dma_start3A_176 = arith.constant 0 : i32
      %dma_start3A_177 = tpu.memref_slice %arg2[%dma_start3A, %dma_start3A_176] : memref<20000x128xf32, #tpu.memory_space<hbm>> -> memref<20000x128xf32, #tpu.memory_space<hbm>>
      tpu.enqueue_indirect_dma source(%dma_start3A_177 : memref<20000x128xf32, #tpu.memory_space<hbm>>) target(%arg12 : memref<32x128xf32, #tpu.memory_space<vmem>>) offsets(%arg14 : memref<32xi32, #tpu.memory_space<vmem>>) semaphore(%arg18 : memref<!tpu.dma_semaphore, #tpu.memory_space<semaphore_mem>>)
    } else {
    }
    %scan3A_93 = arith.constant 0 : i32
    %scan3A_94 = arith.constant 0 : i32
    %scan3A_95 = arith.constant 64 : i32
    %scan3A_96 = arith.addi %scan3A_94, %scan3A_95 : i32
    %scan3A_97 = arith.constant 1 : i32
    %scan3A_98 = scf.for %scan3A_124 = %scan3A_94 to %scan3A_96 step %scan3A_97 iter_args(%scan3A_125 = %scan3A_93) -> (i32)  : i32 {
      %mul3A_126 = arith.constant 2 : i32
      %mul3A_127 = arith.muli %scan3A_124, %mul3A_126 : i32
      %ge3A = arith.constant 2 : i32
      %ge3A_128 = arith.cmpi sge, %mul3A_127, %ge3A : i32
      %convert_element_type3A_129 = arith.extui %ge3A_128 : i1 to i32
      %cond3A_130 = arith.constant 0 : i32
      %cond3A_131 = arith.cmpi ne, %convert_element_type3A_129, %cond3A_130 : i32
      scf.if %cond3A_131 {
        %shift_right_logical3A_229 = arith.constant 1 : i32
        %shift_right_logical3A_230 = arith.shrui %mul3A_127, %shift_right_logical3A_229 : i32
        %add3A_231 = arith.addi %mul3A_68, %shift_right_logical3A_230 : i32
        %and3A_232 = arith.constant 1 : i32
        %and3A_233 = arith.andi %mul3A_127, %and3A_232 : i32
        %mul3A_234 = arith.constant 256 : i32
        %mul3A_235 = arith.muli %and3A_233, %mul3A_234 : i32
        %dma_wait3A_236 = tpu.memref_slice %arg4[%mul3A_65, %add3A_231, %mul3A_235] : memref<256x512x512xf32, #tpu.memory_space<hbm>> -> memref<64x1x256xf32, #tpu.memory_space<hbm>>
        %dma_wait3A_237 = tpu.memref_squeeze %dma_wait3A_236 : memref<64x1x256xf32, #tpu.memory_space<hbm>> -> memref<64x256xf32, #tpu.memory_space<hbm>>
        %dma_wait3A_238 = tpu.memref_slice %arg4[%mul3A_65, %add3A_231, %mul3A_235] : memref<256x512x512xf32, #tpu.memory_space<hbm>> -> memref<64x1x256xf32, #tpu.memory_space<hbm>>
        %dma_wait3A_239 = tpu.memref_squeeze %dma_wait3A_238 : memref<64x1x256xf32, #tpu.memory_space<hbm>> -> memref<64x256xf32, #tpu.memory_space<hbm>>
        tpu.wait_dma2 semaphore(%arg19 : memref<!tpu.dma_semaphore, #tpu.memory_space<semaphore_mem>>) src(%arg9 : memref<64x256xf32, #tpu.memory_space<vmem>>) dst(%dma_wait3A_239 : memref<64x256xf32, #tpu.memory_space<hbm>>)
        %sub3A_240 = arith.constant 2 : i32
        %sub3A_241 = arith.subi %mul3A_127, %sub3A_240 : i32
        %get3A_242 = arith.index_cast %sub3A_241 : i32 to index
        %get3A_243 = memref.load %arg21[%get3A_242] : memref<129xi32, #tpu.memory_space<smem>>
        %add3A_244 = arith.constant 1 : i32
        %add3A_245 = arith.addi %sub3A_241, %add3A_244 : i32
        %get3A_246 = arith.index_cast %add3A_245 : i32 to index
        %get3A_247 = memref.load %arg21[%get3A_246] : memref<129xi32, #tpu.memory_space<smem>>
        %while3A_248 = arith.constant 0 : i32
        %while3A_249 = arith.subi %get3A_247, %get3A_243 : i32
        %while3A_250 = arith.addi %get3A_243, %while3A_249 : i32
        %while3A_251 = arith.constant 1 : i32
        %while3A_252 = arith.divsi %while3A_249, %while3A_251 : i32
        %while3A_253 = arith.muli %while3A_252, %while3A_251 : i32
        %while3A_254 = arith.addi %get3A_243, %while3A_253 : i32
        %while3A_255 = arith.constant 1 : i32
        %while3A_256 = scf.for %while3A_259 = %get3A_243 to %while3A_254 step %while3A_255 iter_args(%while3A_260 = %while3A_248) -> (i32)  : i32 {
          %get3A_261 = arith.index_cast %while3A_259 : i32 to index
          %get3A_262 = tpu.vector_load %arg8[%get3A_261] {strides = array<i32>} : memref<32800xi32, #tpu.memory_space<vmem>>, vector<16xi32>,
          %slice3A = vector.extract_strided_slice %get3A_262 {offsets = [0], sizes = [1], strides = [1]} : vector<16xi32> to vector<1xi32>
          %squeeze3A = vector.extract %slice3A[0] : i32 from vector<1xi32>
          %and3A_263 = arith.constant 255 : i32
          %and3A_264 = arith.andi %squeeze3A, %and3A_263 : i32
          %broadcast_in_dim3A_265 = vector.broadcast %and3A_264 : i32 to vector<16xi32>
          %iota3A = tpu.iota {dimensions = array<i32: 0>} : vector<16xi32>
          %add3A_266 = arith.constant 0 : i32
          %add3A_267 = vector.broadcast %add3A_266 : i32 to vector<16xi32>
          %add3A_268 = arith.addi %add3A_267, %iota3A : vector<16xi32>
          tpu.vector_store_idx %arg9[%add3A_268, %broadcast_in_dim3A_265], %broadcast_in_dim3A_62 : memref<64x256xf32, #tpu.memory_space<vmem>>[vector<16xi32>, vector<16xi32>], vector<16xf32>,
          %iota3A_269 = tpu.iota {dimensions = array<i32: 0>} : vector<16xi32>
          %add3A_270 = arith.constant 16 : i32
          %add3A_271 = vector.broadcast %add3A_270 : i32 to vector<16xi32>
          %add3A_272 = arith.addi %add3A_271, %iota3A_269 : vector<16xi32>
          tpu.vector_store_idx %arg9[%add3A_272, %broadcast_in_dim3A_265], %broadcast_in_dim3A_62 : memref<64x256xf32, #tpu.memory_space<vmem>>[vector<16xi32>, vector<16xi32>], vector<16xf32>,
          %iota3A_273 = tpu.iota {dimensions = array<i32: 0>} : vector<16xi32>
          %add3A_274 = arith.constant 32 : i32
          %add3A_275 = vector.broadcast %add3A_274 : i32 to vector<16xi32>
          %add3A_276 = arith.addi %add3A_275, %iota3A_273 : vector<16xi32>
          tpu.vector_store_idx %arg9[%add3A_276, %broadcast_in_dim3A_265], %broadcast_in_dim3A_62 : memref<64x256xf32, #tpu.memory_space<vmem>>[vector<16xi32>, vector<16xi32>], vector<16xf32>,
          %iota3A_277 = tpu.iota {dimensions = array<i32: 0>} : vector<16xi32>
          %add3A_278 = arith.constant 48 : i32
          %add3A_279 = vector.broadcast %add3A_278 : i32 to vector<16xi32>
          %add3A_280 = arith.addi %add3A_279, %iota3A_277 : vector<16xi32>
          tpu.vector_store_idx %arg9[%add3A_280, %broadcast_in_dim3A_265], %broadcast_in_dim3A_62 : memref<64x256xf32, #tpu.memory_space<vmem>>[vector<16xi32>, vector<16xi32>], vector<16xf32>,
          %while3A_281 = arith.constant 0 : i32
          scf.yield %while3A_281 : i32
        }
        %while3A_257 = arith.constant 1 : i32
        %while3A_258 = scf.for %while3A_259 = %while3A_254 to %while3A_250 step %while3A_257 iter_args(%while3A_260 = %while3A_256) -> (i32)  : i32 {
          %get3A_261 = arith.index_cast %while3A_259 : i32 to index
          %get3A_262 = tpu.vector_load %arg8[%get3A_261] {strides = array<i32>} : memref<32800xi32, #tpu.memory_space<vmem>>, vector<16xi32>,
          %slice3A = vector.extract_strided_slice %get3A_262 {offsets = [0], sizes = [1], strides = [1]} : vector<16xi32> to vector<1xi32>
          %squeeze3A = vector.extract %slice3A[0] : i32 from vector<1xi32>
          %and3A_263 = arith.constant 255 : i32
          %and3A_264 = arith.andi %squeeze3A, %and3A_263 : i32
          %broadcast_in_dim3A_265 = vector.broadcast %and3A_264 : i32 to vector<16xi32>
          %iota3A = tpu.iota {dimensions = array<i32: 0>} : vector<16xi32>
          %add3A_266 = arith.constant 0 : i32
          %add3A_267 = vector.broadcast %add3A_266 : i32 to vector<16xi32>
          %add3A_268 = arith.addi %add3A_267, %iota3A : vector<16xi32>
          tpu.vector_store_idx %arg9[%add3A_268, %broadcast_in_dim3A_265], %broadcast_in_dim3A_62 : memref<64x256xf32, #tpu.memory_space<vmem>>[vector<16xi32>, vector<16xi32>], vector<16xf32>,
          %iota3A_269 = tpu.iota {dimensions = array<i32: 0>} : vector<16xi32>
          %add3A_270 = arith.constant 16 : i32
          %add3A_271 = vector.broadcast %add3A_270 : i32 to vector<16xi32>
          %add3A_272 = arith.addi %add3A_271, %iota3A_269 : vector<16xi32>
          tpu.vector_store_idx %arg9[%add3A_272, %broadcast_in_dim3A_265], %broadcast_in_dim3A_62 : memref<64x256xf32, #tpu.memory_space<vmem>>[vector<16xi32>, vector<16xi32>], vector<16xf32>,
          %iota3A_273 = tpu.iota {dimensions = array<i32: 0>} : vector<16xi32>
          %add3A_274 = arith.constant 32 : i32
          %add3A_275 = vector.broadcast %add3A_274 : i32 to vector<16xi32>
          %add3A_276 = arith.addi %add3A_275, %iota3A_273 : vector<16xi32>
          tpu.vector_store_idx %arg9[%add3A_276, %broadcast_in_dim3A_265], %broadcast_in_dim3A_62 : memref<64x256xf32, #tpu.memory_space<vmem>>[vector<16xi32>, vector<16xi32>], vector<16xf32>,
          %iota3A_277 = tpu.iota {dimensions = array<i32: 0>} : vector<16xi32>
          %add3A_278 = arith.constant 48 : i32
          %add3A_279 = vector.broadcast %add3A_278 : i32 to vector<16xi32>
          %add3A_280 = arith.addi %add3A_279, %iota3A_277 : vector<16xi32>
          tpu.vector_store_idx %arg9[%add3A_280, %broadcast_in_dim3A_265], %broadcast_in_dim3A_62 : memref<64x256xf32, #tpu.memory_space<vmem>>[vector<16xi32>, vector<16xi32>], vector<16xf32>,
          %while3A_281 = arith.constant 0 : i32
          scf.yield %while3A_281 : i32
        }
      } else {
      }
      %get3A = arith.index_cast %mul3A_127 : i32 to index
      %get3A_132 = memref.load %arg21[%get3A] : memref<129xi32, #tpu.memory_space<smem>>
      %add3A_133 = arith.constant 1 : i32
      %add3A_134 = arith.addi %mul3A_127, %add3A_133 : i32
      %get3A_135 = arith.index_cast %add3A_134 : i32 to index
      %get3A_136 = memref.load %arg21[%get3A_135] : memref<129xi32, #tpu.memory_space<smem>>
      %sub3A = arith.subi %get3A_136, %get3A_132 : i32
      %dma_wait3A_137 = arith.constant 0 : i32
      %dma_wait3A_138 = arith.constant 0 : i32
      %dma_wait3A_139 = tpu.memref_slice %arg2[%dma_wait3A_137, %dma_wait3A_138] : memref<20000x128xf32, #tpu.memory_space<hbm>> -> memref<20000x128xf32, #tpu.memory_space<hbm>>
      tpu.wait_indirect_dma semaphore(%arg17 : memref<!tpu.dma_semaphore, #tpu.memory_space<semaphore_mem>>) src(%dma_wait3A_139 : memref<20000x128xf32, #tpu.memory_space<hbm>>) dst(%arg11 : memref<32x128xf32, #tpu.memory_space<vmem>>)
      %min3A = arith.constant 32 : i32
      %min3A_140 = arith.minsi %sub3A, %min3A : i32
      %while3A_141 = arith.constant 0 : i32
      %while3A_142 = arith.constant 0 : i32
      %while3A_143 = arith.subi %min3A_140, %while3A_141 : i32
      %while3A_144 = arith.addi %while3A_141, %while3A_143 : i32
      %while3A_145 = arith.constant 1 : i32
      %while3A_146 = arith.divsi %while3A_143, %while3A_145 : i32
      %while3A_147 = arith.muli %while3A_146, %while3A_145 : i32
      %while3A_148 = arith.addi %while3A_141, %while3A_147 : i32
      %while3A_149 = arith.constant 1 : i32
      %while3A_150 = scf.for %while3A_229 = %while3A_141 to %while3A_148 step %while3A_149 iter_args(%while3A_230 = %while3A_142) -> (i32)  : i32 {
        %add3A_231 = arith.addi %get3A_132, %while3A_229 : i32
        %get3A_232 = arith.index_cast %add3A_231 : i32 to index
        %get3A_233 = tpu.vector_load %arg8[%get3A_232] {strides = array<i32>} : memref<32800xi32, #tpu.memory_space<vmem>>, vector<16xi32>,
        %slice3A = vector.extract_strided_slice %get3A_233 {offsets = [0], sizes = [1], strides = [1]} : vector<16xi32> to vector<1xi32>
        %squeeze3A = vector.extract %slice3A[0] : i32 from vector<1xi32>
        %and3A_234 = arith.constant 255 : i32
        %and3A_235 = arith.andi %squeeze3A, %and3A_234 : i32
        %shift_right_logical3A_236 = arith.constant 15 : i32
        %shift_right_logical3A_237 = arith.shrui %squeeze3A, %shift_right_logical3A_236 : i32
        %and3A_238 = arith.constant 1 : i32
        %and3A_239 = arith.andi %shift_right_logical3A_237, %and3A_238 : i32
        %mul3A_240 = arith.constant 64 : i32
        %mul3A_241 = arith.muli %and3A_239, %mul3A_240 : i32
        %broadcast_in_dim3A_242 = vector.broadcast %and3A_235 : i32 to vector<16xi32>
        %add3A_243 = arith.constant 0 : i32
        %add3A_244 = arith.addi %mul3A_241, %add3A_243 : i32
        %get3A_245 = arith.constant 0 : i32
        %get3A_246 = arith.constant 0 : i32
        %get3A_247 = tpu.memref_slice %arg11[%get3A_245, %get3A_246] : memref<32x128xf32, #tpu.memory_space<vmem>> -> memref<32x128xf32, #tpu.memory_space<vmem>>
        %get3A_248 = arith.index_cast %while3A_229 : i32 to index
        %get3A_249 = arith.index_cast %add3A_244 : i32 to index
        %get3A_250 = tpu.vector_load %get3A_247[%get3A_248, %get3A_249] {strides = array<i32>} : memref<32x128xf32, #tpu.memory_space<vmem>>, vector<16xf32>,
        %iota3A = tpu.iota {dimensions = array<i32: 0>} : vector<16xi32>
        %add3A_251 = arith.constant 0 : i32
        %add3A_252 = vector.broadcast %add3A_251 : i32 to vector<16xi32>
        %add3A_253 = arith.addi %add3A_252, %iota3A : vector<16xi32>
        tpu.vector_store_idx %arg9[%add3A_253, %broadcast_in_dim3A_242], %get3A_250 : memref<64x256xf32, #tpu.memory_space<vmem>>[vector<16xi32>, vector<16xi32>], vector<16xf32>,
        %add3A_254 = arith.constant 16 : i32
        %add3A_255 = arith.addi %mul3A_241, %add3A_254 : i32
        %get3A_256 = arith.constant 0 : i32
        %get3A_257 = arith.constant 0 : i32
        %get3A_258 = tpu.memref_slice %arg11[%get3A_256, %get3A_257] : memref<32x128xf32, #tpu.memory_space<vmem>> -> memref<32x128xf32, #tpu.memory_space<vmem>>
        %get3A_259 = arith.index_cast %while3A_229 : i32 to index
        %get3A_260 = arith.index_cast %add3A_255 : i32 to index
        %get3A_261 = tpu.vector_load %get3A_258[%get3A_259, %get3A_260] {strides = array<i32>} : memref<32x128xf32, #tpu.memory_space<vmem>>, vector<16xf32>,
        %iota3A_262 = tpu.iota {dimensions = array<i32: 0>} : vector<16xi32>
        %add3A_263 = arith.constant 16 : i32
        %add3A_264 = vector.broadcast %add3A_263 : i32 to vector<16xi32>
        %add3A_265 = arith.addi %add3A_264, %iota3A_262 : vector<16xi32>
        tpu.vector_store_idx %arg9[%add3A_265, %broadcast_in_dim3A_242], %get3A_261 : memref<64x256xf32, #tpu.memory_space<vmem>>[vector<16xi32>, vector<16xi32>], vector<16xf32>,
        %add3A_266 = arith.constant 32 : i32
        %add3A_267 = arith.addi %mul3A_241, %add3A_266 : i32
        %get3A_268 = arith.constant 0 : i32
        %get3A_269 = arith.constant 0 : i32
        %get3A_270 = tpu.memref_slice %arg11[%get3A_268, %get3A_269] : memref<32x128xf32, #tpu.memory_space<vmem>> -> memref<32x128xf32, #tpu.memory_space<vmem>>
        %get3A_271 = arith.index_cast %while3A_229 : i32 to index
        %get3A_272 = arith.index_cast %add3A_267 : i32 to index
        %get3A_273 = tpu.vector_load %get3A_270[%get3A_271, %get3A_272] {strides = array<i32>} : memref<32x128xf32, #tpu.memory_space<vmem>>, vector<16xf32>,
        %iota3A_274 = tpu.iota {dimensions = array<i32: 0>} : vector<16xi32>
        %add3A_275 = arith.constant 32 : i32
        %add3A_276 = vector.broadcast %add3A_275 : i32 to vector<16xi32>
        %add3A_277 = arith.addi %add3A_276, %iota3A_274 : vector<16xi32>
        tpu.vector_store_idx %arg9[%add3A_277, %broadcast_in_dim3A_242], %get3A_273 : memref<64x256xf32, #tpu.memory_space<vmem>>[vector<16xi32>, vector<16xi32>], vector<16xf32>,
        %add3A_278 = arith.constant 48 : i32
        %add3A_279 = arith.addi %mul3A_241, %add3A_278 : i32
        %get3A_280 = arith.constant 0 : i32
        %get3A_281 = arith.constant 0 : i32
        %get3A_282 = tpu.memref_slice %arg11[%get3A_280, %get3A_281] : memref<32x128xf32, #tpu.memory_space<vmem>> -> memref<32x128xf32, #tpu.memory_space<vmem>>
        %get3A_283 = arith.index_cast %while3A_229 : i32 to index
        %get3A_284 = arith.index_cast %add3A_279 : i32 to index
        %get3A_285 = tpu.vector_load %get3A_282[%get3A_283, %get3A_284] {strides = array<i32>} : memref<32x128xf32, #tpu.memory_space<vmem>>, vector<16xf32>,
        %iota3A_286 = tpu.iota {dimensions = array<i32: 0>} : vector<16xi32>
        %add3A_287 = arith.constant 48 : i32
        %add3A_288 = vector.broadcast %add3A_287 : i32 to vector<16xi32>
        %add3A_289 = arith.addi %add3A_288, %iota3A_286 : vector<16xi32>
        tpu.vector_store_idx %arg9[%add3A_289, %broadcast_in_dim3A_242], %get3A_285 : memref<64x256xf32, #tpu.memory_space<vmem>>[vector<16xi32>, vector<16xi32>], vector<16xf32>,
        %while3A_290 = arith.constant 0 : i32
        scf.yield %while3A_290 : i32
      }
      %while3A_151 = arith.constant 1 : i32
      %while3A_152 = scf.for %while3A_229 = %while3A_148 to %while3A_144 step %while3A_151 iter_args(%while3A_230 = %while3A_150) -> (i32)  : i32 {
        %add3A_231 = arith.addi %get3A_132, %while3A_229 : i32
        %get3A_232 = arith.index_cast %add3A_231 : i32 to index
        %get3A_233 = tpu.vector_load %arg8[%get3A_232] {strides = array<i32>} : memref<32800xi32, #tpu.memory_space<vmem>>, vector<16xi32>,
        %slice3A = vector.extract_strided_slice %get3A_233 {offsets = [0], sizes = [1], strides = [1]} : vector<16xi32> to vector<1xi32>
        %squeeze3A = vector.extract %slice3A[0] : i32 from vector<1xi32>
        %and3A_234 = arith.constant 255 : i32
        %and3A_235 = arith.andi %squeeze3A, %and3A_234 : i32
        %shift_right_logical3A_236 = arith.constant 15 : i32
        %shift_right_logical3A_237 = arith.shrui %squeeze3A, %shift_right_logical3A_236 : i32
        %and3A_238 = arith.constant 1 : i32
        %and3A_239 = arith.andi %shift_right_logical3A_237, %and3A_238 : i32
        %mul3A_240 = arith.constant 64 : i32
        %mul3A_241 = arith.muli %and3A_239, %mul3A_240 : i32
        %broadcast_in_dim3A_242 = vector.broadcast %and3A_235 : i32 to vector<16xi32>
        %add3A_243 = arith.constant 0 : i32
        %add3A_244 = arith.addi %mul3A_241, %add3A_243 : i32
        %get3A_245 = arith.constant 0 : i32
        %get3A_246 = arith.constant 0 : i32
        %get3A_247 = tpu.memref_slice %arg11[%get3A_245, %get3A_246] : memref<32x128xf32, #tpu.memory_space<vmem>> -> memref<32x128xf32, #tpu.memory_space<vmem>>
        %get3A_248 = arith.index_cast %while3A_229 : i32 to index
        %get3A_249 = arith.index_cast %add3A_244 : i32 to index
        %get3A_250 = tpu.vector_load %get3A_247[%get3A_248, %get3A_249] {strides = array<i32>} : memref<32x128xf32, #tpu.memory_space<vmem>>, vector<16xf32>,
        %iota3A = tpu.iota {dimensions = array<i32: 0>} : vector<16xi32>
        %add3A_251 = arith.constant 0 : i32
        %add3A_252 = vector.broadcast %add3A_251 : i32 to vector<16xi32>
        %add3A_253 = arith.addi %add3A_252, %iota3A : vector<16xi32>
        tpu.vector_store_idx %arg9[%add3A_253, %broadcast_in_dim3A_242], %get3A_250 : memref<64x256xf32, #tpu.memory_space<vmem>>[vector<16xi32>, vector<16xi32>], vector<16xf32>,
        %add3A_254 = arith.constant 16 : i32
        %add3A_255 = arith.addi %mul3A_241, %add3A_254 : i32
        %get3A_256 = arith.constant 0 : i32
        %get3A_257 = arith.constant 0 : i32
        %get3A_258 = tpu.memref_slice %arg11[%get3A_256, %get3A_257] : memref<32x128xf32, #tpu.memory_space<vmem>> -> memref<32x128xf32, #tpu.memory_space<vmem>>
        %get3A_259 = arith.index_cast %while3A_229 : i32 to index
        %get3A_260 = arith.index_cast %add3A_255 : i32 to index
        %get3A_261 = tpu.vector_load %get3A_258[%get3A_259, %get3A_260] {strides = array<i32>} : memref<32x128xf32, #tpu.memory_space<vmem>>, vector<16xf32>,
        %iota3A_262 = tpu.iota {dimensions = array<i32: 0>} : vector<16xi32>
        %add3A_263 = arith.constant 16 : i32
        %add3A_264 = vector.broadcast %add3A_263 : i32 to vector<16xi32>
        %add3A_265 = arith.addi %add3A_264, %iota3A_262 : vector<16xi32>
        tpu.vector_store_idx %arg9[%add3A_265, %broadcast_in_dim3A_242], %get3A_261 : memref<64x256xf32, #tpu.memory_space<vmem>>[vector<16xi32>, vector<16xi32>], vector<16xf32>,
        %add3A_266 = arith.constant 32 : i32
        %add3A_267 = arith.addi %mul3A_241, %add3A_266 : i32
        %get3A_268 = arith.constant 0 : i32
        %get3A_269 = arith.constant 0 : i32
        %get3A_270 = tpu.memref_slice %arg11[%get3A_268, %get3A_269] : memref<32x128xf32, #tpu.memory_space<vmem>> -> memref<32x128xf32, #tpu.memory_space<vmem>>
        %get3A_271 = arith.index_cast %while3A_229 : i32 to index
        %get3A_272 = arith.index_cast %add3A_267 : i32 to index
        %get3A_273 = tpu.vector_load %get3A_270[%get3A_271, %get3A_272] {strides = array<i32>} : memref<32x128xf32, #tpu.memory_space<vmem>>, vector<16xf32>,
        %iota3A_274 = tpu.iota {dimensions = array<i32: 0>} : vector<16xi32>
        %add3A_275 = arith.constant 32 : i32
        %add3A_276 = vector.broadcast %add3A_275 : i32 to vector<16xi32>
        %add3A_277 = arith.addi %add3A_276, %iota3A_274 : vector<16xi32>
        tpu.vector_store_idx %arg9[%add3A_277, %broadcast_in_dim3A_242], %get3A_273 : memref<64x256xf32, #tpu.memory_space<vmem>>[vector<16xi32>, vector<16xi32>], vector<16xf32>,
        %add3A_278 = arith.constant 48 : i32
        %add3A_279 = arith.addi %mul3A_241, %add3A_278 : i32
        %get3A_280 = arith.constant 0 : i32
        %get3A_281 = arith.constant 0 : i32
        %get3A_282 = tpu.memref_slice %arg11[%get3A_280, %get3A_281] : memref<32x128xf32, #tpu.memory_space<vmem>> -> memref<32x128xf32, #tpu.memory_space<vmem>>
        %get3A_283 = arith.index_cast %while3A_229 : i32 to index
        %get3A_284 = arith.index_cast %add3A_279 : i32 to index
        %get3A_285 = tpu.vector_load %get3A_282[%get3A_283, %get3A_284] {strides = array<i32>} : memref<32x128xf32, #tpu.memory_space<vmem>>, vector<16xf32>,
        %iota3A_286 = tpu.iota {dimensions = array<i32: 0>} : vector<16xi32>
        %add3A_287 = arith.constant 48 : i32
        %add3A_288 = vector.broadcast %add3A_287 : i32 to vector<16xi32>
        %add3A_289 = arith.addi %add3A_288, %iota3A_286 : vector<16xi32>
        tpu.vector_store_idx %arg9[%add3A_289, %broadcast_in_dim3A_242], %get3A_285 : memref<64x256xf32, #tpu.memory_space<vmem>>[vector<16xi32>, vector<16xi32>], vector<16xf32>,
        %while3A_290 = arith.constant 0 : i32
        scf.yield %while3A_290 : i32
      }
      %gt3A = arith.constant 32 : i32
      %gt3A_153 = arith.cmpi sgt, %sub3A, %gt3A : i32
      %convert_element_type3A_154 = arith.extui %gt3A_153 : i1 to i32
      %cond3A_155 = arith.constant 0 : i32
      %cond3A_156 = arith.cmpi ne, %convert_element_type3A_154, %cond3A_155 : i32
      scf.if %cond3A_156 {
        %sub3A_229 = arith.constant 32 : i32
        %sub3A_230 = arith.subi %sub3A, %sub3A_229 : i32
        %add3A_231 = arith.constant 15 : i32
        %add3A_232 = arith.addi %sub3A_230, %add3A_231 : i32
        %shift_right_arithmetic3A_233 = arith.constant 4 : i32
        %shift_right_arithmetic3A_234 = arith.shrsi %add3A_232, %shift_right_arithmetic3A_233 : i32
        %while3A_235 = arith.constant 0 : i32
        %while3A_236 = arith.constant 0 : i32
        %while3A_237 = arith.subi %shift_right_arithmetic3A_234, %while3A_235 : i32
        %while3A_238 = arith.addi %while3A_235, %while3A_237 : i32
        %while3A_239 = arith.constant 1 : i32
        %while3A_240 = arith.divsi %while3A_237, %while3A_239 : i32
        %while3A_241 = arith.muli %while3A_240, %while3A_239 : i32
        %while3A_242 = arith.addi %while3A_235, %while3A_241 : i32
        %while3A_243 = arith.constant 1 : i32
        %while3A_244 = scf.for %while3A_247 = %while3A_235 to %while3A_242 step %while3A_243 iter_args(%while3A_248 = %while3A_236) -> (i32)  : i32 {
          %add3A_249 = arith.constant 32 : i32
          %add3A_250 = arith.addi %get3A_132, %add3A_249 : i32
          %mul3A_251 = arith.constant 16 : i32
          %mul3A_252 = arith.muli %while3A_247, %mul3A_251 : i32
          %add3A_253 = arith.addi %add3A_250, %mul3A_252 : i32
          %get3A_254 = arith.index_cast %add3A_253 : i32 to index
          %get3A_255 = tpu.vector_load %arg8[%get3A_254] {strides = array<i32>} : memref<32800xi32, #tpu.memory_space<vmem>>, vector<16xi32>,
          %iota3A = tpu.iota {dimensions = array<i32: 0>} : vector<16xi32>
          %add3A_256 = vector.broadcast %add3A_253 : i32 to vector<16xi32>
          %add3A_257 = arith.addi %add3A_256, %iota3A : vector<16xi32>
          %lt3A_258 = vector.broadcast %get3A_136 : i32 to vector<16xi32>
          %lt3A_259 = arith.cmpi slt, %add3A_257, %lt3A_258 : vector<16xi32>
          %iota3A_260 = tpu.iota {dimensions = array<i32: 0>} : vector<16xi32>
          %add3A_261 = vector.broadcast %add3A_253 : i32 to vector<16xi32>
          %add3A_262 = arith.addi %add3A_261, %iota3A_260 : vector<16xi32>
          %rem3A = arith.constant 20000 : i32
          %rem3A_263 = vector.broadcast %rem3A : i32 to vector<16xi32>
          %rem3A_264 = arith.remsi %add3A_262, %rem3A_263 : vector<16xi32>
          %shift_right_logical3A_265 = arith.constant 16 : i32
          %shift_right_logical3A_266 = vector.broadcast %shift_right_logical3A_265 : i32 to vector<16xi32>
          %shift_right_logical3A_267 = arith.shrui %get3A_255, %shift_right_logical3A_266 : vector<16xi32>
          %select_n3A = arith.select %lt3A_259, %shift_right_logical3A_267, %rem3A_264 : vector<16xi1>, vector<16xi32>
          %swap3A_268 = arith.constant 0 : index
          %swap3A_269 = tpu.vector_load %arg13[%swap3A_268] {strides = array<i32>} : memref<32xi32, #tpu.memory_space<vmem>>, vector<16xi32>,
          tpu.vector_store %arg13[%swap3A_268], %select_n3A {strides = array<i32>} : memref<32xi32, #tpu.memory_space<vmem>>, vector<16xi32>,
          "tpu.region"() ({
            %run_scoped3A = tpu.sem_alloc : memref<!tpu.dma_semaphore, #tpu.memory_space<semaphore_mem>>
            %dma_start3A_286 = arith.constant 0 : i32
            %dma_start3A_287 = arith.constant 0 : i32
            %dma_start3A_288 = tpu.memref_slice %arg11[%dma_start3A_286, %dma_start3A_287] : memref<32x128xf32, #tpu.memory_space<vmem>> -> memref<16x128xf32, #tpu.memory_space<vmem>>
            %dma_start3A_289 = arith.constant 0 : i32
            %dma_start3A_290 = tpu.memref_slice %arg13[%dma_start3A_289] : memref<32xi32, #tpu.memory_space<vmem>> -> memref<16xi32, #tpu.memory_space<vmem>>
            %dma_start3A_291 = arith.constant 0 : i32
            %dma_start3A_292 = arith.constant 0 : i32
            %dma_start3A_293 = tpu.memref_slice %arg2[%dma_start3A_291, %dma_start3A_292] : memref<20000x128xf32, #tpu.memory_space<hbm>> -> memref<20000x128xf32, #tpu.memory_space<hbm>>
            tpu.enqueue_indirect_dma source(%dma_start3A_293 : memref<20000x128xf32, #tpu.memory_space<hbm>>) target(%dma_start3A_288 : memref<16x128xf32, #tpu.memory_space<vmem>>) offsets(%dma_start3A_290 : memref<16xi32, #tpu.memory_space<vmem>>) semaphore(%run_scoped3A : memref<!tpu.dma_semaphore, #tpu.memory_space<semaphore_mem>>)
            %dma_wait3A_294 = arith.constant 0 : i32
            %dma_wait3A_295 = arith.constant 0 : i32
            %dma_wait3A_296 = tpu.memref_slice %arg11[%dma_wait3A_294, %dma_wait3A_295] : memref<32x128xf32, #tpu.memory_space<vmem>> -> memref<16x128xf32, #tpu.memory_space<vmem>>
            %dma_wait3A_297 = arith.constant 0 : i32
            %dma_wait3A_298 = tpu.memref_slice %arg13[%dma_wait3A_297] : memref<32xi32, #tpu.memory_space<vmem>> -> memref<16xi32, #tpu.memory_space<vmem>>
            %dma_wait3A_299 = arith.constant 0 : i32
            %dma_wait3A_300 = arith.constant 0 : i32
            %dma_wait3A_301 = tpu.memref_slice %arg2[%dma_wait3A_299, %dma_wait3A_300] : memref<20000x128xf32, #tpu.memory_space<hbm>> -> memref<20000x128xf32, #tpu.memory_space<hbm>>
            tpu.wait_indirect_dma semaphore(%run_scoped3A : memref<!tpu.dma_semaphore, #tpu.memory_space<semaphore_mem>>) src(%dma_wait3A_301 : memref<20000x128xf32, #tpu.memory_space<hbm>>) dst(%dma_wait3A_296 : memref<16x128xf32, #tpu.memory_space<vmem>>)
            tpu.yield
          }) : () -> ()
          %sub3A_270 = arith.subi %get3A_136, %add3A_253 : i32
          %min3A_271 = arith.constant 16 : i32
          %min3A_272 = arith.minsi %min3A_271, %sub3A_270 : i32
          %while3A_273 = arith.constant 0 : i32
          %while3A_274 = arith.constant 0 : i32
          %while3A_275 = arith.subi %min3A_272, %while3A_273 : i32
          %while3A_276 = arith.addi %while3A_273, %while3A_275 : i32
          %while3A_277 = arith.constant 1 : i32
          %while3A_278 = arith.divsi %while3A_275, %while3A_277 : i32
          %while3A_279 = arith.muli %while3A_278, %while3A_277 : i32
          %while3A_280 = arith.addi %while3A_273, %while3A_279 : i32
          %while3A_281 = arith.constant 1 : i32
          %while3A_282 = scf.for %while3A_286 = %while3A_273 to %while3A_280 step %while3A_281 iter_args(%while3A_287 = %while3A_274) -> (i32)  : i32 {
            %add3A_288 = arith.addi %add3A_253, %while3A_286 : i32
            %get3A_289 = arith.index_cast %add3A_288 : i32 to index
            %get3A_290 = tpu.vector_load %arg8[%get3A_289] {strides = array<i32>} : memref<32800xi32, #tpu.memory_space<vmem>>, vector<16xi32>,
            %slice3A = vector.extract_strided_slice %get3A_290 {offsets = [0], sizes = [1], strides = [1]} : vector<16xi32> to vector<1xi32>
            %squeeze3A = vector.extract %slice3A[0] : i32 from vector<1xi32>
            %and3A_291 = arith.constant 255 : i32
            %and3A_292 = arith.andi %squeeze3A, %and3A_291 : i32
            %shift_right_logical3A_293 = arith.constant 15 : i32
            %shift_right_logical3A_294 = arith.shrui %squeeze3A, %shift_right_logical3A_293 : i32
            %and3A_295 = arith.constant 1 : i32
            %and3A_296 = arith.andi %shift_right_logical3A_294, %and3A_295 : i32
            %mul3A_297 = arith.constant 64 : i32
            %mul3A_298 = arith.muli %and3A_296, %mul3A_297 : i32
            %broadcast_in_dim3A_299 = vector.broadcast %and3A_292 : i32 to vector<16xi32>
            %add3A_300 = arith.constant 0 : i32
            %add3A_301 = arith.addi %mul3A_298, %add3A_300 : i32
            %get3A_302 = arith.constant 0 : i32
            %get3A_303 = arith.constant 0 : i32
            %get3A_304 = tpu.memref_slice %arg11[%get3A_302, %get3A_303] : memref<32x128xf32, #tpu.memory_space<vmem>> -> memref<16x128xf32, #tpu.memory_space<vmem>>
            %get3A_305 = arith.index_cast %while3A_286 : i32 to index
            %get3A_306 = arith.index_cast %add3A_301 : i32 to index
            %get3A_307 = tpu.vector_load %get3A_304[%get3A_305, %get3A_306] {strides = array<i32>} : memref<16x128xf32, #tpu.memory_space<vmem>>, vector<16xf32>,
            %iota3A_308 = tpu.iota {dimensions = array<i32: 0>} : vector<16xi32>
            %add3A_309 = arith.constant 0 : i32
            %add3A_310 = vector.broadcast %add3A_309 : i32 to vector<16xi32>
            %add3A_311 = arith.addi %add3A_310, %iota3A_308 : vector<16xi32>
            tpu.vector_store_idx %arg9[%add3A_311, %broadcast_in_dim3A_299], %get3A_307 : memref<64x256xf32, #tpu.memory_space<vmem>>[vector<16xi32>, vector<16xi32>], vector<16xf32>,
            %add3A_312 = arith.constant 16 : i32
            %add3A_313 = arith.addi %mul3A_298, %add3A_312 : i32
            %get3A_314 = arith.constant 0 : i32
            %get3A_315 = arith.constant 0 : i32
            %get3A_316 = tpu.memref_slice %arg11[%get3A_314, %get3A_315] : memref<32x128xf32, #tpu.memory_space<vmem>> -> memref<16x128xf32, #tpu.memory_space<vmem>>
            %get3A_317 = arith.index_cast %while3A_286 : i32 to index
            %get3A_318 = arith.index_cast %add3A_313 : i32 to index
            %get3A_319 = tpu.vector_load %get3A_316[%get3A_317, %get3A_318] {strides = array<i32>} : memref<16x128xf32, #tpu.memory_space<vmem>>, vector<16xf32>,
            %iota3A_320 = tpu.iota {dimensions = array<i32: 0>} : vector<16xi32>
            %add3A_321 = arith.constant 16 : i32
            %add3A_322 = vector.broadcast %add3A_321 : i32 to vector<16xi32>
            %add3A_323 = arith.addi %add3A_322, %iota3A_320 : vector<16xi32>
            tpu.vector_store_idx %arg9[%add3A_323, %broadcast_in_dim3A_299], %get3A_319 : memref<64x256xf32, #tpu.memory_space<vmem>>[vector<16xi32>, vector<16xi32>], vector<16xf32>,
            %add3A_324 = arith.constant 32 : i32
            %add3A_325 = arith.addi %mul3A_298, %add3A_324 : i32
            %get3A_326 = arith.constant 0 : i32
            %get3A_327 = arith.constant 0 : i32
            %get3A_328 = tpu.memref_slice %arg11[%get3A_326, %get3A_327] : memref<32x128xf32, #tpu.memory_space<vmem>> -> memref<16x128xf32, #tpu.memory_space<vmem>>
            %get3A_329 = arith.index_cast %while3A_286 : i32 to index
            %get3A_330 = arith.index_cast %add3A_325 : i32 to index
            %get3A_331 = tpu.vector_load %get3A_328[%get3A_329, %get3A_330] {strides = array<i32>} : memref<16x128xf32, #tpu.memory_space<vmem>>, vector<16xf32>,
            %iota3A_332 = tpu.iota {dimensions = array<i32: 0>} : vector<16xi32>
            %add3A_333 = arith.constant 32 : i32
            %add3A_334 = vector.broadcast %add3A_333 : i32 to vector<16xi32>
            %add3A_335 = arith.addi %add3A_334, %iota3A_332 : vector<16xi32>
            tpu.vector_store_idx %arg9[%add3A_335, %broadcast_in_dim3A_299], %get3A_331 : memref<64x256xf32, #tpu.memory_space<vmem>>[vector<16xi32>, vector<16xi32>], vector<16xf32>,
            %add3A_336 = arith.constant 48 : i32
            %add3A_337 = arith.addi %mul3A_298, %add3A_336 : i32
            %get3A_338 = arith.constant 0 : i32
            %get3A_339 = arith.constant 0 : i32
            %get3A_340 = tpu.memref_slice %arg11[%get3A_338, %get3A_339] : memref<32x128xf32, #tpu.memory_space<vmem>> -> memref<16x128xf32, #tpu.memory_space<vmem>>
            %get3A_341 = arith.index_cast %while3A_286 : i32 to index
            %get3A_342 = arith.index_cast %add3A_337 : i32 to index
            %get3A_343 = tpu.vector_load %get3A_340[%get3A_341, %get3A_342] {strides = array<i32>} : memref<16x128xf32, #tpu.memory_space<vmem>>, vector<16xf32>,
            %iota3A_344 = tpu.iota {dimensions = array<i32: 0>} : vector<16xi32>
            %add3A_345 = arith.constant 48 : i32
            %add3A_346 = vector.broadcast %add3A_345 : i32 to vector<16xi32>
            %add3A_347 = arith.addi %add3A_346, %iota3A_344 : vector<16xi32>
            tpu.vector_store_idx %arg9[%add3A_347, %broadcast_in_dim3A_299], %get3A_343 : memref<64x256xf32, #tpu.memory_space<vmem>>[vector<16xi32>, vector<16xi32>], vector<16xf32>,
            %while3A_348 = arith.constant 0 : i32
            scf.yield %while3A_348 : i32
          }
          %while3A_283 = arith.constant 1 : i32
          %while3A_284 = scf.for %while3A_286 = %while3A_280 to %while3A_276 step %while3A_283 iter_args(%while3A_287 = %while3A_282) -> (i32)  : i32 {
            %add3A_288 = arith.addi %add3A_253, %while3A_286 : i32
            %get3A_289 = arith.index_cast %add3A_288 : i32 to index
            %get3A_290 = tpu.vector_load %arg8[%get3A_289] {strides = array<i32>} : memref<32800xi32, #tpu.memory_space<vmem>>, vector<16xi32>,
            %slice3A = vector.extract_strided_slice %get3A_290 {offsets = [0], sizes = [1], strides = [1]} : vector<16xi32> to vector<1xi32>
            %squeeze3A = vector.extract %slice3A[0] : i32 from vector<1xi32>
            %and3A_291 = arith.constant 255 : i32
            %and3A_292 = arith.andi %squeeze3A, %and3A_291 : i32
            %shift_right_logical3A_293 = arith.constant 15 : i32
            %shift_right_logical3A_294 = arith.shrui %squeeze3A, %shift_right_logical3A_293 : i32
            %and3A_295 = arith.constant 1 : i32
            %and3A_296 = arith.andi %shift_right_logical3A_294, %and3A_295 : i32
            %mul3A_297 = arith.constant 64 : i32
            %mul3A_298 = arith.muli %and3A_296, %mul3A_297 : i32
            %broadcast_in_dim3A_299 = vector.broadcast %and3A_292 : i32 to vector<16xi32>
            %add3A_300 = arith.constant 0 : i32
            %add3A_301 = arith.addi %mul3A_298, %add3A_300 : i32
            %get3A_302 = arith.constant 0 : i32
            %get3A_303 = arith.constant 0 : i32
            %get3A_304 = tpu.memref_slice %arg11[%get3A_302, %get3A_303] : memref<32x128xf32, #tpu.memory_space<vmem>> -> memref<16x128xf32, #tpu.memory_space<vmem>>
            %get3A_305 = arith.index_cast %while3A_286 : i32 to index
            %get3A_306 = arith.index_cast %add3A_301 : i32 to index
            %get3A_307 = tpu.vector_load %get3A_304[%get3A_305, %get3A_306] {strides = array<i32>} : memref<16x128xf32, #tpu.memory_space<vmem>>, vector<16xf32>,
            %iota3A_308 = tpu.iota {dimensions = array<i32: 0>} : vector<16xi32>
            %add3A_309 = arith.constant 0 : i32
            %add3A_310 = vector.broadcast %add3A_309 : i32 to vector<16xi32>
            %add3A_311 = arith.addi %add3A_310, %iota3A_308 : vector<16xi32>
            tpu.vector_store_idx %arg9[%add3A_311, %broadcast_in_dim3A_299], %get3A_307 : memref<64x256xf32, #tpu.memory_space<vmem>>[vector<16xi32>, vector<16xi32>], vector<16xf32>,
            %add3A_312 = arith.constant 16 : i32
            %add3A_313 = arith.addi %mul3A_298, %add3A_312 : i32
            %get3A_314 = arith.constant 0 : i32
            %get3A_315 = arith.constant 0 : i32
            %get3A_316 = tpu.memref_slice %arg11[%get3A_314, %get3A_315] : memref<32x128xf32, #tpu.memory_space<vmem>> -> memref<16x128xf32, #tpu.memory_space<vmem>>
            %get3A_317 = arith.index_cast %while3A_286 : i32 to index
            %get3A_318 = arith.index_cast %add3A_313 : i32 to index
            %get3A_319 = tpu.vector_load %get3A_316[%get3A_317, %get3A_318] {strides = array<i32>} : memref<16x128xf32, #tpu.memory_space<vmem>>, vector<16xf32>,
            %iota3A_320 = tpu.iota {dimensions = array<i32: 0>} : vector<16xi32>
            %add3A_321 = arith.constant 16 : i32
            %add3A_322 = vector.broadcast %add3A_321 : i32 to vector<16xi32>
            %add3A_323 = arith.addi %add3A_322, %iota3A_320 : vector<16xi32>
            tpu.vector_store_idx %arg9[%add3A_323, %broadcast_in_dim3A_299], %get3A_319 : memref<64x256xf32, #tpu.memory_space<vmem>>[vector<16xi32>, vector<16xi32>], vector<16xf32>,
            %add3A_324 = arith.constant 32 : i32
            %add3A_325 = arith.addi %mul3A_298, %add3A_324 : i32
            %get3A_326 = arith.constant 0 : i32
            %get3A_327 = arith.constant 0 : i32
            %get3A_328 = tpu.memref_slice %arg11[%get3A_326, %get3A_327] : memref<32x128xf32, #tpu.memory_space<vmem>> -> memref<16x128xf32, #tpu.memory_space<vmem>>
            %get3A_329 = arith.index_cast %while3A_286 : i32 to index
            %get3A_330 = arith.index_cast %add3A_325 : i32 to index
            %get3A_331 = tpu.vector_load %get3A_328[%get3A_329, %get3A_330] {strides = array<i32>} : memref<16x128xf32, #tpu.memory_space<vmem>>, vector<16xf32>,
            %iota3A_332 = tpu.iota {dimensions = array<i32: 0>} : vector<16xi32>
            %add3A_333 = arith.constant 32 : i32
            %add3A_334 = vector.broadcast %add3A_333 : i32 to vector<16xi32>
            %add3A_335 = arith.addi %add3A_334, %iota3A_332 : vector<16xi32>
            tpu.vector_store_idx %arg9[%add3A_335, %broadcast_in_dim3A_299], %get3A_331 : memref<64x256xf32, #tpu.memory_space<vmem>>[vector<16xi32>, vector<16xi32>], vector<16xf32>,
            %add3A_336 = arith.constant 48 : i32
            %add3A_337 = arith.addi %mul3A_298, %add3A_336 : i32
            %get3A_338 = arith.constant 0 : i32
            %get3A_339 = arith.constant 0 : i32
            %get3A_340 = tpu.memref_slice %arg11[%get3A_338, %get3A_339] : memref<32x128xf32, #tpu.memory_space<vmem>> -> memref<16x128xf32, #tpu.memory_space<vmem>>
            %get3A_341 = arith.index_cast %while3A_286 : i32 to index
            %get3A_342 = arith.index_cast %add3A_337 : i32 to index
            %get3A_343 = tpu.vector_load %get3A_340[%get3A_341, %get3A_342] {strides = array<i32>} : memref<16x128xf32, #tpu.memory_space<vmem>>, vector<16xf32>,
            %iota3A_344 = tpu.iota {dimensions = array<i32: 0>} : vector<16xi32>
            %add3A_345 = arith.constant 48 : i32
            %add3A_346 = vector.broadcast %add3A_345 : i32 to vector<16xi32>
            %add3A_347 = arith.addi %add3A_346, %iota3A_344 : vector<16xi32>
            tpu.vector_store_idx %arg9[%add3A_347, %broadcast_in_dim3A_299], %get3A_343 : memref<64x256xf32, #tpu.memory_space<vmem>>[vector<16xi32>, vector<16xi32>], vector<16xf32>,
            %while3A_348 = arith.constant 0 : i32
            scf.yield %while3A_348 : i32
          }
          %while3A_285 = arith.constant 0 : i32
          scf.yield %while3A_285 : i32
        }
        %while3A_245 = arith.constant 1 : i32
        %while3A_246 = scf.for %while3A_247 = %while3A_242 to %while3A_238 step %while3A_245 iter_args(%while3A_248 = %while3A_244) -> (i32)  : i32 {
          %add3A_249 = arith.constant 32 : i32
          %add3A_250 = arith.addi %get3A_132, %add3A_249 : i32
          %mul3A_251 = arith.constant 16 : i32
          %mul3A_252 = arith.muli %while3A_247, %mul3A_251 : i32
          %add3A_253 = arith.addi %add3A_250, %mul3A_252 : i32
          %get3A_254 = arith.index_cast %add3A_253 : i32 to index
          %get3A_255 = tpu.vector_load %arg8[%get3A_254] {strides = array<i32>} : memref<32800xi32, #tpu.memory_space<vmem>>, vector<16xi32>,
          %iota3A = tpu.iota {dimensions = array<i32: 0>} : vector<16xi32>
          %add3A_256 = vector.broadcast %add3A_253 : i32 to vector<16xi32>
          %add3A_257 = arith.addi %add3A_256, %iota3A : vector<16xi32>
          %lt3A_258 = vector.broadcast %get3A_136 : i32 to vector<16xi32>
          %lt3A_259 = arith.cmpi slt, %add3A_257, %lt3A_258 : vector<16xi32>
          %iota3A_260 = tpu.iota {dimensions = array<i32: 0>} : vector<16xi32>
          %add3A_261 = vector.broadcast %add3A_253 : i32 to vector<16xi32>
          %add3A_262 = arith.addi %add3A_261, %iota3A_260 : vector<16xi32>
          %rem3A = arith.constant 20000 : i32
          %rem3A_263 = vector.broadcast %rem3A : i32 to vector<16xi32>
          %rem3A_264 = arith.remsi %add3A_262, %rem3A_263 : vector<16xi32>
          %shift_right_logical3A_265 = arith.constant 16 : i32
          %shift_right_logical3A_266 = vector.broadcast %shift_right_logical3A_265 : i32 to vector<16xi32>
          %shift_right_logical3A_267 = arith.shrui %get3A_255, %shift_right_logical3A_266 : vector<16xi32>
          %select_n3A = arith.select %lt3A_259, %shift_right_logical3A_267, %rem3A_264 : vector<16xi1>, vector<16xi32>
          %swap3A_268 = arith.constant 0 : index
          %swap3A_269 = tpu.vector_load %arg13[%swap3A_268] {strides = array<i32>} : memref<32xi32, #tpu.memory_space<vmem>>, vector<16xi32>,
          tpu.vector_store %arg13[%swap3A_268], %select_n3A {strides = array<i32>} : memref<32xi32, #tpu.memory_space<vmem>>, vector<16xi32>,
          "tpu.region"() ({
            %run_scoped3A = tpu.sem_alloc : memref<!tpu.dma_semaphore, #tpu.memory_space<semaphore_mem>>
            %dma_start3A_286 = arith.constant 0 : i32
            %dma_start3A_287 = arith.constant 0 : i32
            %dma_start3A_288 = tpu.memref_slice %arg11[%dma_start3A_286, %dma_start3A_287] : memref<32x128xf32, #tpu.memory_space<vmem>> -> memref<16x128xf32, #tpu.memory_space<vmem>>
            %dma_start3A_289 = arith.constant 0 : i32
            %dma_start3A_290 = tpu.memref_slice %arg13[%dma_start3A_289] : memref<32xi32, #tpu.memory_space<vmem>> -> memref<16xi32, #tpu.memory_space<vmem>>
            %dma_start3A_291 = arith.constant 0 : i32
            %dma_start3A_292 = arith.constant 0 : i32
            %dma_start3A_293 = tpu.memref_slice %arg2[%dma_start3A_291, %dma_start3A_292] : memref<20000x128xf32, #tpu.memory_space<hbm>> -> memref<20000x128xf32, #tpu.memory_space<hbm>>
            tpu.enqueue_indirect_dma source(%dma_start3A_293 : memref<20000x128xf32, #tpu.memory_space<hbm>>) target(%dma_start3A_288 : memref<16x128xf32, #tpu.memory_space<vmem>>) offsets(%dma_start3A_290 : memref<16xi32, #tpu.memory_space<vmem>>) semaphore(%run_scoped3A : memref<!tpu.dma_semaphore, #tpu.memory_space<semaphore_mem>>)
            %dma_wait3A_294 = arith.constant 0 : i32
            %dma_wait3A_295 = arith.constant 0 : i32
            %dma_wait3A_296 = tpu.memref_slice %arg11[%dma_wait3A_294, %dma_wait3A_295] : memref<32x128xf32, #tpu.memory_space<vmem>> -> memref<16x128xf32, #tpu.memory_space<vmem>>
            %dma_wait3A_297 = arith.constant 0 : i32
            %dma_wait3A_298 = tpu.memref_slice %arg13[%dma_wait3A_297] : memref<32xi32, #tpu.memory_space<vmem>> -> memref<16xi32, #tpu.memory_space<vmem>>
            %dma_wait3A_299 = arith.constant 0 : i32
            %dma_wait3A_300 = arith.constant 0 : i32
            %dma_wait3A_301 = tpu.memref_slice %arg2[%dma_wait3A_299, %dma_wait3A_300] : memref<20000x128xf32, #tpu.memory_space<hbm>> -> memref<20000x128xf32, #tpu.memory_space<hbm>>
            tpu.wait_indirect_dma semaphore(%run_scoped3A : memref<!tpu.dma_semaphore, #tpu.memory_space<semaphore_mem>>) src(%dma_wait3A_301 : memref<20000x128xf32, #tpu.memory_space<hbm>>) dst(%dma_wait3A_296 : memref<16x128xf32, #tpu.memory_space<vmem>>)
            tpu.yield
          }) : () -> ()
          %sub3A_270 = arith.subi %get3A_136, %add3A_253 : i32
          %min3A_271 = arith.constant 16 : i32
          %min3A_272 = arith.minsi %min3A_271, %sub3A_270 : i32
          %while3A_273 = arith.constant 0 : i32
          %while3A_274 = arith.constant 0 : i32
          %while3A_275 = arith.subi %min3A_272, %while3A_273 : i32
          %while3A_276 = arith.addi %while3A_273, %while3A_275 : i32
          %while3A_277 = arith.constant 1 : i32
          %while3A_278 = arith.divsi %while3A_275, %while3A_277 : i32
          %while3A_279 = arith.muli %while3A_278, %while3A_277 : i32
          %while3A_280 = arith.addi %while3A_273, %while3A_279 : i32
          %while3A_281 = arith.constant 1 : i32
          %while3A_282 = scf.for %while3A_286 = %while3A_273 to %while3A_280 step %while3A_281 iter_args(%while3A_287 = %while3A_274) -> (i32)  : i32 {
            %add3A_288 = arith.addi %add3A_253, %while3A_286 : i32
            %get3A_289 = arith.index_cast %add3A_288 : i32 to index
            %get3A_290 = tpu.vector_load %arg8[%get3A_289] {strides = array<i32>} : memref<32800xi32, #tpu.memory_space<vmem>>, vector<16xi32>,
            %slice3A = vector.extract_strided_slice %get3A_290 {offsets = [0], sizes = [1], strides = [1]} : vector<16xi32> to vector<1xi32>
            %squeeze3A = vector.extract %slice3A[0] : i32 from vector<1xi32>
            %and3A_291 = arith.constant 255 : i32
            %and3A_292 = arith.andi %squeeze3A, %and3A_291 : i32
            %shift_right_logical3A_293 = arith.constant 15 : i32
            %shift_right_logical3A_294 = arith.shrui %squeeze3A, %shift_right_logical3A_293 : i32
            %and3A_295 = arith.constant 1 : i32
            %and3A_296 = arith.andi %shift_right_logical3A_294, %and3A_295 : i32
            %mul3A_297 = arith.constant 64 : i32
            %mul3A_298 = arith.muli %and3A_296, %mul3A_297 : i32
            %broadcast_in_dim3A_299 = vector.broadcast %and3A_292 : i32 to vector<16xi32>
            %add3A_300 = arith.constant 0 : i32
            %add3A_301 = arith.addi %mul3A_298, %add3A_300 : i32
            %get3A_302 = arith.constant 0 : i32
            %get3A_303 = arith.constant 0 : i32
            %get3A_304 = tpu.memref_slice %arg11[%get3A_302, %get3A_303] : memref<32x128xf32, #tpu.memory_space<vmem>> -> memref<16x128xf32, #tpu.memory_space<vmem>>
            %get3A_305 = arith.index_cast %while3A_286 : i32 to index
            %get3A_306 = arith.index_cast %add3A_301 : i32 to index
            %get3A_307 = tpu.vector_load %get3A_304[%get3A_305, %get3A_306] {strides = array<i32>} : memref<16x128xf32, #tpu.memory_space<vmem>>, vector<16xf32>,
            %iota3A_308 = tpu.iota {dimensions = array<i32: 0>} : vector<16xi32>
            %add3A_309 = arith.constant 0 : i32
            %add3A_310 = vector.broadcast %add3A_309 : i32 to vector<16xi32>
            %add3A_311 = arith.addi %add3A_310, %iota3A_308 : vector<16xi32>
            tpu.vector_store_idx %arg9[%add3A_311, %broadcast_in_dim3A_299], %get3A_307 : memref<64x256xf32, #tpu.memory_space<vmem>>[vector<16xi32>, vector<16xi32>], vector<16xf32>,
            %add3A_312 = arith.constant 16 : i32
            %add3A_313 = arith.addi %mul3A_298, %add3A_312 : i32
            %get3A_314 = arith.constant 0 : i32
            %get3A_315 = arith.constant 0 : i32
            %get3A_316 = tpu.memref_slice %arg11[%get3A_314, %get3A_315] : memref<32x128xf32, #tpu.memory_space<vmem>> -> memref<16x128xf32, #tpu.memory_space<vmem>>
            %get3A_317 = arith.index_cast %while3A_286 : i32 to index
            %get3A_318 = arith.index_cast %add3A_313 : i32 to index
            %get3A_319 = tpu.vector_load %get3A_316[%get3A_317, %get3A_318] {strides = array<i32>} : memref<16x128xf32, #tpu.memory_space<vmem>>, vector<16xf32>,
            %iota3A_320 = tpu.iota {dimensions = array<i32: 0>} : vector<16xi32>
            %add3A_321 = arith.constant 16 : i32
            %add3A_322 = vector.broadcast %add3A_321 : i32 to vector<16xi32>
            %add3A_323 = arith.addi %add3A_322, %iota3A_320 : vector<16xi32>
            tpu.vector_store_idx %arg9[%add3A_323, %broadcast_in_dim3A_299], %get3A_319 : memref<64x256xf32, #tpu.memory_space<vmem>>[vector<16xi32>, vector<16xi32>], vector<16xf32>,
            %add3A_324 = arith.constant 32 : i32
            %add3A_325 = arith.addi %mul3A_298, %add3A_324 : i32
            %get3A_326 = arith.constant 0 : i32
            %get3A_327 = arith.constant 0 : i32
            %get3A_328 = tpu.memref_slice %arg11[%get3A_326, %get3A_327] : memref<32x128xf32, #tpu.memory_space<vmem>> -> memref<16x128xf32, #tpu.memory_space<vmem>>
            %get3A_329 = arith.index_cast %while3A_286 : i32 to index
            %get3A_330 = arith.index_cast %add3A_325 : i32 to index
            %get3A_331 = tpu.vector_load %get3A_328[%get3A_329, %get3A_330] {strides = array<i32>} : memref<16x128xf32, #tpu.memory_space<vmem>>, vector<16xf32>,
            %iota3A_332 = tpu.iota {dimensions = array<i32: 0>} : vector<16xi32>
            %add3A_333 = arith.constant 32 : i32
            %add3A_334 = vector.broadcast %add3A_333 : i32 to vector<16xi32>
            %add3A_335 = arith.addi %add3A_334, %iota3A_332 : vector<16xi32>
            tpu.vector_store_idx %arg9[%add3A_335, %broadcast_in_dim3A_299], %get3A_331 : memref<64x256xf32, #tpu.memory_space<vmem>>[vector<16xi32>, vector<16xi32>], vector<16xf32>,
            %add3A_336 = arith.constant 48 : i32
            %add3A_337 = arith.addi %mul3A_298, %add3A_336 : i32
            %get3A_338 = arith.constant 0 : i32
            %get3A_339 = arith.constant 0 : i32
            %get3A_340 = tpu.memref_slice %arg11[%get3A_338, %get3A_339] : memref<32x128xf32, #tpu.memory_space<vmem>> -> memref<16x128xf32, #tpu.memory_space<vmem>>
            %get3A_341 = arith.index_cast %while3A_286 : i32 to index
            %get3A_342 = arith.index_cast %add3A_337 : i32 to index
            %get3A_343 = tpu.vector_load %get3A_340[%get3A_341, %get3A_342] {strides = array<i32>} : memref<16x128xf32, #tpu.memory_space<vmem>>, vector<16xf32>,
            %iota3A_344 = tpu.iota {dimensions = array<i32: 0>} : vector<16xi32>
            %add3A_345 = arith.constant 48 : i32
            %add3A_346 = vector.broadcast %add3A_345 : i32 to vector<16xi32>
            %add3A_347 = arith.addi %add3A_346, %iota3A_344 : vector<16xi32>
            tpu.vector_store_idx %arg9[%add3A_347, %broadcast_in_dim3A_299], %get3A_343 : memref<64x256xf32, #tpu.memory_space<vmem>>[vector<16xi32>, vector<16xi32>], vector<16xf32>,
            %while3A_348 = arith.constant 0 : i32
            scf.yield %while3A_348 : i32
          }
          %while3A_283 = arith.constant 1 : i32
          %while3A_284 = scf.for %while3A_286 = %while3A_280 to %while3A_276 step %while3A_283 iter_args(%while3A_287 = %while3A_282) -> (i32)  : i32 {
            %add3A_288 = arith.addi %add3A_253, %while3A_286 : i32
            %get3A_289 = arith.index_cast %add3A_288 : i32 to index
            %get3A_290 = tpu.vector_load %arg8[%get3A_289] {strides = array<i32>} : memref<32800xi32, #tpu.memory_space<vmem>>, vector<16xi32>,
            %slice3A = vector.extract_strided_slice %get3A_290 {offsets = [0], sizes = [1], strides = [1]} : vector<16xi32> to vector<1xi32>
            %squeeze3A = vector.extract %slice3A[0] : i32 from vector<1xi32>
            %and3A_291 = arith.constant 255 : i32
            %and3A_292 = arith.andi %squeeze3A, %and3A_291 : i32
            %shift_right_logical3A_293 = arith.constant 15 : i32
            %shift_right_logical3A_294 = arith.shrui %squeeze3A, %shift_right_logical3A_293 : i32
            %and3A_295 = arith.constant 1 : i32
            %and3A_296 = arith.andi %shift_right_logical3A_294, %and3A_295 : i32
            %mul3A_297 = arith.constant 64 : i32
            %mul3A_298 = arith.muli %and3A_296, %mul3A_297 : i32
            %broadcast_in_dim3A_299 = vector.broadcast %and3A_292 : i32 to vector<16xi32>
            %add3A_300 = arith.constant 0 : i32
            %add3A_301 = arith.addi %mul3A_298, %add3A_300 : i32
            %get3A_302 = arith.constant 0 : i32
            %get3A_303 = arith.constant 0 : i32
            %get3A_304 = tpu.memref_slice %arg11[%get3A_302, %get3A_303] : memref<32x128xf32, #tpu.memory_space<vmem>> -> memref<16x128xf32, #tpu.memory_space<vmem>>
            %get3A_305 = arith.index_cast %while3A_286 : i32 to index
            %get3A_306 = arith.index_cast %add3A_301 : i32 to index
            %get3A_307 = tpu.vector_load %get3A_304[%get3A_305, %get3A_306] {strides = array<i32>} : memref<16x128xf32, #tpu.memory_space<vmem>>, vector<16xf32>,
            %iota3A_308 = tpu.iota {dimensions = array<i32: 0>} : vector<16xi32>
            %add3A_309 = arith.constant 0 : i32
            %add3A_310 = vector.broadcast %add3A_309 : i32 to vector<16xi32>
            %add3A_311 = arith.addi %add3A_310, %iota3A_308 : vector<16xi32>
            tpu.vector_store_idx %arg9[%add3A_311, %broadcast_in_dim3A_299], %get3A_307 : memref<64x256xf32, #tpu.memory_space<vmem>>[vector<16xi32>, vector<16xi32>], vector<16xf32>,
            %add3A_312 = arith.constant 16 : i32
            %add3A_313 = arith.addi %mul3A_298, %add3A_312 : i32
            %get3A_314 = arith.constant 0 : i32
            %get3A_315 = arith.constant 0 : i32
            %get3A_316 = tpu.memref_slice %arg11[%get3A_314, %get3A_315] : memref<32x128xf32, #tpu.memory_space<vmem>> -> memref<16x128xf32, #tpu.memory_space<vmem>>
            %get3A_317 = arith.index_cast %while3A_286 : i32 to index
            %get3A_318 = arith.index_cast %add3A_313 : i32 to index
            %get3A_319 = tpu.vector_load %get3A_316[%get3A_317, %get3A_318] {strides = array<i32>} : memref<16x128xf32, #tpu.memory_space<vmem>>, vector<16xf32>,
            %iota3A_320 = tpu.iota {dimensions = array<i32: 0>} : vector<16xi32>
            %add3A_321 = arith.constant 16 : i32
            %add3A_322 = vector.broadcast %add3A_321 : i32 to vector<16xi32>
            %add3A_323 = arith.addi %add3A_322, %iota3A_320 : vector<16xi32>
            tpu.vector_store_idx %arg9[%add3A_323, %broadcast_in_dim3A_299], %get3A_319 : memref<64x256xf32, #tpu.memory_space<vmem>>[vector<16xi32>, vector<16xi32>], vector<16xf32>,
            %add3A_324 = arith.constant 32 : i32
            %add3A_325 = arith.addi %mul3A_298, %add3A_324 : i32
            %get3A_326 = arith.constant 0 : i32
            %get3A_327 = arith.constant 0 : i32
            %get3A_328 = tpu.memref_slice %arg11[%get3A_326, %get3A_327] : memref<32x128xf32, #tpu.memory_space<vmem>> -> memref<16x128xf32, #tpu.memory_space<vmem>>
            %get3A_329 = arith.index_cast %while3A_286 : i32 to index
            %get3A_330 = arith.index_cast %add3A_325 : i32 to index
            %get3A_331 = tpu.vector_load %get3A_328[%get3A_329, %get3A_330] {strides = array<i32>} : memref<16x128xf32, #tpu.memory_space<vmem>>, vector<16xf32>,
            %iota3A_332 = tpu.iota {dimensions = array<i32: 0>} : vector<16xi32>
            %add3A_333 = arith.constant 32 : i32
            %add3A_334 = vector.broadcast %add3A_333 : i32 to vector<16xi32>
            %add3A_335 = arith.addi %add3A_334, %iota3A_332 : vector<16xi32>
            tpu.vector_store_idx %arg9[%add3A_335, %broadcast_in_dim3A_299], %get3A_331 : memref<64x256xf32, #tpu.memory_space<vmem>>[vector<16xi32>, vector<16xi32>], vector<16xf32>,
            %add3A_336 = arith.constant 48 : i32
            %add3A_337 = arith.addi %mul3A_298, %add3A_336 : i32
            %get3A_338 = arith.constant 0 : i32
            %get3A_339 = arith.constant 0 : i32
            %get3A_340 = tpu.memref_slice %arg11[%get3A_338, %get3A_339] : memref<32x128xf32, #tpu.memory_space<vmem>> -> memref<16x128xf32, #tpu.memory_space<vmem>>
            %get3A_341 = arith.index_cast %while3A_286 : i32 to index
            %get3A_342 = arith.index_cast %add3A_337 : i32 to index
            %get3A_343 = tpu.vector_load %get3A_340[%get3A_341, %get3A_342] {strides = array<i32>} : memref<16x128xf32, #tpu.memory_space<vmem>>, vector<16xf32>,
            %iota3A_344 = tpu.iota {dimensions = array<i32: 0>} : vector<16xi32>
            %add3A_345 = arith.constant 48 : i32
            %add3A_346 = vector.broadcast %add3A_345 : i32 to vector<16xi32>
            %add3A_347 = arith.addi %add3A_346, %iota3A_344 : vector<16xi32>
            tpu.vector_store_idx %arg9[%add3A_347, %broadcast_in_dim3A_299], %get3A_343 : memref<64x256xf32, #tpu.memory_space<vmem>>[vector<16xi32>, vector<16xi32>], vector<16xf32>,
            %while3A_348 = arith.constant 0 : i32
            scf.yield %while3A_348 : i32
          }
          %while3A_285 = arith.constant 0 : i32
          scf.yield %while3A_285 : i32
        }
      } else {
      }
      %shift_right_logical3A_157 = arith.constant 1 : i32
      %shift_right_logical3A_158 = arith.shrui %mul3A_127, %shift_right_logical3A_157 : i32
      %add3A_159 = arith.addi %mul3A_68, %shift_right_logical3A_158 : i32
      %and3A_160 = arith.constant 1 : i32
      %and3A_161 = arith.andi %mul3A_127, %and3A_160 : i32
      %mul3A_162 = arith.constant 256 : i32
      %mul3A_163 = arith.muli %and3A_161, %mul3A_162 : i32
      %dma_start3A = tpu.memref_slice %arg4[%mul3A_65, %add3A_159, %mul3A_163] : memref<256x512x512xf32, #tpu.memory_space<hbm>> -> memref<64x1x256xf32, #tpu.memory_space<hbm>>
      %dma_start3A_164 = tpu.memref_squeeze %dma_start3A : memref<64x1x256xf32, #tpu.memory_space<hbm>> -> memref<64x256xf32, #tpu.memory_space<hbm>>
      %dma_start3A_165 = tpu.memref_slice %arg4[%mul3A_65, %add3A_159, %mul3A_163] : memref<256x512x512xf32, #tpu.memory_space<hbm>> -> memref<64x1x256xf32, #tpu.memory_space<hbm>>
      %dma_start3A_166 = tpu.memref_squeeze %dma_start3A_165 : memref<64x1x256xf32, #tpu.memory_space<hbm>> -> memref<64x256xf32, #tpu.memory_space<hbm>>
      tpu.enqueue_dma source(%arg9 : memref<64x256xf32, #tpu.memory_space<vmem>>) target(%dma_start3A_166 : memref<64x256xf32, #tpu.memory_space<hbm>>) target_semaphore(%arg19 : memref<!tpu.dma_semaphore, #tpu.memory_space<semaphore_mem>>)
      %add3A_167 = arith.constant 2 : i32
      %add3A_168 = arith.addi %mul3A_127, %add3A_167 : i32
      %lt3A_169 = arith.constant 128 : i32
      %lt3A_170 = arith.cmpi slt, %add3A_168, %lt3A_169 : i32
      %convert_element_type3A_171 = arith.extui %lt3A_170 : i1 to i32
      %cond3A_172 = arith.constant 0 : i32
      %cond3A_173 = arith.cmpi ne, %convert_element_type3A_171, %cond3A_172 : i32
      scf.if %cond3A_173 {
        %get3A_229 = arith.index_cast %add3A_168 : i32 to index
        %get3A_230 = memref.load %arg21[%get3A_229] : memref<129xi32, #tpu.memory_space<smem>>
        %add3A_231 = arith.constant 1 : i32
        %add3A_232 = arith.addi %add3A_168, %add3A_231 : i32
        %get3A_233 = arith.index_cast %add3A_232 : i32 to index
        %get3A_234 = memref.load %arg21[%get3A_233] : memref<129xi32, #tpu.memory_space<smem>>
        %add3A_235 = arith.constant 0 : i32
        %add3A_236 = arith.addi %get3A_230, %add3A_235 : i32
        %get3A_237 = arith.index_cast %add3A_236 : i32 to index
        %get3A_238 = tpu.vector_load %arg8[%get3A_237] {strides = array<i32>} : memref<32800xi32, #tpu.memory_space<vmem>>, vector<16xi32>,
        %add3A_239 = arith.constant 0 : i32
        %add3A_240 = arith.addi %get3A_230, %add3A_239 : i32
        %iota3A = tpu.iota {dimensions = array<i32: 0>} : vector<16xi32>
        %add3A_241 = vector.broadcast %add3A_240 : i32 to vector<16xi32>
        %add3A_242 = arith.addi %add3A_241, %iota3A : vector<16xi32>
        %lt3A_243 = vector.broadcast %get3A_234 : i32 to vector<16xi32>
        %lt3A_244 = arith.cmpi slt, %add3A_242, %lt3A_243 : vector<16xi32>
        %add3A_245 = arith.constant 0 : i32
        %add3A_246 = arith.addi %get3A_230, %add3A_245 : i32
        %iota3A_247 = tpu.iota {dimensions = array<i32: 0>} : vector<16xi32>
        %add3A_248 = vector.broadcast %add3A_246 : i32 to vector<16xi32>
        %add3A_249 = arith.addi %add3A_248, %iota3A_247 : vector<16xi32>
        %rem3A = arith.constant 20000 : i32
        %rem3A_250 = vector.broadcast %rem3A : i32 to vector<16xi32>
        %rem3A_251 = arith.remsi %add3A_249, %rem3A_250 : vector<16xi32>
        %shift_right_logical3A_252 = arith.constant 16 : i32
        %shift_right_logical3A_253 = vector.broadcast %shift_right_logical3A_252 : i32 to vector<16xi32>
        %shift_right_logical3A_254 = arith.shrui %get3A_238, %shift_right_logical3A_253 : vector<16xi32>
        %select_n3A = arith.select %lt3A_244, %shift_right_logical3A_254, %rem3A_251 : vector<16xi1>, vector<16xi32>
        %swap3A_255 = arith.constant 0 : index
        %swap3A_256 = tpu.vector_load %arg13[%swap3A_255] {strides = array<i32>} : memref<32xi32, #tpu.memory_space<vmem>>, vector<16xi32>,
        tpu.vector_store %arg13[%swap3A_255], %select_n3A {strides = array<i32>} : memref<32xi32, #tpu.memory_space<vmem>>, vector<16xi32>,
        %add3A_257 = arith.constant 16 : i32
        %add3A_258 = arith.addi %get3A_230, %add3A_257 : i32
        %get3A_259 = arith.index_cast %add3A_258 : i32 to index
        %get3A_260 = tpu.vector_load %arg8[%get3A_259] {strides = array<i32>} : memref<32800xi32, #tpu.memory_space<vmem>>, vector<16xi32>,
        %add3A_261 = arith.constant 16 : i32
        %add3A_262 = arith.addi %get3A_230, %add3A_261 : i32
        %iota3A_263 = tpu.iota {dimensions = array<i32: 0>} : vector<16xi32>
        %add3A_264 = vector.broadcast %add3A_262 : i32 to vector<16xi32>
        %add3A_265 = arith.addi %add3A_264, %iota3A_263 : vector<16xi32>
        %lt3A_266 = vector.broadcast %get3A_234 : i32 to vector<16xi32>
        %lt3A_267 = arith.cmpi slt, %add3A_265, %lt3A_266 : vector<16xi32>
        %add3A_268 = arith.constant 16 : i32
        %add3A_269 = arith.addi %get3A_230, %add3A_268 : i32
        %iota3A_270 = tpu.iota {dimensions = array<i32: 0>} : vector<16xi32>
        %add3A_271 = vector.broadcast %add3A_269 : i32 to vector<16xi32>
        %add3A_272 = arith.addi %add3A_271, %iota3A_270 : vector<16xi32>
        %rem3A_273 = arith.constant 20000 : i32
        %rem3A_274 = vector.broadcast %rem3A_273 : i32 to vector<16xi32>
        %rem3A_275 = arith.remsi %add3A_272, %rem3A_274 : vector<16xi32>
        %shift_right_logical3A_276 = arith.constant 16 : i32
        %shift_right_logical3A_277 = vector.broadcast %shift_right_logical3A_276 : i32 to vector<16xi32>
        %shift_right_logical3A_278 = arith.shrui %get3A_260, %shift_right_logical3A_277 : vector<16xi32>
        %select_n3A_279 = arith.select %lt3A_267, %shift_right_logical3A_278, %rem3A_275 : vector<16xi1>, vector<16xi32>
        %swap3A_280 = arith.constant 16 : index
        %swap3A_281 = tpu.vector_load %arg13[%swap3A_280] {strides = array<i32>} : memref<32xi32, #tpu.memory_space<vmem>>, vector<16xi32>,
        tpu.vector_store %arg13[%swap3A_280], %select_n3A_279 {strides = array<i32>} : memref<32xi32, #tpu.memory_space<vmem>>, vector<16xi32>,
        %dma_start3A_282 = arith.constant 0 : i32
        %dma_start3A_283 = arith.constant 0 : i32
        %dma_start3A_284 = tpu.memref_slice %arg2[%dma_start3A_282, %dma_start3A_283] : memref<20000x128xf32, #tpu.memory_space<hbm>> -> memref<20000x128xf32, #tpu.memory_space<hbm>>
        tpu.enqueue_indirect_dma source(%dma_start3A_284 : memref<20000x128xf32, #tpu.memory_space<hbm>>) target(%arg11 : memref<32x128xf32, #tpu.memory_space<vmem>>) offsets(%arg13 : memref<32xi32, #tpu.memory_space<vmem>>) semaphore(%arg17 : memref<!tpu.dma_semaphore, #tpu.memory_space<semaphore_mem>>)
      } else {
      }
      %add3A_174 = arith.constant 1 : i32
      %add3A_175 = arith.addi %mul3A_127, %add3A_174 : i32
      %ge3A_176 = arith.constant 2 : i32
      %ge3A_177 = arith.cmpi sge, %add3A_175, %ge3A_176 : i32
      %convert_element_type3A_178 = arith.extui %ge3A_177 : i1 to i32
      %cond3A_179 = arith.constant 0 : i32
      %cond3A_180 = arith.cmpi ne, %convert_element_type3A_178, %cond3A_179 : i32
      scf.if %cond3A_180 {
        %shift_right_logical3A_229 = arith.constant 1 : i32
        %shift_right_logical3A_230 = arith.shrui %add3A_175, %shift_right_logical3A_229 : i32
        %add3A_231 = arith.addi %mul3A_68, %shift_right_logical3A_230 : i32
        %and3A_232 = arith.constant 1 : i32
        %and3A_233 = arith.andi %add3A_175, %and3A_232 : i32
        %mul3A_234 = arith.constant 256 : i32
        %mul3A_235 = arith.muli %and3A_233, %mul3A_234 : i32
        %dma_wait3A_236 = tpu.memref_slice %arg4[%mul3A_65, %add3A_231, %mul3A_235] : memref<256x512x512xf32, #tpu.memory_space<hbm>> -> memref<64x1x256xf32, #tpu.memory_space<hbm>>
        %dma_wait3A_237 = tpu.memref_squeeze %dma_wait3A_236 : memref<64x1x256xf32, #tpu.memory_space<hbm>> -> memref<64x256xf32, #tpu.memory_space<hbm>>
        %dma_wait3A_238 = tpu.memref_slice %arg4[%mul3A_65, %add3A_231, %mul3A_235] : memref<256x512x512xf32, #tpu.memory_space<hbm>> -> memref<64x1x256xf32, #tpu.memory_space<hbm>>
        %dma_wait3A_239 = tpu.memref_squeeze %dma_wait3A_238 : memref<64x1x256xf32, #tpu.memory_space<hbm>> -> memref<64x256xf32, #tpu.memory_space<hbm>>
        tpu.wait_dma2 semaphore(%arg20 : memref<!tpu.dma_semaphore, #tpu.memory_space<semaphore_mem>>) src(%arg10 : memref<64x256xf32, #tpu.memory_space<vmem>>) dst(%dma_wait3A_239 : memref<64x256xf32, #tpu.memory_space<hbm>>)
        %sub3A_240 = arith.constant 2 : i32
        %sub3A_241 = arith.subi %add3A_175, %sub3A_240 : i32
        %get3A_242 = arith.index_cast %sub3A_241 : i32 to index
        %get3A_243 = memref.load %arg21[%get3A_242] : memref<129xi32, #tpu.memory_space<smem>>
        %add3A_244 = arith.constant 1 : i32
        %add3A_245 = arith.addi %sub3A_241, %add3A_244 : i32
        %get3A_246 = arith.index_cast %add3A_245 : i32 to index
        %get3A_247 = memref.load %arg21[%get3A_246] : memref<129xi32, #tpu.memory_space<smem>>
        %while3A_248 = arith.constant 0 : i32
        %while3A_249 = arith.subi %get3A_247, %get3A_243 : i32
        %while3A_250 = arith.addi %get3A_243, %while3A_249 : i32
        %while3A_251 = arith.constant 1 : i32
        %while3A_252 = arith.divsi %while3A_249, %while3A_251 : i32
        %while3A_253 = arith.muli %while3A_252, %while3A_251 : i32
        %while3A_254 = arith.addi %get3A_243, %while3A_253 : i32
        %while3A_255 = arith.constant 1 : i32
        %while3A_256 = scf.for %while3A_259 = %get3A_243 to %while3A_254 step %while3A_255 iter_args(%while3A_260 = %while3A_248) -> (i32)  : i32 {
          %get3A_261 = arith.index_cast %while3A_259 : i32 to index
          %get3A_262 = tpu.vector_load %arg8[%get3A_261] {strides = array<i32>} : memref<32800xi32, #tpu.memory_space<vmem>>, vector<16xi32>,
          %slice3A = vector.extract_strided_slice %get3A_262 {offsets = [0], sizes = [1], strides = [1]} : vector<16xi32> to vector<1xi32>
          %squeeze3A = vector.extract %slice3A[0] : i32 from vector<1xi32>
          %and3A_263 = arith.constant 255 : i32
          %and3A_264 = arith.andi %squeeze3A, %and3A_263 : i32
          %broadcast_in_dim3A_265 = vector.broadcast %and3A_264 : i32 to vector<16xi32>
          %iota3A = tpu.iota {dimensions = array<i32: 0>} : vector<16xi32>
          %add3A_266 = arith.constant 0 : i32
          %add3A_267 = vector.broadcast %add3A_266 : i32 to vector<16xi32>
          %add3A_268 = arith.addi %add3A_267, %iota3A : vector<16xi32>
          tpu.vector_store_idx %arg10[%add3A_268, %broadcast_in_dim3A_265], %broadcast_in_dim3A_62 : memref<64x256xf32, #tpu.memory_space<vmem>>[vector<16xi32>, vector<16xi32>], vector<16xf32>,
          %iota3A_269 = tpu.iota {dimensions = array<i32: 0>} : vector<16xi32>
          %add3A_270 = arith.constant 16 : i32
          %add3A_271 = vector.broadcast %add3A_270 : i32 to vector<16xi32>
          %add3A_272 = arith.addi %add3A_271, %iota3A_269 : vector<16xi32>
          tpu.vector_store_idx %arg10[%add3A_272, %broadcast_in_dim3A_265], %broadcast_in_dim3A_62 : memref<64x256xf32, #tpu.memory_space<vmem>>[vector<16xi32>, vector<16xi32>], vector<16xf32>,
          %iota3A_273 = tpu.iota {dimensions = array<i32: 0>} : vector<16xi32>
          %add3A_274 = arith.constant 32 : i32
          %add3A_275 = vector.broadcast %add3A_274 : i32 to vector<16xi32>
          %add3A_276 = arith.addi %add3A_275, %iota3A_273 : vector<16xi32>
          tpu.vector_store_idx %arg10[%add3A_276, %broadcast_in_dim3A_265], %broadcast_in_dim3A_62 : memref<64x256xf32, #tpu.memory_space<vmem>>[vector<16xi32>, vector<16xi32>], vector<16xf32>,
          %iota3A_277 = tpu.iota {dimensions = array<i32: 0>} : vector<16xi32>
          %add3A_278 = arith.constant 48 : i32
          %add3A_279 = vector.broadcast %add3A_278 : i32 to vector<16xi32>
          %add3A_280 = arith.addi %add3A_279, %iota3A_277 : vector<16xi32>
          tpu.vector_store_idx %arg10[%add3A_280, %broadcast_in_dim3A_265], %broadcast_in_dim3A_62 : memref<64x256xf32, #tpu.memory_space<vmem>>[vector<16xi32>, vector<16xi32>], vector<16xf32>,
          %while3A_281 = arith.constant 0 : i32
          scf.yield %while3A_281 : i32
        }
        %while3A_257 = arith.constant 1 : i32
        %while3A_258 = scf.for %while3A_259 = %while3A_254 to %while3A_250 step %while3A_257 iter_args(%while3A_260 = %while3A_256) -> (i32)  : i32 {
          %get3A_261 = arith.index_cast %while3A_259 : i32 to index
          %get3A_262 = tpu.vector_load %arg8[%get3A_261] {strides = array<i32>} : memref<32800xi32, #tpu.memory_space<vmem>>, vector<16xi32>,
          %slice3A = vector.extract_strided_slice %get3A_262 {offsets = [0], sizes = [1], strides = [1]} : vector<16xi32> to vector<1xi32>
          %squeeze3A = vector.extract %slice3A[0] : i32 from vector<1xi32>
          %and3A_263 = arith.constant 255 : i32
          %and3A_264 = arith.andi %squeeze3A, %and3A_263 : i32
          %broadcast_in_dim3A_265 = vector.broadcast %and3A_264 : i32 to vector<16xi32>
          %iota3A = tpu.iota {dimensions = array<i32: 0>} : vector<16xi32>
          %add3A_266 = arith.constant 0 : i32
          %add3A_267 = vector.broadcast %add3A_266 : i32 to vector<16xi32>
          %add3A_268 = arith.addi %add3A_267, %iota3A : vector<16xi32>
          tpu.vector_store_idx %arg10[%add3A_268, %broadcast_in_dim3A_265], %broadcast_in_dim3A_62 : memref<64x256xf32, #tpu.memory_space<vmem>>[vector<16xi32>, vector<16xi32>], vector<16xf32>,
          %iota3A_269 = tpu.iota {dimensions = array<i32: 0>} : vector<16xi32>
          %add3A_270 = arith.constant 16 : i32
          %add3A_271 = vector.broadcast %add3A_270 : i32 to vector<16xi32>
          %add3A_272 = arith.addi %add3A_271, %iota3A_269 : vector<16xi32>
          tpu.vector_store_idx %arg10[%add3A_272, %broadcast_in_dim3A_265], %broadcast_in_dim3A_62 : memref<64x256xf32, #tpu.memory_space<vmem>>[vector<16xi32>, vector<16xi32>], vector<16xf32>,
          %iota3A_273 = tpu.iota {dimensions = array<i32: 0>} : vector<16xi32>
          %add3A_274 = arith.constant 32 : i32
          %add3A_275 = vector.broadcast %add3A_274 : i32 to vector<16xi32>
          %add3A_276 = arith.addi %add3A_275, %iota3A_273 : vector<16xi32>
          tpu.vector_store_idx %arg10[%add3A_276, %broadcast_in_dim3A_265], %broadcast_in_dim3A_62 : memref<64x256xf32, #tpu.memory_space<vmem>>[vector<16xi32>, vector<16xi32>], vector<16xf32>,
          %iota3A_277 = tpu.iota {dimensions = array<i32: 0>} : vector<16xi32>
          %add3A_278 = arith.constant 48 : i32
          %add3A_279 = vector.broadcast %add3A_278 : i32 to vector<16xi32>
          %add3A_280 = arith.addi %add3A_279, %iota3A_277 : vector<16xi32>
          tpu.vector_store_idx %arg10[%add3A_280, %broadcast_in_dim3A_265], %broadcast_in_dim3A_62 : memref<64x256xf32, #tpu.memory_space<vmem>>[vector<16xi32>, vector<16xi32>], vector<16xf32>,
          %while3A_281 = arith.constant 0 : i32
          scf.yield %while3A_281 : i32
        }
      } else {
      }
      %get3A_181 = arith.index_cast %add3A_175 : i32 to index
      %get3A_182 = memref.load %arg21[%get3A_181] : memref<129xi32, #tpu.memory_space<smem>>
      %add3A_183 = arith.constant 1 : i32
      %add3A_184 = arith.addi %add3A_175, %add3A_183 : i32
      %get3A_185 = arith.index_cast %add3A_184 : i32 to index
      %get3A_186 = memref.load %arg21[%get3A_185] : memref<129xi32, #tpu.memory_space<smem>>
      %sub3A_187 = arith.subi %get3A_186, %get3A_182 : i32
      %dma_wait3A_188 = arith.constant 0 : i32
      %dma_wait3A_189 = arith.constant 0 : i32
      %dma_wait3A_190 = tpu.memref_slice %arg2[%dma_wait3A_188, %dma_wait3A_189] : memref<20000x128xf32, #tpu.memory_space<hbm>> -> memref<20000x128xf32, #tpu.memory_space<hbm>>
      tpu.wait_indirect_dma semaphore(%arg18 : memref<!tpu.dma_semaphore, #tpu.memory_space<semaphore_mem>>) src(%dma_wait3A_190 : memref<20000x128xf32, #tpu.memory_space<hbm>>) dst(%arg12 : memref<32x128xf32, #tpu.memory_space<vmem>>)
      %min3A_191 = arith.constant 32 : i32
      %min3A_192 = arith.minsi %sub3A_187, %min3A_191 : i32
      %while3A_193 = arith.constant 0 : i32
      %while3A_194 = arith.constant 0 : i32
      %while3A_195 = arith.subi %min3A_192, %while3A_193 : i32
      %while3A_196 = arith.addi %while3A_193, %while3A_195 : i32
      %while3A_197 = arith.constant 1 : i32
      %while3A_198 = arith.divsi %while3A_195, %while3A_197 : i32
      %while3A_199 = arith.muli %while3A_198, %while3A_197 : i32
      %while3A_200 = arith.addi %while3A_193, %while3A_199 : i32
      %while3A_201 = arith.constant 1 : i32
      %while3A_202 = scf.for %while3A_229 = %while3A_193 to %while3A_200 step %while3A_201 iter_args(%while3A_230 = %while3A_194) -> (i32)  : i32 {
        %add3A_231 = arith.addi %get3A_182, %while3A_229 : i32
        %get3A_232 = arith.index_cast %add3A_231 : i32 to index
        %get3A_233 = tpu.vector_load %arg8[%get3A_232] {strides = array<i32>} : memref<32800xi32, #tpu.memory_space<vmem>>, vector<16xi32>,
        %slice3A = vector.extract_strided_slice %get3A_233 {offsets = [0], sizes = [1], strides = [1]} : vector<16xi32> to vector<1xi32>
        %squeeze3A = vector.extract %slice3A[0] : i32 from vector<1xi32>
        %and3A_234 = arith.constant 255 : i32
        %and3A_235 = arith.andi %squeeze3A, %and3A_234 : i32
        %shift_right_logical3A_236 = arith.constant 15 : i32
        %shift_right_logical3A_237 = arith.shrui %squeeze3A, %shift_right_logical3A_236 : i32
        %and3A_238 = arith.constant 1 : i32
        %and3A_239 = arith.andi %shift_right_logical3A_237, %and3A_238 : i32
        %mul3A_240 = arith.constant 64 : i32
        %mul3A_241 = arith.muli %and3A_239, %mul3A_240 : i32
        %broadcast_in_dim3A_242 = vector.broadcast %and3A_235 : i32 to vector<16xi32>
        %add3A_243 = arith.constant 0 : i32
        %add3A_244 = arith.addi %mul3A_241, %add3A_243 : i32
        %get3A_245 = arith.constant 0 : i32
        %get3A_246 = arith.constant 0 : i32
        %get3A_247 = tpu.memref_slice %arg12[%get3A_245, %get3A_246] : memref<32x128xf32, #tpu.memory_space<vmem>> -> memref<32x128xf32, #tpu.memory_space<vmem>>
        %get3A_248 = arith.index_cast %while3A_229 : i32 to index
        %get3A_249 = arith.index_cast %add3A_244 : i32 to index
        %get3A_250 = tpu.vector_load %get3A_247[%get3A_248, %get3A_249] {strides = array<i32>} : memref<32x128xf32, #tpu.memory_space<vmem>>, vector<16xf32>,
        %iota3A = tpu.iota {dimensions = array<i32: 0>} : vector<16xi32>
        %add3A_251 = arith.constant 0 : i32
        %add3A_252 = vector.broadcast %add3A_251 : i32 to vector<16xi32>
        %add3A_253 = arith.addi %add3A_252, %iota3A : vector<16xi32>
        tpu.vector_store_idx %arg10[%add3A_253, %broadcast_in_dim3A_242], %get3A_250 : memref<64x256xf32, #tpu.memory_space<vmem>>[vector<16xi32>, vector<16xi32>], vector<16xf32>,
        %add3A_254 = arith.constant 16 : i32
        %add3A_255 = arith.addi %mul3A_241, %add3A_254 : i32
        %get3A_256 = arith.constant 0 : i32
        %get3A_257 = arith.constant 0 : i32
        %get3A_258 = tpu.memref_slice %arg12[%get3A_256, %get3A_257] : memref<32x128xf32, #tpu.memory_space<vmem>> -> memref<32x128xf32, #tpu.memory_space<vmem>>
        %get3A_259 = arith.index_cast %while3A_229 : i32 to index
        %get3A_260 = arith.index_cast %add3A_255 : i32 to index
        %get3A_261 = tpu.vector_load %get3A_258[%get3A_259, %get3A_260] {strides = array<i32>} : memref<32x128xf32, #tpu.memory_space<vmem>>, vector<16xf32>,
        %iota3A_262 = tpu.iota {dimensions = array<i32: 0>} : vector<16xi32>
        %add3A_263 = arith.constant 16 : i32
        %add3A_264 = vector.broadcast %add3A_263 : i32 to vector<16xi32>
        %add3A_265 = arith.addi %add3A_264, %iota3A_262 : vector<16xi32>
        tpu.vector_store_idx %arg10[%add3A_265, %broadcast_in_dim3A_242], %get3A_261 : memref<64x256xf32, #tpu.memory_space<vmem>>[vector<16xi32>, vector<16xi32>], vector<16xf32>,
        %add3A_266 = arith.constant 32 : i32
        %add3A_267 = arith.addi %mul3A_241, %add3A_266 : i32
        %get3A_268 = arith.constant 0 : i32
        %get3A_269 = arith.constant 0 : i32
        %get3A_270 = tpu.memref_slice %arg12[%get3A_268, %get3A_269] : memref<32x128xf32, #tpu.memory_space<vmem>> -> memref<32x128xf32, #tpu.memory_space<vmem>>
        %get3A_271 = arith.index_cast %while3A_229 : i32 to index
        %get3A_272 = arith.index_cast %add3A_267 : i32 to index
        %get3A_273 = tpu.vector_load %get3A_270[%get3A_271, %get3A_272] {strides = array<i32>} : memref<32x128xf32, #tpu.memory_space<vmem>>, vector<16xf32>,
        %iota3A_274 = tpu.iota {dimensions = array<i32: 0>} : vector<16xi32>
        %add3A_275 = arith.constant 32 : i32
        %add3A_276 = vector.broadcast %add3A_275 : i32 to vector<16xi32>
        %add3A_277 = arith.addi %add3A_276, %iota3A_274 : vector<16xi32>
        tpu.vector_store_idx %arg10[%add3A_277, %broadcast_in_dim3A_242], %get3A_273 : memref<64x256xf32, #tpu.memory_space<vmem>>[vector<16xi32>, vector<16xi32>], vector<16xf32>,
        %add3A_278 = arith.constant 48 : i32
        %add3A_279 = arith.addi %mul3A_241, %add3A_278 : i32
        %get3A_280 = arith.constant 0 : i32
        %get3A_281 = arith.constant 0 : i32
        %get3A_282 = tpu.memref_slice %arg12[%get3A_280, %get3A_281] : memref<32x128xf32, #tpu.memory_space<vmem>> -> memref<32x128xf32, #tpu.memory_space<vmem>>
        %get3A_283 = arith.index_cast %while3A_229 : i32 to index
        %get3A_284 = arith.index_cast %add3A_279 : i32 to index
        %get3A_285 = tpu.vector_load %get3A_282[%get3A_283, %get3A_284] {strides = array<i32>} : memref<32x128xf32, #tpu.memory_space<vmem>>, vector<16xf32>,
        %iota3A_286 = tpu.iota {dimensions = array<i32: 0>} : vector<16xi32>
        %add3A_287 = arith.constant 48 : i32
        %add3A_288 = vector.broadcast %add3A_287 : i32 to vector<16xi32>
        %add3A_289 = arith.addi %add3A_288, %iota3A_286 : vector<16xi32>
        tpu.vector_store_idx %arg10[%add3A_289, %broadcast_in_dim3A_242], %get3A_285 : memref<64x256xf32, #tpu.memory_space<vmem>>[vector<16xi32>, vector<16xi32>], vector<16xf32>,
        %while3A_290 = arith.constant 0 : i32
        scf.yield %while3A_290 : i32
      }
      %while3A_203 = arith.constant 1 : i32
      %while3A_204 = scf.for %while3A_229 = %while3A_200 to %while3A_196 step %while3A_203 iter_args(%while3A_230 = %while3A_202) -> (i32)  : i32 {
        %add3A_231 = arith.addi %get3A_182, %while3A_229 : i32
        %get3A_232 = arith.index_cast %add3A_231 : i32 to index
        %get3A_233 = tpu.vector_load %arg8[%get3A_232] {strides = array<i32>} : memref<32800xi32, #tpu.memory_space<vmem>>, vector<16xi32>,
        %slice3A = vector.extract_strided_slice %get3A_233 {offsets = [0], sizes = [1], strides = [1]} : vector<16xi32> to vector<1xi32>
        %squeeze3A = vector.extract %slice3A[0] : i32 from vector<1xi32>
        %and3A_234 = arith.constant 255 : i32
        %and3A_235 = arith.andi %squeeze3A, %and3A_234 : i32
        %shift_right_logical3A_236 = arith.constant 15 : i32
        %shift_right_logical3A_237 = arith.shrui %squeeze3A, %shift_right_logical3A_236 : i32
        %and3A_238 = arith.constant 1 : i32
        %and3A_239 = arith.andi %shift_right_logical3A_237, %and3A_238 : i32
        %mul3A_240 = arith.constant 64 : i32
        %mul3A_241 = arith.muli %and3A_239, %mul3A_240 : i32
        %broadcast_in_dim3A_242 = vector.broadcast %and3A_235 : i32 to vector<16xi32>
        %add3A_243 = arith.constant 0 : i32
        %add3A_244 = arith.addi %mul3A_241, %add3A_243 : i32
        %get3A_245 = arith.constant 0 : i32
        %get3A_246 = arith.constant 0 : i32
        %get3A_247 = tpu.memref_slice %arg12[%get3A_245, %get3A_246] : memref<32x128xf32, #tpu.memory_space<vmem>> -> memref<32x128xf32, #tpu.memory_space<vmem>>
        %get3A_248 = arith.index_cast %while3A_229 : i32 to index
        %get3A_249 = arith.index_cast %add3A_244 : i32 to index
        %get3A_250 = tpu.vector_load %get3A_247[%get3A_248, %get3A_249] {strides = array<i32>} : memref<32x128xf32, #tpu.memory_space<vmem>>, vector<16xf32>,
        %iota3A = tpu.iota {dimensions = array<i32: 0>} : vector<16xi32>
        %add3A_251 = arith.constant 0 : i32
        %add3A_252 = vector.broadcast %add3A_251 : i32 to vector<16xi32>
        %add3A_253 = arith.addi %add3A_252, %iota3A : vector<16xi32>
        tpu.vector_store_idx %arg10[%add3A_253, %broadcast_in_dim3A_242], %get3A_250 : memref<64x256xf32, #tpu.memory_space<vmem>>[vector<16xi32>, vector<16xi32>], vector<16xf32>,
        %add3A_254 = arith.constant 16 : i32
        %add3A_255 = arith.addi %mul3A_241, %add3A_254 : i32
        %get3A_256 = arith.constant 0 : i32
        %get3A_257 = arith.constant 0 : i32
        %get3A_258 = tpu.memref_slice %arg12[%get3A_256, %get3A_257] : memref<32x128xf32, #tpu.memory_space<vmem>> -> memref<32x128xf32, #tpu.memory_space<vmem>>
        %get3A_259 = arith.index_cast %while3A_229 : i32 to index
        %get3A_260 = arith.index_cast %add3A_255 : i32 to index
        %get3A_261 = tpu.vector_load %get3A_258[%get3A_259, %get3A_260] {strides = array<i32>} : memref<32x128xf32, #tpu.memory_space<vmem>>, vector<16xf32>,
        %iota3A_262 = tpu.iota {dimensions = array<i32: 0>} : vector<16xi32>
        %add3A_263 = arith.constant 16 : i32
        %add3A_264 = vector.broadcast %add3A_263 : i32 to vector<16xi32>
        %add3A_265 = arith.addi %add3A_264, %iota3A_262 : vector<16xi32>
        tpu.vector_store_idx %arg10[%add3A_265, %broadcast_in_dim3A_242], %get3A_261 : memref<64x256xf32, #tpu.memory_space<vmem>>[vector<16xi32>, vector<16xi32>], vector<16xf32>,
        %add3A_266 = arith.constant 32 : i32
        %add3A_267 = arith.addi %mul3A_241, %add3A_266 : i32
        %get3A_268 = arith.constant 0 : i32
        %get3A_269 = arith.constant 0 : i32
        %get3A_270 = tpu.memref_slice %arg12[%get3A_268, %get3A_269] : memref<32x128xf32, #tpu.memory_space<vmem>> -> memref<32x128xf32, #tpu.memory_space<vmem>>
        %get3A_271 = arith.index_cast %while3A_229 : i32 to index
        %get3A_272 = arith.index_cast %add3A_267 : i32 to index
        %get3A_273 = tpu.vector_load %get3A_270[%get3A_271, %get3A_272] {strides = array<i32>} : memref<32x128xf32, #tpu.memory_space<vmem>>, vector<16xf32>,
        %iota3A_274 = tpu.iota {dimensions = array<i32: 0>} : vector<16xi32>
        %add3A_275 = arith.constant 32 : i32
        %add3A_276 = vector.broadcast %add3A_275 : i32 to vector<16xi32>
        %add3A_277 = arith.addi %add3A_276, %iota3A_274 : vector<16xi32>
        tpu.vector_store_idx %arg10[%add3A_277, %broadcast_in_dim3A_242], %get3A_273 : memref<64x256xf32, #tpu.memory_space<vmem>>[vector<16xi32>, vector<16xi32>], vector<16xf32>,
        %add3A_278 = arith.constant 48 : i32
        %add3A_279 = arith.addi %mul3A_241, %add3A_278 : i32
        %get3A_280 = arith.constant 0 : i32
        %get3A_281 = arith.constant 0 : i32
        %get3A_282 = tpu.memref_slice %arg12[%get3A_280, %get3A_281] : memref<32x128xf32, #tpu.memory_space<vmem>> -> memref<32x128xf32, #tpu.memory_space<vmem>>
        %get3A_283 = arith.index_cast %while3A_229 : i32 to index
        %get3A_284 = arith.index_cast %add3A_279 : i32 to index
        %get3A_285 = tpu.vector_load %get3A_282[%get3A_283, %get3A_284] {strides = array<i32>} : memref<32x128xf32, #tpu.memory_space<vmem>>, vector<16xf32>,
        %iota3A_286 = tpu.iota {dimensions = array<i32: 0>} : vector<16xi32>
        %add3A_287 = arith.constant 48 : i32
        %add3A_288 = vector.broadcast %add3A_287 : i32 to vector<16xi32>
        %add3A_289 = arith.addi %add3A_288, %iota3A_286 : vector<16xi32>
        tpu.vector_store_idx %arg10[%add3A_289, %broadcast_in_dim3A_242], %get3A_285 : memref<64x256xf32, #tpu.memory_space<vmem>>[vector<16xi32>, vector<16xi32>], vector<16xf32>,
        %while3A_290 = arith.constant 0 : i32
        scf.yield %while3A_290 : i32
      }
      %gt3A_205 = arith.constant 32 : i32
      %gt3A_206 = arith.cmpi sgt, %sub3A_187, %gt3A_205 : i32
      %convert_element_type3A_207 = arith.extui %gt3A_206 : i1 to i32
      %cond3A_208 = arith.constant 0 : i32
      %cond3A_209 = arith.cmpi ne, %convert_element_type3A_207, %cond3A_208 : i32
      scf.if %cond3A_209 {
        %sub3A_229 = arith.constant 32 : i32
        %sub3A_230 = arith.subi %sub3A_187, %sub3A_229 : i32
        %add3A_231 = arith.constant 15 : i32
        %add3A_232 = arith.addi %sub3A_230, %add3A_231 : i32
        %shift_right_arithmetic3A_233 = arith.constant 4 : i32
        %shift_right_arithmetic3A_234 = arith.shrsi %add3A_232, %shift_right_arithmetic3A_233 : i32
        %while3A_235 = arith.constant 0 : i32
        %while3A_236 = arith.constant 0 : i32
        %while3A_237 = arith.subi %shift_right_arithmetic3A_234, %while3A_235 : i32
        %while3A_238 = arith.addi %while3A_235, %while3A_237 : i32
        %while3A_239 = arith.constant 1 : i32
        %while3A_240 = arith.divsi %while3A_237, %while3A_239 : i32
        %while3A_241 = arith.muli %while3A_240, %while3A_239 : i32
        %while3A_242 = arith.addi %while3A_235, %while3A_241 : i32
        %while3A_243 = arith.constant 1 : i32
        %while3A_244 = scf.for %while3A_247 = %while3A_235 to %while3A_242 step %while3A_243 iter_args(%while3A_248 = %while3A_236) -> (i32)  : i32 {
          %add3A_249 = arith.constant 32 : i32
          %add3A_250 = arith.addi %get3A_182, %add3A_249 : i32
          %mul3A_251 = arith.constant 16 : i32
          %mul3A_252 = arith.muli %while3A_247, %mul3A_251 : i32
          %add3A_253 = arith.addi %add3A_250, %mul3A_252 : i32
          %get3A_254 = arith.index_cast %add3A_253 : i32 to index
          %get3A_255 = tpu.vector_load %arg8[%get3A_254] {strides = array<i32>} : memref<32800xi32, #tpu.memory_space<vmem>>, vector<16xi32>,
          %iota3A = tpu.iota {dimensions = array<i32: 0>} : vector<16xi32>
          %add3A_256 = vector.broadcast %add3A_253 : i32 to vector<16xi32>
          %add3A_257 = arith.addi %add3A_256, %iota3A : vector<16xi32>
          %lt3A_258 = vector.broadcast %get3A_186 : i32 to vector<16xi32>
          %lt3A_259 = arith.cmpi slt, %add3A_257, %lt3A_258 : vector<16xi32>
          %iota3A_260 = tpu.iota {dimensions = array<i32: 0>} : vector<16xi32>
          %add3A_261 = vector.broadcast %add3A_253 : i32 to vector<16xi32>
          %add3A_262 = arith.addi %add3A_261, %iota3A_260 : vector<16xi32>
          %rem3A = arith.constant 20000 : i32
          %rem3A_263 = vector.broadcast %rem3A : i32 to vector<16xi32>
          %rem3A_264 = arith.remsi %add3A_262, %rem3A_263 : vector<16xi32>
          %shift_right_logical3A_265 = arith.constant 16 : i32
          %shift_right_logical3A_266 = vector.broadcast %shift_right_logical3A_265 : i32 to vector<16xi32>
          %shift_right_logical3A_267 = arith.shrui %get3A_255, %shift_right_logical3A_266 : vector<16xi32>
          %select_n3A = arith.select %lt3A_259, %shift_right_logical3A_267, %rem3A_264 : vector<16xi1>, vector<16xi32>
          %swap3A_268 = arith.constant 0 : index
          %swap3A_269 = tpu.vector_load %arg14[%swap3A_268] {strides = array<i32>} : memref<32xi32, #tpu.memory_space<vmem>>, vector<16xi32>,
          tpu.vector_store %arg14[%swap3A_268], %select_n3A {strides = array<i32>} : memref<32xi32, #tpu.memory_space<vmem>>, vector<16xi32>,
          "tpu.region"() ({
            %run_scoped3A = tpu.sem_alloc : memref<!tpu.dma_semaphore, #tpu.memory_space<semaphore_mem>>
            %dma_start3A_286 = arith.constant 0 : i32
            %dma_start3A_287 = arith.constant 0 : i32
            %dma_start3A_288 = tpu.memref_slice %arg12[%dma_start3A_286, %dma_start3A_287] : memref<32x128xf32, #tpu.memory_space<vmem>> -> memref<16x128xf32, #tpu.memory_space<vmem>>
            %dma_start3A_289 = arith.constant 0 : i32
            %dma_start3A_290 = tpu.memref_slice %arg14[%dma_start3A_289] : memref<32xi32, #tpu.memory_space<vmem>> -> memref<16xi32, #tpu.memory_space<vmem>>
            %dma_start3A_291 = arith.constant 0 : i32
            %dma_start3A_292 = arith.constant 0 : i32
            %dma_start3A_293 = tpu.memref_slice %arg2[%dma_start3A_291, %dma_start3A_292] : memref<20000x128xf32, #tpu.memory_space<hbm>> -> memref<20000x128xf32, #tpu.memory_space<hbm>>
            tpu.enqueue_indirect_dma source(%dma_start3A_293 : memref<20000x128xf32, #tpu.memory_space<hbm>>) target(%dma_start3A_288 : memref<16x128xf32, #tpu.memory_space<vmem>>) offsets(%dma_start3A_290 : memref<16xi32, #tpu.memory_space<vmem>>) semaphore(%run_scoped3A : memref<!tpu.dma_semaphore, #tpu.memory_space<semaphore_mem>>)
            %dma_wait3A_294 = arith.constant 0 : i32
            %dma_wait3A_295 = arith.constant 0 : i32
            %dma_wait3A_296 = tpu.memref_slice %arg12[%dma_wait3A_294, %dma_wait3A_295] : memref<32x128xf32, #tpu.memory_space<vmem>> -> memref<16x128xf32, #tpu.memory_space<vmem>>
            %dma_wait3A_297 = arith.constant 0 : i32
            %dma_wait3A_298 = tpu.memref_slice %arg14[%dma_wait3A_297] : memref<32xi32, #tpu.memory_space<vmem>> -> memref<16xi32, #tpu.memory_space<vmem>>
            %dma_wait3A_299 = arith.constant 0 : i32
            %dma_wait3A_300 = arith.constant 0 : i32
            %dma_wait3A_301 = tpu.memref_slice %arg2[%dma_wait3A_299, %dma_wait3A_300] : memref<20000x128xf32, #tpu.memory_space<hbm>> -> memref<20000x128xf32, #tpu.memory_space<hbm>>
            tpu.wait_indirect_dma semaphore(%run_scoped3A : memref<!tpu.dma_semaphore, #tpu.memory_space<semaphore_mem>>) src(%dma_wait3A_301 : memref<20000x128xf32, #tpu.memory_space<hbm>>) dst(%dma_wait3A_296 : memref<16x128xf32, #tpu.memory_space<vmem>>)
            tpu.yield
          }) : () -> ()
          %sub3A_270 = arith.subi %get3A_186, %add3A_253 : i32
          %min3A_271 = arith.constant 16 : i32
          %min3A_272 = arith.minsi %min3A_271, %sub3A_270 : i32
          %while3A_273 = arith.constant 0 : i32
          %while3A_274 = arith.constant 0 : i32
          %while3A_275 = arith.subi %min3A_272, %while3A_273 : i32
          %while3A_276 = arith.addi %while3A_273, %while3A_275 : i32
          %while3A_277 = arith.constant 1 : i32
          %while3A_278 = arith.divsi %while3A_275, %while3A_277 : i32
          %while3A_279 = arith.muli %while3A_278, %while3A_277 : i32
          %while3A_280 = arith.addi %while3A_273, %while3A_279 : i32
          %while3A_281 = arith.constant 1 : i32
          %while3A_282 = scf.for %while3A_286 = %while3A_273 to %while3A_280 step %while3A_281 iter_args(%while3A_287 = %while3A_274) -> (i32)  : i32 {
            %add3A_288 = arith.addi %add3A_253, %while3A_286 : i32
            %get3A_289 = arith.index_cast %add3A_288 : i32 to index
            %get3A_290 = tpu.vector_load %arg8[%get3A_289] {strides = array<i32>} : memref<32800xi32, #tpu.memory_space<vmem>>, vector<16xi32>,
            %slice3A = vector.extract_strided_slice %get3A_290 {offsets = [0], sizes = [1], strides = [1]} : vector<16xi32> to vector<1xi32>
            %squeeze3A = vector.extract %slice3A[0] : i32 from vector<1xi32>
            %and3A_291 = arith.constant 255 : i32
            %and3A_292 = arith.andi %squeeze3A, %and3A_291 : i32
            %shift_right_logical3A_293 = arith.constant 15 : i32
            %shift_right_logical3A_294 = arith.shrui %squeeze3A, %shift_right_logical3A_293 : i32
            %and3A_295 = arith.constant 1 : i32
            %and3A_296 = arith.andi %shift_right_logical3A_294, %and3A_295 : i32
            %mul3A_297 = arith.constant 64 : i32
            %mul3A_298 = arith.muli %and3A_296, %mul3A_297 : i32
            %broadcast_in_dim3A_299 = vector.broadcast %and3A_292 : i32 to vector<16xi32>
            %add3A_300 = arith.constant 0 : i32
            %add3A_301 = arith.addi %mul3A_298, %add3A_300 : i32
            %get3A_302 = arith.constant 0 : i32
            %get3A_303 = arith.constant 0 : i32
            %get3A_304 = tpu.memref_slice %arg12[%get3A_302, %get3A_303] : memref<32x128xf32, #tpu.memory_space<vmem>> -> memref<16x128xf32, #tpu.memory_space<vmem>>
            %get3A_305 = arith.index_cast %while3A_286 : i32 to index
            %get3A_306 = arith.index_cast %add3A_301 : i32 to index
            %get3A_307 = tpu.vector_load %get3A_304[%get3A_305, %get3A_306] {strides = array<i32>} : memref<16x128xf32, #tpu.memory_space<vmem>>, vector<16xf32>,
            %iota3A_308 = tpu.iota {dimensions = array<i32: 0>} : vector<16xi32>
            %add3A_309 = arith.constant 0 : i32
            %add3A_310 = vector.broadcast %add3A_309 : i32 to vector<16xi32>
            %add3A_311 = arith.addi %add3A_310, %iota3A_308 : vector<16xi32>
            tpu.vector_store_idx %arg10[%add3A_311, %broadcast_in_dim3A_299], %get3A_307 : memref<64x256xf32, #tpu.memory_space<vmem>>[vector<16xi32>, vector<16xi32>], vector<16xf32>,
            %add3A_312 = arith.constant 16 : i32
            %add3A_313 = arith.addi %mul3A_298, %add3A_312 : i32
            %get3A_314 = arith.constant 0 : i32
            %get3A_315 = arith.constant 0 : i32
            %get3A_316 = tpu.memref_slice %arg12[%get3A_314, %get3A_315] : memref<32x128xf32, #tpu.memory_space<vmem>> -> memref<16x128xf32, #tpu.memory_space<vmem>>
            %get3A_317 = arith.index_cast %while3A_286 : i32 to index
            %get3A_318 = arith.index_cast %add3A_313 : i32 to index
            %get3A_319 = tpu.vector_load %get3A_316[%get3A_317, %get3A_318] {strides = array<i32>} : memref<16x128xf32, #tpu.memory_space<vmem>>, vector<16xf32>,
            %iota3A_320 = tpu.iota {dimensions = array<i32: 0>} : vector<16xi32>
            %add3A_321 = arith.constant 16 : i32
            %add3A_322 = vector.broadcast %add3A_321 : i32 to vector<16xi32>
            %add3A_323 = arith.addi %add3A_322, %iota3A_320 : vector<16xi32>
            tpu.vector_store_idx %arg10[%add3A_323, %broadcast_in_dim3A_299], %get3A_319 : memref<64x256xf32, #tpu.memory_space<vmem>>[vector<16xi32>, vector<16xi32>], vector<16xf32>,
            %add3A_324 = arith.constant 32 : i32
            %add3A_325 = arith.addi %mul3A_298, %add3A_324 : i32
            %get3A_326 = arith.constant 0 : i32
            %get3A_327 = arith.constant 0 : i32
            %get3A_328 = tpu.memref_slice %arg12[%get3A_326, %get3A_327] : memref<32x128xf32, #tpu.memory_space<vmem>> -> memref<16x128xf32, #tpu.memory_space<vmem>>
            %get3A_329 = arith.index_cast %while3A_286 : i32 to index
            %get3A_330 = arith.index_cast %add3A_325 : i32 to index
            %get3A_331 = tpu.vector_load %get3A_328[%get3A_329, %get3A_330] {strides = array<i32>} : memref<16x128xf32, #tpu.memory_space<vmem>>, vector<16xf32>,
            %iota3A_332 = tpu.iota {dimensions = array<i32: 0>} : vector<16xi32>
            %add3A_333 = arith.constant 32 : i32
            %add3A_334 = vector.broadcast %add3A_333 : i32 to vector<16xi32>
            %add3A_335 = arith.addi %add3A_334, %iota3A_332 : vector<16xi32>
            tpu.vector_store_idx %arg10[%add3A_335, %broadcast_in_dim3A_299], %get3A_331 : memref<64x256xf32, #tpu.memory_space<vmem>>[vector<16xi32>, vector<16xi32>], vector<16xf32>,
            %add3A_336 = arith.constant 48 : i32
            %add3A_337 = arith.addi %mul3A_298, %add3A_336 : i32
            %get3A_338 = arith.constant 0 : i32
            %get3A_339 = arith.constant 0 : i32
            %get3A_340 = tpu.memref_slice %arg12[%get3A_338, %get3A_339] : memref<32x128xf32, #tpu.memory_space<vmem>> -> memref<16x128xf32, #tpu.memory_space<vmem>>
            %get3A_341 = arith.index_cast %while3A_286 : i32 to index
            %get3A_342 = arith.index_cast %add3A_337 : i32 to index
            %get3A_343 = tpu.vector_load %get3A_340[%get3A_341, %get3A_342] {strides = array<i32>} : memref<16x128xf32, #tpu.memory_space<vmem>>, vector<16xf32>,
            %iota3A_344 = tpu.iota {dimensions = array<i32: 0>} : vector<16xi32>
            %add3A_345 = arith.constant 48 : i32
            %add3A_346 = vector.broadcast %add3A_345 : i32 to vector<16xi32>
            %add3A_347 = arith.addi %add3A_346, %iota3A_344 : vector<16xi32>
            tpu.vector_store_idx %arg10[%add3A_347, %broadcast_in_dim3A_299], %get3A_343 : memref<64x256xf32, #tpu.memory_space<vmem>>[vector<16xi32>, vector<16xi32>], vector<16xf32>,
            %while3A_348 = arith.constant 0 : i32
            scf.yield %while3A_348 : i32
          }
          %while3A_283 = arith.constant 1 : i32
          %while3A_284 = scf.for %while3A_286 = %while3A_280 to %while3A_276 step %while3A_283 iter_args(%while3A_287 = %while3A_282) -> (i32)  : i32 {
            %add3A_288 = arith.addi %add3A_253, %while3A_286 : i32
            %get3A_289 = arith.index_cast %add3A_288 : i32 to index
            %get3A_290 = tpu.vector_load %arg8[%get3A_289] {strides = array<i32>} : memref<32800xi32, #tpu.memory_space<vmem>>, vector<16xi32>,
            %slice3A = vector.extract_strided_slice %get3A_290 {offsets = [0], sizes = [1], strides = [1]} : vector<16xi32> to vector<1xi32>
            %squeeze3A = vector.extract %slice3A[0] : i32 from vector<1xi32>
            %and3A_291 = arith.constant 255 : i32
            %and3A_292 = arith.andi %squeeze3A, %and3A_291 : i32
            %shift_right_logical3A_293 = arith.constant 15 : i32
            %shift_right_logical3A_294 = arith.shrui %squeeze3A, %shift_right_logical3A_293 : i32
            %and3A_295 = arith.constant 1 : i32
            %and3A_296 = arith.andi %shift_right_logical3A_294, %and3A_295 : i32
            %mul3A_297 = arith.constant 64 : i32
            %mul3A_298 = arith.muli %and3A_296, %mul3A_297 : i32
            %broadcast_in_dim3A_299 = vector.broadcast %and3A_292 : i32 to vector<16xi32>
            %add3A_300 = arith.constant 0 : i32
            %add3A_301 = arith.addi %mul3A_298, %add3A_300 : i32
            %get3A_302 = arith.constant 0 : i32
            %get3A_303 = arith.constant 0 : i32
            %get3A_304 = tpu.memref_slice %arg12[%get3A_302, %get3A_303] : memref<32x128xf32, #tpu.memory_space<vmem>> -> memref<16x128xf32, #tpu.memory_space<vmem>>
            %get3A_305 = arith.index_cast %while3A_286 : i32 to index
            %get3A_306 = arith.index_cast %add3A_301 : i32 to index
            %get3A_307 = tpu.vector_load %get3A_304[%get3A_305, %get3A_306] {strides = array<i32>} : memref<16x128xf32, #tpu.memory_space<vmem>>, vector<16xf32>,
            %iota3A_308 = tpu.iota {dimensions = array<i32: 0>} : vector<16xi32>
            %add3A_309 = arith.constant 0 : i32
            %add3A_310 = vector.broadcast %add3A_309 : i32 to vector<16xi32>
            %add3A_311 = arith.addi %add3A_310, %iota3A_308 : vector<16xi32>
            tpu.vector_store_idx %arg10[%add3A_311, %broadcast_in_dim3A_299], %get3A_307 : memref<64x256xf32, #tpu.memory_space<vmem>>[vector<16xi32>, vector<16xi32>], vector<16xf32>,
            %add3A_312 = arith.constant 16 : i32
            %add3A_313 = arith.addi %mul3A_298, %add3A_312 : i32
            %get3A_314 = arith.constant 0 : i32
            %get3A_315 = arith.constant 0 : i32
            %get3A_316 = tpu.memref_slice %arg12[%get3A_314, %get3A_315] : memref<32x128xf32, #tpu.memory_space<vmem>> -> memref<16x128xf32, #tpu.memory_space<vmem>>
            %get3A_317 = arith.index_cast %while3A_286 : i32 to index
            %get3A_318 = arith.index_cast %add3A_313 : i32 to index
            %get3A_319 = tpu.vector_load %get3A_316[%get3A_317, %get3A_318] {strides = array<i32>} : memref<16x128xf32, #tpu.memory_space<vmem>>, vector<16xf32>,
            %iota3A_320 = tpu.iota {dimensions = array<i32: 0>} : vector<16xi32>
            %add3A_321 = arith.constant 16 : i32
            %add3A_322 = vector.broadcast %add3A_321 : i32 to vector<16xi32>
            %add3A_323 = arith.addi %add3A_322, %iota3A_320 : vector<16xi32>
            tpu.vector_store_idx %arg10[%add3A_323, %broadcast_in_dim3A_299], %get3A_319 : memref<64x256xf32, #tpu.memory_space<vmem>>[vector<16xi32>, vector<16xi32>], vector<16xf32>,
            %add3A_324 = arith.constant 32 : i32
            %add3A_325 = arith.addi %mul3A_298, %add3A_324 : i32
            %get3A_326 = arith.constant 0 : i32
            %get3A_327 = arith.constant 0 : i32
            %get3A_328 = tpu.memref_slice %arg12[%get3A_326, %get3A_327] : memref<32x128xf32, #tpu.memory_space<vmem>> -> memref<16x128xf32, #tpu.memory_space<vmem>>
            %get3A_329 = arith.index_cast %while3A_286 : i32 to index
            %get3A_330 = arith.index_cast %add3A_325 : i32 to index
            %get3A_331 = tpu.vector_load %get3A_328[%get3A_329, %get3A_330] {strides = array<i32>} : memref<16x128xf32, #tpu.memory_space<vmem>>, vector<16xf32>,
            %iota3A_332 = tpu.iota {dimensions = array<i32: 0>} : vector<16xi32>
            %add3A_333 = arith.constant 32 : i32
            %add3A_334 = vector.broadcast %add3A_333 : i32 to vector<16xi32>
            %add3A_335 = arith.addi %add3A_334, %iota3A_332 : vector<16xi32>
            tpu.vector_store_idx %arg10[%add3A_335, %broadcast_in_dim3A_299], %get3A_331 : memref<64x256xf32, #tpu.memory_space<vmem>>[vector<16xi32>, vector<16xi32>], vector<16xf32>,
            %add3A_336 = arith.constant 48 : i32
            %add3A_337 = arith.addi %mul3A_298, %add3A_336 : i32
            %get3A_338 = arith.constant 0 : i32
            %get3A_339 = arith.constant 0 : i32
            %get3A_340 = tpu.memref_slice %arg12[%get3A_338, %get3A_339] : memref<32x128xf32, #tpu.memory_space<vmem>> -> memref<16x128xf32, #tpu.memory_space<vmem>>
            %get3A_341 = arith.index_cast %while3A_286 : i32 to index
            %get3A_342 = arith.index_cast %add3A_337 : i32 to index
            %get3A_343 = tpu.vector_load %get3A_340[%get3A_341, %get3A_342] {strides = array<i32>} : memref<16x128xf32, #tpu.memory_space<vmem>>, vector<16xf32>,
            %iota3A_344 = tpu.iota {dimensions = array<i32: 0>} : vector<16xi32>
            %add3A_345 = arith.constant 48 : i32
            %add3A_346 = vector.broadcast %add3A_345 : i32 to vector<16xi32>
            %add3A_347 = arith.addi %add3A_346, %iota3A_344 : vector<16xi32>
            tpu.vector_store_idx %arg10[%add3A_347, %broadcast_in_dim3A_299], %get3A_343 : memref<64x256xf32, #tpu.memory_space<vmem>>[vector<16xi32>, vector<16xi32>], vector<16xf32>,
            %while3A_348 = arith.constant 0 : i32
            scf.yield %while3A_348 : i32
          }
          %while3A_285 = arith.constant 0 : i32
          scf.yield %while3A_285 : i32
        }
        %while3A_245 = arith.constant 1 : i32
        %while3A_246 = scf.for %while3A_247 = %while3A_242 to %while3A_238 step %while3A_245 iter_args(%while3A_248 = %while3A_244) -> (i32)  : i32 {
          %add3A_249 = arith.constant 32 : i32
          %add3A_250 = arith.addi %get3A_182, %add3A_249 : i32
          %mul3A_251 = arith.constant 16 : i32
          %mul3A_252 = arith.muli %while3A_247, %mul3A_251 : i32
          %add3A_253 = arith.addi %add3A_250, %mul3A_252 : i32
          %get3A_254 = arith.index_cast %add3A_253 : i32 to index
          %get3A_255 = tpu.vector_load %arg8[%get3A_254] {strides = array<i32>} : memref<32800xi32, #tpu.memory_space<vmem>>, vector<16xi32>,
          %iota3A = tpu.iota {dimensions = array<i32: 0>} : vector<16xi32>
          %add3A_256 = vector.broadcast %add3A_253 : i32 to vector<16xi32>
          %add3A_257 = arith.addi %add3A_256, %iota3A : vector<16xi32>
          %lt3A_258 = vector.broadcast %get3A_186 : i32 to vector<16xi32>
          %lt3A_259 = arith.cmpi slt, %add3A_257, %lt3A_258 : vector<16xi32>
          %iota3A_260 = tpu.iota {dimensions = array<i32: 0>} : vector<16xi32>
          %add3A_261 = vector.broadcast %add3A_253 : i32 to vector<16xi32>
          %add3A_262 = arith.addi %add3A_261, %iota3A_260 : vector<16xi32>
          %rem3A = arith.constant 20000 : i32
          %rem3A_263 = vector.broadcast %rem3A : i32 to vector<16xi32>
          %rem3A_264 = arith.remsi %add3A_262, %rem3A_263 : vector<16xi32>
          %shift_right_logical3A_265 = arith.constant 16 : i32
          %shift_right_logical3A_266 = vector.broadcast %shift_right_logical3A_265 : i32 to vector<16xi32>
          %shift_right_logical3A_267 = arith.shrui %get3A_255, %shift_right_logical3A_266 : vector<16xi32>
          %select_n3A = arith.select %lt3A_259, %shift_right_logical3A_267, %rem3A_264 : vector<16xi1>, vector<16xi32>
          %swap3A_268 = arith.constant 0 : index
          %swap3A_269 = tpu.vector_load %arg14[%swap3A_268] {strides = array<i32>} : memref<32xi32, #tpu.memory_space<vmem>>, vector<16xi32>,
          tpu.vector_store %arg14[%swap3A_268], %select_n3A {strides = array<i32>} : memref<32xi32, #tpu.memory_space<vmem>>, vector<16xi32>,
          "tpu.region"() ({
            %run_scoped3A = tpu.sem_alloc : memref<!tpu.dma_semaphore, #tpu.memory_space<semaphore_mem>>
            %dma_start3A_286 = arith.constant 0 : i32
            %dma_start3A_287 = arith.constant 0 : i32
            %dma_start3A_288 = tpu.memref_slice %arg12[%dma_start3A_286, %dma_start3A_287] : memref<32x128xf32, #tpu.memory_space<vmem>> -> memref<16x128xf32, #tpu.memory_space<vmem>>
            %dma_start3A_289 = arith.constant 0 : i32
            %dma_start3A_290 = tpu.memref_slice %arg14[%dma_start3A_289] : memref<32xi32, #tpu.memory_space<vmem>> -> memref<16xi32, #tpu.memory_space<vmem>>
            %dma_start3A_291 = arith.constant 0 : i32
            %dma_start3A_292 = arith.constant 0 : i32
            %dma_start3A_293 = tpu.memref_slice %arg2[%dma_start3A_291, %dma_start3A_292] : memref<20000x128xf32, #tpu.memory_space<hbm>> -> memref<20000x128xf32, #tpu.memory_space<hbm>>
            tpu.enqueue_indirect_dma source(%dma_start3A_293 : memref<20000x128xf32, #tpu.memory_space<hbm>>) target(%dma_start3A_288 : memref<16x128xf32, #tpu.memory_space<vmem>>) offsets(%dma_start3A_290 : memref<16xi32, #tpu.memory_space<vmem>>) semaphore(%run_scoped3A : memref<!tpu.dma_semaphore, #tpu.memory_space<semaphore_mem>>)
            %dma_wait3A_294 = arith.constant 0 : i32
            %dma_wait3A_295 = arith.constant 0 : i32
            %dma_wait3A_296 = tpu.memref_slice %arg12[%dma_wait3A_294, %dma_wait3A_295] : memref<32x128xf32, #tpu.memory_space<vmem>> -> memref<16x128xf32, #tpu.memory_space<vmem>>
            %dma_wait3A_297 = arith.constant 0 : i32
            %dma_wait3A_298 = tpu.memref_slice %arg14[%dma_wait3A_297] : memref<32xi32, #tpu.memory_space<vmem>> -> memref<16xi32, #tpu.memory_space<vmem>>
            %dma_wait3A_299 = arith.constant 0 : i32
            %dma_wait3A_300 = arith.constant 0 : i32
            %dma_wait3A_301 = tpu.memref_slice %arg2[%dma_wait3A_299, %dma_wait3A_300] : memref<20000x128xf32, #tpu.memory_space<hbm>> -> memref<20000x128xf32, #tpu.memory_space<hbm>>
            tpu.wait_indirect_dma semaphore(%run_scoped3A : memref<!tpu.dma_semaphore, #tpu.memory_space<semaphore_mem>>) src(%dma_wait3A_301 : memref<20000x128xf32, #tpu.memory_space<hbm>>) dst(%dma_wait3A_296 : memref<16x128xf32, #tpu.memory_space<vmem>>)
            tpu.yield
          }) : () -> ()
          %sub3A_270 = arith.subi %get3A_186, %add3A_253 : i32
          %min3A_271 = arith.constant 16 : i32
          %min3A_272 = arith.minsi %min3A_271, %sub3A_270 : i32
          %while3A_273 = arith.constant 0 : i32
          %while3A_274 = arith.constant 0 : i32
          %while3A_275 = arith.subi %min3A_272, %while3A_273 : i32
          %while3A_276 = arith.addi %while3A_273, %while3A_275 : i32
          %while3A_277 = arith.constant 1 : i32
          %while3A_278 = arith.divsi %while3A_275, %while3A_277 : i32
          %while3A_279 = arith.muli %while3A_278, %while3A_277 : i32
          %while3A_280 = arith.addi %while3A_273, %while3A_279 : i32
          %while3A_281 = arith.constant 1 : i32
          %while3A_282 = scf.for %while3A_286 = %while3A_273 to %while3A_280 step %while3A_281 iter_args(%while3A_287 = %while3A_274) -> (i32)  : i32 {
            %add3A_288 = arith.addi %add3A_253, %while3A_286 : i32
            %get3A_289 = arith.index_cast %add3A_288 : i32 to index
            %get3A_290 = tpu.vector_load %arg8[%get3A_289] {strides = array<i32>} : memref<32800xi32, #tpu.memory_space<vmem>>, vector<16xi32>,
            %slice3A = vector.extract_strided_slice %get3A_290 {offsets = [0], sizes = [1], strides = [1]} : vector<16xi32> to vector<1xi32>
            %squeeze3A = vector.extract %slice3A[0] : i32 from vector<1xi32>
            %and3A_291 = arith.constant 255 : i32
            %and3A_292 = arith.andi %squeeze3A, %and3A_291 : i32
            %shift_right_logical3A_293 = arith.constant 15 : i32
            %shift_right_logical3A_294 = arith.shrui %squeeze3A, %shift_right_logical3A_293 : i32
            %and3A_295 = arith.constant 1 : i32
            %and3A_296 = arith.andi %shift_right_logical3A_294, %and3A_295 : i32
            %mul3A_297 = arith.constant 64 : i32
            %mul3A_298 = arith.muli %and3A_296, %mul3A_297 : i32
            %broadcast_in_dim3A_299 = vector.broadcast %and3A_292 : i32 to vector<16xi32>
            %add3A_300 = arith.constant 0 : i32
            %add3A_301 = arith.addi %mul3A_298, %add3A_300 : i32
            %get3A_302 = arith.constant 0 : i32
            %get3A_303 = arith.constant 0 : i32
            %get3A_304 = tpu.memref_slice %arg12[%get3A_302, %get3A_303] : memref<32x128xf32, #tpu.memory_space<vmem>> -> memref<16x128xf32, #tpu.memory_space<vmem>>
            %get3A_305 = arith.index_cast %while3A_286 : i32 to index
            %get3A_306 = arith.index_cast %add3A_301 : i32 to index
            %get3A_307 = tpu.vector_load %get3A_304[%get3A_305, %get3A_306] {strides = array<i32>} : memref<16x128xf32, #tpu.memory_space<vmem>>, vector<16xf32>,
            %iota3A_308 = tpu.iota {dimensions = array<i32: 0>} : vector<16xi32>
            %add3A_309 = arith.constant 0 : i32
            %add3A_310 = vector.broadcast %add3A_309 : i32 to vector<16xi32>
            %add3A_311 = arith.addi %add3A_310, %iota3A_308 : vector<16xi32>
            tpu.vector_store_idx %arg10[%add3A_311, %broadcast_in_dim3A_299], %get3A_307 : memref<64x256xf32, #tpu.memory_space<vmem>>[vector<16xi32>, vector<16xi32>], vector<16xf32>,
            %add3A_312 = arith.constant 16 : i32
            %add3A_313 = arith.addi %mul3A_298, %add3A_312 : i32
            %get3A_314 = arith.constant 0 : i32
            %get3A_315 = arith.constant 0 : i32
            %get3A_316 = tpu.memref_slice %arg12[%get3A_314, %get3A_315] : memref<32x128xf32, #tpu.memory_space<vmem>> -> memref<16x128xf32, #tpu.memory_space<vmem>>
            %get3A_317 = arith.index_cast %while3A_286 : i32 to index
            %get3A_318 = arith.index_cast %add3A_313 : i32 to index
            %get3A_319 = tpu.vector_load %get3A_316[%get3A_317, %get3A_318] {strides = array<i32>} : memref<16x128xf32, #tpu.memory_space<vmem>>, vector<16xf32>,
            %iota3A_320 = tpu.iota {dimensions = array<i32: 0>} : vector<16xi32>
            %add3A_321 = arith.constant 16 : i32
            %add3A_322 = vector.broadcast %add3A_321 : i32 to vector<16xi32>
            %add3A_323 = arith.addi %add3A_322, %iota3A_320 : vector<16xi32>
            tpu.vector_store_idx %arg10[%add3A_323, %broadcast_in_dim3A_299], %get3A_319 : memref<64x256xf32, #tpu.memory_space<vmem>>[vector<16xi32>, vector<16xi32>], vector<16xf32>,
            %add3A_324 = arith.constant 32 : i32
            %add3A_325 = arith.addi %mul3A_298, %add3A_324 : i32
            %get3A_326 = arith.constant 0 : i32
            %get3A_327 = arith.constant 0 : i32
            %get3A_328 = tpu.memref_slice %arg12[%get3A_326, %get3A_327] : memref<32x128xf32, #tpu.memory_space<vmem>> -> memref<16x128xf32, #tpu.memory_space<vmem>>
            %get3A_329 = arith.index_cast %while3A_286 : i32 to index
            %get3A_330 = arith.index_cast %add3A_325 : i32 to index
            %get3A_331 = tpu.vector_load %get3A_328[%get3A_329, %get3A_330] {strides = array<i32>} : memref<16x128xf32, #tpu.memory_space<vmem>>, vector<16xf32>,
            %iota3A_332 = tpu.iota {dimensions = array<i32: 0>} : vector<16xi32>
            %add3A_333 = arith.constant 32 : i32
            %add3A_334 = vector.broadcast %add3A_333 : i32 to vector<16xi32>
            %add3A_335 = arith.addi %add3A_334, %iota3A_332 : vector<16xi32>
            tpu.vector_store_idx %arg10[%add3A_335, %broadcast_in_dim3A_299], %get3A_331 : memref<64x256xf32, #tpu.memory_space<vmem>>[vector<16xi32>, vector<16xi32>], vector<16xf32>,
            %add3A_336 = arith.constant 48 : i32
            %add3A_337 = arith.addi %mul3A_298, %add3A_336 : i32
            %get3A_338 = arith.constant 0 : i32
            %get3A_339 = arith.constant 0 : i32
            %get3A_340 = tpu.memref_slice %arg12[%get3A_338, %get3A_339] : memref<32x128xf32, #tpu.memory_space<vmem>> -> memref<16x128xf32, #tpu.memory_space<vmem>>
            %get3A_341 = arith.index_cast %while3A_286 : i32 to index
            %get3A_342 = arith.index_cast %add3A_337 : i32 to index
            %get3A_343 = tpu.vector_load %get3A_340[%get3A_341, %get3A_342] {strides = array<i32>} : memref<16x128xf32, #tpu.memory_space<vmem>>, vector<16xf32>,
            %iota3A_344 = tpu.iota {dimensions = array<i32: 0>} : vector<16xi32>
            %add3A_345 = arith.constant 48 : i32
            %add3A_346 = vector.broadcast %add3A_345 : i32 to vector<16xi32>
            %add3A_347 = arith.addi %add3A_346, %iota3A_344 : vector<16xi32>
            tpu.vector_store_idx %arg10[%add3A_347, %broadcast_in_dim3A_299], %get3A_343 : memref<64x256xf32, #tpu.memory_space<vmem>>[vector<16xi32>, vector<16xi32>], vector<16xf32>,
            %while3A_348 = arith.constant 0 : i32
            scf.yield %while3A_348 : i32
          }
          %while3A_283 = arith.constant 1 : i32
          %while3A_284 = scf.for %while3A_286 = %while3A_280 to %while3A_276 step %while3A_283 iter_args(%while3A_287 = %while3A_282) -> (i32)  : i32 {
            %add3A_288 = arith.addi %add3A_253, %while3A_286 : i32
            %get3A_289 = arith.index_cast %add3A_288 : i32 to index
            %get3A_290 = tpu.vector_load %arg8[%get3A_289] {strides = array<i32>} : memref<32800xi32, #tpu.memory_space<vmem>>, vector<16xi32>,
            %slice3A = vector.extract_strided_slice %get3A_290 {offsets = [0], sizes = [1], strides = [1]} : vector<16xi32> to vector<1xi32>
            %squeeze3A = vector.extract %slice3A[0] : i32 from vector<1xi32>
            %and3A_291 = arith.constant 255 : i32
            %and3A_292 = arith.andi %squeeze3A, %and3A_291 : i32
            %shift_right_logical3A_293 = arith.constant 15 : i32
            %shift_right_logical3A_294 = arith.shrui %squeeze3A, %shift_right_logical3A_293 : i32
            %and3A_295 = arith.constant 1 : i32
            %and3A_296 = arith.andi %shift_right_logical3A_294, %and3A_295 : i32
            %mul3A_297 = arith.constant 64 : i32
            %mul3A_298 = arith.muli %and3A_296, %mul3A_297 : i32
            %broadcast_in_dim3A_299 = vector.broadcast %and3A_292 : i32 to vector<16xi32>
            %add3A_300 = arith.constant 0 : i32
            %add3A_301 = arith.addi %mul3A_298, %add3A_300 : i32
            %get3A_302 = arith.constant 0 : i32
            %get3A_303 = arith.constant 0 : i32
            %get3A_304 = tpu.memref_slice %arg12[%get3A_302, %get3A_303] : memref<32x128xf32, #tpu.memory_space<vmem>> -> memref<16x128xf32, #tpu.memory_space<vmem>>
            %get3A_305 = arith.index_cast %while3A_286 : i32 to index
            %get3A_306 = arith.index_cast %add3A_301 : i32 to index
            %get3A_307 = tpu.vector_load %get3A_304[%get3A_305, %get3A_306] {strides = array<i32>} : memref<16x128xf32, #tpu.memory_space<vmem>>, vector<16xf32>,
            %iota3A_308 = tpu.iota {dimensions = array<i32: 0>} : vector<16xi32>
            %add3A_309 = arith.constant 0 : i32
            %add3A_310 = vector.broadcast %add3A_309 : i32 to vector<16xi32>
            %add3A_311 = arith.addi %add3A_310, %iota3A_308 : vector<16xi32>
            tpu.vector_store_idx %arg10[%add3A_311, %broadcast_in_dim3A_299], %get3A_307 : memref<64x256xf32, #tpu.memory_space<vmem>>[vector<16xi32>, vector<16xi32>], vector<16xf32>,
            %add3A_312 = arith.constant 16 : i32
            %add3A_313 = arith.addi %mul3A_298, %add3A_312 : i32
            %get3A_314 = arith.constant 0 : i32
            %get3A_315 = arith.constant 0 : i32
            %get3A_316 = tpu.memref_slice %arg12[%get3A_314, %get3A_315] : memref<32x128xf32, #tpu.memory_space<vmem>> -> memref<16x128xf32, #tpu.memory_space<vmem>>
            %get3A_317 = arith.index_cast %while3A_286 : i32 to index
            %get3A_318 = arith.index_cast %add3A_313 : i32 to index
            %get3A_319 = tpu.vector_load %get3A_316[%get3A_317, %get3A_318] {strides = array<i32>} : memref<16x128xf32, #tpu.memory_space<vmem>>, vector<16xf32>,
            %iota3A_320 = tpu.iota {dimensions = array<i32: 0>} : vector<16xi32>
            %add3A_321 = arith.constant 16 : i32
            %add3A_322 = vector.broadcast %add3A_321 : i32 to vector<16xi32>
            %add3A_323 = arith.addi %add3A_322, %iota3A_320 : vector<16xi32>
            tpu.vector_store_idx %arg10[%add3A_323, %broadcast_in_dim3A_299], %get3A_319 : memref<64x256xf32, #tpu.memory_space<vmem>>[vector<16xi32>, vector<16xi32>], vector<16xf32>,
            %add3A_324 = arith.constant 32 : i32
            %add3A_325 = arith.addi %mul3A_298, %add3A_324 : i32
            %get3A_326 = arith.constant 0 : i32
            %get3A_327 = arith.constant 0 : i32
            %get3A_328 = tpu.memref_slice %arg12[%get3A_326, %get3A_327] : memref<32x128xf32, #tpu.memory_space<vmem>> -> memref<16x128xf32, #tpu.memory_space<vmem>>
            %get3A_329 = arith.index_cast %while3A_286 : i32 to index
            %get3A_330 = arith.index_cast %add3A_325 : i32 to index
            %get3A_331 = tpu.vector_load %get3A_328[%get3A_329, %get3A_330] {strides = array<i32>} : memref<16x128xf32, #tpu.memory_space<vmem>>, vector<16xf32>,
            %iota3A_332 = tpu.iota {dimensions = array<i32: 0>} : vector<16xi32>
            %add3A_333 = arith.constant 32 : i32
            %add3A_334 = vector.broadcast %add3A_333 : i32 to vector<16xi32>
            %add3A_335 = arith.addi %add3A_334, %iota3A_332 : vector<16xi32>
            tpu.vector_store_idx %arg10[%add3A_335, %broadcast_in_dim3A_299], %get3A_331 : memref<64x256xf32, #tpu.memory_space<vmem>>[vector<16xi32>, vector<16xi32>], vector<16xf32>,
            %add3A_336 = arith.constant 48 : i32
            %add3A_337 = arith.addi %mul3A_298, %add3A_336 : i32
            %get3A_338 = arith.constant 0 : i32
            %get3A_339 = arith.constant 0 : i32
            %get3A_340 = tpu.memref_slice %arg12[%get3A_338, %get3A_339] : memref<32x128xf32, #tpu.memory_space<vmem>> -> memref<16x128xf32, #tpu.memory_space<vmem>>
            %get3A_341 = arith.index_cast %while3A_286 : i32 to index
            %get3A_342 = arith.index_cast %add3A_337 : i32 to index
            %get3A_343 = tpu.vector_load %get3A_340[%get3A_341, %get3A_342] {strides = array<i32>} : memref<16x128xf32, #tpu.memory_space<vmem>>, vector<16xf32>,
            %iota3A_344 = tpu.iota {dimensions = array<i32: 0>} : vector<16xi32>
            %add3A_345 = arith.constant 48 : i32
            %add3A_346 = vector.broadcast %add3A_345 : i32 to vector<16xi32>
            %add3A_347 = arith.addi %add3A_346, %iota3A_344 : vector<16xi32>
            tpu.vector_store_idx %arg10[%add3A_347, %broadcast_in_dim3A_299], %get3A_343 : memref<64x256xf32, #tpu.memory_space<vmem>>[vector<16xi32>, vector<16xi32>], vector<16xf32>,
            %while3A_348 = arith.constant 0 : i32
            scf.yield %while3A_348 : i32
          }
          %while3A_285 = arith.constant 0 : i32
          scf.yield %while3A_285 : i32
        }
      } else {
      }
      %shift_right_logical3A_210 = arith.constant 1 : i32
      %shift_right_logical3A_211 = arith.shrui %add3A_175, %shift_right_logical3A_210 : i32
      %add3A_212 = arith.addi %mul3A_68, %shift_right_logical3A_211 : i32
      %and3A_213 = arith.constant 1 : i32
      %and3A_214 = arith.andi %add3A_175, %and3A_213 : i32
      %mul3A_215 = arith.constant 256 : i32
      %mul3A_216 = arith.muli %and3A_214, %mul3A_215 : i32
      %dma_start3A_217 = tpu.memref_slice %arg4[%mul3A_65, %add3A_212, %mul3A_216] : memref<256x512x512xf32, #tpu.memory_space<hbm>> -> memref<64x1x256xf32, #tpu.memory_space<hbm>>
      %dma_start3A_218 = tpu.memref_squeeze %dma_start3A_217 : memref<64x1x256xf32, #tpu.memory_space<hbm>> -> memref<64x256xf32, #tpu.memory_space<hbm>>
      %dma_start3A_219 = tpu.memref_slice %arg4[%mul3A_65, %add3A_212, %mul3A_216] : memref<256x512x512xf32, #tpu.memory_space<hbm>> -> memref<64x1x256xf32, #tpu.memory_space<hbm>>
      %dma_start3A_220 = tpu.memref_squeeze %dma_start3A_219 : memref<64x1x256xf32, #tpu.memory_space<hbm>> -> memref<64x256xf32, #tpu.memory_space<hbm>>
      tpu.enqueue_dma source(%arg10 : memref<64x256xf32, #tpu.memory_space<vmem>>) target(%dma_start3A_220 : memref<64x256xf32, #tpu.memory_space<hbm>>) target_semaphore(%arg20 : memref<!tpu.dma_semaphore, #tpu.memory_space<semaphore_mem>>)
      %add3A_221 = arith.constant 2 : i32
      %add3A_222 = arith.addi %add3A_175, %add3A_221 : i32
      %lt3A_223 = arith.constant 128 : i32
      %lt3A_224 = arith.cmpi slt, %add3A_222, %lt3A_223 : i32
      %convert_element_type3A_225 = arith.extui %lt3A_224 : i1 to i32
      %cond3A_226 = arith.constant 0 : i32
      %cond3A_227 = arith.cmpi ne, %convert_element_type3A_225, %cond3A_226 : i32
      scf.if %cond3A_227 {
        %get3A_229 = arith.index_cast %add3A_222 : i32 to index
        %get3A_230 = memref.load %arg21[%get3A_229] : memref<129xi32, #tpu.memory_space<smem>>
        %add3A_231 = arith.constant 1 : i32
        %add3A_232 = arith.addi %add3A_222, %add3A_231 : i32
        %get3A_233 = arith.index_cast %add3A_232 : i32 to index
        %get3A_234 = memref.load %arg21[%get3A_233] : memref<129xi32, #tpu.memory_space<smem>>
        %add3A_235 = arith.constant 0 : i32
        %add3A_236 = arith.addi %get3A_230, %add3A_235 : i32
        %get3A_237 = arith.index_cast %add3A_236 : i32 to index
        %get3A_238 = tpu.vector_load %arg8[%get3A_237] {strides = array<i32>} : memref<32800xi32, #tpu.memory_space<vmem>>, vector<16xi32>,
        %add3A_239 = arith.constant 0 : i32
        %add3A_240 = arith.addi %get3A_230, %add3A_239 : i32
        %iota3A = tpu.iota {dimensions = array<i32: 0>} : vector<16xi32>
        %add3A_241 = vector.broadcast %add3A_240 : i32 to vector<16xi32>
        %add3A_242 = arith.addi %add3A_241, %iota3A : vector<16xi32>
        %lt3A_243 = vector.broadcast %get3A_234 : i32 to vector<16xi32>
        %lt3A_244 = arith.cmpi slt, %add3A_242, %lt3A_243 : vector<16xi32>
        %add3A_245 = arith.constant 0 : i32
        %add3A_246 = arith.addi %get3A_230, %add3A_245 : i32
        %iota3A_247 = tpu.iota {dimensions = array<i32: 0>} : vector<16xi32>
        %add3A_248 = vector.broadcast %add3A_246 : i32 to vector<16xi32>
        %add3A_249 = arith.addi %add3A_248, %iota3A_247 : vector<16xi32>
        %rem3A = arith.constant 20000 : i32
        %rem3A_250 = vector.broadcast %rem3A : i32 to vector<16xi32>
        %rem3A_251 = arith.remsi %add3A_249, %rem3A_250 : vector<16xi32>
        %shift_right_logical3A_252 = arith.constant 16 : i32
        %shift_right_logical3A_253 = vector.broadcast %shift_right_logical3A_252 : i32 to vector<16xi32>
        %shift_right_logical3A_254 = arith.shrui %get3A_238, %shift_right_logical3A_253 : vector<16xi32>
        %select_n3A = arith.select %lt3A_244, %shift_right_logical3A_254, %rem3A_251 : vector<16xi1>, vector<16xi32>
        %swap3A_255 = arith.constant 0 : index
        %swap3A_256 = tpu.vector_load %arg14[%swap3A_255] {strides = array<i32>} : memref<32xi32, #tpu.memory_space<vmem>>, vector<16xi32>,
        tpu.vector_store %arg14[%swap3A_255], %select_n3A {strides = array<i32>} : memref<32xi32, #tpu.memory_space<vmem>>, vector<16xi32>,
        %add3A_257 = arith.constant 16 : i32
        %add3A_258 = arith.addi %get3A_230, %add3A_257 : i32
        %get3A_259 = arith.index_cast %add3A_258 : i32 to index
        %get3A_260 = tpu.vector_load %arg8[%get3A_259] {strides = array<i32>} : memref<32800xi32, #tpu.memory_space<vmem>>, vector<16xi32>,
        %add3A_261 = arith.constant 16 : i32
        %add3A_262 = arith.addi %get3A_230, %add3A_261 : i32
        %iota3A_263 = tpu.iota {dimensions = array<i32: 0>} : vector<16xi32>
        %add3A_264 = vector.broadcast %add3A_262 : i32 to vector<16xi32>
        %add3A_265 = arith.addi %add3A_264, %iota3A_263 : vector<16xi32>
        %lt3A_266 = vector.broadcast %get3A_234 : i32 to vector<16xi32>
        %lt3A_267 = arith.cmpi slt, %add3A_265, %lt3A_266 : vector<16xi32>
        %add3A_268 = arith.constant 16 : i32
        %add3A_269 = arith.addi %get3A_230, %add3A_268 : i32
        %iota3A_270 = tpu.iota {dimensions = array<i32: 0>} : vector<16xi32>
        %add3A_271 = vector.broadcast %add3A_269 : i32 to vector<16xi32>
        %add3A_272 = arith.addi %add3A_271, %iota3A_270 : vector<16xi32>
        %rem3A_273 = arith.constant 20000 : i32
        %rem3A_274 = vector.broadcast %rem3A_273 : i32 to vector<16xi32>
        %rem3A_275 = arith.remsi %add3A_272, %rem3A_274 : vector<16xi32>
        %shift_right_logical3A_276 = arith.constant 16 : i32
        %shift_right_logical3A_277 = vector.broadcast %shift_right_logical3A_276 : i32 to vector<16xi32>
        %shift_right_logical3A_278 = arith.shrui %get3A_260, %shift_right_logical3A_277 : vector<16xi32>
        %select_n3A_279 = arith.select %lt3A_267, %shift_right_logical3A_278, %rem3A_275 : vector<16xi1>, vector<16xi32>
        %swap3A_280 = arith.constant 16 : index
        %swap3A_281 = tpu.vector_load %arg14[%swap3A_280] {strides = array<i32>} : memref<32xi32, #tpu.memory_space<vmem>>, vector<16xi32>,
        tpu.vector_store %arg14[%swap3A_280], %select_n3A_279 {strides = array<i32>} : memref<32xi32, #tpu.memory_space<vmem>>, vector<16xi32>,
        %dma_start3A_282 = arith.constant 0 : i32
        %dma_start3A_283 = arith.constant 0 : i32
        %dma_start3A_284 = tpu.memref_slice %arg2[%dma_start3A_282, %dma_start3A_283] : memref<20000x128xf32, #tpu.memory_space<hbm>> -> memref<20000x128xf32, #tpu.memory_space<hbm>>
        tpu.enqueue_indirect_dma source(%dma_start3A_284 : memref<20000x128xf32, #tpu.memory_space<hbm>>) target(%arg12 : memref<32x128xf32, #tpu.memory_space<vmem>>) offsets(%arg14 : memref<32xi32, #tpu.memory_space<vmem>>) semaphore(%arg18 : memref<!tpu.dma_semaphore, #tpu.memory_space<semaphore_mem>>)
      } else {
      }
      %scan3A_228 = arith.constant 0 : i32
      scf.yield %scan3A_228 : i32
    }
    %scan3A_99 = arith.constant 64 : i32
    %shift_right_logical3A = arith.constant 126 : i32
    %shift_right_logical3A_100 = arith.constant 1 : i32
    %shift_right_logical3A_101 = arith.shrui %shift_right_logical3A, %shift_right_logical3A_100 : i32
    %add3A_102 = arith.addi %mul3A_68, %shift_right_logical3A_101 : i32
    %and3A_103 = arith.constant 126 : i32
    %and3A_104 = arith.constant 1 : i32
    %and3A_105 = arith.andi %and3A_103, %and3A_104 : i32
    %mul3A_106 = arith.constant 256 : i32
    %mul3A_107 = arith.muli %and3A_105, %mul3A_106 : i32
    %dma_wait3A = tpu.memref_slice %arg4[%mul3A_65, %add3A_102, %mul3A_107] : memref<256x512x512xf32, #tpu.memory_space<hbm>> -> memref<64x1x256xf32, #tpu.memory_space<hbm>>
    %dma_wait3A_108 = tpu.memref_squeeze %dma_wait3A : memref<64x1x256xf32, #tpu.memory_space<hbm>> -> memref<64x256xf32, #tpu.memory_space<hbm>>
    %dma_wait3A_109 = tpu.memref_slice %arg4[%mul3A_65, %add3A_102, %mul3A_107] : memref<256x512x512xf32, #tpu.memory_space<hbm>> -> memref<64x1x256xf32, #tpu.memory_space<hbm>>
    %dma_wait3A_110 = tpu.memref_squeeze %dma_wait3A_109 : memref<64x1x256xf32, #tpu.memory_space<hbm>> -> memref<64x256xf32, #tpu.memory_space<hbm>>
    tpu.wait_dma2 semaphore(%arg19 : memref<!tpu.dma_semaphore, #tpu.memory_space<semaphore_mem>>) src(%arg9 : memref<64x256xf32, #tpu.memory_space<vmem>>) dst(%dma_wait3A_110 : memref<64x256xf32, #tpu.memory_space<hbm>>)
    %shift_right_logical3A_111 = arith.constant 127 : i32
    %shift_right_logical3A_112 = arith.constant 1 : i32
    %shift_right_logical3A_113 = arith.shrui %shift_right_logical3A_111, %shift_right_logical3A_112 : i32
    %add3A_114 = arith.addi %mul3A_68, %shift_right_logical3A_113 : i32
    %and3A_115 = arith.constant 127 : i32
    %and3A_116 = arith.constant 1 : i32
    %and3A_117 = arith.andi %and3A_115, %and3A_116 : i32
    %mul3A_118 = arith.constant 256 : i32
    %mul3A_119 = arith.muli %and3A_117, %mul3A_118 : i32
    %dma_wait3A_120 = tpu.memref_slice %arg4[%mul3A_65, %add3A_114, %mul3A_119] : memref<256x512x512xf32, #tpu.memory_space<hbm>> -> memref<64x1x256xf32, #tpu.memory_space<hbm>>
    %dma_wait3A_121 = tpu.memref_squeeze %dma_wait3A_120 : memref<64x1x256xf32, #tpu.memory_space<hbm>> -> memref<64x256xf32, #tpu.memory_space<hbm>>
    %dma_wait3A_122 = tpu.memref_slice %arg4[%mul3A_65, %add3A_114, %mul3A_119] : memref<256x512x512xf32, #tpu.memory_space<hbm>> -> memref<64x1x256xf32, #tpu.memory_space<hbm>>
    %dma_wait3A_123 = tpu.memref_squeeze %dma_wait3A_122 : memref<64x1x256xf32, #tpu.memory_space<hbm>> -> memref<64x256xf32, #tpu.memory_space<hbm>>
    tpu.wait_dma2 semaphore(%arg20 : memref<!tpu.dma_semaphore, #tpu.memory_space<semaphore_mem>>) src(%arg10 : memref<64x256xf32, #tpu.memory_space<vmem>>) dst(%dma_wait3A_123 : memref<64x256xf32, #tpu.memory_space<hbm>>)
    "tpu.trace_stop"() : () -> ()
    return
  }
}

</mosaic_0001>

<sc_bundles>
// kernel: kernel.3.cloned.1.call-start
scs
__scs_entry_jumppad:
0x0: {  	(pc) =	sbr.rel $0x88, $3  }
0x1: {  	(tag) =	ssettag $0x0;
	lr =	simm.s32 $0x1  }
0x2: {  	[smem:$0x3F9F] =	sst lr;
	_ =	strace $0xD0000000  }
0x3: {  	_ = 	snop  }
0x4: {  	_ = 	snop  }
0x5: {  	_ = 	snop  }
0x6: {  	_ = 	snop  }
0x7: {  	_ = 	snop  }
__scs_overlays_trampoline_lowered:
0x8: {  	[smem:$0x3FAE] =	sst s0  }
0x9: {  	[smem:$0x3FAF] =	sst s1  }
0xa: {  	[smem:$0x3FB0] =	sst s2  }
0xb: {  	[smem:$0x3FB1] =	sst s3  }
0xc: {  	[smem:$0x3FB2] =	sst s4  }
0xd: {  	[smem:$0x3FB3] =	sst s5  }
0xe: {  	[smem:$0x3FB4] =	sst s6  }
0xf: {  	[smem:$0x3FB5] =	sst s7  }
0x10: {  	[smem:$0x3FB6] =	sst s8  }
0x11: {  	[smem:$0x3FB7] =	sst s9;
	s0 =	simm.s32 @!p0 $0x0  }
0x12: {  	s1 =	sld [smem:$0x3F9D];
	s0 =	simm.s32 @p0 $0x1  }
0x13: {  	[smem:$0x3FB8] =	sst s0;
	s0 =	simm.s32 @!p1 $0x0  }
0x14: {  	s2 =	sld [smem:$0x3F9C];
	s0 =	simm.s32 @p1 $0x1  }
0x15: {  	[smem:$0x3FB9] =	sst s0;
	s0 =	simm.s32 @!p2 $0x0  }
0x16: {  	s3 =	sld [smem:$0x3FDB];
	s0 =	simm.s32 @p2 $0x1  }
0x17: {  	s4 =	simm.s32 $0x1BF5;
	[smem:$0x3FBB] =	sst s0  }
0x18: {  	s0 =	sld [smem:$0x3F9E];
	_ =	swait.ge [sflag:s4], $0x0  }
0x19: {  	s7 =	sld [smem:$0x3F9F]  }
0x1a: {  	s8 =	sadd.s32 $0xFFFFE003, lr  }
0x1b: {  	s9 =	sadd.s32 $0xFFFFFEF7, lr;
	s5 =	simm.s32 $0xFFFFFFFF;
	p2 =	slt.u32 s8, $0xFFFFF086  }
0x1c: {  	p1 =	slt.u32 s9, $0xF7A;
	s5 =	simm.s32 @!p2 $0x0  }
0x1d: {  	s5 =	simm.s32 @p1 $0x1;
	p0 =	seq.s32 s7, s2  }
0x1e: {  	s7 =	smul.u32 @!p0 $0xF7A, s2;
	p2 =	seq.s32 @!p0 s5, $0x0  }
0x1f: {  	s9 =	smul.u32 $0xF7A, s1;
	s8 =	simm.s32 @!p0 $0x1BF5;
	p2 =	por !p2, p0  }
0x20: {  	[sflag:s8] =	ssyncset.s32 @!p0 $0xFFFFF086;
	s6 =	sadd.s32 @!p0 s3, s7;
	s7 =	simm.s32 @!p0 $0x108  }
0x21: {  	s3 =	sadd.s32 s3, s9;
	s6 =	sadd.s32 @!p0 $0x88, s6;
	s7 =	simm.s32 @p2 $0x1082  }
0x22: {  	[simem:s7], [sflag:s8] =	dma.local @!p0 [hbm:s6], $0xF7A  }
0x23: {  	s9 =	sor.u32 $0xD0000000, s2;
	s6 =	simm.s32 $0x108;
	_ =	swait.ge @!p0 [sflag:s8], $0x0  }
0x24: {  	s3 =	sadd.s32 $0x88, s3;
	s6 =	simm.s32 @!p1 $0x1082;
	[sflag:s4] =	ssyncset.s32 $0xFFFFF086  }
0x25: {  	[simem:s6], [sflag:s4] =	dma.local [hbm:s3], $0xF7A  }
0x26: {  	[smem:$0x3F9F] =	sst s1;
	(tag) =	ssettag s2;
	_ =	strace s9  }
0x27: {  	s1 =	sld [smem:$0x3FAF]  }
0x28: {  	s2 =	sld [smem:$0x3FB0]  }
0x29: {  	s4 =	sld [smem:$0x3FB2]  }
0x2a: {  	p0 =	seq.s32 s5, $0x0;
	s5 =	sld [smem:$0x3FB3]  }
0x2b: {  	s6 =	sld [smem:$0x3FB4]  }
0x2c: {  	s7 =	sld [smem:$0x3FB5]  }
0x2d: {  	s3 =	simm.s32 $0x108;
	s8 =	sld [smem:$0x3FB6]  }
0x2e: {  	s3 =	simm.s32 @!p0 $0x1082;
	s9 =	sld [smem:$0x3FB7]  }
0x2f: {  	lr =	sadd.s32 s0, s3;
	s0 =	sld [smem:$0x3FAE]  }
0x30: {  	s3 =	sld [smem:$0x3FB1]  }
0x31: {  	[smem:$0x3FBA] =	sst s10  }
0x32: {  	s10 =	sld [smem:$0x3FB8];
	_ =	sdelay $0x3  }
0x33: {  	p0 =	seq.s32 s10, $0x1;
	s10 =	sld [smem:$0x3FBA];
	_ =	sdelay $0x3  }
0x34: {  	[smem:$0x3FBA] =	sst s10  }
0x35: {  	s10 =	sld [smem:$0x3FB9];
	_ =	sdelay $0x3  }
0x36: {  	p1 =	seq.s32 s10, $0x1;
	s10 =	sld [smem:$0x3FBA];
	_ =	sdelay $0x3  }
0x37: {  	[smem:$0x3FBA] =	sst s10  }
0x38: {  	s10 =	sld [smem:$0x3FBB]  }
0x39: {  	_ = 	snop;
	(pc) =	sbr.ind lr, $3  }
0x3a: {  	_ = 	snop  }
0x3b: {  	_ = 	snop  }
0x3c: {  	p2 =	seq.s32 s10, $0x1;
	s10 =	sld [smem:$0x3FBA]  }
0x3d: {  	_ =	shalt  }
0x3e: {  	_ =	shalt  }
0x3f: {  	_ =	shalt  }
0x40: {  	_ =	shalt  }
0x41: {  	_ =	shalt  }
0x42: {  	_ =	shalt  }
0x43: {  	_ =	shalt  }
0x44: {  	_ =	shalt  }
0x45: {  	_ =	shalt  }
0x46: {  	_ =	shalt  }
0x47: {  	_ =	shalt  }
0x48: {  	_ =	shalt  }
0x49: {  	_ =	shalt  }
0x4a: {  	_ =	shalt  }
0x4b: {  	_ =	shalt  }
0x4c: {  	_ =	shalt  }
0x4d: {  	_ =	shalt  }
0x4e: {  	_ =	shalt  }
0x4f: {  	_ =	shalt  }
0x50: {  	_ =	shalt  }
0x51: {  	_ =	shalt  }
0x52: {  	_ =	shalt  }
0x53: {  	_ =	shalt  }
0x54: {  	_ =	shalt  }
0x55: {  	_ =	shalt  }
0x56: {  	_ =	shalt  }
0x57: {  	_ =	shalt  }
0x58: {  	_ =	shalt  }
0x59: {  	_ =	shalt  }
0x5a: {  	_ =	shalt  }
0x5b: {  	_ =	shalt  }
0x5c: {  	_ =	shalt  }
0x5d: {  	_ =	shalt  }
0x5e: {  	_ =	shalt  }
0x5f: {  	_ =	shalt  }
0x60: {  	_ =	shalt  }
0x61: {  	_ =	shalt  }
0x62: {  	_ =	shalt  }
0x63: {  	_ =	shalt  }
0x64: {  	_ =	shalt  }
0x65: {  	_ =	shalt  }
0x66: {  	_ =	shalt  }
0x67: {  	_ =	shalt  }
0x68: {  	_ =	shalt  }
0x69: {  	_ =	shalt  }
0x6a: {  	_ =	shalt  }
0x6b: {  	_ =	shalt  }
0x6c: {  	_ =	shalt  }
0x6d: {  	_ =	shalt  }
0x6e: {  	_ =	shalt  }
0x6f: {  	_ =	shalt  }
0x70: {  	_ =	shalt  }
0x71: {  	_ =	shalt  }
0x72: {  	_ =	shalt  }
0x73: {  	_ =	shalt  }
0x74: {  	_ =	shalt  }
0x75: {  	_ =	shalt  }
0x76: {  	_ =	shalt  }
0x77: {  	_ =	shalt  }
0x78: {  	_ =	shalt  }
0x79: {  	_ =	shalt  }
0x7a: {  	_ =	shalt  }
0x7b: {  	_ =	shalt  }
0x7c: {  	_ =	shalt  }
0x7d: {  	_ =	shalt  }
0x7e: {  	_ =	shalt  }
0x7f: {  	_ =	shalt  }
0x80: {  	_ =	shalt  }
0x81: {  	_ =	shalt  }
0x82: {  	_ =	shalt  }
0x83: {  	_ =	shalt  }
0x84: {  	_ =	shalt  }
0x85: {  	_ =	shalt  }
0x86: {  	_ =	shalt  }
0x87: {  	_ =	shalt  }
.Lfunc_end0:
.L_simem_size_0:
called_computation_lowered:
.L_overlay_start_0:
0x88: {  	s2 =	sld [smem:$0x3FD9]  }
0x89: {  	s3 =	sld [smem:$0x3FFE];
	_ =	sdelay $0x1  }
0x8a: {  	s1 =	srdreg.scid  }
0x8b: {  	s0 =	sand.u32 $0x1, s1  }
0x8c: {  	s17 =	sshll.u32 s0, $0xA;
	s2 =	sadd.s32 s3, s2  }
0x8d: {  	s2 =	sadd.s32 s2, s17  }
0x8e: {  	[smem:$0x3FC6] =	sst s2  }
0x8f: {  	_ = 	snop  }
0x90: {  	s2 =	sld [smem:$0x3FD0];
	(tm) =	ssettm $0x1  }
0x91: {  	s18 =	sld [smem:$0x3FFB];
	_ =	sdelay $0x3  }
0x92: {  	_ =	strace s18  }
0x93: {  	s3 =	sld [smem:$0x3FFC];
	_ =	sdelay $0x3  }
0x94: {  	_ =	strace s3  }
0x95: {  	s3 =	sld [smem:$0x3FFD];
	_ =	sdelay $0x3  }
0x96: {  	_ =	strace s3  }
0x97: {  	_ =	strace $0x8FFFFFFF  }
0x98: {  	s19 =	sld [smem:$0x3FDB];
	_ =	sdelay $0x1  }
0x99: {  	s4 =	simm.s32 $_scs_section_size  }
0x9a: {  	s5 =	simm.s32 $_size__tile_overlayer_lowered;
	s6 =	simm.s32 $_tile_overlayer_lowered  }
0x9b: {  	s22 =	simm.s32 $0x1BFF;
	s21 =	sshll.u32 s6, $0x1;
	s3 =	sadd.s32 s4, s19  }
0x9c: {  	s7 =	simm.s32 $0x0;
	s20 =	sshll.u32 s5, $0x1;
	s5 =	sadd.s32 s21, s3  }
0x9d: {  	[timem:s7], [sflag:s22] =	dma.local [hbm:s5], s20  }
0x9e: {  	_ =	swait.ge [sflag:s22], s20  }
0x9f: {  	s4 =	ssub.s32 $0x0, s20;
	[sflag:s22] =	ssyncset.done $0x0  }
0xa0: {  	[sflag:s22] =	ssyncadd.s32 s4;
	_ =	sdelay $0x1  }
0xa1: {  	s23 =	simm.s32 $0x1B8B  }
0xa2: {  	_ =	swait.ge [sflag:s23], $0x1  }
0xa3: {  	[sflag:s23] =	ssyncset.done $0x0  }
0xa4: {  	s25 =	simm.s32 $0x1B8E;
	s24 =	sld [smem:$0x3FFE];
	[sflag:s23] =	ssyncadd.s32 $0xFFFFFFFF  }
0xa5: {  	s26 =	simm.s32 $execute0_lowered;
	[smem:$0x3FD2] =	sst s25  }
0xa6: {  	s5 =	sshll.u32 s26, $0x1;
	_ =	strace $0x80000046;
	[dreg:$0x1] =	wrdreg $0xFFFFFFFF  }
0xa7: {  	s28 =	simm.s32 $_size_execute0_lowered;
	s3 =	sadd.s32 s3, s5;
	[dreg:$0x0] =	wrdreg $0x0  }
0xa8: {  	s5 =	sshll.u32 s28, $0x1;
	[dreg:$0x2] =	wrdreg s3  }
0xa9: {  	[dreg:$0x3] =	wrdreg s5  }
0xaa: {  	[dreg:$0x4] =	wrdreg $0xC0  }
0xab: {  	_ =	task [dreg:s7], $0x5FFFF  }
0xac: {  	[dreg:$0x1] =	wrdreg $0xFFFFFFFF  }
0xad: {  	[dreg:$0x0] =	wrdreg $0x60  }
0xae: {  	[dreg:$0x2] =	wrdreg s24  }
0xaf: {  	[dreg:$0x3] =	wrdreg s2  }
0xb0: {  	[dreg:$0x4] =	wrdreg $0x9  }
0xb1: {  	_ =	task.clear_ibuf [dreg:s7], $0x5FFFF;
	_ =	strace $0x90000046  }
0xb2: {  	s29 =	simm.s32 $0x9;
	_ =	strace $0x8000004C  }
0xb3: {  	_ =	swait.ge [sflag:s29], $0x1  }
0xb4: {  	[sflag:s29] =	ssyncadd.s32 $0xFFFFFFFF  }
0xb5: {  	_ =	strace $0x9000004C  }
0xb6: {  	_ =	sfence  }
0xb7: {  	s30 =	sld [smem:$0x0];
	_ =	sdelay $0x2  }
0xb8: {  	s31 =	sshll.u32 s1, $0xD;
	s1 =	sshrl.u32 s1, $0x2  }
0xb9: {  	s3 =	sand.u32 $0x4000, s31;
	s1 =	sadd.s32 s1, s30  }
0xba: {  	s0 =	sor.u32 s3, s0;
	s1 =	sshll.u32 s1, $0x11  }
0xbb: {  	s0 =	sor.u32 s1, s0  }
0xbc: {  	s0 =	sadd.s32 $0x8F2B, s0  }
0xbd: {  	[sflag:s0] =	ssyncadd.remote.s32 $0x1  }
0xbe: {  	_ =	sfence.sel $0xFFFF  }
0xbf: {  	[dreg:$0x0] =	wrdreg $0xFFFFFFFF;
	(pc) =	sbr.abs _section_cstart, $3  }
0xc0: {  	[dreg:$0x1] =	wrdreg $0xFFFFFFFF  }
0xc1: {  	_ =	task.clear_ibuf [dreg:s7], $0x2FFFF;
	_ =	strace $0x9FFFFFFF  }
0xc2: {  	(tm) =	ssettm $0x7FFFFFFF  }
0xc3: {  	_ =	shalt  }
tec
execute0_lowered:
.L_overlay_start_1:
0x0: {  	(tag) =	ssettag $0x1  }
0x1: {  	vm3 =	vcmask $0x300;
	v0 =	vimm.s32 $0xB80;
	vm5 =	vcmask $0x704  }
0x2: {  	vm2 =	vcmask $0xB08;
	vm7 =	vcmask $0xF0C;
	vm4 =	vcmask $0x1310  }
0x3: {  	vm8 =	vcmask $0x1714;
	vm6 =	vcmask $0x1B18;
	vm9 =	vcmask $0x1F1C  }
0x4: {  	vm10 =	vcmask $0x2320;
	vm11 =	vcmask $0x2724;
	vm13 =	vcmask $0x2B28  }
0x5: {  	v4 =	vimm.s32 $0xECA86420;
	vm14 =	vcmask $0x2F2C;
	vm15 =	vcmask $0x3330  }
0x6: {  	vm0 =	vcmask $0x3734;
	vm1 =	vcmask $0x3B38;
	vm12 =	vmmov $0xff  }
0x7: {  	v7 =	vimm.s32 $0x1B80;
	v8 =	vimm.s32 $0x2B80;
	v9 =	vimm.s32 $0x3B80  }
0x8: {  	v10 =	vimm.s32 $0x0;
	v0 =	vsel vm3, $0x0, v0;
	v4 =	vunpack.c.l.s4.s8 v4  }
0x9: {  	v7 =	vsel vm3, $0x1000, v7;
	v8 =	vsel vm3, $0x2000, v8;
	v9 =	vsel vm3, $0x3000, v9  }
0xa: {  	v10 =	vsel vm12, $0xFFFFFFFF, v10;
	v0 =	vsel vm5, $0x80, v0;
	v7 =	vsel vm5, $0x1080, v7  }
0xb: {  	v8 =	vsel vm5, $0x2080, v8;
	v9 =	vsel vm5, $0x3080, v9;
	v0 =	vsel vm2, $0x100, v0  }
0xc: {  	v4 =	vunpack.c.0.s8.s32 v4;
	v7 =	vsel vm2, $0x1100, v7;
	v8 =	vsel vm2, $0x2100, v8  }
0xd: {  	v9 =	vsel vm2, $0x3100, v9;
	v0 =	vsel vm7, $0x180, v0;
	v7 =	vsel vm7, $0x1180, v7  }
0xe: {  	s0 =	srdreg.scid;
	s4 =	stileid.u32;
	v8 =	vsel vm7, $0x2180, v8;
	v9 =	vsel vm7, $0x3180, v9;
	v0 =	vsel vm4, $0x200, v0  }
0xf: {  	s0 =	sand.u32 $0x1, s0;
	s2 =	sshll.u32 s4, $0x1;
	v7 =	vsel vm4, $0x1200, v7;
	v8 =	vsel vm4, $0x2200, v8;
	v9 =	vsel vm4, $0x3200, v9  }
0x10: {  	s2 =	sor.u32 s0, s2;
	v0 =	vsel vm8, $0x280, v0;
	v7 =	vsel vm8, $0x1280, v7;
	v8 =	vsel vm8, $0x2280, v8  }
0x11: {  	v9 =	vsel vm8, $0x3280, v9;
	v1 =	vsel vm6, $0x300, v0;
	v0 =	vmov s2  }
0x12: {  	s1 =	rddreg [dreg:$0x0];
	v7 =	vsel vm6, $0x1300, v7;
	v8 =	vsel vm6, $0x2300, v8;
	v9 =	vsel vm6, $0x3300, v9  }
0x13: {  	s5 =	rddreg [dreg:$0x1];
	s8 =	simm.s32 $0x0;
	s9 =	simm.s32 $0x2000;
	v2 =	vsel vm9, $0x380, v1;
	v1 =	vimm.s32 $0xFFFFFFFF;
	v7 =	vsel vm9, $0x1380, v7  }
0x14: {  	s12 =	simm.s32 $0x1;
	s15 =	simm.s32 $0xDC80;
	s13 =	simm.s32 $0x2;
	v8 =	vsel vm9, $0x2380, v8;
	v9 =	vsel vm9, $0x3380, v9;
	v3 =	vsel vm10, $0x800, v2  }
0x15: {  	s14 =	simm.s32 $0x4000;
	[smem:$0x7FF] =	sst s8;
	s6 =	sadd.s32 $0x400, s1;
	v2 =	vlaneseq.u32;
	v7 =	vsel vm10, $0x1800, v7;
	v8 =	vsel vm10, $0x2800, v8  }
0x16: {  	s26 =	sadd.s32 $0x4E600, s1;
	_ =	strace $0x80000047;
	[dreg:$0x3] =	wrdreg s6;
	v9 =	vsel vm10, $0x3800, v9;
	v3 =	vsel vm11, $0x880, v3;
	v7 =	vsel vm11, $0x1880, v7  }
0x17: {  	s28 =	sadd.s32 $0x4EA00, s1;
	s10 =	sadd.s32 $0x4EE00, s1;
	[dreg:$0x4] =	wrdreg s26;
	v8 =	vsel vm11, $0x2880, v8;
	v9 =	vsel vm11, $0x3880, v9;
	v3 =	vsel vm13, $0x900, v3  }
0x18: {  	s11 =	sadd.s32 $0x4F200, s1;
	s31 =	sadd.s32 $0x100, s5;
	[dreg:$0x5] =	wrdreg s28;
	v7 =	vsel vm13, $0x1900, v7;
	v8 =	vsel vm13, $0x2900, v8;
	v9 =	vsel vm13, $0x3900, v9  }
0x19: {  	s30 =	sshll.u32 s4, $0x13;
	s0 =	ssub.s32 $0x2, s0;
	[dreg:$0xa] =	wrdreg s31;
	v5 =	vsel vm14, $0x980, v3;
	v3 =	vimm.f32 $0.0e+00;
	v7 =	vsel vm14, $0x1980, v7  }
.Ltmp0:
0x1a: {  	[dreg:$0x6] =	wrdreg s10;
	s3 =	sshrl.u32 s0, $0x1;
	v8 =	vsel vm14, $0x2980, v8;
	v9 =	vsel vm14, $0x3980, v9;
	v5 =	vsel vm15, $0xA00, v5;
	(pc) =	sbr.rel .LBB2_1-.Ltmp0, $4  }
0x1b: {  	s1 =	sand.u32 $0x600000, s30;
	[dreg:$0x7] =	wrdreg s11;
	s0 =	ssub.s32 s0, s3;
	v7 =	vsel vm15, $0x1A00, v7;
	v8 =	vsel vm15, $0x2A00, v8;
	v9 =	vsel vm15, $0x3A00, v9  }
0x1c: {  	[dreg:$0x9] =	wrdreg s1;
	s0 =	smax.u32 s0, $0x1;
	s2 =	sshll.u32 s2, $0x6;
	v6 =	vsel vm0, $0xA80, v5;
	v5 =	vmul.u32 $0x2, v2;
	v7 =	vsel vm0, $0x1A80, v7  }
0x1d: {  	s23 =	simm.s32 $0x15D00;
	[dreg:$0xb] =	wrdreg s0;
	s29 =	sand.u32 $0x1C0, s2;
	v8 =	vsel vm0, $0x2A80, v8;
	v9 =	vsel vm0, $0x3A80, v9;
	v6 =	vsel vm1, $0xB00, v6  }
0x1e: {  	s20 =	simm.s32 $0x19D00;
	[tilespmem:$0x1FFF0] =	vst v10;
	s1 =	simm.s32 $0x0;
	[dreg:$0x8] =	wrdreg s29;
	v7 =	vsel vm1, $0x1B00, v7;
	v8 =	vsel vm1, $0x2B00, v8;
	v9 =	vsel vm1, $0x3B00, v9  }
.LBB2_61:
0x1f: {  	s0 =	simm.s32 $0x5  }
0x20: {  	_ =	swait.ge [sflag:s0], $0x4000  }
0x21: {  	[sflag:s0] =	ssyncset.done $0x0  }
0x22: {  	s30 =	simm.s32 $0x6;
	[sflag:s0] =	ssyncadd.s32 $0xFFFFC000  }
0x23: {  	_ =	swait.ge [sflag:s30], $0x4000  }
0x24: {  	s1 =	rddreg [dreg:$0xc]  }
0x25: {  	s31 =	rddreg [dreg:$0xb];
	s1 =	sadd.s32 $0x1, s1  }
0x26: {  	p0 =	sne.s32 s1, s31  }
.Ltmp1:
0x27: {  	[sflag:s30] =	ssyncset.done $0x0;
	(pc) =	sbr.rel @!p0 .LBB2_62-.Ltmp1, $4  }
0x28: {  	[sflag:s30] =	ssyncadd.s32 $0xFFFFC000  }
0x29: {  	s8 =	simm.s32 $0x0;
	_ =	strace $0x9000004B  }
0x2a: {  	s9 =	simm.s32 $0x2000;
	s12 =	simm.s32 $0x1;
	s10 =	rddreg [dreg:$0x6]  }
0x2b: {  	s13 =	simm.s32 $0x2;
	s14 =	simm.s32 $0x4000;
	s11 =	rddreg [dreg:$0x7]  }
.LBB2_1:
0x2c: {  	[dreg:$0xc] =	wrdreg s1;
	s0 =	simm.s32 $0x40;
	s1 =	simm.s32 $0x0  }
.LBB2_2:
0x2d: {  	p0 =	sne.s32 s0, $0x1FFC0;
	[tilespmem:s1+$0xDC80] =	vst v1;
	s1 =	smov.u32 s0;
	s0 =	sadd.s32 $0x40, s0  }
.Ltmp2:
0x2e: {  	(pc) =	sbr.rel @p0 .LBB2_2-.Ltmp2, $2  }
0x2f: {  	_ =	sdelay $0x2  }
0x30: {  	s1 =	sshra.s32 s1, $0x2  }
0x31: {  	[tilespmem:s1+$0xDC80] =	vst v1  }
0x32: {  	_ =	strace $0x80000048  }
0x33: {  	s3 =	simm.s32 $0x0;
	s0 =	rddreg [dreg:$0x4]  }
0x34: {  	[tilespmem:s3], [sflag:$0x1] =	stream.linear.gather [hbm4b:s0+s3], $0x2000, $0x200038;
	[tilespmem:$0x1FE00] =	vst v63  }
0x35: {  	s2 =	simm.s32 $0x0;
	s31 =	rddreg [dreg:$0x5]  }
0x36: {  	[tilespmem:s9], [sflag:$0x2] =	stream.linear.gather [hbm4b:s31+s3], $0x2000, $0x200038;
	[tilespmem:$0x1FE00] =	vst v63  }
.LBB2_4:
.Ltmp3:
0x37: {  	(pc) =	sbr.rel .LBB2_5-.Ltmp3, $4  }
0x38: {  	_ = 	snop  }
0x39: {  	_ =	swait.ge [sflag:s12], $0x2000  }
0x3a: {  	[sflag:s12] =	ssyncset.done $0x0  }
0x3b: {  	s0 =	sshll.u32 s2, $0xC;
	s1 =	simm.s32 $0x0;
	[sflag:s12] =	ssyncadd.s32 $0xFFFFE000  }
.LBB2_7:
0x3c: {  	v12 =	vmpcnt.ones.xlane vm0;
	_ =	sdelay $0x1  }
0x3d: {  	(v2sf) =	vpush v12, $0x0;
	_ =	sdelay $0x9  }
0x3e: {  	s1 =	sadd.s32 $0x1, s1  }
0x3f: {  	p0 =	sne.s32 s1, $0x80  }
.Ltmp4:
0x40: {  	_ = 	snop;
	(pc) =	sbr.rel @!p0 .LBB2_8-.Ltmp4, $4  }
0x41: {  	_ = 	snop  }
0x42: {  	v10 =	vand.u32 $0x7FFF, v10;
	v11 =	vshll.u32 v11, $0xF  }
0x43: {  	v10 =	vor.u32 v11, v10;
	s4 =	spop (v2sf)  }
0x44: {  	[tilespmem:s3+$0x4000] =	vst.msk vm0, v10;
	s3 =	sadd.s32 s3, s4  }
.LBB2_5:
0x45: {  	s4 =	sshll.u32 s1, $0x4;
	s5 =	sshll.u32 s1, $0x6  }
0x46: {  	s6 =	sand.u32 $0x70, s4;
	s5 =	sand.u32 $0x1E00, s5  }
0x47: {  	s5 =	sor.u32 s6, s5  }
0x48: {  	v10 =	vld [tilespmem:s5+$0x0]  }
0x49: {  	v11 =	vld [tilespmem:s5+$0x80];
	_ =	sdelay $0x1  }
0x4a: {  	v12 =	vld [tilespmem:s5+$0x100];
	_ =	sdelay $0x2  }
0x4b: {  	v10 =	vshll.u32 v10, $0x12;
	v11 =	vshll.u32 v11, $0x9  }
0x4c: {  	v10 =	vadd.s32 v10, v11  }
0x4d: {  	v10 =	vadd.s32 v12, v10  }
0x4e: {  	v12 =	vand.u32 $0x7F, v12;
	v11 =	vand.u32 $0x7F80, v10  }
0x4f: {  	v12 =	vor.u32 v12, v11;
	_ =	sdelay $0x4  }
0x50: {  	v13 =	vld.idx.msk [tilespmem:v12+s15+$0x0], $0xffff;
	_ =	sdelay $0x2  }
0x51: {  	s4 =	sor.u32 s0, s4  }
0x52: {  	v14 =	vshrl.u32 v10, $0xF;
	v11 =	vor.u32 s4, v2  }
0x53: {  	vm0 =	veq.s32 v14, v0;
	vm1 =	vgt.s32 v11, v13  }
0x54: {  	vm1 =	vmand vm0, vm1  }
0x55: {  	v13 =	vmpcnt.ones.xlane vm1;
	_ =	sdelay $0x1  }
0x56: {  	(v2sf) =	vpush v13, $0x0;
	_ =	sdelay $0xe  }
0x57: {  	s31 =	spop (v2sf)  }
0x58: {  	p0 =	slt.s32 s31, $0x1  }
.Ltmp5:
0x59: {  	_ = 	snop;
	(pc) =	sbr.rel @p0 .LBB2_7-.Ltmp5, $1  }
0x5a: {  	_ =	sdelay $0x3  }
.LBB2_6:
0x5b: {  	[tilespmem:v12+s15+$0x0] =	vst.idx.msk vm1, v11  }
0x5c: {  	v13 =	vld.idx.msk [tilespmem:v12+s15+$0x0], $0xffff;
	_ =	sdelay $0x4  }
0x5d: {  	vm1 =	vgt.s32 v11, v13  }
0x5e: {  	vm1 =	vmand vm0, vm1  }
0x5f: {  	v13 =	vmpcnt.ones.xlane vm1;
	_ =	sdelay $0x1  }
0x60: {  	(v2sf) =	vpush v13, $0x0;
	_ =	sdelay $0xe  }
0x61: {  	s4 =	spop (v2sf)  }
0x62: {  	p0 =	sgt.s32 s4, $0x0  }
.Ltmp6:
0x63: {  	_ = 	snop;
	(pc) =	sbr.rel @p0 .LBB2_6-.Ltmp6, $1  }
0x64: {  	_ =	sdelay $0x3  }
.Ltmp7:
0x65: {  	_ = 	snop;
	(pc) =	sbr.rel .LBB2_7-.Ltmp7, $1  }
0x66: {  	_ =	sdelay $0x3  }
.LBB2_8:
0x67: {  	s4 =	sshll.u32 s2, $0xB;
	p0 =	seq.s32 s2, $0x9  }
.Ltmp8:
0x68: {  	s1 =	sadd.s32 @!p0 s4, s10;
	s5 =	simm.s32 @!p0 $0x0;
	(pc) =	sbr.rel .LBB2_9-.Ltmp8, $4  }
0x69: {  	[tilespmem:s5], [sflag:$0x1] =	stream.linear.gather @!p0 [hbm4b:s1+s5], $0x2000, $0x200038;
	[tilespmem:$0x1FE00] =	vst v63  }
0x6a: {  	_ =	swait.ge [sflag:s13], $0x2000  }
0x6b: {  	[sflag:s13] =	ssyncset.done $0x0  }
0x6c: {  	s6 =	simm.s32 $0x0;
	s5 =	sor.u32 $0x800, s0;
	[sflag:s13] =	ssyncadd.s32 $0xFFFFE000  }
.LBB2_11:
0x6d: {  	v12 =	vmpcnt.ones.xlane vm0;
	_ =	sdelay $0x1  }
0x6e: {  	(v2sf) =	vpush v12, $0x0;
	_ =	sdelay $0x9  }
0x6f: {  	s6 =	sadd.s32 $0x1, s6  }
0x70: {  	p1 =	sne.s32 s6, $0x80  }
.Ltmp9:
0x71: {  	_ = 	snop;
	(pc) =	sbr.rel @!p1 .LBB2_12-.Ltmp9, $4  }
0x72: {  	_ = 	snop  }
0x73: {  	v10 =	vand.u32 $0x7FFF, v10;
	v11 =	vshll.u32 v11, $0xF  }
0x74: {  	v10 =	vor.u32 v11, v10;
	s1 =	spop (v2sf)  }
0x75: {  	[tilespmem:s0+$0x4000] =	vst.msk vm0, v10;
	s3 =	sadd.s32 s0, s1  }
.LBB2_9:
0x76: {  	s0 =	sshll.u32 s6, $0x4;
	s1 =	sshll.u32 s6, $0x6  }
0x77: {  	s7 =	sand.u32 $0x70, s0;
	s1 =	sand.u32 $0x1E00, s1  }
0x78: {  	s1 =	sor.u32 s7, s1  }
0x79: {  	v10 =	vld [tilespmem:s1+$0x2000]  }
0x7a: {  	v11 =	vld [tilespmem:s1+$0x2080];
	_ =	sdelay $0x1  }
0x7b: {  	v12 =	vld [tilespmem:s1+$0x2100];
	_ =	sdelay $0x2  }
0x7c: {  	v10 =	vshll.u32 v10, $0x12;
	v11 =	vshll.u32 v11, $0x9  }
0x7d: {  	v10 =	vadd.s32 v10, v11  }
0x7e: {  	v10 =	vadd.s32 v12, v10  }
0x7f: {  	v12 =	vand.u32 $0x7F, v12;
	v11 =	vand.u32 $0x7F80, v10  }
0x80: {  	v12 =	vor.u32 v12, v11;
	_ =	sdelay $0x4  }
0x81: {  	v13 =	vld.idx.msk [tilespmem:v12+s15+$0x0], $0xffff;
	_ =	sdelay $0x2  }
0x82: {  	s0 =	sor.u32 s5, s0  }
0x83: {  	v14 =	vshrl.u32 v10, $0xF;
	v11 =	vor.u32 s0, v2  }
0x84: {  	vm0 =	veq.s32 v14, v0;
	vm1 =	vgt.s32 v11, v13  }
0x85: {  	vm1 =	vmand vm0, vm1  }
0x86: {  	v13 =	vmpcnt.ones.xlane vm1;
	_ =	sdelay $0x1  }
0x87: {  	(v2sf) =	vpush v13, $0x0;
	_ =	sdelay $0xe  }
0x88: {  	s31 =	spop (v2sf)  }
0x89: {  	p1 =	slt.s32 s31, $0x1  }
.Ltmp10:
0x8a: {  	_ = 	snop;
	(pc) =	sbr.rel @p1 .LBB2_11-.Ltmp10, $2  }
0x8b: {  	_ =	sdelay $0x2  }
0x8c: {  	s0 =	smov.u32 s3  }
.LBB2_10:
0x8d: {  	[tilespmem:v12+s15+$0x0] =	vst.idx.msk vm1, v11  }
0x8e: {  	v13 =	vld.idx.msk [tilespmem:v12+s15+$0x0], $0xffff;
	_ =	sdelay $0x4  }
0x8f: {  	vm1 =	vgt.s32 v11, v13  }
0x90: {  	vm1 =	vmand vm0, vm1  }
0x91: {  	v13 =	vmpcnt.ones.xlane vm1;
	_ =	sdelay $0x1  }
0x92: {  	(v2sf) =	vpush v13, $0x0;
	_ =	sdelay $0xe  }
0x93: {  	s1 =	spop (v2sf)  }
0x94: {  	p1 =	sgt.s32 s1, $0x0  }
.Ltmp11:
0x95: {  	_ = 	snop;
	(pc) =	sbr.rel @p1 .LBB2_10-.Ltmp11, $1  }
0x96: {  	_ =	sdelay $0x3  }
.Ltmp12:
0x97: {  	_ = 	snop;
	(pc) =	sbr.rel .LBB2_11-.Ltmp12, $1  }
0x98: {  	_ =	sdelay $0x3  }
.LBB2_12:
.Ltmp13:
0x99: {  	(pc) =	sbr.rel @p0 .LBB2_14-.Ltmp13, $2  }
0x9a: {  	_ =	sdelay $0x2  }
0x9b: {  	vm1 =	vcmask $0x3734  }
.Ltmp14:
0x9c: {  	(pc) =	sbr.rel .LBB2_4-.Ltmp14, $3  }
0x9d: {  	_ =	sdelay $0x1  }
0x9e: {  	s0 =	sadd.s32 s4, s11;
	s2 =	sadd.s32 $0x1, s2  }
0x9f: {  	[tilespmem:s9], [sflag:$0x2] =	stream.linear.gather [hbm4b:s0+s8], $0x2000, $0x200038;
	[tilespmem:$0x1FE00] =	vst v63  }
.LBB2_14:
0xa0: {  	_ =	strace $0x90000048;
	s2 =	simm.s32 $0x4;
	s4 =	simm.s32 $0x0  }
.LBB2_15:
0xa1: {  	p0 =	sne.s32 s2, $0x1FC  }
0xa2: {  	[smem:s4+$0x100] =	sst s8;
	s4 =	smov.u32 s2;
	s2 =	sadd.s32 $0x4, s2  }
.Ltmp15:
0xa3: {  	(pc) =	sbr.rel @p0 .LBB2_15-.Ltmp15, $2  }
0xa4: {  	_ =	sdelay $0x2  }
0xa5: {  	s4 =	sshra.s32 s4, $0x2  }
0xa6: {  	p0 =	slt.s32 s3, $0x1  }
.Ltmp16:
0xa7: {  	_ = 	snop;
	(pc) =	sbr.rel @p0 .LBB2_20-.Ltmp16, $3  }
0xa8: {  	_ =	sdelay $0x1  }
0xa9: {  	[smem:s4+$0x100] =	sst s8  }
0xaa: {  	_ =	strace $0x80000049  }
0xab: {  	s2 =	simm.s32 $0x4000  }
0xac: {  	v10 =	vld [tilespmem:s2+$0x0];
	_ =	sdelay $0x4  }
0xad: {  	(v2sf) =	vpush v10, $0x0;
	_ =	sdelay $0xe  }
0xae: {  	s4 =	spop (v2sf)  }
0xaf: {  	s3 =	sand.u32 $0x7FFF, s4  }
0xb0: {  	v10 =	vld [tilespmem:s3+$0xDC80];
	_ =	sdelay $0x4  }
0xb1: {  	(v2sf) =	vpush v10, $0x0;
	_ =	sdelay $0xc  }
0xb2: {  	s30 =	sshrl.u32 s4, $0x8  }
0xb3: {  	s9 =	simm.s32 $0x0;
	s7 =	sshrl.u32 s4, $0xF;
	s5 =	sand.u32 $0x7F, s30  }
0xb4: {  	s3 =	sadd.s32 s0, s1;
	s6 =	sor.u32 $0x100, s5;
	s8 =	spop (v2sf)  }
0xb5: {  	p1 =	seq.s32 s8, s7;
	s7 =	simm.s32 $0x1;
	s8 =	simm.s32 $0x80000000  }
0xb6: {  	s7 =	simm.s32 @!p1 $0x0;
	s8 =	simm.s32 @!p1 $0x0;
	p1 =	sne.s32 s3, $0x1  }
.Ltmp17:
0xb7: {  	s6 =	sld [smem:s6+$0x0];
	v10 =	vmov s9;
	(pc) =	sbr.rel @!p1 .LBB2_19-.Ltmp17, $3  }
0xb8: {  	_ =	sdelay $0x1  }
0xb9: {  	s6 =	sadd.s32 s7, s6;
	s31 =	sor.u32 s4, s8  }
0xba: {  	s4 =	simm.s32 $0x1;
	[smem:s5+$0x100] =	sst s6;
	v11 =	vmov s31  }
.LBB2_18:
0xbb: {  	[tilespmem:v10+s14+$0x0] =	vst.idx.msk $0x1, v11;
	s2 =	sadd.s32 $0x1, s2;
	s5 =	smov.u32 s4;
	s4 =	sadd.s32 $0x1, s4  }
0xbc: {  	p1 =	sne.s32 s3, s4  }
0xbd: {  	v10 =	vld [tilespmem:s2+$0x0];
	_ =	sdelay $0x4  }
0xbe: {  	(v2sf) =	vpush v10, $0x0;
	_ =	sdelay $0xe  }
0xbf: {  	s6 =	spop (v2sf)  }
0xc0: {  	s7 =	sand.u32 $0x7FFF, s6;
	s8 =	sshrl.u32 s6, $0x8  }
0xc1: {  	v10 =	vld [tilespmem:s7+$0xDC80];
	_ =	sdelay $0x4  }
0xc2: {  	(v2sf) =	vpush v10, $0x0;
	_ =	sdelay $0xc  }
0xc3: {  	s7 =	sand.u32 $0x7F, s8  }
0xc4: {  	s8 =	sor.u32 $0x100, s7  }
0xc5: {  	s8 =	sld [smem:s8+$0x0]  }
.Ltmp18:
0xc6: {  	s9 =	sshrl.u32 s6, $0xF;
	v10 =	vmov s5;
	s5 =	spop (v2sf);
	(pc) =	sbr.rel @p1 .LBB2_18-.Ltmp18, $4  }
0xc7: {  	p2 =	seq.s32 s5, s9;
	s5 =	simm.s32 $0x1;
	s9 =	simm.s32 $0x80000000  }
0xc8: {  	s5 =	simm.s32 @!p2 $0x0;
	s9 =	simm.s32 @!p2 $0x0  }
0xc9: {  	s5 =	sadd.s32 s5, s8;
	s6 =	sor.u32 s6, s9  }
0xca: {  	[smem:s7+$0x100] =	sst s5;
	v11 =	vmov s6  }
.LBB2_19:
0xcb: {  	_ =	sdelay $0x3  }
0xcc: {  	[tilespmem:v10+s14+$0x0] =	vst.idx.msk $0x1, v11  }
.LBB2_20:
0xcd: {  	_ =	strace $0x90000049  }
0xce: {  	s2 =	simm.s32 $0x0;
	s3 =	simm.s32 $0x0;
	s4 =	sld [smem:$0x100]  }
0xcf: {  	[smem:s3] =	sst s2  }
0xd0: {  	s3 =	simm.s32 $0x4;
	[smem:$0x100] =	sst s2  }
.LBB2_21:
0xd1: {  	p1 =	sne.s32 s3, $0x1FC  }
0xd2: {  	s2 =	sadd.s32 s2, s4;
	s4 =	smov.u32 s3;
	s3 =	sadd.s32 $0x4, s3  }
.Ltmp19:
0xd3: {  	(pc) =	sbr.rel @p1 .LBB2_21-.Ltmp19, $4  }
0xd4: {  	s5 =	sshra.s32 s4, $0x2  }
0xd5: {  	s4 =	sld [smem:s5+$0x100]  }
0xd6: {  	[smem:s5] =	sst s2  }
0xd7: {  	[smem:s5+$0x100] =	sst s2  }
.Ltmp20:
0xd8: {  	(pc) =	sbr.rel @p0 .LBB2_26-.Ltmp20, $4  }
0xd9: {  	_ = 	snop  }
0xda: {  	s2 =	sadd.s32 s2, s4  }
0xdb: {  	[smem:$0x80] =	sst s2  }
0xdc: {  	_ =	strace $0x8000004A  }
0xdd: {  	s1 =	sadd.s32 s0, s1  }
0xde: {  	p0 =	sne.s32 s1, $0x1  }
.Ltmp21:
0xdf: {  	_ = 	snop;
	(pc) =	sbr.rel @!p0 .LBB2_25-.Ltmp21, $3  }
0xe0: {  	_ =	sdelay $0x1  }
0xe1: {  	s0 =	simm.s32 $0x4000  }
0xe2: {  	v10 =	vld [tilespmem:s0+$0x0];
	s1 =	sadd.s32 $0xFFFFFFFF, s1  }
.LBB2_24:
0xe3: {  	p0 =	sne.s32 s1, $0x1;
	_ =	sdelay $0x3  }
0xe4: {  	(v2sf) =	vpush v10, $0x0;
	_ =	sdelay $0xe  }
0xe5: {  	s2 =	spop (v2sf)  }
0xe6: {  	s3 =	sshrl.u32 s2, $0x8;
	s4 =	sshrl.u32 s2, $0x1F  }
0xe7: {  	s3 =	sand.u32 $0x7F, s3  }
0xe8: {  	s5 =	sor.u32 $0x100, s3  }
0xe9: {  	s5 =	sld [smem:s5+$0x0];
	_ =	sdelay $0x1  }
0xea: {  	p1 =	slt.s32 s2, $0x0  }
0xeb: {  	s4 =	sadd.s32 s5, s4;
	s5 =	simm.s32 @!p1 $0x8000  }
0xec: {  	v10 =	vmov s5;
	[smem:s3+$0x100] =	sst s4;
	_ =	sdelay $0x1  }
.Ltmp22:
0xed: {  	(pc) =	sbr.rel @p0 .LBB2_24-.Ltmp22, $4  }
0xee: {  	s2 =	sand.u32 $0x7FFFFFFF, s2  }
0xef: {  	v11 =	vmov s2  }
0xf0: {  	s0 =	sadd.s32 $0x1, s0;
	[tilespmem:v10+s15+$0x0] =	vst.idx.msk $0x1, v11  }
0xf1: {  	s1 =	sadd.s32 $0xFFFFFFFF, s1;
	v10 =	vld [tilespmem:s0+$0x0]  }
.LBB2_25:
0xf2: {  	_ =	sdelay $0x3  }
0xf3: {  	(v2sf) =	vpush v10, $0x0;
	_ =	sdelay $0xe  }
0xf4: {  	s0 =	spop (v2sf)  }
0xf5: {  	s1 =	sshrl.u32 s0, $0x8  }
0xf6: {  	s1 =	sand.u32 $0x7F, s1  }
0xf7: {  	s2 =	sor.u32 $0x100, s1  }
0xf8: {  	s2 =	sld [smem:s2+$0x0];
	_ =	sdelay $0x1  }
0xf9: {  	s3 =	sshrl.u32 s0, $0x1F;
	p0 =	slt.s32 s0, $0x0  }
0xfa: {  	s3 =	sadd.s32 s2, s3;
	s2 =	simm.s32 @!p0 $0x8000  }
0xfb: {  	v10 =	vmov s2;
	_ =	sdelay $0x2  }
0xfc: {  	s0 =	sand.u32 $0x7FFFFFFF, s0  }
0xfd: {  	v11 =	vmov s0  }
0xfe: {  	[smem:s1+$0x100] =	sst s3;
	[tilespmem:v10+s15+$0x0] =	vst.idx.msk $0x1, v11  }
.LBB2_26:
0xff: {  	s0 =	simm.s32 $0x0  }
0x100: {  	s1 =	sand.u32 $0x3800, s0;
	s0 =	sand.u32 $0x380, s0  }
0x101: {  	s1 =	sor.u32 s0, s1  }
0x102: {  	_ =	strace $0x9000004A;
	s2 =	sadd.s32 $0x15D00, s1;
	[tilespmem:s1+$0x15D00] =	vst v3  }
0x103: {  	[tilespmem:s2+$0x10] =	vst v3  }
0x104: {  	[tilespmem:s2+$0x20] =	vst v3  }
0x105: {  	[tilespmem:s2+$0x30] =	vst v3  }
0x106: {  	[tilespmem:s2+$0x40] =	vst v3  }
0x107: {  	[tilespmem:s2+$0x50] =	vst v3  }
0x108: {  	[tilespmem:s2+$0x60] =	vst v3  }
0x109: {  	[tilespmem:s2+$0x70] =	vst v3  }
0x10a: {  	[tilespmem:s2+$0x400] =	vst v3  }
0x10b: {  	[tilespmem:s2+$0x410] =	vst v3  }
0x10c: {  	[tilespmem:s2+$0x420] =	vst v3  }
0x10d: {  	[tilespmem:s2+$0x430] =	vst v3  }
0x10e: {  	[tilespmem:s2+$0x440] =	vst v3  }
0x10f: {  	s3 =	simm.s32 $0x80;
	s0 =	simm.s32 $0x100;
	[tilespmem:s2+$0x450] =	vst v3  }
0x110: {  	s4 =	simm.s32 $0x200;
	s6 =	sand.u32 $0x380, s3;
	s5 =	sand.u32 $0x3800, s0;
	[tilespmem:s2+$0x460] =	vst v3  }
.LBB2_27:
0x111: {  	p0 =	sne.s32 s4, $0x3F00;
	s5 =	sor.u32 s6, s5;
	[tilespmem:s2+$0x470] =	vst v3  }
0x112: {  	s2 =	sadd.s32 $0x15D00, s5;
	[tilespmem:s5+$0x15D00] =	vst v3  }
0x113: {  	[tilespmem:s2+$0x10] =	vst v3  }
0x114: {  	[tilespmem:s2+$0x20] =	vst v3  }
0x115: {  	[tilespmem:s2+$0x30] =	vst v3  }
0x116: {  	[tilespmem:s2+$0x40] =	vst v3  }
0x117: {  	[tilespmem:s2+$0x50] =	vst v3  }
0x118: {  	[tilespmem:s2+$0x60] =	vst v3  }
0x119: {  	[tilespmem:s2+$0x70] =	vst v3  }
0x11a: {  	[tilespmem:s2+$0x400] =	vst v3  }
0x11b: {  	[tilespmem:s2+$0x410] =	vst v3  }
.Ltmp23:
0x11c: {  	[tilespmem:s2+$0x420] =	vst v3;
	(pc) =	sbr.rel @p0 .LBB2_27-.Ltmp23, $4  }
0x11d: {  	[tilespmem:s2+$0x430] =	vst v3  }
0x11e: {  	[tilespmem:s2+$0x440] =	vst v3  }
0x11f: {  	s3 =	sadd.s32 $0x80, s3;
	[tilespmem:s2+$0x450] =	vst v3  }
0x120: {  	s5 =	sand.u32 $0x3800, s4;
	s6 =	sand.u32 $0x380, s3;
	s4 =	sadd.s32 $0x100, s4;
	[tilespmem:s2+$0x460] =	vst v3  }
0x121: {  	s3 =	sor.u32 s6, s5;
	[tilespmem:s2+$0x470] =	vst v3  }
0x122: {  	s31 =	sadd.s32 $0x15D00, s3;
	[tilespmem:s3+$0x15D00] =	vst v3  }
0x123: {  	[tilespmem:s31+$0x10] =	vst v3  }
0x124: {  	[tilespmem:s31+$0x20] =	vst v3  }
0x125: {  	[tilespmem:s31+$0x30] =	vst v3  }
0x126: {  	[tilespmem:s31+$0x40] =	vst v3  }
0x127: {  	[tilespmem:s31+$0x50] =	vst v3  }
0x128: {  	[tilespmem:s31+$0x60] =	vst v3  }
0x129: {  	[tilespmem:s31+$0x70] =	vst v3  }
0x12a: {  	[tilespmem:s31+$0x400] =	vst v3  }
0x12b: {  	[tilespmem:s31+$0x410] =	vst v3  }
0x12c: {  	[tilespmem:s31+$0x420] =	vst v3  }
0x12d: {  	[tilespmem:s31+$0x430] =	vst v3  }
0x12e: {  	[tilespmem:s31+$0x440] =	vst v3  }
0x12f: {  	[tilespmem:s31+$0x450] =	vst v3  }
0x130: {  	[tilespmem:s31+$0x460] =	vst v3  }
0x131: {  	[tilespmem:s31+$0x470] =	vst v3  }
0x132: {  	s2 =	sadd.s32 $0x19D00, s1;
	[tilespmem:s1+$0x19D00] =	vst v3  }
0x133: {  	[tilespmem:s2+$0x40] =	vst v3  }
0x134: {  	[tilespmem:s2+$0x50] =	vst v3  }
0x135: {  	[tilespmem:s2+$0x60] =	vst v3  }
0x136: {  	[tilespmem:s2+$0x70] =	vst v3  }
0x137: {  	[tilespmem:s2+$0x400] =	vst v3  }
0x138: {  	[tilespmem:s2+$0x410] =	vst v3  }
0x139: {  	[tilespmem:s2+$0x420] =	vst v3  }
0x13a: {  	[tilespmem:s2+$0x430] =	vst v3  }
0x13b: {  	[tilespmem:s2+$0x440] =	vst v3  }
0x13c: {  	[tilespmem:s2+$0x450] =	vst v3  }
0x13d: {  	[tilespmem:s2+$0x460] =	vst v3  }
0x13e: {  	[tilespmem:s2+$0x10] =	vst v3  }
0x13f: {  	s1 =	simm.s32 $0x80;
	[tilespmem:s2+$0x20] =	vst v3  }
0x140: {  	s3 =	sand.u32 $0x3800, s0;
	s0 =	simm.s32 $0x200;
	[tilespmem:s2+$0x30] =	vst v3;
	s4 =	sand.u32 $0x380, s1  }
.LBB2_29:
0x141: {  	p0 =	sne.s32 s0, $0x3F00;
	s3 =	sor.u32 s4, s3;
	[tilespmem:s2+$0x470] =	vst v3  }
0x142: {  	s2 =	sadd.s32 $0x19D00, s3;
	[tilespmem:s3+$0x19D00] =	vst v3  }
0x143: {  	[tilespmem:s2+$0x10] =	vst v3  }
0x144: {  	[tilespmem:s2+$0x20] =	vst v3  }
0x145: {  	[tilespmem:s2+$0x30] =	vst v3  }
0x146: {  	[tilespmem:s2+$0x40] =	vst v3  }
0x147: {  	[tilespmem:s2+$0x50] =	vst v3  }
0x148: {  	[tilespmem:s2+$0x60] =	vst v3  }
0x149: {  	[tilespmem:s2+$0x70] =	vst v3  }
0x14a: {  	[tilespmem:s2+$0x400] =	vst v3  }
0x14b: {  	[tilespmem:s2+$0x410] =	vst v3  }
.Ltmp24:
0x14c: {  	[tilespmem:s2+$0x420] =	vst v3;
	(pc) =	sbr.rel @p0 .LBB2_29-.Ltmp24, $4  }
0x14d: {  	[tilespmem:s2+$0x430] =	vst v3  }
0x14e: {  	[tilespmem:s2+$0x440] =	vst v3  }
0x14f: {  	s1 =	sadd.s32 $0x80, s1;
	[tilespmem:s2+$0x450] =	vst v3  }
0x150: {  	s3 =	sand.u32 $0x3800, s0;
	s4 =	sand.u32 $0x380, s1;
	s0 =	sadd.s32 $0x100, s0;
	[tilespmem:s2+$0x460] =	vst v3  }
0x151: {  	s0 =	sor.u32 s4, s3;
	[tilespmem:s2+$0x470] =	vst v3  }
0x152: {  	s1 =	sadd.s32 $0x19D00, s0;
	[tilespmem:s0+$0x19D00] =	vst v3  }
0x153: {  	[tilespmem:s1+$0x10] =	vst v3  }
0x154: {  	[tilespmem:s1+$0x20] =	vst v3  }
0x155: {  	[tilespmem:s1+$0x30] =	vst v3  }
0x156: {  	[tilespmem:s1+$0x40] =	vst v3  }
0x157: {  	[tilespmem:s1+$0x50] =	vst v3  }
0x158: {  	[tilespmem:s1+$0x60] =	vst v3  }
0x159: {  	[tilespmem:s1+$0x70] =	vst v3  }
0x15a: {  	[tilespmem:s1+$0x400] =	vst v3  }
0x15b: {  	[tilespmem:s1+$0x410] =	vst v3  }
0x15c: {  	[tilespmem:s1+$0x420] =	vst v3  }
0x15d: {  	[tilespmem:s1+$0x430] =	vst v3  }
0x15e: {  	[tilespmem:s1+$0x440] =	vst v3  }
0x15f: {  	[tilespmem:s1+$0x450] =	vst v3  }
0x160: {  	[tilespmem:s1+$0x460] =	vst v3  }
0x161: {  	[tilespmem:s1+$0x470] =	vst v3  }
0x162: {  	_ =	strace $0x8000004B  }
0x163: {  	s24 =	sld [smem:$0x0];
	_ =	sdelay $0x2  }
0x164: {  	v11 =	vadd.s32 s24, v2  }
0x165: {  	(v2sf) =	vpush v11, $0xD;
	_ =	sdelay $0x1  }
0x166: {  	(v2sf) =	vpush v11, $0xC;
	_ =	sdelay $0x1  }
0x167: {  	(v2sf) =	vpush v11, $0xE;
	_ =	sdelay $0x1  }
0x168: {  	(v2sf) =	vpush v11, $0xF  }
0x169: {  	(v2sf) =	vpush v11, $0x9;
	_ =	sdelay $0x1  }
0x16a: {  	(v2sf) =	vpush v11, $0x8;
	_ =	sdelay $0x1  }
0x16b: {  	(v2sf) =	vpush v11, $0xA;
	_ =	sdelay $0x2  }
0x16c: {  	(v2sf) =	vpush v11, $0xB  }
0x16d: {  	s26 =	spop (v2sf)  }
0x16e: {  	(v2sf) =	vpush v11, $0x0;
	s7 =	smulhi.u32 $0x68DB8BAD, s26;
	s0 =	sshra.s32 s26, $0x1F  }
0x16f: {  	s28 =	spop (v2sf);
	s19 =	smul.u32 $0x68DB8BAD, s0  }
0x170: {  	(v2sf) =	vpush v11, $0x1;
	s8 =	smulhi.u32 $0x68DB8BAD, s28;
	s0 =	sshra.s32 s28, $0x1F  }
0x171: {  	s29 =	spop (v2sf);
	(v2sf) =	vpush v11, $0x2;
	s21 =	smul.u32 $0x68DB8BAD, s0  }
0x172: {  	s9 =	smulhi.u32 $0x68DB8BAD, s29;
	s0 =	sshra.s32 s29, $0x1F  }
0x173: {  	s30 =	spop (v2sf);
	(v2sf) =	vpush v11, $0x3;
	s25 =	smul.u32 $0x68DB8BAD, s0  }
0x174: {  	s10 =	smulhi.u32 $0x68DB8BAD, s30;
	s0 =	sshra.s32 s30, $0x1F;
	s31 =	spop (v2sf);
	(v2sf) =	vpush v11, $0x4  }
0x175: {  	s28 =	smul.u32 $0x68DB8BAD, s0  }
0x176: {  	s11 =	smulhi.u32 $0x68DB8BAD, s31;
	s0 =	sshra.s32 s31, $0x1F;
	s2 =	spop (v2sf);
	(v2sf) =	vpush v11, $0x5  }
0x177: {  	s29 =	smul.u32 $0x68DB8BAD, s0  }
0x178: {  	s12 =	smulhi.u32 $0x68DB8BAD, s2;
	s0 =	sshra.s32 s2, $0x1F;
	s3 =	spop (v2sf);
	(v2sf) =	vpush v11, $0x6  }
0x179: {  	s31 =	smul.u32 $0x68DB8BAD, s0  }
0x17a: {  	s14 =	smulhi.u32 $0x68DB8BAD, s3;
	s0 =	sshra.s32 s3, $0x1F  }
0x17b: {  	s4 =	spop (v2sf);
	(v2sf) =	vpush v11, $0x7;
	s6 =	smul.u32 $0x68DB8BAD, s0  }
0x17c: {  	s16 =	smulhi.u32 $0x68DB8BAD, s4;
	s0 =	sshra.s32 s4, $0x1F  }
0x17d: {  	s1 =	sadd.s32 $0x10, s24;
	s3 =	smul.u32 $0x68DB8BAD, s0;
	s5 =	spop (v2sf)  }
0x17e: {  	[dreg:$0x14] =	wrdreg s24;
	v12 =	vadd.s32 s1, v2;
	s18 =	smulhi.u32 $0x68DB8BAD, s5;
	s0 =	sshra.s32 s5, $0x1F  }
0x17f: {  	(v2sf) =	vpush v12, $0xD;
	s13 =	spop (v2sf);
	s0 =	smul.u32 $0x68DB8BAD, s0  }
0x180: {  	s24 =	smulhi.u32 $0x68DB8BAD, s13;
	s17 =	spop (v2sf)  }
0x181: {  	s22 =	smulhi.u32 $0x68DB8BAD, s17;
	s2 =	sshra.s32 s17, $0x1F  }
0x182: {  	(v2sf) =	vpush v12, $0xC;
	s30 =	spop (v2sf);
	s26 =	smul.u32 $0x68DB8BAD, s2  }
0x183: {  	s8 =	sadd.s32 s21, s8;
	s2 =	smulhi.u32 $0x68DB8BAD, s30;
	s5 =	spop (v2sf)  }
0x184: {  	[smem:$0x7CD] =	sst s8;
	s1 =	sshra.s32 s13, $0x1F;
	s13 =	smulhi.u32 $0x68DB8BAD, s5  }
0x185: {  	(v2sf) =	vpush v12, $0xE;
	s4 =	sshra.s32 s30, $0x1F;
	s17 =	spop (v2sf);
	[smem:$0x7AF] =	sst s26  }
0x186: {  	[smem:$0x7B0] =	sst s2;
	s26 =	smul.u32 $0x68DB8BAD, s4  }
0x187: {  	s12 =	sadd.s32 s31, s12;
	s30 =	smulhi.u32 $0x68DB8BAD, s17;
	s2 =	spop (v2sf)  }
0x188: {  	[smem:$0x7D1] =	sst s12;
	(v2sf) =	vpush v12, $0xF;
	s4 =	sshra.s32 s5, $0x1F;
	s5 =	smulhi.u32 $0x68DB8BAD, s2  }
0x189: {  	[smem:$0x7AE] =	sst s22;
	s22 =	smul.u32 $0x68DB8BAD, s4  }
0x18a: {  	[smem:$0x7B3] =	sst s5;
	s5 =	spop (v2sf)  }
0x18b: {  	(v2sf) =	vpush v12, $0x9;
	[smem:$0x7B1] =	sst s13;
	s4 =	sshra.s32 s17, $0x1F;
	s13 =	smulhi.u32 $0x68DB8BAD, s5  }
0x18c: {  	[smem:$0x7B2] =	sst s30;
	s17 =	smul.u32 $0x68DB8BAD, s4;
	s4 =	sshra.s32 s2, $0x1F  }
0x18d: {  	s2 =	smul.u32 $0x68DB8BAD, s4;
	s5 =	sshra.s32 s5, $0x1F;
	[smem:$0x7B4] =	sst s13  }
0x18e: {  	(v2sf) =	vpush v12, $0x8;
	s13 =	smul.u32 $0x68DB8BAD, s5;
	s30 =	spop (v2sf)  }
0x18f: {  	s3 =	sadd.s32 s3, s16;
	s4 =	smulhi.u32 $0x68DB8BAD, s30;
	s5 =	sshra.s32 s30, $0x1F  }
0x190: {  	[smem:$0x7D3] =	sst s3;
	(v2sf) =	vpush v12, $0xA;
	s5 =	smul.u32 $0x68DB8BAD, s5  }
0x191: {  	s30 =	spop (v2sf);
	[smem:$0x7B5] =	sst s4  }
0x192: {  	s4 =	smulhi.u32 $0x68DB8BAD, s30;
	[smem:$0x7B6] =	sst s5;
	s5 =	sshra.s32 s30, $0x1F  }
0x193: {  	[smem:$0x7AD] =	sst s0;
	s5 =	smul.u32 $0x68DB8BAD, s5  }
0x194: {  	s30 =	spop (v2sf);
	[smem:$0x7B7] =	sst s4  }
0x195: {  	s4 =	smulhi.u32 $0x68DB8BAD, s30;
	[smem:$0x7B8] =	sst s5;
	s5 =	sshra.s32 s30, $0x1F  }
0x196: {  	s0 =	sld [smem:$0x1];
	s5 =	smul.u32 $0x68DB8BAD, s5  }
0x197: {  	[smem:$0x7B9] =	sst s4;
	s30 =	spop (v2sf)  }
0x198: {  	(v2sf) =	vpush v12, $0xB;
	s4 =	smulhi.u32 $0x68DB8BAD, s30;
	[smem:$0x7BA] =	sst s5;
	s5 =	sshra.s32 s30, $0x1F  }
0x199: {  	[smem:$0x7FC] =	sst s0;
	s5 =	smul.u32 $0x68DB8BAD, s5  }
0x19a: {  	(v2sf) =	vpush v12, $0x0;
	[smem:$0x7BB] =	sst s4;
	s30 =	spop (v2sf)  }
0x19b: {  	s4 =	smulhi.u32 $0x68DB8BAD, s30;
	[smem:$0x7BC] =	sst s5;
	s5 =	sshra.s32 s30, $0x1F  }
0x19c: {  	(v2sf) =	vpush v12, $0x1;
	s3 =	sld [smem:$0x7B5];
	s5 =	smul.u32 $0x68DB8BAD, s5  }
0x19d: {  	[smem:$0x7BD] =	sst s4;
	s30 =	spop (v2sf)  }
0x19e: {  	s4 =	smulhi.u32 $0x68DB8BAD, s30;
	[smem:$0x7BE] =	sst s5;
	s5 =	sshra.s32 s30, $0x1F  }
0x19f: {  	s30 =	spop (v2sf);
	s5 =	smul.u32 $0x68DB8BAD, s5  }
0x1a0: {  	[smem:$0x7BF] =	sst s4;
	s4 =	smulhi.u32 $0x68DB8BAD, s30  }
0x1a1: {  	[smem:$0x7C0] =	sst s5  }
0x1a2: {  	[smem:$0x7C1] =	sst s4;
	s5 =	sshra.s32 s30, $0x1F;
	s30 =	sadd.s32 s19, s7  }
0x1a3: {  	[smem:$0x7CC] =	sst s30  }
0x1a4: {  	(v2sf) =	vpush v12, $0x2;
	s30 =	sadd.s32 s25, s9;
	s25 =	sadd.s32 s6, s14;
	s6 =	sld [smem:$0x7AF]  }
0x1a5: {  	s5 =	smul.u32 $0x68DB8BAD, s5;
	s14 =	sld [smem:$0x7B2]  }
0x1a6: {  	[smem:$0x7CE] =	sst s30  }
0x1a7: {  	(v2sf) =	vpush v12, $0x3;
	[smem:$0x7C2] =	sst s5;
	s5 =	spop (v2sf)  }
0x1a8: {  	[smem:$0x7D2] =	sst s25;
	s7 =	smulhi.u32 $0x68DB8BAD, s5;
	s5 =	sshra.s32 s5, $0x1F  }
0x1a9: {  	s21 =	spop (v2sf);
	s19 =	smul.u32 $0x68DB8BAD, s5  }
0x1aa: {  	(v2sf) =	vpush v12, $0x4;
	s30 =	sld [smem:$0x7AD];
	s4 =	smulhi.u32 $0x68DB8BAD, s21  }
0x1ab: {  	s5 =	sshra.s32 s21, $0x1F;
	s9 =	spop (v2sf);
	[smem:$0x7C3] =	sst s7  }
0x1ac: {  	(v2sf) =	vpush v12, $0x5;
	s7 =	sadd.s32 s28, s10;
	s8 =	smul.u32 $0x68DB8BAD, s5;
	s10 =	sadd.s32 s29, s11  }
0x1ad: {  	s11 =	smulhi.u32 $0x68DB8BAD, s9;
	s5 =	sshra.s32 s9, $0x1F;
	s9 =	sld [smem:$0x7B1]  }
0x1ae: {  	[smem:$0x7C4] =	sst s19  }
0x1af: {  	[smem:$0x7C5] =	sst s4  }
0x1b0: {  	(v2sf) =	vpush v12, $0x6;
	[smem:$0x7CF] =	sst s7  }
0x1b1: {  	[smem:$0x7D0] =	sst s10  }
0x1b2: {  	s19 =	smul.u32 $0x68DB8BAD, s5;
	s5 =	sld [smem:$0x7AE]  }
0x1b3: {  	s21 =	spop (v2sf);
	s7 =	sld [smem:$0x7B0]  }
0x1b4: {  	v10 =	vadd.s32 s0, v2;
	s28 =	smulhi.u32 $0x68DB8BAD, s21;
	s0 =	sshra.s32 s21, $0x1F;
	s21 =	sld [smem:$0x7B3]  }
0x1b5: {  	s1 =	smul.u32 $0x68DB8BAD, s1;
	s10 =	sadd.s32 s30, s18;
	s30 =	sld [smem:$0x7B4]  }
0x1b6: {  	s29 =	spop (v2sf);
	[smem:$0x7C6] =	sst s8  }
0x1b7: {  	[smem:$0x7C7] =	sst s11;
	s0 =	smul.u32 $0x68DB8BAD, s0  }
0x1b8: {  	(v2sf) =	vpush v12, $0x7;
	s31 =	smulhi.u32 $0x68DB8BAD, s29;
	[smem:$0x7C8] =	sst s19  }
0x1b9: {  	s4 =	spop (v2sf);
	[smem:$0x7C9] =	sst s28  }
0x1ba: {  	s28 =	smulhi.u32 $0x68DB8BAD, s4;
	[smem:$0x7CA] =	sst s0  }
0x1bb: {  	s11 =	sadd.s32 s1, s24;
	s8 =	spop (v2sf);
	[smem:$0x7CB] =	sst s31  }
0x1bc: {  	(v2sf) =	vpush v10, $0xD;
	s0 =	sshra.s32 s29, $0x1F;
	s12 =	sadd.s32 s6, s5;
	s5 =	sld [smem:$0x7B7]  }
0x1bd: {  	s6 =	sld [smem:$0x7B8];
	s29 =	smul.u32 $0x68DB8BAD, s0;
	s0 =	sshra.s32 s4, $0x1F  }
0x1be: {  	s4 =	sld [smem:$0x7B6];
	s24 =	smul.u32 $0x68DB8BAD, s0;
	s0 =	sshra.s32 s8, $0x1F  }
0x1bf: {  	s16 =	spop (v2sf);
	s19 =	smul.u32 $0x68DB8BAD, s0  }
0x1c0: {  	(v2sf) =	vpush v10, $0xC;
	s21 =	sadd.s32 s2, s21;
	s2 =	sld [smem:$0x7BB];
	s18 =	smulhi.u32 $0x68DB8BAD, s16  }
0x1c1: {  	s0 =	sshra.s32 s16, $0x1F;
	s16 =	sadd.s32 s13, s30;
	s30 =	sld [smem:$0x7B9]  }
0x1c2: {  	(v2sf) =	vpush v10, $0xE;
	s1 =	sadd.s32 s4, s3;
	s3 =	sld [smem:$0x7BC]  }
0x1c3: {  	[smem:$0x7D4] =	sst s1  }
0x1c4: {  	s1 =	sadd.s32 s6, s5;
	s5 =	sld [smem:$0x7BD]  }
0x1c5: {  	s25 =	smulhi.u32 $0x68DB8BAD, s8;
	s24 =	sadd.s32 s24, s28;
	s6 =	sld [smem:$0x7BE]  }
0x1c6: {  	s17 =	sadd.s32 s17, s14;
	s14 =	smul.u32 $0x68DB8BAD, s0;
	[smem:$0x7E4] =	sst s24  }
0x1c7: {  	s19 =	sadd.s32 s19, s25;
	[smem:$0x7D5] =	sst s1;
	s31 =	spop (v2sf)  }
0x1c8: {  	s13 =	smulhi.u32 $0x68DB8BAD, s31;
	s0 =	sshra.s32 s31, $0x1F;
	s31 =	sld [smem:$0x7BA]  }
0x1c9: {  	[smem:$0x7E5] =	sst s19;
	s14 =	sadd.s32 s14, s18  }
0x1ca: {  	s26 =	sadd.s32 s26, s7;
	[smem:$0x7E6] =	sst s14  }
0x1cb: {  	(v2sf) =	vpush v10, $0xF;
	s7 =	spop (v2sf);
	s1 =	sadd.s32 s31, s30;
	s30 =	sld [smem:$0x7BF]  }
0x1cc: {  	s22 =	sadd.s32 s22, s9;
	s9 =	smul.u32 $0x68DB8BAD, s0;
	s31 =	sld [smem:$0x7C0]  }
0x1cd: {  	s8 =	smulhi.u32 $0x68DB8BAD, s7;
	[smem:$0x7D6] =	sst s1  }
0x1ce: {  	s9 =	sadd.s32 s9, s13;
	s1 =	sadd.s32 s3, s2;
	s2 =	sld [smem:$0x7C5]  }
0x1cf: {  	s0 =	sshra.s32 s7, $0x1F;
	s4 =	spop (v2sf);
	[smem:$0x7E2] =	sst s9  }
0x1d0: {  	s7 =	smul.u32 $0x68DB8BAD, s0;
	[smem:$0x7D7] =	sst s1;
	s1 =	sadd.s32 s6, s5  }
0x1d1: {  	s0 =	sshra.s32 s4, $0x1F;
	s3 =	spop (v2sf);
	[smem:$0x7D8] =	sst s1  }
0x1d2: {  	s6 =	smulhi.u32 $0x68DB8BAD, s4;
	s1 =	sadd.s32 s31, s30;
	s30 =	sld [smem:$0x7C1]  }
0x1d3: {  	s5 =	smul.u32 $0x68DB8BAD, s0;
	s31 =	sld [smem:$0x7C2]  }
0x1d4: {  	s4 =	smulhi.u32 $0x68DB8BAD, s3;
	s0 =	sshra.s32 s3, $0x1F;
	s3 =	sld [smem:$0x7C3]  }
0x1d5: {  	[smem:$0x7D9] =	sst s1  }
0x1d6: {  	(v2sf) =	vpush v10, $0x9;
	s7 =	sadd.s32 s7, s8;
	s1 =	sadd.s32 s31, s30;
	s30 =	sld [smem:$0x7C4]  }
0x1d7: {  	[smem:$0x7EE] =	sst s7  }
0x1d8: {  	[smem:$0x7DC] =	sst s1  }
0x1d9: {  	(v2sf) =	vpush v10, $0x8;
	s1 =	sadd.s32 s30, s3;
	s30 =	sld [smem:$0x7C6]  }
0x1da: {  	(v2sf) =	vpush v10, $0xA;
	s5 =	sadd.s32 s5, s6;
	s6 =	sld [smem:$0x7D3];
	s31 =	spop (v2sf)  }
0x1db: {  	s3 =	smul.u32 $0x68DB8BAD, s0;
	s0 =	sshra.s32 s31, $0x1F;
	[smem:$0x7DE] =	sst s1  }
0x1dc: {  	(v2sf) =	vpush v10, $0xB;
	s1 =	sadd.s32 s30, s2;
	s2 =	smulhi.u32 $0x68DB8BAD, s31;
	s31 =	sld [smem:$0x7C7]  }
0x1dd: {  	s30 =	sld [smem:$0x7C8]  }
0x1de: {  	[smem:$0x7EF] =	sst s5  }
0x1df: {  	[smem:$0x7DF] =	sst s1  }
0x1e0: {  	s1 =	sadd.s32 s30, s31;
	s30 =	sld [smem:$0x7C9]  }
0x1e1: {  	s31 =	sld [smem:$0x7CA]  }
0x1e2: {  	s3 =	sadd.s32 s3, s4;
	s4 =	sld [smem:$0x7D2]  }
0x1e3: {  	[smem:$0x7E0] =	sst s1;
	s1 =	smul.u32 $0x68DB8BAD, s0  }
0x1e4: {  	s30 =	sadd.s32 s31, s30;
	s31 =	sld [smem:$0x7CB]  }
0x1e5: {  	[smem:$0x7F0] =	sst s3;
	s0 =	spop (v2sf);
	s1 =	sadd.s32 s1, s2  }
0x1e6: {  	[smem:$0x7E1] =	sst s30;
	s30 =	smulhi.u32 $0x68DB8BAD, s0;
	s0 =	sshra.s32 s0, $0x1F  }
0x1e7: {  	[smem:$0x7F1] =	sst s1;
	s0 =	smul.u32 $0x68DB8BAD, s0;
	s29 =	sadd.s32 s29, s31  }
0x1e8: {  	s31 =	spop (v2sf);
	[smem:$0x7E3] =	sst s29  }
0x1e9: {  	s24 =	smulhi.u32 $0x68DB8BAD, s31;
	s31 =	sshra.s32 s31, $0x1F;
	s29 =	spop (v2sf)  }
0x1ea: {  	s0 =	sadd.s32 s0, s30;
	s30 =	sld [smem:$0x7D0];
	s19 =	smul.u32 $0x68DB8BAD, s31  }
0x1eb: {  	s14 =	smulhi.u32 $0x68DB8BAD, s29;
	s31 =	sshra.s32 s29, $0x1F;
	s28 =	spop (v2sf)  }
0x1ec: {  	[smem:$0x7F2] =	sst s0;
	s25 =	smul.u32 $0x68DB8BAD, s31  }
0x1ed: {  	s29 =	smulhi.u32 $0x68DB8BAD, s28;
	s31 =	sshra.s32 s28, $0x1F;
	s28 =	sld [smem:$0x7CE]  }
0x1ee: {  	s13 =	sadd.s32 s19, s24;
	s24 =	sld [smem:$0x7CC]  }
0x1ef: {  	s8 =	smul.u32 $0x68DB8BAD, s31;
	s31 =	sld [smem:$0x7D1]  }
0x1f0: {  	[dreg:$0x1e] =	wrdreg s13  }
0x1f1: {  	s18 =	sadd.s32 s25, s14;
	s25 =	sld [smem:$0x7CD]  }
0x1f2: {  	s13 =	sshrl.u32 s4, $0x1F;
	[dreg:$0x1f] =	wrdreg s18  }
0x1f3: {  	(v2sf) =	vpush v10, $0x0;
	s19 =	sadd.s32 s8, s29;
	s3 =	sshrl.u32 s28, $0x1F;
	s29 =	sld [smem:$0x7CF]  }
0x1f4: {  	s8 =	sshrl.u32 s30, $0x1F;
	s18 =	sshra.s32 s30, $0xD;
	s30 =	sshrl.u32 s11, $0x1F  }
0x1f5: {  	[dreg:$0x1d] =	wrdreg s19;
	s0 =	sshrl.u32 s24, $0x1F;
	s14 =	sshra.s32 s24, $0xD  }
0x1f6: {  	(v2sf) =	vpush v10, $0x1;
	s19 =	sshra.s32 s28, $0xD;
	s9 =	sshrl.u32 s31, $0x1F;
	s24 =	sshra.s32 s31, $0xD  }
0x1f7: {  	s28 =	sshrl.u32 s10, $0x1F;
	s31 =	sshra.s32 s11, $0xD;
	s11 =	sshra.s32 s11, $0x1F  }
0x1f8: {  	(v2sf) =	vpush v10, $0x2;
	s2 =	sshrl.u32 s25, $0x1F;
	s7 =	sshra.s32 s25, $0xD;
	s25 =	sshrl.u32 s6, $0x1F  }
0x1f9: {  	v14 =	vmov s28;
	s28 =	sshra.s32 s26, $0x1F;
	v28 =	vmov s9;
	s9 =	sshra.s32 s21, $0x1F;
	v19 =	vmov s24;
	s5 =	sshrl.u32 s29, $0x1F  }
0x1fa: {  	s1 =	sshra.s32 s29, $0xD;
	s29 =	sshra.s32 s10, $0xD;
	v19 =	vsel vm2, s18, v19;
	s18 =	sld [smem:$0x7DC]  }
0x1fb: {  	s10 =	sshra.s32 s10, $0x1F;
	v13 =	vmov s2;
	s2 =	sshrl.u32 s12, $0x1F;
	[smem:$0x7DA] =	sst s1  }
0x1fc: {  	(v2sf) =	vpush v10, $0x3;
	v16 =	vnsel vm3, $0x0, v14;
	s1 =	sshra.s32 s4, $0xD;
	s4 =	sshra.s32 s12, $0xD;
	s12 =	sshra.s32 s12, $0x1F  }
0x1fd: {  	v13 =	vsel vm2, s0, v13;
	s0 =	sshra.s32 s16, $0x1F;
	v27 =	vsel vm2, s30, v16;
	s30 =	sshra.s32 s17, $0x1F;
	v16 =	vsel vm2, s8, v28;
	s8 =	sld [smem:$0x7D4]  }
0x1fe: {  	(v2sf) =	vpush v10, $0x4;
	[smem:$0x7DB] =	sst s1;
	s1 =	sshra.s32 s6, $0xD;
	s6 =	sshra.s32 s26, $0xD;
	v15 =	vmov s0  }
0x1ff: {  	v13 =	vsel vm4, s3, v13;
	s0 =	sshra.s32 s22, $0xD;
	s3 =	sshra.s32 s17, $0xD;
	v16 =	vsel vm4, s13, v16;
	s13 =	sld [smem:$0x7D6];
	v15 =	vsel vm3, s29, v15  }
0x200: {  	[smem:$0x7DD] =	sst s1;
	s1 =	sshrl.u32 s26, $0x1F;
	s26 =	sshrl.u32 s22, $0x1F;
	v63 =	vsel vm6, s5, v13;
	v13 =	vsel vm4, s2, v27;
	v15 =	vsel vm5, s10, v15  }
0x201: {  	s29 =	sshra.s32 s22, $0x1F;
	s22 =	sshrl.u32 s17, $0x1F;
	s17 =	sshra.s32 s21, $0xD;
	v13 =	vsel vm6, s1, v13;
	v15 =	vsel vm2, s31, v15  }
0x202: {  	s10 =	sshrl.u32 s21, $0x1F;
	s5 =	sshrl.u32 s8, $0x1F;
	v13 =	vsel vm10, s26, v13;
	v15 =	vsel vm7, s11, v15;
	s11 =	spop (v2sf)  }
0x203: {  	s31 =	sshra.s32 s8, $0xD;
	v13 =	vsel vm13, s22, v13;
	s8 =	smulhi.u32 $0x68DB8BAD, s11;
	s1 =	sshra.s32 s11, $0x1F  }
0x204: {  	vm0 =	vcmask $0x3B38;
	s21 =	sshrl.u32 s16, $0x1F;
	v15 =	vsel vm4, s4, v15;
	s11 =	sld [smem:$0x7D5];
	v13 =	vsel vm15, s10, v13;
	s1 =	smul.u32 $0x68DB8BAD, s1  }
0x205: {  	s26 =	sshra.s32 s13, $0xD;
	v15 =	vsel vm8, s12, v15;
	s12 =	spop (v2sf);
	v17 =	vsel vm0, s21, v13;
	s21 =	sld [smem:$0x7D7]  }
0x206: {  	s10 =	sshrl.u32 s13, $0x1F;
	[smem:$0x7E7] =	sst s8;
	s22 =	smulhi.u32 $0x68DB8BAD, s12  }
0x207: {  	(v2sf) =	vpush v10, $0x5;
	v15 =	vsel vm6, s6, v15;
	s8 =	sld [smem:$0x7FC];
	s4 =	sshrl.u32 s11, $0x1F;
	s2 =	sshra.s32 s11, $0xD  }
0x208: {  	[smem:$0x7E8] =	sst s1;
	v29 =	vsel vm9, s28, v15;
	s1 =	sshra.s32 s12, $0x1F;
	s28 =	spop (v2sf)  }
0x209: {  	s12 =	sld [smem:$0x7D8];
	s11 =	sshrl.u32 s21, $0x1F;
	s13 =	smul.u32 $0x68DB8BAD, s1  }
0x20a: {  	v30 =	vmov s7;
	v18 =	vsel vm10, s0, v29;
	s7 =	smulhi.u32 $0x68DB8BAD, s28;
	s0 =	sshra.s32 s28, $0x1F;
	s28 =	sld [smem:$0x7DA]  }
0x20b: {  	s6 =	sshra.s32 s21, $0xD;
	s21 =	spop (v2sf);
	v20 =	vmov s4;
	s4 =	sld [smem:$0x7DF]  }
0x20c: {  	(v2sf) =	vpush v10, $0x6;
	v16 =	vsel vm6, s25, v16;
	s25 =	sadd.s32 $0x10, s8;
	v18 =	vsel vm11, s29, v18;
	s1 =	smul.u32 $0x68DB8BAD, s0;
	s29 =	sld [smem:$0x7DB]  }
0x20d: {  	s24 =	smulhi.u32 $0x68DB8BAD, s21;
	v31 =	vadd.s32 s25, v2;
	v18 =	vsel vm13, s3, v18;
	s25 =	sld [smem:$0x7D9]  }
0x20e: {  	[smem:$0x7E9] =	sst s7;
	v18 =	vsel vm14, s30, v18;
	s30 =	spop (v2sf)  }
0x20f: {  	(v2sf) =	vpush v10, $0x7;
	v15 =	vsel vm2, s14, v30;
	s0 =	sshra.s32 s21, $0x1F;
	[smem:$0x7EA] =	sst s24;
	s21 =	smulhi.u32 $0x68DB8BAD, s30  }
0x210: {  	v15 =	vsel vm4, s19, v15;
	s19 =	sshrl.u32 s25, $0x1F;
	s24 =	sshra.s32 s25, $0xD;
	s25 =	sld [smem:$0x7DD]  }
0x211: {  	s3 =	sld [smem:$0x7E2]  }
0x212: {  	v19 =	vsel vm4, s29, v19;
	[smem:$0x7EB] =	sst s21  }
0x213: {  	s16 =	sshra.s32 s16, $0xD;
	v20 =	vsel vm2, s5, v20;
	v19 =	vsel vm6, s25, v19;
	s25 =	sld [smem:$0x7E0]  }
0x214: {  	s14 =	sshrl.u32 s12, $0x1F;
	v20 =	vsel vm4, s10, v20;
	(v2sf) =	vpush v31, $0xD;
	v15 =	vsel vm6, s28, v15;
	s29 =	sshrl.u32 s4, $0x1F;
	s21 =	sld [smem:$0x7E1]  }
0x215: {  	s7 =	sshra.s32 s18, $0xD;
	s28 =	sld [smem:$0x7DE];
	v20 =	vsel vm6, s11, v20;
	v18 =	vsel vm15, s17, v18;
	s17 =	smul.u32 $0x68DB8BAD, s0;
	v21 =	vmov s29  }
0x216: {  	(v2sf) =	vpush v31, $0xC;
	s0 =	sshra.s32 s30, $0x1F;
	s30 =	spop (v2sf);
	v18 =	vsel vm1, s9, v18;
	v21 =	vnsel vm3, $0x0, v21;
	s11 =	sshrl.u32 s25, $0x1F  }
0x217: {  	s9 =	sshrl.u32 s18, $0x1F;
	(v2sf) =	vpush v31, $0xE;
	s18 =	smul.u32 $0x68DB8BAD, s0;
	v22 =	vmov s19;
	s19 =	sshrl.u32 s21, $0x1F;
	v21 =	vsel vm2, s11, v21  }
0x218: {  	s10 =	smulhi.u32 $0x68DB8BAD, s30;
	s0 =	sshra.s32 s30, $0x1F;
	v21 =	vsel vm4, s19, v21;
	s19 =	sld [smem:$0x7E3]  }
0x219: {  	s29 =	sshra.s32 s3, $0x1F;
	s30 =	sshra.s32 s4, $0x1F;
	v18 =	vsel vm0, s16, v18;
	s16 =	sshrl.u32 s28, $0x1F  }
0x21a: {  	s5 =	sshra.s32 s28, $0xD;
	s28 =	sshra.s32 s4, $0xD;
	v23 =	vmov s29;
	[smem:$0x7EC] =	sst s10  }
0x21b: {  	v22 =	vsel vm2, s14, v22;
	s14 =	smul.u32 $0x68DB8BAD, s0;
	v23 =	vsel vm3, s28, v23;
	s28 =	spop (v2sf);
	s4 =	sshrl.u32 s19, $0x1F  }
0x21c: {  	s12 =	sshra.s32 s12, $0xD;
	(v2sf) =	vpush v31, $0xF;
	v23 =	vsel vm5, s30, v23;
	s30 =	smulhi.u32 $0x68DB8BAD, s28;
	v21 =	vsel vm6, s4, v21;
	s4 =	sld [smem:$0x7E4]  }
0x21d: {  	v14 =	vcombine.low v16, v63;
	v32 =	vmov s24;
	v22 =	vsel vm4, s9, v22;
	s9 =	sshra.s32 s25, $0x1F;
	s11 =	sshra.s32 s25, $0xD;
	s25 =	sld [smem:$0x7E5]  }
0x21e: {  	v24 =	vmov s2;
	(v2sf) =	vpush v31, $0x9;
	v16 =	vsel vm2, s12, v32;
	s0 =	sshra.s32 s28, $0x1F;
	s28 =	sld [smem:$0x7E6];
	s2 =	spop (v2sf)  }
0x21f: {  	v24 =	vsel vm2, s31, v24;
	v16 =	vsel vm4, s7, v16;
	s7 =	sld [smem:$0x7E7];
	s0 =	smul.u32 $0x68DB8BAD, s0;
	s10 =	sshrl.u32 s4, $0x1F  }
0x220: {  	v24 =	vsel vm4, s26, v24;
	[smem:$0x7ED] =	sst s30;
	s30 =	sshra.s32 s21, $0x1F;
	s29 =	sshrl.u32 s25, $0x1F;
	v21 =	vsel vm10, s10, v21  }
0x221: {  	v22 =	vsel vm6, s16, v22;
	s16 =	sshrl.u32 s28, $0x1F;
	v23 =	vsel vm2, s11, v23;
	s11 =	smulhi.u32 $0x68DB8BAD, s2;
	s26 =	sshra.s32 s19, $0xD;
	v21 =	vsel vm13, s29, v21  }
0x222: {  	(v2sf) =	vpush v31, $0x8;
	v23 =	vsel vm7, s9, v23;
	s24 =	sshra.s32 s4, $0x1F;
	s29 =	sshra.s32 s21, $0xD;
	v21 =	vsel vm15, s16, v21;
	s16 =	sshra.s32 s2, $0x1F  }
0x223: {  	s21 =	sshrl.u32 s3, $0x1F;
	v23 =	vsel vm4, s29, v23;
	s29 =	spop (v2sf);
	s16 =	smul.u32 $0x68DB8BAD, s16  }
0x224: {  	v23 =	vsel vm8, s30, v23;
	s30 =	sshra.s32 s19, $0x1F;
	s19 =	smulhi.u32 $0x68DB8BAD, s29;
	s9 =	sshra.s32 s29, $0x1F  }
0x225: {  	v21 =	vsel vm0, s21, v21;
	s31 =	spop (v2sf);
	s21 =	sshra.s32 s4, $0xD;
	s2 =	smul.u32 $0x68DB8BAD, s9  }
0x226: {  	(v2sf) =	vpush v31, $0xA;
	s10 =	smulhi.u32 $0x68DB8BAD, s31;
	s9 =	sshra.s32 s31, $0x1F;
	s29 =	spop (v2sf)  }
0x227: {  	v23 =	vsel vm6, s26, v23;
	s26 =	sshra.s32 s25, $0xD;
	s4 =	smul.u32 $0x68DB8BAD, s9;
	s9 =	rddreg [dreg:$0x14]  }
0x228: {  	v23 =	vsel vm9, s30, v23;
	s12 =	smulhi.u32 $0x68DB8BAD, s29;
	s31 =	sshra.s32 s29, $0x1F;
	s2 =	sadd.s32 s2, s19  }
0x229: {  	s30 =	sshra.s32 s25, $0x1F;
	v33 =	vsel vm10, s21, v23;
	s25 =	smul.u32 $0x68DB8BAD, s31;
	[smem:$0x7F4] =	sst s2  }
0x22a: {  	v15 =	vcombine.low v19, v15;
	(v2sf) =	vpush v31, $0xB;
	s21 =	sshra.s32 s28, $0xD;
	v19 =	vsel vm11, s24, v33;
	s4 =	sadd.s32 s4, s10;
	s2 =	rddreg [dreg:$0x1d]  }
0x22b: {  	s28 =	sshra.s32 s28, $0x1F;
	s24 =	spop (v2sf);
	v19 =	vsel vm13, s26, v19;
	[smem:$0x7F5] =	sst s4  }
0x22c: {  	v14 =	vperm.xlane v14, v4;
	(v2sf) =	vpush v31, $0x0;
	s26 =	smulhi.u32 $0x68DB8BAD, s24;
	s19 =	sadd.s32 s25, s12;
	s12 =	sld [smem:$0x7EE];
	v19 =	vsel vm14, s30, v19  }
0x22d: {  	v17 =	vperm.xlane v17, v5;
	v34 =	vsel vm6, s6, v24;
	s29 =	sshra.s32 s24, $0x1F;
	s31 =	spop (v2sf);
	[smem:$0x7F7] =	sst s19;
	v36 =	vsel vm15, s21, v19  }
0x22e: {  	v18 =	vperm.xlane v18, v5;
	v15 =	vperm.xlane v15, v4;
	s6 =	sshra.s32 s31, $0x1F;
	s19 =	sld [smem:$0x7F0];
	v38 =	vsel vm1, s28, v36;
	s28 =	smul.u32 $0x68DB8BAD, s29  }
0x22f: {  	s22 =	sadd.s32 s13, s22;
	v35 =	vld [tilespmem:s9+$0xDC80];
	s29 =	smul.u32 $0x68DB8BAD, s6;
	s6 =	sld [smem:$0x7EA]  }
0x230: {  	v14 =	vsel vm12, v17, v14;
	v15 =	vsel vm12, v18, v15;
	s30 =	sshra.s32 s3, $0xD;
	s3 =	smulhi.u32 $0x68DB8BAD, s31;
	s21 =	sld [smem:$0x7E8]  }
0x231: {  	v37 =	vsel vm6, s5, v16;
	v14 =	vadd.s32 v14, v15;
	s10 =	simm.s32 $0x1FD00;
	s24 =	spop (v2sf);
	v16 =	vsel vm0, s30, v38;
	s30 =	sld [smem:$0x7E9]  }
0x232: {  	v14 =	vmul.u32 $0x4E20, v14;
	s28 =	sadd.s32 s28, s26;
	s17 =	sadd.s32 s17, s6;
	s6 =	sld [smem:$0x7EC]  }
0x233: {  	s31 =	sshra.s32 s24, $0x1F;
	s29 =	sadd.s32 s29, s3;
	[smem:$0x7F8] =	sst s28  }
0x234: {  	v41 =	vshrl.u32 v35, $0x10;
	s31 =	smul.u32 $0x68DB8BAD, s31;
	vm0 =	vlt.s32 v11, s8;
	v11 =	vsub.s32 v11, v14;
	s21 =	sadd.s32 s21, s7;
	[smem:$0x7F9] =	sst s29  }
0x235: {  	v11 =	vsel vm0, v41, v11;
	s7 =	spop (v2sf);
	vm0 =	vlt.s32 v12, s8;
	s8 =	simm.s32 $0x20;
	s28 =	sld [smem:$0x7F2]  }
0x236: {  	v39 =	vcombine.low v22, v20;
	[tilespmem:$0x1FD00] =	vst v11;
	s13 =	sadd.s32 s1, s30;
	s30 =	smulhi.u32 $0x68DB8BAD, s24;
	s24 =	sld [smem:$0x7EB]  }
0x237: {  	v40 =	vcombine.low v37, v34;
	v45 =	vld [tilespmem:s9+$0xDC90];
	s1 =	sshra.s32 s7, $0x1F;
	s9 =	sld [smem:$0x7ED];
	s6 =	sadd.s32 s14, s6  }
0x238: {  	v42 =	vperm.xlane v39, v4;
	v43 =	vperm.xlane v21, v5;
	s14 =	smul.u32 $0x68DB8BAD, s1;
	s3 =	sadd.s32 s31, s30;
	s30 =	rddreg [dreg:$0x1e]  }
0x239: {  	v44 =	vperm.xlane v16, v5;
	v11 =	vperm.xlane v40, v4;
	s24 =	sadd.s32 s18, s24;
	s18 =	smulhi.u32 $0x68DB8BAD, s7;
	s7 =	spop (v2sf)  }
0x23a: {  	s5 =	sadd.s32 s0, s9;
	s0 =	smulhi.u32 $0x68DB8BAD, s7;
	s1 =	sshra.s32 s7, $0x1F  }
0x23b: {  	v15 =	vsel vm12, v43, v42;
	v11 =	vsel vm12, v44, v11;
	s9 =	sadd.s32 s16, s11;
	s7 =	spop (v2sf);
	s16 =	smul.u32 $0x68DB8BAD, s1  }
0x23c: {  	s29 =	sshra.s32 s12, $0xD;
	v11 =	vadd.s32 v15, v11;
	[smem:$0x7FA] =	sst s3;
	s11 =	smulhi.u32 $0x68DB8BAD, s7  }
0x23d: {  	(v2sf) =	vpush v31, $0x1;
	v11 =	vmul.u32 $0x4E20, v11;
	s1 =	sshra.s32 s7, $0x1F;
	s4 =	sadd.s32 s14, s18;
	s7 =	rddreg [dreg:$0x3]  }
0x23e: {  	(v2sf) =	vpush v31, $0x2;
	s31 =	sshrl.u32 s19, $0x1F;
	s3 =	sshra.s32 s9, $0x1F;
	[smem:$0x7FB] =	sst s4  }
0x23f: {  	v11 =	vsub.s32 v12, v11;
	v46 =	vshrl.u32 v45, $0x10;
	s25 =	smul.u32 $0x68DB8BAD, s1;
	s4 =	sshrl.u32 s12, $0x1F;
	s1 =	rddreg [dreg:$0x1f]  }
0x240: {  	v11 =	vsel vm0, v46, v11;
	s12 =	sshrl.u32 s2, $0x1F;
	s0 =	sadd.s32 s16, s0;
	s16 =	sld [smem:$0x7EF]  }
0x241: {  	[tilespmem:$0x1FD10] =	vst v11;
	v11 =	vmov s3;
	s3 =	sshrl.u32 s13, $0x1F;
	[smem:$0x7FD] =	sst s0;
	s14 =	sadd.s32 s25, s11  }
0x242: {  	(v2sf) =	vpush v31, $0x3;
	s11 =	simm.s32 $0x1DD00;
	s0 =	sshra.s32 s19, $0xD;
	s25 =	sld [smem:$0x7F1]  }
0x243: {  	(v2sf) =	vpush v31, $0x4;
	[tilespmem:s11], [sflag:$0x3] =	stream.indirect.gather [hbm4b:s7+s8], $0x80, s10, s8, $0x2000b8;
	[tilespmem:$0x1FE00] =	vst v63  }
0x244: {  	(v2sf) =	vpush v31, $0x5;
	s19 =	sshra.s32 s1, $0xD;
	[smem:$0x7F3] =	sst s0;
	s10 =	sshrl.u32 s28, $0x1F  }
0x245: {  	s8 =	sshrl.u32 s30, $0x1F;
	s11 =	sshrl.u32 s1, $0x1F;
	s1 =	sshra.s32 s21, $0xD  }
0x246: {  	s18 =	sshrl.u32 s16, $0x1F;
	s26 =	sshra.s32 s16, $0xD;
	s16 =	sshra.s32 s2, $0xD  }
0x247: {  	(v2sf) =	vpush v31, $0x6;
	s2 =	sshrl.u32 s22, $0x1F;
	v11 =	vsel vm3, s1, v11;
	s1 =	sshra.s32 s13, $0x1F;
	s7 =	sshrl.u32 s25, $0x1F  }
0x248: {  	(v2sf) =	vpush v31, $0x7;
	s0 =	sshra.s32 s25, $0xD;
	s25 =	sshra.s32 s28, $0xD;
	s28 =	sshra.s32 s30, $0xD  }
0x249: {  	s30 =	sshra.s32 s22, $0xD;
	s22 =	sshra.s32 s22, $0x1F;
	v47 =	vmov s18;
	s18 =	sshrl.u32 s24, $0x1F  }
0x24a: {  	v49 =	vmov s8;
	[smem:$0x7F6] =	sst s0;
	s0 =	sshrl.u32 s21, $0x1F;
	s21 =	sshra.s32 s21, $0x1F  }
0x24b: {  	v12 =	vsel vm2, s4, v47;
	s4 =	sshra.s32 s17, $0xD;
	v51 =	vmov s28;
	s28 =	sld [smem:$0x7F3];
	v48 =	vmov s0;
	s0 =	sshra.s32 s13, $0xD  }
0x24c: {  	v15 =	vsel vm2, s10, v49;
	s13 =	sshrl.u32 s17, $0x1F;
	v11 =	vsel vm5, s21, v11;
	s17 =	sshra.s32 s17, $0x1F;
	v12 =	vsel vm4, s31, v12;
	s31 =	spop (v2sf)  }
0x24d: {  	s21 =	sshra.s32 s24, $0x1F;
	v17 =	vsel vm2, s25, v51;
	v14 =	vnsel vm3, $0x0, v48;
	v11 =	vsel vm2, s30, v11;
	s30 =	sshra.s32 s6, $0xD;
	s10 =	spop (v2sf)  }
0x24e: {  	v15 =	vsel vm4, s11, v15;
	v17 =	vsel vm4, s19, v17;
	s19 =	sld [smem:$0x7F8];
	v14 =	vsel vm2, s2, v14;
	s2 =	sshra.s32 s24, $0xD;
	s11 =	smulhi.u32 $0x68DB8BAD, s10  }
0x24f: {  	v11 =	vsel vm7, s22, v11;
	s22 =	sshra.s32 s31, $0x1F;
	s24 =	sshrl.u32 s6, $0x1F;
	v14 =	vsel vm4, s3, v14;
	s3 =	smulhi.u32 $0x68DB8BAD, s31  }
0x250: {  	v12 =	vsel vm6, s7, v12;
	v17 =	vsel vm6, s16, v17;
	s16 =	sld [smem:$0x7FA];
	v11 =	vsel vm4, s0, v11;
	s31 =	sshra.s32 s6, $0x1F;
	s7 =	smul.u32 $0x68DB8BAD, s22  }
0x251: {  	vm0 =	vcmask $0x3B38;
	s0 =	sld [smem:$0x2];
	v14 =	vsel vm6, s13, v14;
	v11 =	vsel vm8, s1, v11;
	s1 =	sshra.s32 s10, $0x1F;
	s22 =	spop (v2sf)  }
0x252: {  	v15 =	vsel vm6, s12, v15;
	s13 =	sshrl.u32 s5, $0x1F;
	v14 =	vsel vm10, s18, v14;
	v11 =	vsel vm6, s4, v11;
	s1 =	smul.u32 $0x68DB8BAD, s1;
	s12 =	spop (v2sf)  }
0x253: {  	v50 =	vmov s26;
	v14 =	vsel vm13, s24, v14;
	v11 =	vsel vm9, s17, v11;
	s24 =	sshrl.u32 s9, $0x1F;
	s26 =	sshra.s32 s22, $0x1F;
	s6 =	spop (v2sf)  }
0x254: {  	v16 =	vsel vm2, s29, v50;
	v14 =	vsel vm15, s13, v14;
	v11 =	vsel vm10, s2, v11;
	s2 =	sshra.s32 s9, $0xD;
	s9 =	smulhi.u32 $0x68DB8BAD, s22;
	s22 =	sld [smem:$0x7F4]  }
0x255: {  	v16 =	vsel vm4, s28, v16;
	s28 =	sshrl.u32 s19, $0x1F;
	s8 =	smul.u32 $0x68DB8BAD, s26;
	v14 =	vsel vm0, s24, v14;
	v11 =	vsel vm11, s21, v11;
	s24 =	sld [smem:$0x7F5]  }
0x256: {  	s18 =	sshra.s32 s5, $0xD;
	s4 =	spop (v2sf);
	s21 =	sld [smem:$0x7F7];
	v11 =	vsel vm13, s30, v11  }
0x257: {  	v12 =	vcombine.low v15, v12;
	s5 =	sshra.s32 s5, $0x1F;
	s30 =	sld [smem:$0x7F6];
	v11 =	vsel vm14, s31, v11;
	s31 =	spop (v2sf)  }
0x258: {  	s1 =	sadd.s32 s1, s11;
	s8 =	sadd.s32 s8, s9;
	s25 =	smulhi.u32 $0x68DB8BAD, s31  }
0x259: {  	v12 =	vperm.xlane v12, v4;
	s29 =	sshrl.u32 s24, $0x1F;
	s26 =	sshra.s32 s31, $0x1F;
	s31 =	smulhi.u32 $0x68DB8BAD, s12  }
0x25a: {  	s17 =	sshrl.u32 s22, $0x1F;
	s13 =	sshrl.u32 s21, $0x1F;
	v11 =	vsel vm15, s18, v11;
	v16 =	vsel vm6, s30, v16;
	v52 =	vmov s29;
	s30 =	smul.u32 $0x68DB8BAD, s26  }
0x25b: {  	v14 =	vperm.xlane v14, v5;
	s18 =	sshrl.u32 s16, $0x1F;
	v11 =	vsel vm1, s5, v11;
	s5 =	sadd.s32 s7, s3;
	v18 =	vsel vm2, s17, v52;
	s17 =	sld [smem:$0x7F9]  }
0x25c: {  	v54 =	vmov s18;
	s18 =	sshra.s32 s14, $0x1F;
	v16 =	vcombine.low v17, v16;
	v53 =	vsel vm4, s13, v18;
	s13 =	sshra.s32 s12, $0x1F;
	s3 =	sadd.s32 s30, s25  }
0x25d: {  	v12 =	vsel vm12, v14, v12;
	v11 =	vsel vm0, s2, v11;
	s12 =	sld [smem:$0x7FC];
	s30 =	sshrl.u32 s5, $0x1F;
	s11 =	smul.u32 $0x68DB8BAD, s13  }
0x25e: {  	vm0 =	vlt.s32 v10, s0;
	v11 =	vperm.xlane v11, v5;
	v16 =	vperm.xlane v16, v4;
	s13 =	sld [smem:$0x7FB];
	s26 =	sshra.s32 s3, $0x1F;
	s29 =	sshrl.u32 s17, $0x1F  }
0x25f: {  	v15 =	vsel vm6, s28, v53;
	s28 =	sshrl.u32 s14, $0x1F;
	v55 =	vmov s26;
	s26 =	sshra.s32 s5, $0xD;
	v17 =	vsel vm2, s29, v54;
	s29 =	sshra.s32 s14, $0xD  }
0x260: {  	v57 =	vmov s28;
	s28 =	sshrl.u32 s8, $0x1F;
	s5 =	sshra.s32 s5, $0x1F;
	s10 =	sshra.s32 s17, $0xD;
	v56 =	vld [tilespmem:s12+$0xDC80];
	v11 =	vsel vm12, v11, v16;
	v14 =	vsel vm3, s29, v55  }
0x261: {  	s2 =	sadd.s32 s11, s31;
	s31 =	sshrl.u32 s1, $0x1F;
	v16 =	vnsel vm3, $0x0, v57;
	s11 =	sld [smem:$0x7FD];
	v11 =	vadd.s32 v12, v11;
	v14 =	vsel vm5, s18, v14  }
0x262: {  	s25 =	sshrl.u32 s13, $0x1F;
	v16 =	vsel vm2, s30, v16;
	s29 =	smulhi.u32 $0x68DB8BAD, s4;
	s4 =	sshra.s32 s4, $0x1F;
	v11 =	vmul.u32 $0x4E20, v11;
	v58 =	vsel vm2, s26, v14  }
0x263: {  	s30 =	sshra.s32 s1, $0xD;
	s1 =	sshra.s32 s1, $0x1F;
	v17 =	vsel vm4, s25, v17;
	s25 =	smulhi.u32 $0x68DB8BAD, s6;
	v59 =	vsel vm4, s31, v16;
	v12 =	vsel vm7, s5, v58  }
0x264: {  	s6 =	sshra.s32 s6, $0x1F;
	s4 =	smul.u32 $0x68DB8BAD, s4;
	v14 =	vsel vm6, s28, v59;
	s31 =	sshrl.u32 s11, $0x1F;
	v10 =	vsub.s32 v10, v11;
	v12 =	vsel vm4, s30, v12  }
0x265: {  	s18 =	sshra.s32 s8, $0xD;
	s6 =	smul.u32 $0x68DB8BAD, s6;
	v60 =	vsel vm6, s31, v17;
	s31 =	sshra.s32 s16, $0xD;
	v11 =	vshrl.u32 v56, $0x10;
	v12 =	vsel vm8, s1, v12  }
0x266: {  	s14 =	sshrl.u32 s2, $0x1F;
	s26 =	sshra.s32 s8, $0x1F;
	s4 =	sadd.s32 s4, s29;
	v62 =	vmov s31;
	v10 =	vsel vm0, v11, v10;
	v12 =	vsel vm6, s18, v12  }
0x267: {  	s29 =	sshra.s32 s2, $0xD;
	s6 =	sadd.s32 s6, s25;
	s30 =	sshra.s32 s24, $0xD;
	v11 =	vsel vm10, s14, v14;
	v14 =	vcombine.low v60, v15;
	v12 =	vsel vm9, s26, v12  }
0x268: {  	s8 =	sshra.s32 s2, $0x1F;
	s25 =	sshrl.u32 s6, $0x1F;
	v61 =	vmov s30;
	v16 =	vsel vm2, s10, v62;
	v12 =	vsel vm10, s29, v12  }
0x269: {  	s9 =	sshra.s32 s22, $0xD;
	s17 =	sshra.s32 s13, $0xD;
	s14 =	sshra.s32 s6, $0xD;
	vm0 =	vcmask $0x3B38;
	v11 =	vsel vm13, s25, v11;
	v12 =	vsel vm11, s8, v12  }
0x26a: {  	s16 =	sshra.s32 s21, $0xD;
	s28 =	sshrl.u32 s4, $0x1F;
	v15 =	vsel vm2, s9, v61;
	s18 =	sshra.s32 s6, $0x1F;
	v16 =	vsel vm4, s17, v16;
	v12 =	vsel vm13, s14, v12  }
0x26b: {  	s19 =	sshra.s32 s19, $0xD;
	s21 =	sshra.s32 s11, $0xD;
	s22 =	sshra.s32 s4, $0xD;
	v11 =	vsel vm15, s28, v11;
	v15 =	vsel vm4, s16, v15;
	v12 =	vsel vm14, s18, v12  }
0x26c: {  	s24 =	sshrl.u32 s3, $0x1F;
	s25 =	sshra.s32 s4, $0x1F;
	v16 =	vsel vm6, s21, v16;
	v15 =	vsel vm6, s19, v15;
	v12 =	vsel vm15, s22, v12  }
0x26d: {  	s26 =	sshra.s32 s3, $0xD;
	v11 =	vsel vm0, s24, v11;
	v15 =	vcombine.low v16, v15;
	v12 =	vsel vm1, s25, v12  }
0x26e: {  	v14 =	vperm.xlane v14, v4;
	v11 =	vperm.xlane v11, v5;
	v12 =	vsel vm0, s26, v12  }
0x26f: {  	[tilespmem:$0x1FD80] =	vst v10;
	v10 =	vperm.xlane v15, v4;
	v12 =	vperm.xlane v12, v5  }
0x270: {  	v63 =	vld [tilespmem:s12+$0xDC90]  }
0x271: {  	v11 =	vsel vm12, v11, v14;
	v10 =	vsel vm12, v12, v10  }
0x272: {  	v10 =	vadd.s32 v11, v10  }
0x273: {  	v10 =	vmul.u32 $0x4E20, v10;
	_ =	sdelay $0x1  }
0x274: {  	vm0 =	vlt.s32 v31, s0;
	v11 =	vshrl.u32 v63, $0x10;
	v10 =	vsub.s32 v31, v10  }
0x275: {  	s31 =	rddreg [dreg:$0x3];
	s30 =	simm.s32 $0x20;
	v10 =	vsel vm0, v11, v10  }
0x276: {  	s1 =	simm.s32 $0x0;
	s28 =	simm.s32 $0x1FD80;
	s29 =	simm.s32 $0x1ED00;
	[tilespmem:$0x1FD90] =	vst v10  }
0x277: {  	[tilespmem:s29], [sflag:$0x4] =	stream.indirect.gather [hbm4b:s31+s30], $0x80, s28, s30, $0x2000b8;
	[tilespmem:$0x1FE00] =	vst v63  }
.LBB2_31:
0x278: {  	p0 =	seq.s32 s1, $0x0  }
0x279: {  	s0 =	simm.s32 @!p0 $0x5  }
0x27a: {  	_ =	swait.ge @!p0 [sflag:s0], $0x4000  }
0x27b: {  	s2 =	sshll.u32 s1, $0x1;
	[dreg:$0xd] =	wrdreg s1;
	[sflag:s0] =	ssyncset.done @!p0 $0x0  }
0x27c: {  	[dreg:$0xe] =	wrdreg s2;
	[sflag:s0] =	ssyncadd.s32 @!p0 $0xFFFFC000  }
0x27d: {  	s1 =	sld @!p0 [smem:s2+$0xFFFFFFFE]  }
0x27e: {  	s2 =	sld @!p0 [smem:s2+$0xFFFFFFFF];
	_ =	sdelay $0x2  }
0x27f: {  	p1 =	sle.s32 @!p0 s2, s1  }
0x280: {  	p0 =	por p0, p1  }
.Ltmp25:
0x281: {  	_ = 	snop;
	(pc) =	sbr.rel @p0 .LBB2_35-.Ltmp25, $1  }
0x282: {  	_ =	sdelay $0x3  }
0x283: {  	s0 =	sshll.u32 s1, $0x2  }
0x284: {  	s0 =	sshra.s32 s0, $0x2  }
0x285: {  	s0 =	sadd.s32 $0xDC80, s0  }
0x286: {  	v10 =	vld [tilespmem:s0+$0x0];
	_ =	sdelay $0x4  }
0x287: {  	(v2sf) =	vpush v10, $0x0;
	_ =	sdelay $0xe  }
0x288: {  	s3 =	spop (v2sf)  }
0x289: {  	s3 =	sand.u32 $0xFF, s3  }
0x28a: {  	v10 =	vmov s3  }
0x28b: {  	v11 =	vshll.u32 v10, $0x3  }
0x28c: {  	v10 =	vand.u32 $0x7F, v10;
	v11 =	vand.u32 $0x400, v11  }
0x28d: {  	v10 =	vor.u32 v10, v11  }
0x28e: {  	v11 =	vor.u32 v6, v10  }
0x28f: {  	s31 =	ssub.s32 s2, s1;
	v12 =	vor.u32 v7, v10  }
0x290: {  	p0 =	sne.s32 s31, $0x1;
	v13 =	vor.u32 v8, v10  }
.Ltmp26:
0x291: {  	v10 =	vor.u32 v9, v10;
	(pc) =	sbr.rel @!p0 .LBB2_34-.Ltmp26, $4  }
0x292: {  	_ = 	snop  }
0x293: {  	[tilespmem:v11+s23+$0x0] =	vst.idx.msk $0xffff, v3  }
0x294: {  	[tilespmem:v12+s23+$0x0] =	vst.idx.msk $0xffff, v3  }
0x295: {  	s1 =	sadd.s32 $0xFFFFFFFF, s31;
	[tilespmem:v13+s23+$0x0] =	vst.idx.msk $0xffff, v3  }
.LBB2_33:
0x296: {  	p0 =	sne.s32 s1, $0x1;
	s1 =	sadd.s32 $0xFFFFFFFF, s1;
	[tilespmem:v10+s23+$0x0] =	vst.idx.msk $0xffff, v3;
	s0 =	sadd.s32 $0x1, s0  }
0x297: {  	v10 =	vld [tilespmem:s0+$0x0];
	_ =	sdelay $0x4  }
0x298: {  	(v2sf) =	vpush v10, $0x0;
	_ =	sdelay $0xe  }
0x299: {  	s2 =	spop (v2sf)  }
0x29a: {  	s2 =	sand.u32 $0xFF, s2  }
0x29b: {  	v10 =	vmov s2  }
0x29c: {  	v11 =	vshll.u32 v10, $0x3  }
0x29d: {  	v10 =	vand.u32 $0x7F, v10;
	v11 =	vand.u32 $0x400, v11  }
0x29e: {  	v10 =	vor.u32 v10, v11  }
0x29f: {  	v11 =	vor.u32 v6, v10  }
0x2a0: {  	v12 =	vor.u32 v7, v10  }
0x2a1: {  	v13 =	vor.u32 v8, v10  }
.Ltmp27:
0x2a2: {  	v10 =	vor.u32 v9, v10;
	(pc) =	sbr.rel @p0 .LBB2_33-.Ltmp27, $4  }
0x2a3: {  	_ = 	snop  }
0x2a4: {  	[tilespmem:v11+s23+$0x0] =	vst.idx.msk $0xffff, v3  }
0x2a5: {  	[tilespmem:v12+s23+$0x0] =	vst.idx.msk $0xffff, v3  }
0x2a6: {  	[tilespmem:v13+s23+$0x0] =	vst.idx.msk $0xffff, v3  }
.LBB2_34:
0x2a7: {  	_ =	sdelay $0x3  }
0x2a8: {  	[tilespmem:v10+s23+$0x0] =	vst.idx.msk $0xffff, v3  }
.LBB2_35:
0x2a9: {  	s0 =	rddreg [dreg:$0xe]  }
0x2aa: {  	s1 =	sld [smem:s0+$0x0]  }
0x2ab: {  	s6 =	sld [smem:s0+$0x1];
	_ =	sdelay $0x2  }
0x2ac: {  	[dreg:$0x11] =	wrdreg s1;
	s1 =	ssub.s32 s6, s1  }
0x2ad: {  	p0 =	slt.s32 s1, $0x1  }
.Ltmp28:
0x2ae: {  	_ = 	snop;
	(pc) =	sbr.rel @p0 .LBB2_45-.Ltmp28, $4  }
0x2af: {  	s31 =	simm.s32 $0x3  }
0x2b0: {  	_ =	swait.ge [sflag:s31], $0x1000  }
0x2b1: {  	[sflag:s31] =	ssyncset.done $0x0  }
0x2b2: {  	[dreg:$0xf] =	wrdreg s6;
	[sflag:s31] =	ssyncadd.s32 $0xFFFFF000  }
0x2b3: {  	s0 =	rddreg [dreg:$0x11]  }
0x2b4: {  	s0 =	sadd.s32 $0xDC80, s0  }
0x2b5: {  	v10 =	vld [tilespmem:s0+$0x0];
	_ =	sdelay $0x4  }
0x2b6: {  	(v2sf) =	vpush v10, $0x0;
	_ =	sdelay $0xe  }
0x2b7: {  	s2 =	spop (v2sf)  }
0x2b8: {  	s3 =	sand.u32 $0xFF, s2  }
0x2b9: {  	v10 =	vmov s3  }
0x2ba: {  	s2 =	sshrl.u32 s2, $0x9;
	v11 =	vshll.u32 v10, $0x3  }
0x2bb: {  	s2 =	sand.u32 $0x40, s2;
	v10 =	vand.u32 $0x7F, v10;
	v11 =	vand.u32 $0x400, v11  }
0x2bc: {  	s4 =	sadd.s32 $0x1DD00, s2;
	v11 =	vor.u32 v10, v11  }
0x2bd: {  	v10 =	vld [tilespmem:s4+$0x0];
	v12 =	vor.u32 v6, v11;
	_ =	sdelay $0x4  }
0x2be: {  	[tilespmem:v12+s23+$0x0] =	vst.idx.msk $0xffff, v10  }
0x2bf: {  	v62 =	vor.u32 v7, v11;
	v10 =	vld [tilespmem:s4+$0x10];
	_ =	sdelay $0x4  }
0x2c0: {  	[tilespmem:v62+s23+$0x0] =	vst.idx.msk $0xffff, v10  }
0x2c1: {  	s31 =	smin.u32 s1, $0x20;
	v63 =	vor.u32 v8, v11;
	v10 =	vld [tilespmem:s4+$0x20]  }
0x2c2: {  	p0 =	sne.s32 s31, $0x1  }
.Ltmp29:
0x2c3: {  	_ = 	snop;
	(pc) =	sbr.rel @!p0 .LBB2_38-.Ltmp29, $3  }
0x2c4: {  	_ =	sdelay $0x1  }
0x2c5: {  	[tilespmem:v63+s23+$0x0] =	vst.idx.msk $0xffff, v10  }
0x2c6: {  	s3 =	sadd.s32 $0xFFFFFFFF, s31;
	s2 =	simm.s32 $0x1DD00;
	v11 =	vor.u32 v9, v11;
	v10 =	vld [tilespmem:s4+$0x30]  }
.LBB2_37:
0x2c7: {  	_ =	sdelay $0x3  }
0x2c8: {  	p0 =	sne.s32 s3, $0x1;
	s0 =	sadd.s32 $0x1, s0;
	s2 =	sadd.s32 $0x80, s2;
	[tilespmem:v11+s23+$0x0] =	vst.idx.msk $0xffff, v10  }
0x2c9: {  	s3 =	sadd.s32 $0xFFFFFFFF, s3;
	v10 =	vld [tilespmem:s0+$0x0];
	_ =	sdelay $0x4  }
0x2ca: {  	(v2sf) =	vpush v10, $0x0;
	_ =	sdelay $0xe  }
0x2cb: {  	s4 =	spop (v2sf)  }
0x2cc: {  	s5 =	sand.u32 $0xFF, s4;
	s4 =	sshrl.u32 s4, $0x9  }
0x2cd: {  	v10 =	vmov s5;
	s4 =	sand.u32 $0x40, s4  }
0x2ce: {  	v11 =	vshll.u32 v10, $0x3  }
0x2cf: {  	v10 =	vand.u32 $0x7F, v10;
	v11 =	vand.u32 $0x400, v11  }
0x2d0: {  	s4 =	sadd.s32 s4, s2;
	v11 =	vor.u32 v10, v11  }
0x2d1: {  	v10 =	vld [tilespmem:s4+$0x0];
	v12 =	vor.u32 v6, v11;
	_ =	sdelay $0x4  }
0x2d2: {  	[tilespmem:v12+s23+$0x0] =	vst.idx.msk $0xffff, v10  }
0x2d3: {  	v12 =	vor.u32 v7, v11;
	v10 =	vld [tilespmem:s4+$0x10];
	_ =	sdelay $0x4  }
0x2d4: {  	[tilespmem:v12+s23+$0x0] =	vst.idx.msk $0xffff, v10  }
0x2d5: {  	v12 =	vor.u32 v8, v11;
	v10 =	vld [tilespmem:s4+$0x20];
	_ =	sdelay $0x1  }
.Ltmp30:
0x2d6: {  	(pc) =	sbr.rel @p0 .LBB2_37-.Ltmp30, $3  }
0x2d7: {  	_ =	sdelay $0x1  }
0x2d8: {  	[tilespmem:v12+s23+$0x0] =	vst.idx.msk $0xffff, v10  }
0x2d9: {  	v11 =	vor.u32 v9, v11;
	v10 =	vld [tilespmem:s4+$0x30]  }
.LBB2_38:
0x2da: {  	p0 =	slt.u32 s1, $0x21  }
.Ltmp31:
0x2db: {  	_ = 	snop;
	(pc) =	sbr.rel @p0 .LBB2_45-.Ltmp31, $2  }
0x2dc: {  	_ =	sdelay $0x2  }
0x2dd: {  	[tilespmem:v11+s23+$0x0] =	vst.idx.msk $0xffff, v10  }
.Ltmp32:
0x2de: {  	(pc) =	sbr.rel .LBB2_40-.Ltmp32, $4  }
0x2df: {  	s0 =	sadd.s32 $0xFFFFFFEF, s1;
	s2 =	rddreg [dreg:$0x11]  }
0x2e0: {  	s5 =	sadd.s32 $0xFFFFFFE0, s1;
	s3 =	sshll.u32 s2, $0x2;
	s0 =	sshrl.u32 s0, $0x4  }
0x2e1: {  	s2 =	sadd.s32 $0x20, s2;
	[dreg:$0x15] =	wrdreg s0;
	s31 =	sshra.s32 s3, $0x2  }
0x2e2: {  	v10 =	vmov s6;
	s30 =	simm.s32 $0x0;
	[dreg:$0x17] =	wrdreg s2;
	v11 =	vmov s2;
	s6 =	sadd.s32 $0xDCA0, s31  }
.LBB2_43:
0x2e3: {  	_ =	sdelay $0x3  }
0x2e4: {  	[tilespmem:v13+s23+$0x0] =	vst.idx.msk $0xffff, v12  }
.LBB2_44:
0x2e5: {  	s30 =	sadd.s32 $0x1, s30;
	s0 =	rddreg [dreg:$0x15]  }
0x2e6: {  	p0 =	sne.s32 s30, s0  }
.Ltmp33:
0x2e7: {  	_ = 	snop;
	(pc) =	sbr.rel @!p0 .LBB2_45-.Ltmp33, $2  }
0x2e8: {  	_ =	sdelay $0x2  }
0x2e9: {  	s5 =	sadd.s32 $0xFFFFFFF0, s5;
	s6 =	sadd.s32 $0x10, s6  }
.LBB2_40:
0x2ea: {  	s1 =	sshll.u32 s30, $0x4;
	s0 =	rddreg [dreg:$0x17]  }
0x2eb: {  	s0 =	sadd.s32 s1, s0  }
0x2ec: {  	v12 =	vadd.s32 s0, v2  }
0x2ed: {  	(v2sf) =	vpush v12, $0xD;
	_ =	sdelay $0x1  }
0x2ee: {  	(v2sf) =	vpush v12, $0xC;
	_ =	sdelay $0x1  }
0x2ef: {  	(v2sf) =	vpush v12, $0xE;
	_ =	sdelay $0x1  }
0x2f0: {  	(v2sf) =	vpush v12, $0xF;
	_ =	sdelay $0x1  }
0x2f1: {  	(v2sf) =	vpush v12, $0x9;
	_ =	sdelay $0x1  }
0x2f2: {  	(v2sf) =	vpush v12, $0x8;
	_ =	sdelay $0x1  }
0x2f3: {  	(v2sf) =	vpush v12, $0xA;
	_ =	sdelay $0x1  }
0x2f4: {  	(v2sf) =	vpush v12, $0xB  }
0x2f5: {  	[smem:$0x7AB] =	sst s1;
	s28 =	spop (v2sf)  }
0x2f6: {  	[smem:$0x7AC] =	sst s0;
	(v2sf) =	vpush v12, $0x0;
	s1 =	smulhi.u32 $0x68DB8BAD, s28;
	s0 =	sshra.s32 s28, $0x1F  }
0x2f7: {  	(v2sf) =	vpush v12, $0x1;
	s3 =	spop (v2sf);
	s0 =	smul.u32 $0x68DB8BAD, s0  }
0x2f8: {  	(v2sf) =	vpush v12, $0x2;
	s4 =	smulhi.u32 $0x68DB8BAD, s3;
	s3 =	sshra.s32 s3, $0x1F  }
0x2f9: {  	s29 =	spop (v2sf);
	s9 =	smul.u32 $0x68DB8BAD, s3  }
0x2fa: {  	[dreg:$0x1b] =	wrdreg s6;
	s10 =	smulhi.u32 $0x68DB8BAD, s29;
	s31 =	sshra.s32 s29, $0x1F  }
0x2fb: {  	(v2sf) =	vpush v12, $0x3;
	s2 =	spop (v2sf);
	s11 =	smul.u32 $0x68DB8BAD, s31  }
0x2fc: {  	[dreg:$0x19] =	wrdreg s5;
	(v2sf) =	vpush v12, $0x4;
	s12 =	smulhi.u32 $0x68DB8BAD, s2;
	s5 =	sshra.s32 s2, $0x1F  }
0x2fd: {  	(v2sf) =	vpush v12, $0x5;
	s6 =	spop (v2sf);
	s16 =	smul.u32 $0x68DB8BAD, s5  }
0x2fe: {  	(v2sf) =	vpush v12, $0x6;
	s17 =	smulhi.u32 $0x68DB8BAD, s6;
	s5 =	sshra.s32 s6, $0x1F  }
0x2ff: {  	(v2sf) =	vpush v12, $0x7;
	s7 =	spop (v2sf);
	s18 =	smul.u32 $0x68DB8BAD, s5  }
0x300: {  	s19 =	smulhi.u32 $0x68DB8BAD, s7;
	s3 =	sshra.s32 s7, $0x1F  }
0x301: {  	s8 =	spop (v2sf);
	s24 =	smul.u32 $0x68DB8BAD, s3  }
0x302: {  	s5 =	sadd.s32 s9, s4;
	s26 =	smulhi.u32 $0x68DB8BAD, s8;
	s13 =	sshra.s32 s8, $0x1F  }
0x303: {  	s14 =	spop (v2sf);
	s3 =	sadd.s32 s0, s1;
	s29 =	smul.u32 $0x68DB8BAD, s13  }
0x304: {  	s1 =	sadd.s32 s11, s10;
	s2 =	smulhi.u32 $0x68DB8BAD, s14;
	s14 =	sshra.s32 s14, $0x1F  }
0x305: {  	s0 =	sadd.s32 s16, s12;
	s21 =	spop (v2sf);
	s13 =	smul.u32 $0x68DB8BAD, s14  }
0x306: {  	s25 =	spop (v2sf);
	s8 =	smulhi.u32 $0x68DB8BAD, s21;
	s22 =	sshra.s32 s21, $0x1F  }
0x307: {  	s11 =	sadd.s32 s18, s17;
	s28 =	spop (v2sf);
	s21 =	smul.u32 $0x68DB8BAD, s22  }
0x308: {  	s9 =	smulhi.u32 $0x68DB8BAD, s25;
	s4 =	sshra.s32 s25, $0x1F;
	s25 =	sshrl.u32 s3, $0x1F  }
0x309: {  	s10 =	sadd.s32 s29, s26;
	s3 =	sshra.s32 s3, $0xD;
	s22 =	smul.u32 $0x68DB8BAD, s4  }
0x30a: {  	s16 =	smulhi.u32 $0x68DB8BAD, s28;
	s12 =	sshra.s32 s28, $0x1F;
	s31 =	spop (v2sf)  }
0x30b: {  	s28 =	sshrl.u32 s5, $0x1F;
	s4 =	sadd.s32 s13, s2;
	s6 =	spop (v2sf)  }
0x30c: {  	s17 =	smul.u32 $0x68DB8BAD, s12;
	s12 =	sadd.s32 s24, s19;
	s7 =	spop (v2sf)  }
0x30d: {  	s18 =	smulhi.u32 $0x68DB8BAD, s31;
	s24 =	sshra.s32 s31, $0x1F;
	s14 =	spop (v2sf)  }
0x30e: {  	s5 =	sshra.s32 s5, $0xD;
	s24 =	smul.u32 $0x68DB8BAD, s24;
	s26 =	spop (v2sf)  }
0x30f: {  	s19 =	sshrl.u32 s1, $0x1F;
	s29 =	smulhi.u32 $0x68DB8BAD, s26;
	s13 =	sshra.s32 s26, $0x1F  }
0x310: {  	s8 =	sadd.s32 s21, s8;
	s22 =	sadd.s32 s22, s9;
	s31 =	smul.u32 $0x68DB8BAD, s13  }
0x311: {  	s21 =	sshrl.u32 s12, $0x1F;
	s2 =	smulhi.u32 $0x68DB8BAD, s6;
	s6 =	sshra.s32 s6, $0x1F  }
0x312: {  	v14 =	vmov s28;
	s16 =	sadd.s32 s17, s16;
	s6 =	smul.u32 $0x68DB8BAD, s6;
	s9 =	sadd.s32 s31, s29  }
0x313: {  	v14 =	vsel vm2, s25, v14;
	s17 =	sshrl.u32 s11, $0x1F;
	s25 =	smulhi.u32 $0x68DB8BAD, s7;
	s26 =	sshra.s32 s9, $0x1F  }
0x314: {  	s7 =	sshra.s32 s7, $0x1F;
	s18 =	sadd.s32 s24, s18;
	s29 =	sshra.s32 s8, $0xD;
	v13 =	vmov s26  }
0x315: {  	s24 =	sshrl.u32 s10, $0x1F;
	s31 =	sshrl.u32 s8, $0x1F;
	s8 =	sshra.s32 s8, $0x1F;
	v13 =	vsel vm3, s29, v13  }
0x316: {  	v61 =	vmov s5;
	s7 =	smul.u32 $0x68DB8BAD, s7;
	s2 =	sadd.s32 s6, s2;
	v15 =	vmov s31;
	s31 =	sshra.s32 s22, $0xD;
	v13 =	vsel vm5, s8, v13  }
0x317: {  	v14 =	vsel vm4, s19, v14;
	v16 =	vmov s21;
	s6 =	sshrl.u32 s4, $0x1F;
	s13 =	sshrl.u32 s0, $0x1F;
	s26 =	sshra.s32 s22, $0x1F;
	v13 =	vsel vm2, s31, v13  }
0x318: {  	v16 =	vsel vm2, s17, v16;
	v15 =	vnsel vm3, $0x0, v15;
	s29 =	sshrl.u32 s22, $0x1F;
	s8 =	sshrl.u32 s16, $0x1F;
	s31 =	sshra.s32 s16, $0xD;
	v13 =	vsel vm7, s26, v13  }
0x319: {  	v16 =	vsel vm4, s24, v16;
	v15 =	vsel vm2, s29, v15;
	s29 =	smulhi.u32 $0x68DB8BAD, s14;
	s14 =	sshra.s32 s14, $0x1F;
	s16 =	sshra.s32 s16, $0x1F;
	v13 =	vsel vm4, s31, v13  }
0x31a: {  	s1 =	sshra.s32 s1, $0xD;
	v16 =	vsel vm6, s6, v16;
	v14 =	vsel vm6, s13, v14;
	s22 =	sshra.s32 s18, $0xD;
	s14 =	smul.u32 $0x68DB8BAD, s14;
	v13 =	vsel vm8, s16, v13  }
0x31b: {  	s19 =	sshrl.u32 s18, $0x1F;
	s7 =	sadd.s32 s7, s25;
	v14 =	vcombine.low v16, v14;
	v16 =	vsel vm2, s3, v61;
	s26 =	sshra.s32 s18, $0x1F;
	v13 =	vsel vm6, s22, v13  }
0x31c: {  	vm0 =	vcmask $0x3B38;
	s0 =	sshra.s32 s0, $0xD;
	v16 =	vsel vm4, s1, v16;
	s24 =	sadd.s32 s14, s29;
	s29 =	sshra.s32 s2, $0xD;
	v13 =	vsel vm9, s26, v13  }
0x31d: {  	s21 =	sshrl.u32 s2, $0x1F;
	v16 =	vsel vm6, s0, v16;
	v15 =	vsel vm4, s8, v15;
	s31 =	sshra.s32 s12, $0xD;
	s2 =	sshra.s32 s2, $0x1F;
	v13 =	vsel vm10, s29, v13  }
0x31e: {  	s11 =	sshra.s32 s11, $0xD;
	v15 =	vsel vm6, s19, v15;
	s12 =	sshra.s32 s7, $0xD;
	v17 =	vmov s31;
	v13 =	vsel vm11, s2, v13  }
0x31f: {  	s25 =	sshrl.u32 s7, $0x1F;
	s13 =	sshra.s32 s10, $0xD;
	v15 =	vsel vm10, s21, v15;
	s14 =	sshra.s32 s7, $0x1F;
	v17 =	vsel vm2, s11, v17;
	v13 =	vsel vm13, s12, v13  }
0x320: {  	v15 =	vsel vm13, s25, v15;
	s28 =	sshrl.u32 s24, $0x1F;
	s16 =	sshra.s32 s4, $0xD;
	s17 =	sshra.s32 s24, $0xD;
	v17 =	vsel vm4, s13, v17;
	v13 =	vsel vm14, s14, v13  }
0x321: {  	s18 =	sshrl.u32 s9, $0x1F;
	s19 =	sshra.s32 s24, $0x1F;
	v15 =	vsel vm15, s28, v15;
	v17 =	vsel vm6, s16, v17;
	v13 =	vsel vm15, s17, v13  }
0x322: {  	s21 =	sshra.s32 s9, $0xD;
	s22 =	sld [smem:$0x7AB];
	v15 =	vsel vm0, s18, v15;
	v16 =	vcombine.low v17, v16;
	v13 =	vsel vm1, s19, v13  }
0x323: {  	v14 =	vperm.xlane v14, v4;
	v15 =	vperm.xlane v15, v5;
	v13 =	vsel vm0, s21, v13  }
0x324: {  	v16 =	vperm.xlane v16, v4;
	v13 =	vperm.xlane v13, v5  }
0x325: {  	v62 =	vld.idx.msk [tilespmem:v11+s22+$0xDC80 ss:$0x1], $0xffff  }
0x326: {  	v14 =	vsel vm12, v15, v14;
	v13 =	vsel vm12, v13, v16  }
0x327: {  	v13 =	vadd.s32 v14, v13  }
0x328: {  	v13 =	vmul.u32 $0x4E20, v13;
	_ =	sdelay $0x1  }
0x329: {  	s5 =	rddreg [dreg:$0x19];
	vm0 =	vlt.s32 v12, v10;
	v63 =	vshrl.u32 v62, $0x10;
	v12 =	vsub.s32 v12, v13  }
0x32a: {  	s0 =	simm.s32 $0x1DD00;
	s24 =	rddreg [dreg:$0x3];
	v12 =	vsel vm0, v63, v12  }
0x32b: {  	s25 =	simm.s32 $0x1FD00;
	s28 =	simm.s32 $0x7;
	s26 =	simm.s32 $0x10;
	[tilespmem:$0x1FD00] =	vst v12  }
0x32c: {  	[tilespmem:s0], [sflag:$0x7] =	stream.indirect.gather [hbm4b:s24+s26], $0x80, s25, s26, $0x2000b8;
	[tilespmem:$0x1FE00] =	vst v63  }
0x32d: {  	s6 =	rddreg [dreg:$0x1b];
	_ =	swait.ge [sflag:s28], $0x800  }
0x32e: {  	s31 =	sld [smem:$0x7AC];
	_ =	sdelay $0x1  }
0x32f: {  	s29 =	rddreg [dreg:$0xf]  }
0x330: {  	s1 =	ssub.s32 s29, s31  }
0x331: {  	p0 =	slt.s32 s1, $0x1  }
.Ltmp34:
0x332: {  	_ = 	snop;
	(pc) =	sbr.rel @p0 .LBB2_44-.Ltmp34, $3  }
0x333: {  	_ =	sdelay $0x1  }
0x334: {  	[sflag:s28] =	ssyncset.done $0x0  }
0x335: {  	[sflag:s28] =	ssyncadd.s32 $0xFFFFF800  }
0x336: {  	v12 =	vld [tilespmem:s6+$0x0];
	_ =	sdelay $0x4  }
0x337: {  	(v2sf) =	vpush v12, $0x0;
	_ =	sdelay $0xe  }
0x338: {  	s1 =	spop (v2sf)  }
0x339: {  	s2 =	sand.u32 $0xFF, s1  }
0x33a: {  	v12 =	vmov s2  }
0x33b: {  	s1 =	sshrl.u32 s1, $0x9;
	v13 =	vshll.u32 v12, $0x3  }
0x33c: {  	s1 =	sand.u32 $0x40, s1;
	v12 =	vand.u32 $0x7F, v12;
	v13 =	vand.u32 $0x400, v13  }
0x33d: {  	s31 =	sadd.s32 $0x1DD00, s1;
	v13 =	vor.u32 v12, v13  }
0x33e: {  	v12 =	vld [tilespmem:s31+$0x0];
	v14 =	vor.u32 v6, v13;
	_ =	sdelay $0x4  }
0x33f: {  	[tilespmem:v14+s23+$0x0] =	vst.idx.msk $0xffff, v12  }
0x340: {  	v14 =	vor.u32 v7, v13;
	v12 =	vld [tilespmem:s31+$0x10];
	_ =	sdelay $0x4  }
0x341: {  	[tilespmem:v14+s23+$0x0] =	vst.idx.msk $0xffff, v12  }
0x342: {  	v14 =	vor.u32 v8, v13;
	v12 =	vld [tilespmem:s31+$0x20];
	_ =	sdelay $0x1  }
0x343: {  	p0 =	sgt.s32 s5, $0x1;
	s1 =	smov.u32 s5  }
0x344: {  	s1 =	simm.s32 @!p0 $0x1  }
0x345: {  	s1 =	smin.u32 s1, $0x10  }
0x346: {  	p0 =	sne.s32 s1, $0x1;
	[tilespmem:v14+s23+$0x0] =	vst.idx.msk $0xffff, v12  }
.Ltmp35:
0x347: {  	v13 =	vor.u32 v9, v13;
	v12 =	vld [tilespmem:s31+$0x30];
	(pc) =	sbr.rel @!p0 .LBB2_43-.Ltmp35, $2  }
0x348: {  	_ =	sdelay $0x2  }
0x349: {  	s3 =	smov.u32 s6;
	s1 =	sadd.s32 $0xFFFFFFFF, s1  }
.LBB2_42:
0x34a: {  	p0 =	sne.s32 s1, $0x1;
	[tilespmem:v13+s23+$0x0] =	vst.idx.msk $0xffff, v12;
	s3 =	sadd.s32 $0x1, s3;
	s0 =	sadd.s32 $0x80, s0  }
0x34b: {  	s1 =	sadd.s32 $0xFFFFFFFF, s1;
	v12 =	vld [tilespmem:s3+$0x0];
	_ =	sdelay $0x4  }
0x34c: {  	(v2sf) =	vpush v12, $0x0;
	_ =	sdelay $0xe  }
0x34d: {  	s2 =	spop (v2sf)  }
0x34e: {  	s4 =	sand.u32 $0xFF, s2;
	s2 =	sshrl.u32 s2, $0x9  }
0x34f: {  	v12 =	vmov s4;
	s2 =	sand.u32 $0x40, s2  }
0x350: {  	v13 =	vshll.u32 v12, $0x3  }
0x351: {  	v12 =	vand.u32 $0x7F, v12;
	v13 =	vand.u32 $0x400, v13  }
0x352: {  	s2 =	sadd.s32 s2, s0;
	v13 =	vor.u32 v12, v13  }
0x353: {  	v12 =	vld [tilespmem:s2+$0x0];
	v14 =	vor.u32 v6, v13;
	_ =	sdelay $0x4  }
0x354: {  	[tilespmem:v14+s23+$0x0] =	vst.idx.msk $0xffff, v12  }
0x355: {  	v14 =	vor.u32 v7, v13;
	v12 =	vld [tilespmem:s2+$0x10];
	_ =	sdelay $0x4  }
0x356: {  	[tilespmem:v14+s23+$0x0] =	vst.idx.msk $0xffff, v12  }
0x357: {  	v14 =	vor.u32 v8, v13;
	v12 =	vld [tilespmem:s2+$0x20];
	_ =	sdelay $0x1  }
.Ltmp36:
0x358: {  	(pc) =	sbr.rel @p0 .LBB2_42-.Ltmp36, $3  }
0x359: {  	_ =	sdelay $0x1  }
0x35a: {  	[tilespmem:v14+s23+$0x0] =	vst.idx.msk $0xffff, v12  }
0x35b: {  	v13 =	vor.u32 v9, v13;
	v12 =	vld [tilespmem:s2+$0x30]  }
.Ltmp37:
0x35c: {  	_ = 	snop;
	(pc) =	sbr.rel .LBB2_43-.Ltmp37, $1  }
0x35d: {  	_ =	sdelay $0x3  }
.LBB2_45:
0x35e: {  	s2 =	rddreg [dreg:$0xd]  }
0x35f: {  	s1 =	rddreg [dreg:$0x8]  }
0x360: {  	s0 =	sshll.u32 s2, $0x4;
	s1 =	sadd.s32 s1, s2  }
0x361: {  	s3 =	rddreg [dreg:$0x9];
	s0 =	sand.u32 $0x70, s0;
	s1 =	sshll.u32 s1, $0x6  }
0x362: {  	s1 =	sand.u32 $0x7E00, s1;
	s0 =	sor.u32 s3, s0  }
0x363: {  	s4 =	rddreg [dreg:$0x1];
	s1 =	sor.u32 s1, s0  }
0x364: {  	s6 =	simm.s32 $0x80;
	s3 =	simm.s32 $0x40000;
	s0 =	sadd.s32 s4, s1  }
0x365: {  	[hbm4b:s0+s6] =	stream.strided.scatter [tilespmem:s23], [sflag:$0x5], $0x400, s3, s6, $0x200038;
	[tilespmem:$0x1FE00] =	vst v63  }
0x366: {  	[dreg:$0x10] =	wrdreg s1;
	s4 =	simm.s32 $0x16100;
	s1 =	sadd.s32 $0x80, s0  }
0x367: {  	[hbm4b:s1+s6] =	stream.strided.scatter [tilespmem:s4], [sflag:$0x5], $0x400, s3, s6, $0x200038;
	[tilespmem:$0x1FE00] =	vst v63  }
0x368: {  	s8 =	simm.s32 $0x16500;
	s9 =	simm.s32 $0x16900;
	s7 =	sadd.s32 $0x40000, s0  }
0x369: {  	[hbm4b:s7+s6] =	stream.strided.scatter [tilespmem:s8], [sflag:$0x5], $0x400, s3, s6, $0x200038;
	[tilespmem:$0x1FE00] =	vst v63  }
0x36a: {  	s11 =	simm.s32 $0x16D00;
	s12 =	simm.s32 $0x17100;
	s1 =	sadd.s32 $0x80, s7  }
0x36b: {  	[hbm4b:s1+s6] =	stream.strided.scatter [tilespmem:s9], [sflag:$0x5], $0x400, s3, s6, $0x200038;
	[tilespmem:$0x1FE00] =	vst v63  }
0x36c: {  	s16 =	rddreg [dreg:$0xe];
	s5 =	smov.u32 s2;
	s10 =	sadd.s32 $0x80000, s0  }
0x36d: {  	[hbm4b:s10+s6] =	stream.strided.scatter [tilespmem:s11], [sflag:$0x5], $0x400, s3, s6, $0x200038;
	[tilespmem:$0x1FE00] =	vst v63  }
0x36e: {  	p0 =	seq.s32 s5, $0x3F;
	s4 =	sadd.s32 $0x2, s16;
	s1 =	sadd.s32 $0x80, s10  }
0x36f: {  	[hbm4b:s1+s6] =	stream.strided.scatter [tilespmem:s12], [sflag:$0x5], $0x400, s3, s6, $0x200038;
	[tilespmem:$0x1FE00] =	vst v63  }
0x370: {  	s14 =	simm.s32 $0x17500;
	s13 =	sadd.s32 $0xC0000, s0;
	s12 =	sld @!p0 [smem:s4+$0x0]  }
0x371: {  	[hbm4b:s13+s6] =	stream.strided.scatter [tilespmem:s14], [sflag:$0x5], $0x400, s3, s6, $0x200038;
	[tilespmem:$0x1FE00] =	vst v63  }
0x372: {  	s17 =	simm.s32 $0x17900;
	s1 =	sadd.s32 $0x80, s13  }
0x373: {  	v11 =	vlaneseq.u32 @!p0;
	[hbm4b:s1+s6] =	stream.strided.scatter [tilespmem:s17], [sflag:$0x5], $0x400, s3, s6, $0x200038;
	[tilespmem:$0x1FE00] =	vst v63  }
0x374: {  	s19 =	simm.s32 $0x17D00;
	s18 =	sadd.s32 $0x100000, s0;
	v10 =	vadd.s32 @!p0 s12, v11  }
0x375: {  	(v2sf) =	vpush @!p0 v10, $0xD;
	[hbm4b:s18+s6] =	stream.strided.scatter [tilespmem:s19], [sflag:$0x5], $0x400, s3, s6, $0x200038;
	[tilespmem:$0x1FE00] =	vst v63  }
0x376: {  	s21 =	simm.s32 $0x18100;
	s1 =	sadd.s32 $0x80, s18  }
0x377: {  	(v2sf) =	vpush @!p0 v10, $0xC;
	[hbm4b:s1+s6] =	stream.strided.scatter [tilespmem:s21], [sflag:$0x5], $0x400, s3, s6, $0x200038;
	[tilespmem:$0x1FE00] =	vst v63  }
0x378: {  	s24 =	simm.s32 $0x18500;
	s22 =	sadd.s32 $0x140000, s0  }
0x379: {  	(v2sf) =	vpush @!p0 v10, $0xE;
	[hbm4b:s22+s6] =	stream.strided.scatter [tilespmem:s24], [sflag:$0x5], $0x400, s3, s6, $0x200038;
	[tilespmem:$0x1FE00] =	vst v63  }
0x37a: {  	s25 =	simm.s32 $0x18900;
	s1 =	sadd.s32 $0x80, s22  }
0x37b: {  	(v2sf) =	vpush @!p0 v10, $0xF;
	[hbm4b:s1+s6] =	stream.strided.scatter [tilespmem:s25], [sflag:$0x5], $0x400, s3, s6, $0x200038;
	[tilespmem:$0x1FE00] =	vst v63  }
0x37c: {  	s28 =	simm.s32 $0x18D00;
	s26 =	sadd.s32 $0x180000, s0  }
0x37d: {  	(v2sf) =	vpush @!p0 v10, $0x9;
	[hbm4b:s26+s6] =	stream.strided.scatter [tilespmem:s28], [sflag:$0x5], $0x400, s3, s6, $0x200038;
	[tilespmem:$0x1FE00] =	vst v63  }
0x37e: {  	s29 =	simm.s32 $0x19100;
	s1 =	sadd.s32 $0x80, s26  }
0x37f: {  	(v2sf) =	vpush @!p0 v10, $0x8;
	[hbm4b:s1+s6] =	stream.strided.scatter [tilespmem:s29], [sflag:$0x5], $0x400, s3, s6, $0x200038;
	[tilespmem:$0x1FE00] =	vst v63  }
0x380: {  	s30 =	simm.s32 $0x19500;
	s0 =	sadd.s32 $0x1C0000, s0  }
0x381: {  	(v2sf) =	vpush @!p0 v10, $0xA;
	[hbm4b:s0+s6] =	stream.strided.scatter [tilespmem:s30], [sflag:$0x5], $0x400, s3, s6, $0x200038;
	[tilespmem:$0x1FE00] =	vst v63  }
0x382: {  	s31 =	simm.s32 $0x19900;
	s0 =	sadd.s32 $0x80, s0  }
0x383: {  	(v2sf) =	vpush @!p0 v10, $0xB;
	[hbm4b:s0+s6] =	stream.strided.scatter [tilespmem:s31], [sflag:$0x5], $0x400, s3, s6, $0x200038;
	[tilespmem:$0x1FE00] =	vst v63  }
0x384: {  	s0 =	spop @!p0 (v2sf)  }
0x385: {  	(v2sf) =	vpush @!p0 v10, $0x0;
	s1 =	smulhi.u32 @!p0 $0x68DB8BAD, s0;
	s0 =	sshra.s32 @!p0 s0, $0x1F  }
0x386: {  	s2 =	spop @!p0 (v2sf);
	s0 =	smul.u32 @!p0 $0x68DB8BAD, s0  }
0x387: {  	[dreg:$0x12] =	wrdreg s4;
	(v2sf) =	vpush @!p0 v10, $0x1;
	s19 =	smulhi.u32 @!p0 $0x68DB8BAD, s2;
	s2 =	sshra.s32 @!p0 s2, $0x1F  }
0x388: {  	s4 =	spop @!p0 (v2sf);
	s2 =	smul.u32 @!p0 $0x68DB8BAD, s2  }
0x389: {  	(v2sf) =	vpush @!p0 v10, $0x2;
	s5 =	smulhi.u32 @!p0 $0x68DB8BAD, s4;
	s4 =	sshra.s32 @!p0 s4, $0x1F  }
0x38a: {  	s6 =	spop @!p0 (v2sf);
	s4 =	smul.u32 @!p0 $0x68DB8BAD, s4  }
0x38b: {  	(v2sf) =	vpush @!p0 v10, $0x3;
	s7 =	smulhi.u32 @!p0 $0x68DB8BAD, s6;
	s6 =	sshra.s32 @!p0 s6, $0x1F  }
0x38c: {  	s8 =	spop @!p0 (v2sf);
	s6 =	smul.u32 @!p0 $0x68DB8BAD, s6  }
0x38d: {  	(v2sf) =	vpush @!p0 v10, $0x4;
	s9 =	smulhi.u32 @!p0 $0x68DB8BAD, s8;
	s8 =	sshra.s32 @!p0 s8, $0x1F  }
0x38e: {  	s10 =	smul.u32 @!p0 $0x68DB8BAD, s8;
	s8 =	spop @!p0 (v2sf)  }
0x38f: {  	(v2sf) =	vpush @!p0 v10, $0x5;
	s11 =	smulhi.u32 @!p0 $0x68DB8BAD, s8;
	s8 =	sshra.s32 @!p0 s8, $0x1F  }
0x390: {  	s13 =	smul.u32 @!p0 $0x68DB8BAD, s8;
	s8 =	spop @!p0 (v2sf)  }
0x391: {  	[smem:$0x7AA] =	sst s12;
	(v2sf) =	vpush @!p0 v10, $0x6;
	s14 =	smulhi.u32 @!p0 $0x68DB8BAD, s8;
	s8 =	sshra.s32 @!p0 s8, $0x1F  }
0x392: {  	s16 =	smul.u32 @!p0 $0x68DB8BAD, s8;
	s8 =	spop @!p0 (v2sf)  }
0x393: {  	s12 =	sadd.s32 @!p0 $0x10, s12;
	(v2sf) =	vpush @!p0 v10, $0x7;
	s17 =	smulhi.u32 @!p0 $0x68DB8BAD, s8;
	s8 =	sshra.s32 @!p0 s8, $0x1F  }
0x394: {  	v12 =	vadd.s32 @!p0 s12, v11;
	s18 =	smul.u32 @!p0 $0x68DB8BAD, s8;
	s8 =	spop @!p0 (v2sf)  }
0x395: {  	(v2sf) =	vpush @!p0 v12, $0xD;
	s22 =	smulhi.u32 @!p0 $0x68DB8BAD, s8;
	s8 =	sshra.s32 @!p0 s8, $0x1F  }
0x396: {  	s24 =	smul.u32 @!p0 $0x68DB8BAD, s8;
	s8 =	spop @!p0 (v2sf)  }
0x397: {  	(v2sf) =	vpush @!p0 v12, $0xC;
	s26 =	smulhi.u32 @!p0 $0x68DB8BAD, s8;
	s8 =	sshra.s32 @!p0 s8, $0x1F  }
0x398: {  	s21 =	sadd.s32 @!p0 s0, s1;
	s29 =	smul.u32 @!p0 $0x68DB8BAD, s8;
	s8 =	spop @!p0 (v2sf)  }
0x399: {  	s19 =	sadd.s32 @!p0 s2, s19;
	(v2sf) =	vpush @!p0 v12, $0xE;
	s30 =	smulhi.u32 @!p0 $0x68DB8BAD, s8;
	s8 =	sshra.s32 @!p0 s8, $0x1F  }
0x39a: {  	s31 =	sadd.s32 @!p0 s4, s5;
	s3 =	smul.u32 @!p0 $0x68DB8BAD, s8;
	s8 =	spop @!p0 (v2sf)  }
0x39b: {  	s28 =	sadd.s32 @!p0 s6, s7;
	(v2sf) =	vpush @!p0 v12, $0xF;
	s0 =	smulhi.u32 @!p0 $0x68DB8BAD, s8;
	s1 =	sshra.s32 @!p0 s8, $0x1F  }
0x39c: {  	s6 =	sadd.s32 @!p0 s10, s9;
	s2 =	smul.u32 @!p0 $0x68DB8BAD, s1;
	s1 =	spop @!p0 (v2sf)  }
0x39d: {  	[smem:$0x7A2] =	sst s6;
	(v2sf) =	vpush @!p0 v12, $0x9;
	s4 =	smulhi.u32 @!p0 $0x68DB8BAD, s1;
	s1 =	sshra.s32 @!p0 s1, $0x1F  }
0x39e: {  	s8 =	sadd.s32 @!p0 s16, s14;
	s5 =	smul.u32 @!p0 $0x68DB8BAD, s1;
	s1 =	spop @!p0 (v2sf)  }
0x39f: {  	[smem:$0x7A3] =	sst s8;
	s6 =	smulhi.u32 @!p0 $0x68DB8BAD, s1;
	s1 =	sshra.s32 @!p0 s1, $0x1F  }
0x3a0: {  	s8 =	sadd.s32 @!p0 s18, s17;
	(v2sf) =	vpush @!p0 v12, $0x8;
	s7 =	smul.u32 @!p0 $0x68DB8BAD, s1;
	s1 =	spop @!p0 (v2sf)  }
0x3a1: {  	[smem:$0x7A4] =	sst s8;
	(v2sf) =	vpush @!p0 v12, $0xA;
	s10 =	smulhi.u32 @!p0 $0x68DB8BAD, s1;
	s1 =	sshra.s32 @!p0 s1, $0x1F  }
0x3a2: {  	s25 =	sadd.s32 @!p0 s13, s11;
	(v2sf) =	vpush @!p0 v12, $0xB;
	s9 =	spop @!p0 (v2sf);
	s13 =	smul.u32 @!p0 $0x68DB8BAD, s1  }
0x3a3: {  	s8 =	sadd.s32 @!p0 s24, s22;
	(v2sf) =	vpush @!p0 v12, $0x0;
	s14 =	smulhi.u32 @!p0 $0x68DB8BAD, s9;
	s16 =	sshra.s32 @!p0 s9, $0x1F  }
0x3a4: {  	s11 =	sadd.s32 @!p0 s2, s0;
	(v2sf) =	vpush @!p0 v12, $0x1;
	s16 =	smul.u32 @!p0 $0x68DB8BAD, s16;
	s17 =	spop @!p0 (v2sf)  }
0x3a5: {  	s9 =	sadd.s32 @!p0 s29, s26;
	(v2sf) =	vpush @!p0 v12, $0x2;
	s18 =	smulhi.u32 @!p0 $0x68DB8BAD, s17;
	s17 =	sshra.s32 @!p0 s17, $0x1F  }
0x3a6: {  	s26 =	sadd.s32 @!p0 s3, s30;
	(v2sf) =	vpush @!p0 v12, $0x3;
	s0 =	smul.u32 @!p0 $0x68DB8BAD, s17;
	s2 =	spop @!p0 (v2sf)  }
0x3a7: {  	s29 =	sadd.s32 @!p0 s5, s4;
	s17 =	smulhi.u32 @!p0 $0x68DB8BAD, s2;
	s2 =	sshra.s32 @!p0 s2, $0x1F  }
0x3a8: {  	s6 =	sadd.s32 @!p0 s7, s6;
	(v2sf) =	vpush @!p0 v12, $0x4;
	s2 =	smul.u32 @!p0 $0x68DB8BAD, s2;
	s5 =	spop @!p0 (v2sf)  }
0x3a9: {  	s12 =	sadd.s32 @!p0 s13, s10;
	(v2sf) =	vpush @!p0 v12, $0x5;
	s7 =	smulhi.u32 @!p0 $0x68DB8BAD, s5;
	s10 =	sshra.s32 @!p0 s5, $0x1F  }
0x3aa: {  	s0 =	sadd.s32 @!p0 s0, s18;
	(v2sf) =	vpush @!p0 v12, $0x6;
	s13 =	spop @!p0 (v2sf);
	s10 =	smul.u32 @!p0 $0x68DB8BAD, s10  }
0x3ab: {  	[smem:$0x7A5] =	sst s0;
	(v2sf) =	vpush @!p0 v12, $0x7;
	s0 =	smulhi.u32 @!p0 $0x68DB8BAD, s13;
	s13 =	sshra.s32 @!p0 s13, $0x1F  }
0x3ac: {  	s30 =	sadd.s32 @!p0 s2, s17;
	s2 =	spop @!p0 (v2sf);
	s13 =	smul.u32 @!p0 $0x68DB8BAD, s13  }
0x3ad: {  	s1 =	sadd.s32 @!p0 s10, s7;
	s7 =	smulhi.u32 @!p0 $0x68DB8BAD, s2;
	s2 =	sshra.s32 @!p0 s2, $0x1F  }
0x3ae: {  	[smem:$0x7A6] =	sst s1;
	s0 =	sadd.s32 @!p0 s13, s0;
	s2 =	smul.u32 @!p0 $0x68DB8BAD, s2  }
0x3af: {  	s5 =	sadd.s32 @!p0 s16, s14;
	[smem:$0x7A7] =	sst s0;
	s0 =	spop @!p0 (v2sf)  }
0x3b0: {  	s10 =	smulhi.u32 @!p0 $0x68DB8BAD, s0;
	s0 =	sshra.s32 @!p0 s0, $0x1F;
	s13 =	spop @!p0 (v2sf)  }
0x3b1: {  	s22 =	sadd.s32 @!p0 s2, s7;
	s0 =	smul.u32 @!p0 $0x68DB8BAD, s0;
	s2 =	spop @!p0 (v2sf)  }
0x3b2: {  	s17 =	smulhi.u32 @!p0 $0x68DB8BAD, s13;
	s7 =	sshra.s32 @!p0 s13, $0x1F;
	s13 =	spop @!p0 (v2sf)  }
0x3b3: {  	s14 =	sadd.s32 @!p0 s0, s10;
	s0 =	smul.u32 @!p0 $0x68DB8BAD, s7;
	s16 =	spop @!p0 (v2sf)  }
0x3b4: {  	s24 =	smulhi.u32 @!p0 $0x68DB8BAD, s2;
	s2 =	sshra.s32 @!p0 s2, $0x1F;
	s7 =	spop @!p0 (v2sf)  }
0x3b5: {  	s4 =	smulhi.u32 @!p0 $0x68DB8BAD, s13;
	s0 =	sadd.s32 @!p0 s0, s17;
	s10 =	spop @!p0 (v2sf)  }
0x3b6: {  	s13 =	sshra.s32 @!p0 s13, $0x1F;
	[smem:$0x7A8] =	sst s0;
	s0 =	smul.u32 @!p0 $0x68DB8BAD, s2  }
0x3b7: {  	s17 =	spop @!p0 (v2sf);
	s2 =	smul.u32 @!p0 $0x68DB8BAD, s13  }
0x3b8: {  	s13 =	smulhi.u32 @!p0 $0x68DB8BAD, s16;
	s0 =	sadd.s32 @!p0 s0, s24;
	s24 =	spop @!p0 (v2sf)  }
0x3b9: {  	[smem:$0x7A9] =	sst s0;
	s0 =	sshra.s32 @!p0 s16, $0x1F;
	s16 =	spop @!p0 (v2sf)  }
0x3ba: {  	s1 =	sshrl.u32 @!p0 s19, $0x1F;
	s3 =	smul.u32 @!p0 $0x68DB8BAD, s0;
	s0 =	spop @!p0 (v2sf)  }
0x3bb: {  	s18 =	sshrl.u32 @!p0 s8, $0x1F;
	v13 =	vmov @!p0 s1;
	s1 =	smulhi.u32 @!p0 $0x68DB8BAD, s0;
	s0 =	sshra.s32 @!p0 s0, $0x1F  }
0x3bc: {  	vm5 =	vcmask @!p0 $0xB08;
	vm0 =	vcmask @!p0 $0x300;
	v14 =	vmov @!p0 s18;
	s4 =	sadd.s32 @!p0 s2, s4;
	s2 =	sshrl.u32 @!p0 s21, $0x1F;
	s0 =	smul.u32 @!p0 $0x68DB8BAD, s0  }
0x3bd: {  	vm3 =	vcmask @!p0 $0x1310;
	v14 =	vnsel @!p0 vm0, $0x0, v14;
	v13 =	vsel @!p0 vm5, s2, v13;
	s2 =	sadd.s32 @!p0 s3, s13;
	s3 =	sshrl.u32 @!p0 s31, $0x1F;
	s13 =	sshrl.u32 @!p0 s9, $0x1F  }
0x3be: {  	vm1 =	vcmask @!p0 $0x1B18;
	v13 =	vsel @!p0 vm3, s3, v13;
	v14 =	vsel @!p0 vm5, s13, v14;
	s3 =	sshra.s32 @!p0 s5, $0x1F;
	s13 =	sadd.s32 @!p0 s0, s1;
	s0 =	sshrl.u32 @!p0 s28, $0x1F  }
0x3bf: {  	s1 =	sshrl.u32 @!p0 s26, $0x1F;
	v16 =	vmov @!p0 s3;
	s3 =	sshra.s32 @!p0 s8, $0xD;
	v13 =	vsel @!p0 vm1, s0, v13;
	s0 =	sshrl.u32 @!p0 s25, $0x1F  }
0x3c0: {  	vm13 =	vcmask @!p0 $0x2320;
	v14 =	vsel @!p0 vm3, s1, v14;
	s1 =	sshrl.u32 @!p0 s11, $0x1F;
	v15 =	vmov @!p0 s0;
	s0 =	sshra.s32 @!p0 s21, $0xD;
	s21 =	sld [smem:$0x7A2]  }
0x3c1: {  	vm14 =	vcmask @!p0 $0x704;
	s18 =	sshrl.u32 @!p0 s29, $0x1F;
	v16 =	vsel @!p0 vm0, s3, v16;
	s3 =	sshra.s32 @!p0 s8, $0x1F;
	v14 =	vsel @!p0 vm1, s1, v14  }
0x3c2: {  	vm7 =	vcmask @!p0 $0x2B28;
	s1 =	sshra.s32 @!p0 s19, $0xD;
	v16 =	vsel @!p0 vm14, s3, v16;
	v14 =	vsel @!p0 vm13, s18, v14;
	s18 =	sshra.s32 @!p0 s9, $0xD  }
0x3c3: {  	vm8 =	vcmask @!p0 $0xF0C;
	s19 =	sshrl.u32 @!p0 s6, $0x1F;
	s9 =	sshra.s32 @!p0 s9, $0x1F;
	v17 =	vmov @!p0 s1;
	v16 =	vsel @!p0 vm5, s18, v16;
	s8 =	sshrl.u32 @!p0 s21, $0x1F  }
0x3c4: {  	v14 =	vsel @!p0 vm7, s19, v14;
	s19 =	sshra.s32 @!p0 s26, $0xD;
	v16 =	vsel @!p0 vm8, s9, v16;
	v15 =	vsel @!p0 vm5, s8, v15;
	s8 =	sshra.s32 @!p0 s28, $0xD;
	s28 =	sld [smem:$0x7A3]  }
0x3c5: {  	s3 =	sshra.s32 @!p0 s31, $0xD;
	v17 =	vsel @!p0 vm5, s0, v17;
	v16 =	vsel @!p0 vm3, s19, v16;
	s19 =	sshra.s32 @!p0 s26, $0x1F;
	s26 =	sld [smem:$0x7A4]  }
0x3c6: {  	s1 =	sshra.s32 @!p0 s29, $0x1F;
	s0 =	smulhi.u32 @!p0 $0x68DB8BAD, s7;
	s7 =	sshra.s32 @!p0 s7, $0x1F;
	v17 =	vsel @!p0 vm3, s3, v17  }
0x3c7: {  	vm10 =	vcmask @!p0 $0x1714;
	s9 =	sshra.s32 @!p0 s21, $0xD;
	s3 =	sshra.s32 @!p0 s5, $0xD;
	v17 =	vsel @!p0 vm1, s8, v17;
	s8 =	sshrl.u32 @!p0 s4, $0x1F  }
0x3c8: {  	vm9 =	vcmask @!p0 $0x3330;
	v16 =	vsel @!p0 vm10, s19, v16;
	s18 =	sshrl.u32 @!p0 s28, $0x1F;
	s21 =	sshrl.u32 @!p0 s26, $0x1F;
	s19 =	sshra.s32 @!p0 s28, $0xD  }
0x3c9: {  	vm11 =	vcmask @!p0 $0x3B38;
	vm15 =	vcmask @!p0 $0x1F1C;
	s28 =	sld [smem:$0x7A5];
	v15 =	vsel @!p0 vm3, s18, v15;
	s18 =	sshra.s32 @!p0 s25, $0xD;
	s25 =	sshrl.u32 @!p0 s12, $0x1F  }
0x3ca: {  	v23 =	vimm.s32 @!p0 $0xECA86420;
	v15 =	vsel @!p0 vm1, s21, v15;
	v14 =	vsel @!p0 vm9, s25, v14;
	s21 =	sshra.s32 @!p0 s26, $0xD;
	s25 =	sshra.s32 @!p0 s11, $0xD;
	s11 =	sshra.s32 @!p0 s11, $0x1F  }
0x3cb: {  	v23 =	vunpack.c.l.s4.s8 @!p0 v23;
	s26 =	sshra.s32 @!p0 s29, $0xD;
	v18 =	vmov @!p0 s18;
	v16 =	vsel @!p0 vm1, s25, v16;
	s25 =	sshrl.u32 @!p0 s5, $0x1F;
	s5 =	smul.u32 @!p0 $0x68DB8BAD, s7  }
0x3cc: {  	vm12 =	vcmask @!p0 $0x2724;
	s18 =	sshrl.u32 @!p0 s14, $0x1F;
	v18 =	vsel @!p0 vm5, s9, v18;
	s7 =	smulhi.u32 @!p0 $0x68DB8BAD, s10;
	s9 =	sshra.s32 @!p0 s10, $0x1F;
	v16 =	vsel @!p0 vm15, s11, v16  }
0x3cd: {  	v23 =	vunpack.c.0.s8.s32 @!p0 v23;
	s10 =	sshrl.u32 @!p0 s28, $0x1F;
	s11 =	sshra.s32 @!p0 s6, $0xD;
	v18 =	vsel @!p0 vm3, s19, v18;
	s19 =	sld [smem:$0x7A7];
	v16 =	vsel @!p0 vm13, s26, v16  }
0x3ce: {  	v14 =	vsel @!p0 vm11, s25, v14;
	s6 =	sshra.s32 @!p0 s6, $0x1F;
	s25 =	sshra.s32 @!p0 s12, $0xD;
	v18 =	vsel @!p0 vm1, s21, v18;
	s21 =	sld [smem:$0x7A6];
	v16 =	vsel @!p0 vm12, s1, v16  }
0x3cf: {  	v22 =	vmov @!p0 s8;
	s26 =	sld [smem:$0x7A8];
	s0 =	sadd.s32 @!p0 s5, s0;
	s5 =	sshra.s32 @!p0 s17, $0x1F;
	vm12 =	vcmask @!p0 $0x2F2C;
	v16 =	vsel @!p0 vm7, s11, v16  }
0x3d0: {  	v22 =	vnsel @!p0 vm0, $0x0, v22;
	v21 =	vmov @!p0 s18;
	s1 =	sshra.s32 @!p0 s12, $0x1F;
	s12 =	sshra.s32 @!p0 s13, $0x1F;
	s11 =	sshra.s32 @!p0 s4, $0xD;
	v16 =	vsel @!p0 vm12, s6, v16  }
0x3d1: {  	s4 =	sshra.s32 @!p0 s4, $0x1F;
	v20 =	vmov @!p0 s12;
	s12 =	sshrl.u32 @!p0 s22, $0x1F;
	s6 =	sshrl.u32 @!p0 s30, $0x1F;
	vm12 =	vcmask @!p0 $0x3734;
	v16 =	vsel @!p0 vm9, s25, v16  }
0x3d2: {  	v20 =	vsel @!p0 vm0, s11, v20;
	s11 =	sshrl.u32 @!p0 s2, $0x1F;
	v19 =	vmov @!p0 s6;
	s6 =	sshrl.u32 @!p0 s21, $0x1F;
	s25 =	sld [smem:$0x7A9];
	v16 =	vsel @!p0 vm12, s1, v16  }
0x3d3: {  	v21 =	vsel @!p0 vm5, s12, v21;
	v20 =	vsel @!p0 vm14, s4, v20;
	s4 =	sshra.s32 @!p0 s2, $0xD;
	s1 =	sshrl.u32 @!p0 s26, $0x1F;
	v16 =	vsel @!p0 vm11, s3, v16;
	s3 =	smul.u32 @!p0 $0x68DB8BAD, s9  }
0x3d4: {  	v13 =	vcombine.low @!p0 v15, v13;
	s2 =	sshra.s32 @!p0 s2, $0x1F;
	v20 =	vsel @!p0 vm5, s4, v20;
	s4 =	smulhi.u32 @!p0 $0x68DB8BAD, s17;
	v21 =	vsel @!p0 vm3, s1, v21;
	s1 =	sshrl.u32 @!p0 s0, $0x1F  }
0x3d5: {  	v22 =	vsel @!p0 vm5, s11, v22;
	v19 =	vsel @!p0 vm5, s10, v19;
	v20 =	vsel @!p0 vm8, s2, v20;
	s2 =	sadd.s32 @!p0 s3, s7;
	s3 =	smul.u32 @!p0 $0x68DB8BAD, s5;
	s5 =	sshra.s32 @!p0 s0, $0xD  }
0x3d6: {  	v19 =	vsel @!p0 vm3, s6, v19;
	s6 =	sshrl.u32 @!p0 s25, $0x1F;
	v22 =	vsel @!p0 vm3, s1, v22;
	s1 =	smulhi.u32 @!p0 $0x68DB8BAD, s24;
	s0 =	sshra.s32 @!p0 s0, $0x1F;
	v20 =	vsel @!p0 vm3, s5, v20  }
0x3d7: {  	s5 =	sshrl.u32 @!p0 s2, $0x1F;
	v20 =	vsel @!p0 vm10, s0, v20;
	s0 =	sadd.s32 @!p0 s3, s4;
	s3 =	sshra.s32 @!p0 s2, $0xD  }
0x3d8: {  	v11 =	vmul.u32 @!p0 $0x2, v11;
	v13 =	vperm.xlane @!p0 v13, v23;
	s4 =	sshra.s32 @!p0 s30, $0xD;
	s2 =	sshra.s32 @!p0 s2, $0x1F;
	v20 =	vsel @!p0 vm1, s3, v20;
	s3 =	sshra.s32 @!p0 s24, $0x1F  }
0x3d9: {  	v22 =	vsel @!p0 vm1, s5, v22;
	v24 =	vmov @!p0 s4;
	s4 =	sshra.s32 @!p0 s28, $0xD;
	v20 =	vsel @!p0 vm15, s2, v20;
	s2 =	sshrl.u32 @!p0 s0, $0x1F;
	s3 =	smul.u32 @!p0 $0x68DB8BAD, s3  }
0x3da: {  	v17 =	vcombine.low @!p0 v18, v17;
	s5 =	sshra.s32 @!p0 s14, $0xD;
	v15 =	vsel @!p0 vm5, s4, v24;
	s4 =	sshra.s32 @!p0 s16, $0x1F;
	v22 =	vsel @!p0 vm13, s2, v22;
	s2 =	smulhi.u32 @!p0 $0x68DB8BAD, s16  }
0x3db: {  	v14 =	vperm.xlane @!p0 v14, v11;
	v21 =	vsel @!p0 vm1, s6, v21;
	s6 =	sshra.s32 @!p0 s22, $0xD;
	v24 =	vmov @!p0 s5;
	s4 =	smul.u32 @!p0 $0x68DB8BAD, s4  }
0x3dc: {  	vm0 =	vmmov @!p0 $0xff;
	v17 =	vperm.xlane @!p0 v17, v23;
	s10 =	sshrl.u32 @!p0 s19, $0x1F;
	v24 =	vsel @!p0 vm5, s6, v24;
	s6 =	sld [smem:$0x7AA];
	s1 =	sadd.s32 @!p0 s3, s1  }
0x3dd: {  	v13 =	vsel @!p0 vm0, v14, v13;
	v19 =	vsel @!p0 vm1, s10, v19;
	v16 =	vperm.xlane @!p0 v16, v11;
	s5 =	sshra.s32 @!p0 s0, $0xD;
	s2 =	sadd.s32 @!p0 s4, s2;
	s3 =	sshrl.u32 @!p0 s1, $0x1F  }
0x3de: {  	s0 =	sshra.s32 @!p0 s0, $0x1F;
	v20 =	vsel @!p0 vm13, s5, v20;
	vm5 =	vcmask @!p0 $0x2724;
	v18 =	vsel @!p0 vm7, s3, v22;
	s3 =	sshrl.u32 @!p0 s2, $0x1F  }
0x3df: {  	v16 =	vsel @!p0 vm0, v16, v17;
	s5 =	rddreg [dreg:$0xe];
	v20 =	vsel @!p0 vm5, s0, v20;
	s0 =	sshrl.u32 @!p0 s13, $0x1F;
	v14 =	vld @!p0 [tilespmem:s6+$0xDC80];
	v18 =	vsel @!p0 vm9, s3, v18;
	s3 =	sshra.s32 @!p0 s21, $0xD  }
0x3e0: {  	v13 =	vadd.s32 @!p0 v13, v16;
	s4 =	sshra.s32 @!p0 s1, $0xD;
	v17 =	vsel @!p0 vm11, s0, v18;
	s0 =	sld @!p0 [smem:s5+$0x3];
	v15 =	vsel @!p0 vm3, s3, v15;
	s3 =	sshra.s32 @!p0 s26, $0xD  }
0x3e1: {  	s1 =	sshra.s32 @!p0 s1, $0x1F;
	v20 =	vsel @!p0 vm7, s4, v20;
	v18 =	vsel @!p0 vm3, s3, v24;
	s3 =	sshra.s32 @!p0 s19, $0xD;
	vm3 =	vcmask @!p0 $0x2F2C  }
0x3e2: {  	v13 =	vmul.u32 @!p0 $0x4E20, v13;
	v16 =	vsel @!p0 vm3, s1, v20;
	v15 =	vsel @!p0 vm1, s3, v15;
	s1 =	sshra.s32 @!p0 s25, $0xD;
	s3 =	sshra.s32 @!p0 s2, $0xD  }
0x3e3: {  	v18 =	vsel @!p0 vm1, s1, v18;
	v16 =	vsel @!p0 vm9, s3, v16;
	vm1 =	vlt.s32 @!p0 v10, s0  }
0x3e4: {  	v10 =	vsub.s32 @!p0 v10, v13;
	v13 =	vcombine.low @!p0 v21, v19;
	v14 =	vshrl.u32 @!p0 v14, $0x10;
	s1 =	sshra.s32 @!p0 s2, $0x1F  }
0x3e5: {  	v16 =	vsel @!p0 vm12, s1, v16;
	v10 =	vsel @!p0 vm1, v14, v10;
	v14 =	vcombine.low @!p0 v18, v15;
	s1 =	sshra.s32 @!p0 s13, $0xD  }
0x3e6: {  	v15 =	vsel @!p0 vm11, s1, v16;
	v13 =	vperm.xlane @!p0 v13, v23;
	v16 =	vperm.xlane @!p0 v17, v11  }
0x3e7: {  	[tilespmem:$0x1FD00] =	vst @!p0 v10;
	v10 =	vperm.xlane @!p0 v14, v23;
	v11 =	vperm.xlane @!p0 v15, v11  }
0x3e8: {  	v14 =	vld @!p0 [tilespmem:s6+$0xDC90]  }
0x3e9: {  	v13 =	vsel @!p0 vm0, v16, v13;
	v10 =	vsel @!p0 vm0, v11, v10  }
0x3ea: {  	v10 =	vadd.s32 @!p0 v13, v10  }
0x3eb: {  	v10 =	vmul.u32 @!p0 $0x4E20, v10;
	_ =	sdelay $0x1  }
0x3ec: {  	vm0 =	vlt.s32 @!p0 v12, s0;
	v11 =	vshrl.u32 @!p0 v14, $0x10;
	v10 =	vsub.s32 @!p0 v12, v10  }
0x3ed: {  	s2 =	simm.s32 @!p0 $0x1DD00;
	v10 =	vsel @!p0 vm0, v11, v10  }
0x3ee: {  	s3 =	rddreg [dreg:$0x3];
	s1 =	simm.s32 @!p0 $0x1FD00;
	s0 =	simm.s32 @!p0 $0x20;
	[tilespmem:$0x1FD10] =	vst @!p0 v10  }
0x3ef: {  	[tilespmem:s2], [sflag:$0x3] =	stream.indirect.gather @!p0 [hbm4b:s3+s0], $0x80, s1, s0, $0x2000b8;
	[tilespmem:$0x1FE00] =	vst v63  }
0x3f0: {  	s0 =	rddreg [dreg:$0xd]  }
0x3f1: {  	p1 =	seq.s32 @!p0 s0, $0x0  }
0x3f2: {  	p1 =	por p0, !p1  }
0x3f3: {  	s0 =	simm.s32 @p1 $0x6  }
0x3f4: {  	s7 =	rddreg [dreg:$0xf];
	_ =	swait.ge @p1 [sflag:s0], $0x4000  }
0x3f5: {  	[sflag:s0] =	ssyncset.done @p1 $0x0  }
0x3f6: {  	[sflag:s0] =	ssyncadd.s32 @p1 $0xFFFFC000  }
0x3f7: {  	s1 =	sld @p1 [smem:s5+$0xFFFFFFFF];
	_ =	sdelay $0x1  }
0x3f8: {  	s3 =	rddreg [dreg:$0x11]  }
0x3f9: {  	p2 =	sle.s32 @p1 s3, s1  }
0x3fa: {  	p1 =	por !p1, p2  }
.Ltmp38:
0x3fb: {  	_ = 	snop;
	(pc) =	sbr.rel @p1 .LBB2_49-.Ltmp38, $1  }
0x3fc: {  	_ =	sdelay $0x3  }
0x3fd: {  	s0 =	sshll.u32 s1, $0x2  }
0x3fe: {  	s0 =	sshra.s32 s0, $0x2  }
0x3ff: {  	s0 =	sadd.s32 $0xDC80, s0  }
0x400: {  	v10 =	vld [tilespmem:s0+$0x0];
	_ =	sdelay $0x4  }
0x401: {  	(v2sf) =	vpush v10, $0x0;
	_ =	sdelay $0xe  }
0x402: {  	s2 =	spop (v2sf)  }
0x403: {  	s2 =	sand.u32 $0xFF, s2  }
0x404: {  	v10 =	vmov s2  }
0x405: {  	v11 =	vshll.u32 v10, $0x3  }
0x406: {  	v10 =	vand.u32 $0x7F, v10;
	v11 =	vand.u32 $0x400, v11  }
0x407: {  	v10 =	vor.u32 v10, v11  }
0x408: {  	v11 =	vor.u32 v6, v10  }
0x409: {  	s31 =	ssub.s32 s3, s1;
	v12 =	vor.u32 v7, v10  }
0x40a: {  	p1 =	sne.s32 s31, $0x1;
	v13 =	vor.u32 v8, v10  }
.Ltmp39:
0x40b: {  	v10 =	vor.u32 v9, v10;
	(pc) =	sbr.rel @!p1 .LBB2_48-.Ltmp39, $4  }
0x40c: {  	_ = 	snop  }
0x40d: {  	[tilespmem:v11+s20+$0x0] =	vst.idx.msk $0xffff, v3  }
0x40e: {  	[tilespmem:v12+s20+$0x0] =	vst.idx.msk $0xffff, v3  }
0x40f: {  	s1 =	sadd.s32 $0xFFFFFFFF, s31;
	[tilespmem:v13+s20+$0x0] =	vst.idx.msk $0xffff, v3  }
.LBB2_47:
0x410: {  	p1 =	sne.s32 s1, $0x1;
	s1 =	sadd.s32 $0xFFFFFFFF, s1;
	[tilespmem:v10+s20+$0x0] =	vst.idx.msk $0xffff, v3;
	s0 =	sadd.s32 $0x1, s0  }
0x411: {  	v10 =	vld [tilespmem:s0+$0x0];
	_ =	sdelay $0x4  }
0x412: {  	(v2sf) =	vpush v10, $0x0;
	_ =	sdelay $0xe  }
0x413: {  	s2 =	spop (v2sf)  }
0x414: {  	s2 =	sand.u32 $0xFF, s2  }
0x415: {  	v10 =	vmov s2  }
0x416: {  	v11 =	vshll.u32 v10, $0x3  }
0x417: {  	v10 =	vand.u32 $0x7F, v10;
	v11 =	vand.u32 $0x400, v11  }
0x418: {  	v10 =	vor.u32 v10, v11  }
0x419: {  	v11 =	vor.u32 v6, v10  }
0x41a: {  	v12 =	vor.u32 v7, v10  }
0x41b: {  	v13 =	vor.u32 v8, v10  }
.Ltmp40:
0x41c: {  	v10 =	vor.u32 v9, v10;
	(pc) =	sbr.rel @p1 .LBB2_47-.Ltmp40, $4  }
0x41d: {  	_ = 	snop  }
0x41e: {  	[tilespmem:v11+s20+$0x0] =	vst.idx.msk $0xffff, v3  }
0x41f: {  	[tilespmem:v12+s20+$0x0] =	vst.idx.msk $0xffff, v3  }
0x420: {  	[tilespmem:v13+s20+$0x0] =	vst.idx.msk $0xffff, v3  }
.LBB2_48:
0x421: {  	_ =	sdelay $0x3  }
0x422: {  	[tilespmem:v10+s20+$0x0] =	vst.idx.msk $0xffff, v3  }
.LBB2_49:
0x423: {  	s0 =	rddreg [dreg:$0x12]  }
0x424: {  	s0 =	sld [smem:s0+$0x0];
	_ =	sdelay $0x2  }
0x425: {  	s31 =	simm.s32 $0x4;
	[dreg:$0x13] =	wrdreg s0  }
0x426: {  	s1 =	ssub.s32 s0, s7;
	_ =	swait.ge [sflag:s31], $0x1000  }
0x427: {  	p1 =	slt.s32 s1, $0x1;
	v10 =	vld [tilespmem:$0x1FFF0]  }
.Ltmp41:
0x428: {  	_ = 	snop;
	(pc) =	sbr.rel @p1 .LBB2_59-.Ltmp41, $4  }
0x429: {  	vm3 =	vcmask $0x300;
	vm5 =	vcmask $0x704;
	vm7 =	vcmask $0xF0C  }
0x42a: {  	vm8 =	vcmask $0x1714;
	vm9 =	vcmask $0x1F1C;
	vm10 =	vcmask $0x2320  }
0x42b: {  	vm11 =	vcmask $0x2724;
	vm13 =	vcmask $0x2B28;
	vm14 =	vcmask $0x2F2C;
	[sflag:s31] =	ssyncset.done $0x0  }
0x42c: {  	vm15 =	vcmask $0x3330;
	vm1 =	vcmask $0x3734;
	[sflag:s31] =	ssyncadd.s32 $0xFFFFF000;
	vm12 =	vnez.u8 v10  }
0x42d: {  	s0 =	sadd.s32 $0xDC80, s7  }
0x42e: {  	v10 =	vld [tilespmem:s0+$0x0];
	_ =	sdelay $0x4  }
0x42f: {  	(v2sf) =	vpush v10, $0x0;
	_ =	sdelay $0xe  }
0x430: {  	s3 =	spop (v2sf)  }
0x431: {  	s4 =	sand.u32 $0xFF, s3  }
0x432: {  	v10 =	vmov s4  }
0x433: {  	s3 =	sshrl.u32 s3, $0x9;
	v11 =	vshll.u32 v10, $0x3  }
0x434: {  	s3 =	sand.u32 $0x40, s3;
	v10 =	vand.u32 $0x7F, v10;
	v11 =	vand.u32 $0x400, v11  }
0x435: {  	s5 =	sadd.s32 $0x1ED00, s3;
	v11 =	vor.u32 v10, v11  }
0x436: {  	v10 =	vld [tilespmem:s5+$0x0];
	v12 =	vor.u32 v6, v11;
	_ =	sdelay $0x4  }
0x437: {  	[tilespmem:v12+s20+$0x0] =	vst.idx.msk $0xffff, v10  }
0x438: {  	v62 =	vor.u32 v7, v11;
	v10 =	vld [tilespmem:s5+$0x10];
	_ =	sdelay $0x4  }
0x439: {  	[tilespmem:v62+s20+$0x0] =	vst.idx.msk $0xffff, v10  }
0x43a: {  	s31 =	smin.u32 s1, $0x20;
	v63 =	vor.u32 v8, v11;
	v10 =	vld [tilespmem:s5+$0x20]  }
0x43b: {  	p1 =	sne.s32 s31, $0x1  }
.Ltmp42:
0x43c: {  	_ = 	snop;
	(pc) =	sbr.rel @!p1 .LBB2_52-.Ltmp42, $3  }
0x43d: {  	_ =	sdelay $0x1  }
0x43e: {  	[tilespmem:v63+s20+$0x0] =	vst.idx.msk $0xffff, v10  }
0x43f: {  	s4 =	sadd.s32 $0xFFFFFFFF, s31;
	s3 =	simm.s32 $0x1ED00;
	v11 =	vor.u32 v9, v11;
	v10 =	vld [tilespmem:s5+$0x30]  }
.LBB2_51:
0x440: {  	_ =	sdelay $0x3  }
0x441: {  	p1 =	sne.s32 s4, $0x1;
	s0 =	sadd.s32 $0x1, s0;
	s3 =	sadd.s32 $0x80, s3;
	[tilespmem:v11+s20+$0x0] =	vst.idx.msk $0xffff, v10  }
0x442: {  	s4 =	sadd.s32 $0xFFFFFFFF, s4;
	v10 =	vld [tilespmem:s0+$0x0];
	_ =	sdelay $0x4  }
0x443: {  	(v2sf) =	vpush v10, $0x0;
	_ =	sdelay $0xe  }
0x444: {  	s5 =	spop (v2sf)  }
0x445: {  	s6 =	sand.u32 $0xFF, s5;
	s5 =	sshrl.u32 s5, $0x9  }
0x446: {  	v10 =	vmov s6;
	s5 =	sand.u32 $0x40, s5  }
0x447: {  	v11 =	vshll.u32 v10, $0x3  }
0x448: {  	v10 =	vand.u32 $0x7F, v10;
	v11 =	vand.u32 $0x400, v11  }
0x449: {  	s5 =	sadd.s32 s5, s3;
	v11 =	vor.u32 v10, v11  }
0x44a: {  	v10 =	vld [tilespmem:s5+$0x0];
	v12 =	vor.u32 v6, v11;
	_ =	sdelay $0x4  }
0x44b: {  	[tilespmem:v12+s20+$0x0] =	vst.idx.msk $0xffff, v10  }
0x44c: {  	v12 =	vor.u32 v7, v11;
	v10 =	vld [tilespmem:s5+$0x10];
	_ =	sdelay $0x4  }
0x44d: {  	[tilespmem:v12+s20+$0x0] =	vst.idx.msk $0xffff, v10  }
0x44e: {  	v12 =	vor.u32 v8, v11;
	v10 =	vld [tilespmem:s5+$0x20];
	_ =	sdelay $0x1  }
.Ltmp43:
0x44f: {  	(pc) =	sbr.rel @p1 .LBB2_51-.Ltmp43, $3  }
0x450: {  	_ =	sdelay $0x1  }
0x451: {  	[tilespmem:v12+s20+$0x0] =	vst.idx.msk $0xffff, v10  }
0x452: {  	v11 =	vor.u32 v9, v11;
	v10 =	vld [tilespmem:s5+$0x30]  }
.LBB2_52:
0x453: {  	p1 =	slt.u32 s1, $0x21  }
.Ltmp44:
0x454: {  	_ = 	snop;
	(pc) =	sbr.rel @p1 .LBB2_59-.Ltmp44, $2  }
0x455: {  	_ =	sdelay $0x2  }
0x456: {  	[tilespmem:v11+s20+$0x0] =	vst.idx.msk $0xffff, v10  }
.Ltmp45:
0x457: {  	(pc) =	sbr.rel .LBB2_54-.Ltmp45, $4  }
0x458: {  	s0 =	sadd.s32 $0xFFFFFFEF, s1;
	s3 =	sshll.u32 s7, $0x2  }
0x459: {  	s2 =	sadd.s32 $0x20, s7;
	s31 =	rddreg [dreg:$0x13];
	s5 =	sadd.s32 $0xFFFFFFE0, s1  }
0x45a: {  	s0 =	sshrl.u32 s0, $0x4;
	s3 =	sshra.s32 s3, $0x2;
	[dreg:$0x18] =	wrdreg s2  }
0x45b: {  	s30 =	simm.s32 $0x0;
	v10 =	vmov s31;
	v11 =	vmov s2;
	[dreg:$0x16] =	wrdreg s0;
	s6 =	sadd.s32 $0xDCA0, s3  }
.LBB2_57:
0x45c: {  	_ =	sdelay $0x3  }
0x45d: {  	[tilespmem:v13+s20+$0x0] =	vst.idx.msk $0xffff, v12  }
.LBB2_58:
0x45e: {  	s30 =	sadd.s32 $0x1, s30;
	s0 =	rddreg [dreg:$0x16]  }
0x45f: {  	p1 =	sne.s32 s30, s0  }
.Ltmp46:
0x460: {  	_ = 	snop;
	(pc) =	sbr.rel @!p1 .LBB2_59-.Ltmp46, $2  }
0x461: {  	_ =	sdelay $0x2  }
0x462: {  	s5 =	sadd.s32 $0xFFFFFFF0, s5;
	s6 =	sadd.s32 $0x10, s6  }
.LBB2_54:
0x463: {  	s1 =	sshll.u32 s30, $0x4;
	s0 =	rddreg [dreg:$0x18]  }
0x464: {  	s0 =	sadd.s32 s1, s0  }
0x465: {  	v12 =	vadd.s32 s0, v2  }
0x466: {  	(v2sf) =	vpush v12, $0xD;
	_ =	sdelay $0x1  }
0x467: {  	(v2sf) =	vpush v12, $0xC;
	_ =	sdelay $0x1  }
0x468: {  	(v2sf) =	vpush v12, $0xE;
	_ =	sdelay $0x1  }
0x469: {  	(v2sf) =	vpush v12, $0xF;
	_ =	sdelay $0x1  }
0x46a: {  	(v2sf) =	vpush v12, $0x9;
	_ =	sdelay $0x1  }
0x46b: {  	(v2sf) =	vpush v12, $0x8;
	_ =	sdelay $0x1  }
0x46c: {  	(v2sf) =	vpush v12, $0xA;
	_ =	sdelay $0x1  }
0x46d: {  	(v2sf) =	vpush v12, $0xB  }
0x46e: {  	s29 =	spop (v2sf)  }
0x46f: {  	[smem:$0x7A0] =	sst s1;
	(v2sf) =	vpush v12, $0x0;
	s3 =	smulhi.u32 $0x68DB8BAD, s29;
	s1 =	sshra.s32 s29, $0x1F  }
0x470: {  	s4 =	spop (v2sf);
	s1 =	smul.u32 $0x68DB8BAD, s1  }
0x471: {  	[dreg:$0x1a] =	wrdreg s5;
	(v2sf) =	vpush v12, $0x1;
	s5 =	smulhi.u32 $0x68DB8BAD, s4;
	s4 =	sshra.s32 s4, $0x1F  }
0x472: {  	(v2sf) =	vpush v12, $0x2;
	s31 =	spop (v2sf);
	s9 =	smul.u32 $0x68DB8BAD, s4  }
0x473: {  	[smem:$0x7A1] =	sst s0;
	s10 =	smulhi.u32 $0x68DB8BAD, s31;
	s0 =	sshra.s32 s31, $0x1F  }
0x474: {  	(v2sf) =	vpush v12, $0x3;
	s2 =	spop (v2sf);
	s11 =	smul.u32 $0x68DB8BAD, s0  }
0x475: {  	[dreg:$0x1c] =	wrdreg s6;
	(v2sf) =	vpush v12, $0x4;
	s14 =	smulhi.u32 $0x68DB8BAD, s2;
	s6 =	sshra.s32 s2, $0x1F  }
0x476: {  	(v2sf) =	vpush v12, $0x5;
	s7 =	spop (v2sf);
	s17 =	smul.u32 $0x68DB8BAD, s6  }
0x477: {  	(v2sf) =	vpush v12, $0x6;
	s18 =	smulhi.u32 $0x68DB8BAD, s7;
	s6 =	sshra.s32 s7, $0x1F  }
0x478: {  	(v2sf) =	vpush v12, $0x7;
	s8 =	spop (v2sf);
	s19 =	smul.u32 $0x68DB8BAD, s6  }
0x479: {  	s21 =	smulhi.u32 $0x68DB8BAD, s8;
	s4 =	sshra.s32 s8, $0x1F  }
0x47a: {  	s12 =	spop (v2sf);
	s25 =	smul.u32 $0x68DB8BAD, s4  }
0x47b: {  	s28 =	smulhi.u32 $0x68DB8BAD, s12;
	s13 =	sshra.s32 s12, $0x1F  }
0x47c: {  	s6 =	sadd.s32 s9, s5;
	s16 =	spop (v2sf);
	s31 =	smul.u32 $0x68DB8BAD, s13  }
0x47d: {  	s4 =	sadd.s32 s1, s3;
	s12 =	smulhi.u32 $0x68DB8BAD, s16;
	s22 =	sshra.s32 s16, $0x1F  }
0x47e: {  	s3 =	sadd.s32 s11, s10;
	s24 =	spop (v2sf);
	s13 =	smul.u32 $0x68DB8BAD, s22  }
0x47f: {  	s1 =	sadd.s32 s17, s14;
	s8 =	smulhi.u32 $0x68DB8BAD, s24;
	s24 =	sshra.s32 s24, $0x1F  }
0x480: {  	s11 =	sadd.s32 s19, s18;
	s26 =	spop (v2sf);
	s24 =	smul.u32 $0x68DB8BAD, s24  }
0x481: {  	s29 =	spop (v2sf);
	s9 =	smulhi.u32 $0x68DB8BAD, s26;
	s5 =	sshra.s32 s26, $0x1F  }
0x482: {  	s26 =	sshrl.u32 s4, $0x1F;
	s10 =	sadd.s32 s31, s28;
	s22 =	smul.u32 $0x68DB8BAD, s5  }
0x483: {  	s17 =	smulhi.u32 $0x68DB8BAD, s29;
	s14 =	sshra.s32 s29, $0x1F;
	s2 =	spop (v2sf)  }
0x484: {  	s29 =	sshrl.u32 s6, $0x1F;
	s5 =	sadd.s32 s13, s12;
	s0 =	spop (v2sf)  }
0x485: {  	s6 =	sshra.s32 s6, $0xD;
	s18 =	smul.u32 $0x68DB8BAD, s14;
	s7 =	spop (v2sf)  }
0x486: {  	s14 =	sadd.s32 s25, s21;
	s21 =	sshrl.u32 s3, $0x1F;
	s16 =	spop (v2sf)  }
0x487: {  	s8 =	sadd.s32 s24, s8;
	s22 =	sadd.s32 s22, s9;
	s25 =	spop (v2sf)  }
0x488: {  	s24 =	sshrl.u32 s14, $0x1F;
	s28 =	smulhi.u32 $0x68DB8BAD, s25;
	s13 =	sshra.s32 s25, $0x1F  }
0x489: {  	s17 =	sadd.s32 s18, s17;
	s18 =	sshrl.u32 s11, $0x1F;
	s31 =	smul.u32 $0x68DB8BAD, s13  }
0x48a: {  	v14 =	vmov s29;
	s29 =	sshra.s32 s22, $0xD;
	s19 =	smulhi.u32 $0x68DB8BAD, s2;
	s2 =	sshra.s32 s2, $0x1F  }
0x48b: {  	v14 =	vsel vm2, s26, v14;
	s26 =	sshra.s32 s22, $0x1F;
	s2 =	smul.u32 $0x68DB8BAD, s2;
	s9 =	sadd.s32 s31, s28  }
0x48c: {  	s12 =	smulhi.u32 $0x68DB8BAD, s0;
	s0 =	sshra.s32 s0, $0x1F;
	s25 =	sshra.s32 s9, $0x1F  }
0x48d: {  	s0 =	smul.u32 $0x68DB8BAD, s0;
	s2 =	sadd.s32 s2, s19;
	s28 =	sshra.s32 s8, $0xD;
	v13 =	vmov s25  }
0x48e: {  	s19 =	sshrl.u32 s10, $0x1F;
	s31 =	sshrl.u32 s8, $0x1F;
	s8 =	sshra.s32 s8, $0x1F;
	v13 =	vsel vm3, s28, v13  }
0x48f: {  	v14 =	vsel vm4, s21, v14;
	v16 =	vmov s24;
	s0 =	sadd.s32 s0, s12;
	s12 =	sshrl.u32 s5, $0x1F;
	s21 =	sshra.s32 s2, $0xD;
	v13 =	vsel vm5, s8, v13  }
0x490: {  	v16 =	vsel vm2, s18, v16;
	s13 =	sshrl.u32 s1, $0x1F;
	s18 =	sshrl.u32 s0, $0x1F;
	v15 =	vmov s31;
	s25 =	smulhi.u32 $0x68DB8BAD, s7;
	v13 =	vsel vm2, s29, v13  }
0x491: {  	vm0 =	vcmask $0x3B38;
	s7 =	sshra.s32 s7, $0x1F;
	v15 =	vnsel vm3, $0x0, v15;
	s28 =	sshrl.u32 s22, $0x1F;
	s29 =	sshra.s32 s17, $0xD;
	v13 =	vsel vm7, s26, v13  }
0x492: {  	v61 =	vmov s6;
	s31 =	sshrl.u32 s17, $0x1F;
	s7 =	smul.u32 $0x68DB8BAD, s7;
	v15 =	vsel vm2, s28, v15;
	s17 =	sshra.s32 s17, $0x1F;
	v13 =	vsel vm4, s29, v13  }
0x493: {  	v16 =	vsel vm4, s19, v16;
	s28 =	smulhi.u32 $0x68DB8BAD, s16;
	s16 =	sshra.s32 s16, $0x1F;
	v15 =	vsel vm4, s31, v15;
	s31 =	sshrl.u32 s2, $0x1F;
	v13 =	vsel vm8, s17, v13  }
0x494: {  	v16 =	vsel vm6, s12, v16;
	s16 =	smul.u32 $0x68DB8BAD, s16;
	s7 =	sadd.s32 s7, s25;
	s2 =	sshra.s32 s2, $0x1F;
	v15 =	vsel vm6, s31, v15;
	v13 =	vsel vm6, s21, v13  }
0x495: {  	v14 =	vsel vm6, s13, v14;
	s24 =	sshrl.u32 s7, $0x1F;
	s26 =	sshra.s32 s0, $0xD;
	s0 =	sshra.s32 s0, $0x1F;
	v15 =	vsel vm10, s18, v15;
	v13 =	vsel vm9, s2, v13  }
0x496: {  	v14 =	vcombine.low v16, v14;
	s22 =	sadd.s32 s16, s28;
	s28 =	sshra.s32 s14, $0xD;
	s29 =	sshra.s32 s4, $0xD;
	v15 =	vsel vm13, s24, v15;
	v13 =	vsel vm10, s26, v13  }
0x497: {  	s31 =	sshra.s32 s11, $0xD;
	s11 =	sshra.s32 s7, $0xD;
	s25 =	sshrl.u32 s22, $0x1F;
	v17 =	vmov s28;
	v16 =	vsel vm2, s29, v61;
	v13 =	vsel vm11, s0, v13  }
0x498: {  	s12 =	sshra.s32 s3, $0xD;
	s13 =	sshra.s32 s10, $0xD;
	s14 =	sshra.s32 s7, $0x1F;
	v15 =	vsel vm15, s25, v15;
	v17 =	vsel vm2, s31, v17;
	v13 =	vsel vm13, s11, v13  }
0x499: {  	s1 =	sshra.s32 s1, $0xD;
	s16 =	sshra.s32 s5, $0xD;
	s17 =	sshra.s32 s22, $0xD;
	v16 =	vsel vm4, s12, v16;
	v17 =	vsel vm4, s13, v17;
	v13 =	vsel vm14, s14, v13  }
0x49a: {  	s18 =	sshrl.u32 s9, $0x1F;
	s19 =	sshra.s32 s22, $0x1F;
	v16 =	vsel vm6, s1, v16;
	v17 =	vsel vm6, s16, v17;
	v13 =	vsel vm15, s17, v13  }
0x49b: {  	s22 =	sld [smem:$0x7A0];
	s21 =	sshra.s32 s9, $0xD;
	v15 =	vsel vm0, s18, v15;
	v16 =	vcombine.low v17, v16;
	v13 =	vsel vm1, s19, v13  }
0x49c: {  	v14 =	vperm.xlane v14, v4;
	v15 =	vperm.xlane v15, v5;
	v13 =	vsel vm0, s21, v13  }
0x49d: {  	v16 =	vperm.xlane v16, v4;
	v13 =	vperm.xlane v13, v5  }
0x49e: {  	v62 =	vld.idx.msk [tilespmem:v11+s22+$0xDC80 ss:$0x1], $0xffff  }
0x49f: {  	v14 =	vsel vm12, v15, v14;
	v13 =	vsel vm12, v13, v16  }
0x4a0: {  	v13 =	vadd.s32 v14, v13  }
0x4a1: {  	v13 =	vmul.u32 $0x4E20, v13;
	_ =	sdelay $0x1  }
0x4a2: {  	s6 =	rddreg [dreg:$0x1c];
	v63 =	vshrl.u32 v62, $0x10;
	vm0 =	vlt.s32 v12, v10;
	v12 =	vsub.s32 v12, v13  }
0x4a3: {  	s24 =	rddreg [dreg:$0x3];
	s28 =	simm.s32 $0x7;
	v12 =	vsel vm0, v63, v12  }
0x4a4: {  	s25 =	simm.s32 $0x1FD80;
	s1 =	simm.s32 $0x1ED00;
	s26 =	simm.s32 $0x10;
	[tilespmem:$0x1FD80] =	vst v12  }
0x4a5: {  	[tilespmem:s1], [sflag:$0x7] =	stream.indirect.gather [hbm4b:s24+s26], $0x80, s25, s26, $0x2000b8;
	[tilespmem:$0x1FE00] =	vst v63  }
0x4a6: {  	s5 =	rddreg [dreg:$0x1a];
	_ =	swait.ge [sflag:s28], $0x800  }
0x4a7: {  	s31 =	sld [smem:$0x7A1];
	_ =	sdelay $0x1  }
0x4a8: {  	s29 =	rddreg [dreg:$0x13]  }
0x4a9: {  	s0 =	ssub.s32 s29, s31  }
0x4aa: {  	p1 =	slt.s32 s0, $0x1  }
.Ltmp47:
0x4ab: {  	_ = 	snop;
	(pc) =	sbr.rel @p1 .LBB2_58-.Ltmp47, $3  }
0x4ac: {  	_ =	sdelay $0x1  }
0x4ad: {  	[sflag:s28] =	ssyncset.done $0x0  }
0x4ae: {  	[sflag:s28] =	ssyncadd.s32 $0xFFFFF800  }
0x4af: {  	v12 =	vld [tilespmem:s6+$0x0];
	_ =	sdelay $0x4  }
0x4b0: {  	(v2sf) =	vpush v12, $0x0;
	_ =	sdelay $0xe  }
0x4b1: {  	s0 =	spop (v2sf)  }
0x4b2: {  	s2 =	sand.u32 $0xFF, s0  }
0x4b3: {  	v12 =	vmov s2  }
0x4b4: {  	s0 =	sshrl.u32 s0, $0x9;
	v13 =	vshll.u32 v12, $0x3  }
0x4b5: {  	s0 =	sand.u32 $0x40, s0;
	v12 =	vand.u32 $0x7F, v12;
	v13 =	vand.u32 $0x400, v13  }
0x4b6: {  	s0 =	sadd.s32 $0x1ED00, s0;
	v13 =	vor.u32 v12, v13  }
0x4b7: {  	v12 =	vld [tilespmem:s0+$0x0];
	v14 =	vor.u32 v6, v13;
	_ =	sdelay $0x4  }
0x4b8: {  	[tilespmem:v14+s20+$0x0] =	vst.idx.msk $0xffff, v12  }
0x4b9: {  	v14 =	vor.u32 v7, v13;
	v12 =	vld [tilespmem:s0+$0x10];
	_ =	sdelay $0x4  }
0x4ba: {  	[tilespmem:v14+s20+$0x0] =	vst.idx.msk $0xffff, v12  }
0x4bb: {  	v14 =	vor.u32 v8, v13;
	v12 =	vld [tilespmem:s0+$0x20];
	_ =	sdelay $0x1  }
0x4bc: {  	p1 =	sgt.s32 s5, $0x1;
	s2 =	smov.u32 s5  }
0x4bd: {  	s2 =	simm.s32 @!p1 $0x1  }
0x4be: {  	s2 =	smin.u32 s2, $0x10  }
0x4bf: {  	p1 =	sne.s32 s2, $0x1;
	[tilespmem:v14+s20+$0x0] =	vst.idx.msk $0xffff, v12  }
.Ltmp48:
0x4c0: {  	v13 =	vor.u32 v9, v13;
	v12 =	vld [tilespmem:s0+$0x30];
	(pc) =	sbr.rel @!p1 .LBB2_57-.Ltmp48, $2  }
0x4c1: {  	_ =	sdelay $0x2  }
0x4c2: {  	s4 =	smov.u32 s6;
	s3 =	sadd.s32 $0xFFFFFFFF, s2  }
.LBB2_56:
0x4c3: {  	p1 =	sne.s32 s3, $0x1;
	[tilespmem:v13+s20+$0x0] =	vst.idx.msk $0xffff, v12;
	s4 =	sadd.s32 $0x1, s4;
	s1 =	sadd.s32 $0x80, s1  }
0x4c4: {  	s3 =	sadd.s32 $0xFFFFFFFF, s3;
	v12 =	vld [tilespmem:s4+$0x0];
	_ =	sdelay $0x4  }
0x4c5: {  	(v2sf) =	vpush v12, $0x0;
	_ =	sdelay $0xe  }
0x4c6: {  	s0 =	spop (v2sf)  }
0x4c7: {  	s2 =	sand.u32 $0xFF, s0;
	s0 =	sshrl.u32 s0, $0x9  }
0x4c8: {  	v12 =	vmov s2;
	s0 =	sand.u32 $0x40, s0  }
0x4c9: {  	v13 =	vshll.u32 v12, $0x3  }
0x4ca: {  	v12 =	vand.u32 $0x7F, v12;
	v13 =	vand.u32 $0x400, v13  }
0x4cb: {  	s0 =	sadd.s32 s0, s1;
	v13 =	vor.u32 v12, v13  }
0x4cc: {  	v12 =	vld [tilespmem:s0+$0x0];
	v14 =	vor.u32 v6, v13;
	_ =	sdelay $0x4  }
0x4cd: {  	[tilespmem:v14+s20+$0x0] =	vst.idx.msk $0xffff, v12  }
0x4ce: {  	v14 =	vor.u32 v7, v13;
	v12 =	vld [tilespmem:s0+$0x10];
	_ =	sdelay $0x4  }
0x4cf: {  	[tilespmem:v14+s20+$0x0] =	vst.idx.msk $0xffff, v12  }
0x4d0: {  	v14 =	vor.u32 v8, v13;
	v12 =	vld [tilespmem:s0+$0x20];
	_ =	sdelay $0x1  }
.Ltmp49:
0x4d1: {  	(pc) =	sbr.rel @p1 .LBB2_56-.Ltmp49, $3  }
0x4d2: {  	_ =	sdelay $0x1  }
0x4d3: {  	[tilespmem:v14+s20+$0x0] =	vst.idx.msk $0xffff, v12  }
0x4d4: {  	v13 =	vor.u32 v9, v13;
	v12 =	vld [tilespmem:s0+$0x30]  }
.Ltmp50:
0x4d5: {  	_ = 	snop;
	(pc) =	sbr.rel .LBB2_57-.Ltmp50, $1  }
0x4d6: {  	_ =	sdelay $0x3  }
.LBB2_59:
0x4d7: {  	s0 =	rddreg [dreg:$0xa]  }
0x4d8: {  	s1 =	rddreg [dreg:$0x10]  }
0x4d9: {  	s2 =	simm.s32 $0x80;
	s3 =	simm.s32 $0x40000;
	s0 =	sadd.s32 s1, s0  }
0x4da: {  	[hbm4b:s0+s2] =	stream.strided.scatter [tilespmem:s20], [sflag:$0x6], $0x400, s3, s2, $0x200038;
	[tilespmem:$0x1FE00] =	vst v63  }
0x4db: {  	s4 =	simm.s32 $0x1A100;
	s1 =	sadd.s32 $0x80, s0  }
0x4dc: {  	[hbm4b:s1+s2] =	stream.strided.scatter [tilespmem:s4], [sflag:$0x6], $0x400, s3, s2, $0x200038;
	[tilespmem:$0x1FE00] =	vst v63  }
0x4dd: {  	s9 =	simm.s32 $0x1A500;
	s8 =	sadd.s32 $0x40000, s0  }
0x4de: {  	[hbm4b:s8+s2] =	stream.strided.scatter [tilespmem:s9], [sflag:$0x6], $0x400, s3, s2, $0x200038;
	[tilespmem:$0x1FE00] =	vst v63  }
0x4df: {  	s10 =	simm.s32 $0x1A900;
	s1 =	sadd.s32 $0x80, s8  }
0x4e0: {  	[hbm4b:s1+s2] =	stream.strided.scatter [tilespmem:s10], [sflag:$0x6], $0x400, s3, s2, $0x200038;
	[tilespmem:$0x1FE00] =	vst v63  }
0x4e1: {  	s12 =	simm.s32 $0x1AD00;
	s11 =	sadd.s32 $0x80000, s0  }
0x4e2: {  	[hbm4b:s11+s2] =	stream.strided.scatter [tilespmem:s12], [sflag:$0x6], $0x400, s3, s2, $0x200038;
	[tilespmem:$0x1FE00] =	vst v63  }
0x4e3: {  	s13 =	simm.s32 $0x1B100;
	s1 =	sadd.s32 $0x80, s11  }
0x4e4: {  	[hbm4b:s1+s2] =	stream.strided.scatter [tilespmem:s13], [sflag:$0x6], $0x400, s3, s2, $0x200038;
	[tilespmem:$0x1FE00] =	vst v63  }
0x4e5: {  	s16 =	simm.s32 $0x1B500;
	s14 =	sadd.s32 $0xC0000, s0  }
0x4e6: {  	[hbm4b:s14+s2] =	stream.strided.scatter [tilespmem:s16], [sflag:$0x6], $0x400, s3, s2, $0x200038;
	[tilespmem:$0x1FE00] =	vst v63  }
0x4e7: {  	s17 =	simm.s32 $0x1B900;
	s1 =	sadd.s32 $0x80, s14  }
0x4e8: {  	[hbm4b:s1+s2] =	stream.strided.scatter [tilespmem:s17], [sflag:$0x6], $0x400, s3, s2, $0x200038;
	[tilespmem:$0x1FE00] =	vst v63  }
0x4e9: {  	s19 =	simm.s32 $0x1BD00;
	s18 =	sadd.s32 $0x100000, s0  }
0x4ea: {  	[hbm4b:s18+s2] =	stream.strided.scatter [tilespmem:s19], [sflag:$0x6], $0x400, s3, s2, $0x200038;
	[tilespmem:$0x1FE00] =	vst v63  }
0x4eb: {  	s21 =	simm.s32 $0x1C100;
	s1 =	sadd.s32 $0x80, s18  }
0x4ec: {  	[hbm4b:s1+s2] =	stream.strided.scatter [tilespmem:s21], [sflag:$0x6], $0x400, s3, s2, $0x200038;
	[tilespmem:$0x1FE00] =	vst v63  }
0x4ed: {  	s24 =	simm.s32 $0x1C500;
	s22 =	sadd.s32 $0x140000, s0  }
0x4ee: {  	[hbm4b:s22+s2] =	stream.strided.scatter [tilespmem:s24], [sflag:$0x6], $0x400, s3, s2, $0x200038;
	[tilespmem:$0x1FE00] =	vst v63  }
0x4ef: {  	s25 =	simm.s32 $0x1C900;
	s1 =	sadd.s32 $0x80, s22  }
0x4f0: {  	[hbm4b:s1+s2] =	stream.strided.scatter [tilespmem:s25], [sflag:$0x6], $0x400, s3, s2, $0x200038;
	[tilespmem:$0x1FE00] =	vst v63  }
0x4f1: {  	s28 =	simm.s32 $0x1CD00;
	s26 =	sadd.s32 $0x180000, s0  }
0x4f2: {  	[hbm4b:s26+s2] =	stream.strided.scatter [tilespmem:s28], [sflag:$0x6], $0x400, s3, s2, $0x200038;
	[tilespmem:$0x1FE00] =	vst v63  }
0x4f3: {  	s29 =	simm.s32 $0x1D100;
	s1 =	sadd.s32 $0x80, s26  }
0x4f4: {  	[hbm4b:s1+s2] =	stream.strided.scatter [tilespmem:s29], [sflag:$0x6], $0x400, s3, s2, $0x200038;
	[tilespmem:$0x1FE00] =	vst v63  }
.Ltmp51:
0x4f5: {  	_ = 	snop;
	(pc) =	sbr.rel @p0 .LBB2_61-.Ltmp51, $4  }
0x4f6: {  	s30 =	simm.s32 $0x1D500;
	s0 =	sadd.s32 $0x1C0000, s0  }
0x4f7: {  	[hbm4b:s0+s2] =	stream.strided.scatter [tilespmem:s30], [sflag:$0x6], $0x400, s3, s2, $0x200038;
	[tilespmem:$0x1FE00] =	vst v63  }
0x4f8: {  	s31 =	simm.s32 $0x1D900;
	s0 =	sadd.s32 $0x80, s0  }
0x4f9: {  	[hbm4b:s0+s2] =	stream.strided.scatter [tilespmem:s31], [sflag:$0x6], $0x400, s3, s2, $0x200038;
	[tilespmem:$0x1FE00] =	vst v63  }
0x4fa: {  	s0 =	rddreg [dreg:$0xe]  }
0x4fb: {  	s1 =	sld [smem:s0+$0x3];
	_ =	sdelay $0x2  }
0x4fc: {  	v11 =	vadd.s32 s1, v2  }
0x4fd: {  	(v2sf) =	vpush v11, $0xD;
	_ =	sdelay $0x1  }
0x4fe: {  	(v2sf) =	vpush v11, $0xC;
	_ =	sdelay $0x1  }
0x4ff: {  	(v2sf) =	vpush v11, $0xE;
	_ =	sdelay $0x1  }
0x500: {  	(v2sf) =	vpush v11, $0xF;
	_ =	sdelay $0x1  }
0x501: {  	(v2sf) =	vpush v11, $0x9;
	_ =	sdelay $0x1  }
0x502: {  	(v2sf) =	vpush v11, $0x8;
	_ =	sdelay $0x1  }
0x503: {  	(v2sf) =	vpush v11, $0xA;
	_ =	sdelay $0x1  }
0x504: {  	(v2sf) =	vpush v11, $0xB  }
0x505: {  	s7 =	spop (v2sf)  }
0x506: {  	(v2sf) =	vpush v11, $0x0;
	s2 =	smulhi.u32 $0x68DB8BAD, s7;
	s0 =	sshra.s32 s7, $0x1F  }
0x507: {  	s8 =	spop (v2sf);
	s4 =	smul.u32 $0x68DB8BAD, s0  }
0x508: {  	(v2sf) =	vpush v11, $0x1;
	s3 =	smulhi.u32 $0x68DB8BAD, s8;
	s0 =	sshra.s32 s8, $0x1F  }
0x509: {  	s9 =	spop (v2sf);
	(v2sf) =	vpush v11, $0x2;
	s21 =	smul.u32 $0x68DB8BAD, s0  }
0x50a: {  	s5 =	smulhi.u32 $0x68DB8BAD, s9;
	s0 =	sshra.s32 s9, $0x1F  }
0x50b: {  	s10 =	spop (v2sf);
	(v2sf) =	vpush v11, $0x3;
	s26 =	smul.u32 $0x68DB8BAD, s0  }
0x50c: {  	s6 =	smulhi.u32 $0x68DB8BAD, s10;
	s0 =	sshra.s32 s10, $0x1F  }
0x50d: {  	s11 =	spop (v2sf);
	(v2sf) =	vpush v11, $0x4;
	s30 =	smul.u32 $0x68DB8BAD, s0  }
0x50e: {  	s7 =	smulhi.u32 $0x68DB8BAD, s11;
	s0 =	sshra.s32 s11, $0x1F  }
0x50f: {  	s12 =	spop (v2sf);
	(v2sf) =	vpush v11, $0x5;
	s31 =	smul.u32 $0x68DB8BAD, s0  }
0x510: {  	s8 =	smulhi.u32 $0x68DB8BAD, s12;
	s0 =	sshra.s32 s12, $0x1F  }
0x511: {  	s13 =	spop (v2sf);
	(v2sf) =	vpush v11, $0x6;
	s10 =	smul.u32 $0x68DB8BAD, s0  }
0x512: {  	s9 =	smulhi.u32 $0x68DB8BAD, s13;
	s0 =	sshra.s32 s13, $0x1F  }
0x513: {  	s14 =	spop (v2sf);
	(v2sf) =	vpush v11, $0x7;
	s11 =	smul.u32 $0x68DB8BAD, s0  }
0x514: {  	s12 =	smulhi.u32 $0x68DB8BAD, s14;
	s0 =	sshra.s32 s14, $0x1F  }
0x515: {  	s17 =	sadd.s32 $0x10, s1;
	s13 =	smul.u32 $0x68DB8BAD, s0;
	s16 =	spop (v2sf)  }
0x516: {  	[smem:$0x79D] =	sst s1;
	v10 =	vadd.s32 s17, v2;
	s17 =	smulhi.u32 $0x68DB8BAD, s16;
	s0 =	sshra.s32 s16, $0x1F  }
0x517: {  	s18 =	spop (v2sf);
	s1 =	smul.u32 $0x68DB8BAD, s0  }
0x518: {  	(v2sf) =	vpush v10, $0xD;
	s14 =	smulhi.u32 $0x68DB8BAD, s18;
	s0 =	sshra.s32 s18, $0x1F;
	s19 =	spop (v2sf)  }
0x519: {  	[smem:$0x784] =	sst s17;
	s29 =	smul.u32 $0x68DB8BAD, s0  }
0x51a: {  	(v2sf) =	vpush v10, $0xC;
	s22 =	smulhi.u32 $0x68DB8BAD, s19;
	s0 =	sshra.s32 s19, $0x1F;
	s24 =	spop (v2sf)  }
0x51b: {  	(v2sf) =	vpush v10, $0xE;
	[smem:$0x785] =	sst s14;
	s28 =	smul.u32 $0x68DB8BAD, s0  }
0x51c: {  	s25 =	smulhi.u32 $0x68DB8BAD, s24;
	s16 =	spop (v2sf)  }
0x51d: {  	s13 =	sadd.s32 s13, s12;
	(v2sf) =	vpush v10, $0xF;
	[smem:$0x786] =	sst s22;
	s17 =	smulhi.u32 $0x68DB8BAD, s16  }
0x51e: {  	s0 =	sshra.s32 s24, $0x1F;
	s18 =	spop (v2sf);
	s12 =	sld [smem:$0x785]  }
0x51f: {  	(v2sf) =	vpush v10, $0x9;
	[smem:$0x787] =	sst s25;
	s25 =	smul.u32 $0x68DB8BAD, s0  }
0x520: {  	s0 =	sshra.s32 s16, $0x1F;
	s19 =	smulhi.u32 $0x68DB8BAD, s18;
	s22 =	spop (v2sf)  }
0x521: {  	s21 =	sadd.s32 s21, s3;
	[smem:$0x788] =	sst s17;
	s24 =	smul.u32 $0x68DB8BAD, s0  }
0x522: {  	(v2sf) =	vpush v10, $0x8;
	s0 =	sshra.s32 s18, $0x1F;
	s16 =	smulhi.u32 $0x68DB8BAD, s22;
	s17 =	spop (v2sf)  }
0x523: {  	[smem:$0x789] =	sst s19;
	s18 =	smul.u32 $0x68DB8BAD, s0;
	s0 =	sshra.s32 s22, $0x1F  }
0x524: {  	s19 =	smulhi.u32 $0x68DB8BAD, s17;
	s29 =	sadd.s32 s29, s12;
	s12 =	sld [smem:$0x788]  }
0x525: {  	[smem:$0x78A] =	sst s16;
	s22 =	smul.u32 $0x68DB8BAD, s0;
	s0 =	sshra.s32 s17, $0x1F  }
0x526: {  	s17 =	sadd.s32 s4, s2;
	s2 =	sld [smem:$0x786];
	s0 =	smul.u32 $0x68DB8BAD, s0  }
0x527: {  	s26 =	sadd.s32 s26, s5;
	[smem:$0x78B] =	sst s19;
	s16 =	spop (v2sf)  }
0x528: {  	(v2sf) =	vpush v10, $0xA;
	[smem:$0x78C] =	sst s0;
	s19 =	smulhi.u32 $0x68DB8BAD, s16;
	s0 =	sshra.s32 s16, $0x1F  }
0x529: {  	s30 =	sadd.s32 s30, s6;
	s3 =	spop (v2sf);
	s0 =	smul.u32 $0x68DB8BAD, s0  }
0x52a: {  	s31 =	sadd.s32 s31, s7;
	s4 =	smulhi.u32 $0x68DB8BAD, s3;
	s5 =	spop (v2sf)  }
0x52b: {  	(v2sf) =	vpush v10, $0xB;
	s16 =	sadd.s32 s10, s8;
	s10 =	sld [smem:$0x784];
	s6 =	smulhi.u32 $0x68DB8BAD, s5  }
0x52c: {  	s7 =	spop (v2sf);
	[smem:$0x78E] =	sst s0;
	s0 =	sshra.s32 s3, $0x1F  }
0x52d: {  	s11 =	sadd.s32 s11, s9;
	[smem:$0x78F] =	sst s4;
	s0 =	smul.u32 $0x68DB8BAD, s0  }
0x52e: {  	s8 =	smulhi.u32 $0x68DB8BAD, s7;
	s9 =	spop (v2sf);
	s4 =	sadd.s32 s1, s10  }
0x52f: {  	s10 =	smulhi.u32 $0x68DB8BAD, s9;
	[smem:$0x790] =	sst s0;
	s0 =	sshra.s32 s5, $0x1F  }
0x530: {  	[smem:$0x78D] =	sst s19;
	s0 =	smul.u32 $0x68DB8BAD, s0  }
0x531: {  	(v2sf) =	vpush v10, $0x0;
	s19 =	spop (v2sf);
	[smem:$0x793] =	sst s8  }
0x532: {  	s8 =	smulhi.u32 $0x68DB8BAD, s19;
	[smem:$0x792] =	sst s0;
	s0 =	sshra.s32 s7, $0x1F  }
0x533: {  	s3 =	sld [smem:$0x787];
	s14 =	smul.u32 $0x68DB8BAD, s0;
	s0 =	sshra.s32 s9, $0x1F  }
0x534: {  	s9 =	smul.u32 $0x68DB8BAD, s0;
	s0 =	sshra.s32 s19, $0x1F;
	s19 =	sld [smem:$0x789]  }
0x535: {  	s24 =	sadd.s32 s24, s12;
	s12 =	sld [smem:$0x78B]  }
0x536: {  	[smem:$0x791] =	sst s6;
	s25 =	sadd.s32 s25, s3  }
0x537: {  	s5 =	spop (v2sf);
	s18 =	sadd.s32 s18, s19;
	s19 =	sld [smem:$0x78C]  }
0x538: {  	s3 =	sld [smem:$0x78A];
	s6 =	smulhi.u32 $0x68DB8BAD, s5;
	s9 =	sadd.s32 s9, s10  }
0x539: {  	s28 =	sadd.s32 s28, s2;
	s7 =	smul.u32 $0x68DB8BAD, s0;
	[smem:$0x79A] =	sst s9  }
0x53a: {  	s2 =	spop (v2sf);
	s1 =	sadd.s32 s19, s12;
	s12 =	sld [smem:$0x78D]  }
0x53b: {  	s22 =	sadd.s32 s22, s3;
	s7 =	sadd.s32 s7, s8;
	s19 =	sld [smem:$0x78E]  }
0x53c: {  	s3 =	smulhi.u32 $0x68DB8BAD, s2;
	s0 =	sshra.s32 s5, $0x1F;
	[smem:$0x79B] =	sst s7  }
0x53d: {  	s5 =	smul.u32 $0x68DB8BAD, s0;
	s0 =	sshra.s32 s2, $0x1F;
	[smem:$0x794] =	sst s1  }
0x53e: {  	s10 =	sshrl.u32 s29, $0x1F;
	s1 =	sadd.s32 s19, s12;
	s12 =	sld [smem:$0x78F]  }
0x53f: {  	s2 =	smul.u32 $0x68DB8BAD, s0;
	s5 =	sadd.s32 s5, s6;
	s19 =	sld [smem:$0x790]  }
0x540: {  	s0 =	spop (v2sf);
	s8 =	sshrl.u32 s21, $0x1F;
	[smem:$0x79C] =	sst s5  }
0x541: {  	s9 =	sshra.s32 s26, $0xD;
	[smem:$0x796] =	sst s1;
	s1 =	smulhi.u32 $0x68DB8BAD, s0  }
0x542: {  	(v2sf) =	vpush v10, $0x1;
	s0 =	sshra.s32 s0, $0x1F;
	s12 =	sadd.s32 s19, s12;
	s19 =	sld [smem:$0x792]  }
0x543: {  	s6 =	sshrl.u32 s17, $0x1F;
	s0 =	smul.u32 $0x68DB8BAD, s0;
	[smem:$0x797] =	sst s12  }
0x544: {  	s7 =	sshra.s32 s21, $0xD;
	s2 =	sadd.s32 s2, s3;
	s12 =	sld [smem:$0x791]  }
0x545: {  	[smem:$0x79F] =	sst s2;
	s5 =	sadd.s32 s0, s1;
	s1 =	sshra.s32 s17, $0xD  }
0x546: {  	(v2sf) =	vpush v10, $0x2;
	s21 =	sshra.s32 s31, $0xD;
	v13 =	vmov s8;
	s8 =	sshra.s32 s28, $0x1F;
	[smem:$0x795] =	sst s1  }
0x547: {  	s3 =	sshrl.u32 s30, $0x1F;
	s12 =	sadd.s32 s19, s12;
	s19 =	sld [smem:$0x793]  }
0x548: {  	(v2sf) =	vpush v10, $0x3;
	s30 =	sshra.s32 s30, $0xD;
	v13 =	vsel vm2, s6, v13;
	s6 =	sshra.s32 s25, $0xD;
	[smem:$0x798] =	sst s12  }
0x549: {  	s17 =	sshrl.u32 s31, $0x1F;
	s31 =	sshrl.u32 s16, $0x1F;
	s12 =	sld [smem:$0x794]  }
0x54a: {  	s1 =	sshra.s32 s4, $0xD;
	v15 =	vmov s31;
	s14 =	sadd.s32 s14, s19;
	s19 =	rddreg [dreg:$0xe]  }
0x54b: {  	(v2sf) =	vpush v10, $0x4;
	s31 =	sshrl.u32 s22, $0x1F;
	v15 =	vsel vm2, s17, v15;
	s17 =	sshra.s32 s22, $0xD;
	[smem:$0x799] =	sst s14  }
0x54c: {  	(v2sf) =	vpush v10, $0x5;
	s0 =	sld [smem:s19+$0x4];
	s14 =	sshrl.u32 s26, $0x1F;
	s26 =	sshra.s32 s16, $0xD  }
0x54d: {  	(v2sf) =	vpush v10, $0x6;
	s16 =	sshrl.u32 s11, $0x1F;
	s19 =	sshra.s32 s11, $0xD;
	s11 =	sshrl.u32 s13, $0x1F  }
0x54e: {  	v16 =	vmov s7;
	(v2sf) =	vpush v10, $0x7;
	s13 =	sshra.s32 s13, $0xD;
	s2 =	sshra.s32 s12, $0x1F;
	s7 =	sshra.s32 s12, $0xD  }
0x54f: {  	v12 =	vmov s2;
	s2 =	sshra.s32 s29, $0xD;
	s29 =	sshra.s32 s29, $0x1F;
	v13 =	vsel vm4, s14, v13;
	s14 =	sshra.s32 s24, $0x1F  }
0x550: {  	v15 =	vsel vm4, s16, v15;
	v17 =	vmov s26;
	v12 =	vsel vm3, s1, v12;
	[smem:$0x79E] =	sst s0;
	s0 =	sshrl.u32 s4, $0x1F;
	s4 =	sshra.s32 s4, $0x1F  }
0x551: {  	s16 =	sld [smem:$0x79B];
	s1 =	sshra.s32 s28, $0xD;
	v13 =	vsel vm6, s3, v13;
	s3 =	spop (v2sf);
	v14 =	vmov s0;
	v12 =	vsel vm5, s4, v12  }
0x552: {  	v17 =	vsel vm2, s21, v17;
	s21 =	sld [smem:$0x796];
	s0 =	sshrl.u32 s28, $0x1F;
	s28 =	sshrl.u32 s18, $0x1F;
	v14 =	vnsel vm3, $0x0, v14;
	v12 =	vsel vm2, s2, v12  }
0x553: {  	s2 =	sshrl.u32 s24, $0x1F;
	v14 =	vsel vm2, s10, v14;
	s10 =	sshra.s32 s24, $0xD;
	v12 =	vsel vm7, s29, v12;
	s24 =	sshra.s32 s18, $0xD  }
0x554: {  	v14 =	vsel vm4, s0, v14;
	v12 =	vsel vm4, s1, v12;
	s1 =	sshra.s32 s18, $0x1F;
	s18 =	smulhi.u32 $0x68DB8BAD, s3;
	s0 =	sshra.s32 s3, $0x1F  }
0x555: {  	s4 =	sshrl.u32 s25, $0x1F;
	s29 =	spop (v2sf);
	v12 =	vsel vm8, s8, v12;
	s0 =	smul.u32 $0x68DB8BAD, s0  }
0x556: {  	v17 =	vsel vm4, s19, v17;
	s19 =	sld [smem:$0x798];
	s25 =	sshra.s32 s25, $0x1F;
	v14 =	vsel vm6, s4, v14;
	s8 =	smulhi.u32 $0x68DB8BAD, s29;
	v12 =	vsel vm6, s6, v12  }
0x557: {  	v14 =	vsel vm10, s2, v14;
	s6 =	sshra.s32 s22, $0x1F;
	s2 =	sshra.s32 s29, $0x1F;
	s22 =	spop (v2sf);
	v12 =	vsel vm9, s25, v12  }
0x558: {  	v15 =	vsel vm6, s11, v15;
	s11 =	smulhi.u32 $0x68DB8BAD, s22;
	s29 =	sshra.s32 s22, $0x1F;
	s22 =	sld [smem:$0x797];
	v12 =	vsel vm10, s10, v12  }
0x559: {  	v14 =	vsel vm13, s28, v14;
	s25 =	sshrl.u32 s12, $0x1F;
	s2 =	smul.u32 $0x68DB8BAD, s2;
	s28 =	sld [smem:$0x795];
	v12 =	vsel vm11, s14, v12  }
0x55a: {  	v13 =	vcombine.low v15, v13;
	s0 =	sadd.s32 s0, s18;
	s18 =	sld [smem:$0x79A];
	s10 =	spop (v2sf);
	v12 =	vsel vm13, s24, v12  }
0x55b: {  	vm9 =	vmmov vm8;
	vm8 =	vmmov vm7;
	s14 =	spop (v2sf);
	s24 =	sshrl.u32 s22, $0x1F;
	v12 =	vsel vm14, s1, v12;
	s1 =	smul.u32 $0x68DB8BAD, s29  }
0x55c: {  	v14 =	vsel vm15, s31, v14;
	s31 =	sshrl.u32 s21, $0x1F;
	v16 =	vsel vm2, s28, v16;
	s4 =	spop (v2sf);
	v18 =	vmov s24;
	s24 =	smulhi.u32 $0x68DB8BAD, s10  }
0x55d: {  	vm7 =	vmmov vm5;
	vm5 =	vcmask $0x3B38;
	s2 =	sadd.s32 s2, s8;
	v16 =	vsel vm4, s9, v16;
	s26 =	spop (v2sf);
	s9 =	smulhi.u32 $0x68DB8BAD, s14  }
0x55e: {  	v17 =	vsel vm6, s13, v17;
	v14 =	vsel vm5, s25, v14;
	s25 =	sshrl.u32 s19, $0x1F;
	s12 =	sshrl.u32 s2, $0x1F;
	s28 =	smulhi.u32 $0x68DB8BAD, s26  }
0x55f: {  	v13 =	vperm.xlane v13, v4;
	v12 =	vsel vm15, s17, v12;
	s29 =	sshra.s32 s26, $0x1F;
	s17 =	sld [smem:$0x799];
	v18 =	vsel vm2, s31, v18;
	s31 =	sshrl.u32 s18, $0x1F  }
0x560: {  	v14 =	vperm.xlane v14, v5;
	v16 =	vsel vm6, s30, v16;
	s26 =	sshrl.u32 s16, $0x1F;
	s13 =	smul.u32 $0x68DB8BAD, s29;
	v51 =	vsel vm4, s25, v18;
	s25 =	sshra.s32 s10, $0x1F  }
0x561: {  	v12 =	vsel vm1, s6, v12;
	v16 =	vcombine.low v17, v16;
	s1 =	sadd.s32 s1, s11;
	s11 =	sld [smem:$0x79D];
	s10 =	sshrl.u32 s0, $0x1F  }
0x562: {  	v13 =	vsel vm12, v14, v13;
	v52 =	vmov s26;
	v12 =	vsel vm5, s7, v12;
	s8 =	smul.u32 $0x68DB8BAD, s25;
	s30 =	sshrl.u32 s17, $0x1F;
	s3 =	sadd.s32 s13, s28  }
0x563: {  	v16 =	vperm.xlane v16, v4;
	v12 =	vperm.xlane v12, v5;
	s13 =	sld [smem:$0x79C];
	v15 =	vsel vm6, s30, v51;
	s29 =	sshra.s32 s3, $0x1F;
	s30 =	sshrl.u32 s5, $0x1F  }
0x564: {  	v17 =	vsel vm2, s31, v52;
	s31 =	sshra.s32 s5, $0xD;
	s25 =	sshra.s32 s0, $0xD;
	s26 =	sshrl.u32 s1, $0x1F;
	v54 =	vld [tilespmem:s11+$0xDC80];
	v53 =	vmov s29;
	v55 =	vmov s30  }
0x565: {  	s5 =	sshra.s32 s5, $0x1F;
	v12 =	vsel vm12, v12, v16;
	s29 =	smulhi.u32 $0x68DB8BAD, s4;
	s4 =	sshra.s32 s4, $0x1F;
	v14 =	vsel vm3, s31, v53;
	v16 =	vnsel vm3, $0x0, v55  }
0x566: {  	s0 =	sshra.s32 s0, $0x1F;
	s28 =	sshrl.u32 s13, $0x1F;
	v12 =	vadd.s32 v13, v12;
	s4 =	smul.u32 $0x68DB8BAD, s4;
	v14 =	vsel vm7, s5, v14;
	v16 =	vsel vm2, s10, v16  }
0x567: {  	s6 =	sadd.s32 s8, s24;
	s24 =	sshra.s32 s14, $0x1F;
	v17 =	vsel vm4, s28, v17;
	s10 =	sld [smem:$0x79E];
	v56 =	vsel vm2, s25, v14;
	v57 =	vsel vm4, s12, v16  }
0x568: {  	s30 =	sshra.s32 s2, $0xD;
	v12 =	vmul.u32 $0x4E20, v12;
	s4 =	sadd.s32 s4, s29;
	s29 =	sshra.s32 s16, $0xD;
	v13 =	vsel vm8, s0, v56;
	v14 =	vsel vm6, s26, v57  }
0x569: {  	s2 =	sshra.s32 s2, $0x1F;
	s28 =	smul.u32 $0x68DB8BAD, s24;
	v58 =	vshrl.u32 v54, $0x10;
	v62 =	vmov s29;
	v13 =	vsel vm4, s30, v13  }
0x56a: {  	s14 =	sshra.s32 s1, $0xD;
	s1 =	sshra.s32 s1, $0x1F;
	s12 =	sld [smem:$0x79F];
	vm0 =	vlt.s32 v11, s10;
	v11 =	vsub.s32 v11, v12;
	v13 =	vsel vm9, s2, v13  }
0x56b: {  	s5 =	sadd.s32 s28, s9;
	s9 =	sshrl.u32 s6, $0x1F;
	s28 =	sshra.s32 s22, $0xD;
	v11 =	vsel vm0, v58, v11;
	vm0 =	vcmask $0x1F1C;
	v13 =	vsel vm6, s14, v13  }
0x56c: {  	s7 =	sshra.s32 s18, $0xD;
	s26 =	sshra.s32 s6, $0xD;
	v59 =	vsel vm10, s9, v14;
	s24 =	sshrl.u32 s5, $0x1F;
	v61 =	vmov s28;
	v13 =	vsel vm0, s1, v13  }
0x56d: {  	s25 =	sshrl.u32 s4, $0x1F;
	s30 =	sshra.s32 s6, $0x1F;
	v16 =	vsel vm2, s7, v62;
	s31 =	sshrl.u32 s12, $0x1F;
	v12 =	vsel vm13, s24, v59;
	v13 =	vsel vm10, s26, v13  }
0x56e: {  	s8 =	sshra.s32 s5, $0xD;
	v60 =	vsel vm6, s31, v17;
	v12 =	vsel vm15, s25, v12;
	s31 =	sshra.s32 s21, $0xD;
	v13 =	vsel vm11, s30, v13  }
0x56f: {  	s9 =	sshra.s32 s19, $0xD;
	s16 =	sshra.s32 s5, $0x1F;
	s14 =	sshra.s32 s13, $0xD;
	v14 =	vcombine.low v60, v15;
	v15 =	vsel vm2, s31, v61;
	v13 =	vsel vm13, s8, v13  }
0x570: {  	s18 =	sshra.s32 s17, $0xD;
	s19 =	sshra.s32 s12, $0xD;
	s21 =	sshra.s32 s4, $0xD;
	v16 =	vsel vm4, s14, v16;
	v15 =	vsel vm4, s9, v15;
	v13 =	vsel vm14, s16, v13  }
0x571: {  	s22 =	sshrl.u32 s3, $0x1F;
	s24 =	sshra.s32 s4, $0x1F;
	v16 =	vsel vm6, s19, v16;
	v15 =	vsel vm6, s18, v15;
	v13 =	vsel vm15, s21, v13  }
0x572: {  	s25 =	sshra.s32 s3, $0xD;
	v12 =	vsel vm5, s22, v12;
	v15 =	vcombine.low v16, v15;
	v13 =	vsel vm1, s24, v13  }
0x573: {  	v12 =	vperm.xlane v12, v5;
	v14 =	vperm.xlane v14, v4;
	v13 =	vsel vm5, s25, v13  }
0x574: {  	[tilespmem:$0x1FD80] =	vst v11;
	v11 =	vperm.xlane v15, v4;
	v13 =	vperm.xlane v13, v5  }
0x575: {  	v63 =	vld [tilespmem:s11+$0xDC90]  }
0x576: {  	v12 =	vsel vm12, v12, v14;
	v11 =	vsel vm12, v13, v11  }
0x577: {  	v11 =	vadd.s32 v12, v11  }
0x578: {  	v11 =	vmul.u32 $0x4E20, v11  }
.Ltmp52:
0x579: {  	_ = 	snop;
	(pc) =	sbr.rel .LBB2_31-.Ltmp52, $4  }
0x57a: {  	vm0 =	vlt.s32 v10, s10;
	v10 =	vsub.s32 v10, v11;
	v11 =	vshrl.u32 v63, $0x10  }
0x57b: {  	s29 =	simm.s32 $0x1FD80;
	s28 =	simm.s32 $0x20;
	s31 =	rddreg [dreg:$0xd];
	v10 =	vsel vm0, v11, v10  }
0x57c: {  	s26 =	rddreg [dreg:$0x3];
	s1 =	sadd.s32 $0x1, s31;
	s30 =	simm.s32 $0x1ED00;
	vm5 =	vmmov vm7;
	[tilespmem:$0x1FD90] =	vst v10  }
0x57d: {  	vm7 =	vmmov vm8;
	vm8 =	vmmov vm9;
	vm9 =	vcmask $0x1F1C;
	[tilespmem:s30], [sflag:$0x4] =	stream.indirect.gather [hbm4b:s26+s28], $0x80, s29, s28, $0x2000b8;
	[tilespmem:$0x1FE00] =	vst v63  }
.LBB2_62:
0x57e: {  	_ =	sfence.sel $0x180000  }
0x57f: {  	[bflag:$0x0] =	sbarrier.arrive $0xFFFF  }
0x580: {  	_ =	strace $0x90000047  }
0x581: {  	s0 =	stileid.u32;
	[bflag:$0x2] =	sbarrier.arrive $0xFFFF  }
0x582: {  	p0 =	sne.s32 s0, $0x0;
	s0 =	rddreg [dreg:$0x2]  }
0x583: {  	s0 =	sadd.s32 @!p0 $0x100000, s0  }
0x584: {  	[sflag:s0] =	ssyncadd.tile.s32 @!p0 $0x1;
	_ =	shalt  }
.Lfunc_end2:
_tile_overlayer_lowered:
.L_overlay_start_2:
0x585: {  	(tag) =	ssettag $0x2  }
0x586: {  	s0 =	rddreg [dreg:$0x0];
	s2 =	stileid.u32  }
0x587: {  	s1 =	rddreg [dreg:$0x1];
	p0 =	sne.s32 s2, $0x0  }
0x588: {  	s3 =	rddreg [dreg:$0x2];
	[bflag:$0x3] =	sbarrier.arrive $0xFFFF;
	s2 =	simm.s32 @!p0 $0x1C07  }
0x589: {  	[timem:s3], [sflag:s2] =	dma.local @!p0 [hbm:s0], s1  }
0x58a: {  	s0 =	simm.s32 @!p0 $0x7  }
0x58b: {  	_ =	swait.ge @!p0 [sflag:s0], s1  }
0x58c: {  	s1 =	ssub.s32 @!p0 $0x0, s1;
	[sflag:s0] =	ssyncset.done @!p0 $0x0  }
0x58d: {  	[sflag:s0] =	ssyncadd.s32 @!p0 s1  }
0x58e: {  	[bflag:$0x3] =	sbarrier.arrive $0xFFFF  }
0x58f: {  	_ =	shalt  }

</sc_bundles>
